<compile_context>
chip_gen: v7x
topology: tpu7x:2x2x1
jax: 0.10.2.dev20260603
libtpu: 0.0.44.dev20260713+nightly
codegen_flags: <defaults>
</compile_context>

<pallas_src>
import functools

import jax
import jax.numpy as jnp
from jax import lax
from jax.experimental import pallas as pl
from jax.experimental.pallas import tpu as pltpu
from jax.experimental.pallas import tpu_sc as plsc

EPS = 1e-8

_H = 1024
_W = 1024
_N = _H * _W
_C = 16
_L = 16
_NW = 32
_BR = 8
_BC = 256
_BPX = _BR * _BC

_SC_ROWS = 384
_TC_ROWS = _H - _SC_ROWS
_RG0 = _TC_ROWS // _BR
_NCH = _SC_ROWS // 64
_TC_BH = 64
_TC_GRID = _TC_ROWS // _TC_BH

assert _NCH % 2 == 0
assert _SC_ROWS % 64 == 0 and _TC_ROWS % _TC_BH == 0


def _rsqrt16(x, iters=2):
    i = lax.bitcast_convert_type(x, jnp.int32)
    magic = jnp.full((_L,), 0x5F3759DF, dtype=jnp.int32)
    y = lax.bitcast_convert_type(magic - (i >> 1), jnp.float32)
    for _ in range(iters):
        y = y * (1.5 - 0.5 * x * y * y)
    return y


_mesh = plsc.VectorSubcoreMesh(core_axis_name="c", subcore_axis_name="s")


@functools.partial(
    pl.kernel,
    out_type=jax.ShapeDtypeStruct((_NW, _L), jnp.float32),
    mesh=_mesh,
    scratch_types=[
        pltpu.VMEM((_C,), jnp.float32),
        pltpu.VMEM((2, _C, _BR, _BC), jnp.float32),
        pltpu.VMEM((2, _BR, _BC), jnp.float32),
        pltpu.VMEM((_L,), jnp.float32),
        pltpu.SemaphoreType.DMA,
        pltpu.SemaphoreType.DMA,
    ],
)
def _sc_loss(proj_hbm, hm_hbm, center_hbm, out_hbm, cen_v, ch_v, hm_v, acc_v,
             sem0, sem1):
    wid = lax.axis_index("s") * 2 + lax.axis_index("c")
    sems = (sem0, sem1)

    pltpu.sync_copy(center_hbm, cen_v)
    c = cen_v[...]
    cs = [c[ch] for ch in range(_C)]
    ssc = cs[0] * cs[0]
    for ch in range(1, _C):
        ssc = ssc + cs[ch] * cs[ch]
    sv = jnp.full((_L,), ssc)
    r0 = _rsqrt16(sv, iters=3)
    cen_v[...] = c / (sv * r0 + EPS)
    cn = cen_v[...]
    scn = [cn[ch] for ch in range(_C)]

    def chunk_copies(k, b):
        q = wid * _NCH + k
        r0_ = (_RG0 + (q >> 2)) * _BR
        c0_ = (q & 3) * _BC
        cps = [
            pltpu.make_async_copy(
                proj_hbm.at[ch, pl.ds(r0_, _BR), pl.ds(c0_, _BC)],
                ch_v.at[b, ch], sems[b])
            for ch in range(_C)
        ]
        cps.append(pltpu.make_async_copy(
            hm_hbm.at[pl.ds(r0_, _BR), pl.ds(c0_, _BC)], hm_v.at[b], sems[b]))
        return cps

    def compute_chunk(b, acc):
        def inner(j, acc):
            rr = j >> 4
            cc = (j & 15) * _L
            ss = None
            dot = None
            for ch in range(_C):
                v = ch_v[b, ch, rr, pl.ds(cc, _L)]
                ss = v * v if ss is None else ss + v * v
                dot = scn[ch] * v if dot is None else dot + scn[ch] * v
            d = dot * _rsqrt16(ss) - hm_v[b, rr, pl.ds(cc, _L)]
            return acc + d * d

        return lax.fori_loop(0, _BPX // _L, inner, acc, unroll=2)

    for cp in chunk_copies(0, 0):
        cp.start()

    @pl.loop(0, _NCH, step=2, init_carry=jnp.zeros((_L,), jnp.float32))
    def acc(kbase, acc):
        for b in range(2):
            k = kbase + b

            @pl.when(k + 1 < _NCH)
            def _():
                for cp in chunk_copies(k + 1, 1 - b):
                    cp.start()

            for cp in chunk_copies(k, b):
                cp.wait()
            acc = compute_chunk(b, acc)
        return acc

    acc_v[...] = acc
    pltpu.sync_copy(acc_v, out_hbm.at[wid])


def _tc_body(center_ref, f_ref, hm_ref, out_ref):
    i = pl.program_id(0)

    c = center_ref[0, :]
    cn = c / (jnp.sqrt(jnp.sum(c * c)) + EPS)

    f = f_ref[...]
    ss = jnp.sum(f * f, axis=0)
    dot = jnp.sum(f * cn[:, None, None], axis=0)
    sim = dot / (jnp.sqrt(ss) + EPS)
    d = sim - hm_ref[...]
    part = jnp.sum(d * d)

    @pl.when(i == 0)
    def _init():
        out_ref[...] = jnp.zeros_like(out_ref)

    out_ref[...] += part.reshape(1, 1)


def kernel(proj, hm, cluster_center, cluster_ind):
    center = jnp.take(cluster_center, cluster_ind, axis=0)
    center = jax.lax.stop_gradient(center)
    proj3 = proj.reshape(_C, _H, _W)
    hm2 = hm.reshape(_H, _W)

    sc_out = _sc_loss(proj3, hm2, center)

    tc_out = pl.pallas_call(
        _tc_body,
        grid=(_TC_GRID,),
        in_specs=[
            pl.BlockSpec((1, _C), lambda i: (0, 0)),
            pl.BlockSpec((_C, _TC_BH, _W), lambda i: (0, i, 0)),
            pl.BlockSpec((_TC_BH, _W), lambda i: (i, 0)),
        ],
        out_specs=pl.BlockSpec((1, 1), lambda i: (0, 0)),
        out_shape=jax.ShapeDtypeStruct((1, 1), jnp.float32),
    )(center.reshape(1, _C), proj3, hm2)

    loss = (jnp.sum(sc_out) + tc_out[0, 0]) * (1.0 / _N)
    return (loss, loss * 0.0, loss)

# --- scband reference (transcript-rebuilt; emitter-appended) ---
"""Pipeline reference for scband-tomo-kmloss-51737176048348 (READ-ONLY COPY).

The authoritative reference and input builder live on the scoring server;
editing this copy changes nothing except your own understanding.
"""

import jax, jax.numpy as jnp
import numpy as np

EPS = 1e-8

def setup_inputs(seed: int = 0) -> dict:
    key = jax.random.key(seed)
    k1, k2, k3 = jax.random.split(key, 3)
    proj = jax.random.normal(k1, (1, 16, 1024, 1024), dtype=jnp.float32)
    hm = jax.random.uniform(k2, (1, 1024, 1024), dtype=jnp.float32)
    cluster_center = jax.random.normal(k3, (4, 16), dtype=jnp.float32)
    cluster_ind = 1
    return {"proj": proj, "hm": hm, "cluster_center": cluster_center, "cluster_ind": cluster_ind}

def _tomo_cluster_postprocess(center, feat):
    # center: [C]; feat: [1, C, H, W]
    # cosine similarity of each spatial feature vector with the selected cluster center
    f = feat[0]  # [C, H, W]
    fn = f / (jnp.linalg.norm(f, axis=0, keepdims=True) + EPS)
    cn = center / (jnp.linalg.norm(center) + EPS)
    sim = jnp.einsum('c,chw->hw', cn, fn)  # [H, W]
    return sim

def reference(proj, hm, cluster_center, cluster_ind):
    # eval branch of TomoKMLoss.forward (contrastive=False / phase != 'train')
    # cluster_used = cluster_center[cluster_ind]  (gather; requires_grad=False)
    center = jnp.take(cluster_center, cluster_ind, axis=0)  # [16]
    center = jax.lax.stop_gradient(center)
    similarities = _tomo_cluster_postprocess(center, proj)
    similarities = similarities[None]  # unsqueeze(0) -> [1, H, W]
    # self.crit is nn.MSELoss() (opt.mse_loss=True)
    loss = jnp.mean((similarities - hm) ** 2)
    vmf_loss = loss * 0.0
    sup_loss = loss
    return (loss, vmf_loss, sup_loss)

if __name__ == "__main__":
    import jax
    _d = setup_inputs()
    print(jax.jit(kernel)(*tuple(_d.values())))

</pallas_src>

<mosaic_0001>
#map = affine_map<(d0, d1) -> (0, 0, 0)>
#map1 = affine_map<(d0, d1) -> (0, 0)>
#map2 = affine_map<(d0, d1) -> (0)>
module attributes {stable_mosaic.version = 14 : i64} {
  func.func @_sc_loss(%arg0: i32, %arg1: i32, %arg2: memref<16x1024x1024xf32, #tpu.memory_space<hbm>>, %arg3: memref<1024x1024xf32, #tpu.memory_space<hbm>>, %arg4: memref<16xf32, #tpu.memory_space<hbm>>, %arg5: memref<32x16xf32, #tpu.memory_space<hbm>>, %arg6: memref<16xf32, #tpu.memory_space<vmem>>, %arg7: memref<2x16x8x256xf32, #tpu.memory_space<vmem>>, %arg8: memref<2x8x256xf32, #tpu.memory_space<vmem>>, %arg9: memref<16xf32, #tpu.memory_space<vmem>>, %arg10: memref<!tpu.dma_semaphore, #tpu.memory_space<semaphore_mem>>, %arg11: memref<!tpu.dma_semaphore, #tpu.memory_space<semaphore_mem>>) attributes {dimension_semantics = [#tpu.dimension_semantics<core_parallel>, #tpu.dimension_semantics<subcore_parallel>], iteration_bounds = array<i64: 2, 16>, scalar_prefetch = 0 : i64, scratch_operands = 6 : i64, tpu.core_type = #tpu.core_type<sc_vector_subcore>, window_params = [{transform_indices = #map}, {transform_indices = #map1}, {transform_indices = #map2}, {transform_indices = #map1}]} {
    %mul3A = arith.constant 2 : i32
    %mul3A_0 = arith.muli %arg1, %mul3A : i32
    %add3A = arith.addi %mul3A_0, %arg0 : i32
    "tpu.region"() ({
      %run_scoped3A = tpu.sem_alloc : memref<!tpu.dma_semaphore, #tpu.memory_space<semaphore_mem>>
      tpu.enqueue_dma source(%arg4 : memref<16xf32, #tpu.memory_space<hbm>>) target(%arg6 : memref<16xf32, #tpu.memory_space<vmem>>) target_semaphore(%run_scoped3A : memref<!tpu.dma_semaphore, #tpu.memory_space<semaphore_mem>>)
      tpu.wait_dma2 semaphore(%run_scoped3A : memref<!tpu.dma_semaphore, #tpu.memory_space<semaphore_mem>>) src(%arg4 : memref<16xf32, #tpu.memory_space<hbm>>) dst(%arg6 : memref<16xf32, #tpu.memory_space<vmem>>)
      tpu.yield
    }) : () -> ()
    %get3A = arith.constant 0 : index
    %get3A_1 = tpu.vector_load %arg6[%get3A] {strides = array<i32>} : memref<16xf32, #tpu.memory_space<vmem>>, vector<16xf32>,
    %get3A_2 = vector.shape_cast %get3A_1 : vector<16xf32> to vector<16xf32>
    %slice3A = vector.extract_strided_slice %get3A_2 {offsets = [0], sizes = [1], strides = [1]} : vector<16xf32> to vector<1xf32>
    %squeeze3A = vector.extract %slice3A[0] : f32 from vector<1xf32>
    %slice3A_3 = vector.extract_strided_slice %get3A_2 {offsets = [1], sizes = [1], strides = [1]} : vector<16xf32> to vector<1xf32>
    %squeeze3A_4 = vector.extract %slice3A_3[0] : f32 from vector<1xf32>
    %slice3A_5 = vector.extract_strided_slice %get3A_2 {offsets = [2], sizes = [1], strides = [1]} : vector<16xf32> to vector<1xf32>
    %squeeze3A_6 = vector.extract %slice3A_5[0] : f32 from vector<1xf32>
    %slice3A_7 = vector.extract_strided_slice %get3A_2 {offsets = [3], sizes = [1], strides = [1]} : vector<16xf32> to vector<1xf32>
    %squeeze3A_8 = vector.extract %slice3A_7[0] : f32 from vector<1xf32>
    %slice3A_9 = vector.extract_strided_slice %get3A_2 {offsets = [4], sizes = [1], strides = [1]} : vector<16xf32> to vector<1xf32>
    %squeeze3A_10 = vector.extract %slice3A_9[0] : f32 from vector<1xf32>
    %slice3A_11 = vector.extract_strided_slice %get3A_2 {offsets = [5], sizes = [1], strides = [1]} : vector<16xf32> to vector<1xf32>
    %squeeze3A_12 = vector.extract %slice3A_11[0] : f32 from vector<1xf32>
    %slice3A_13 = vector.extract_strided_slice %get3A_2 {offsets = [6], sizes = [1], strides = [1]} : vector<16xf32> to vector<1xf32>
    %squeeze3A_14 = vector.extract %slice3A_13[0] : f32 from vector<1xf32>
    %slice3A_15 = vector.extract_strided_slice %get3A_2 {offsets = [7], sizes = [1], strides = [1]} : vector<16xf32> to vector<1xf32>
    %squeeze3A_16 = vector.extract %slice3A_15[0] : f32 from vector<1xf32>
    %slice3A_17 = vector.extract_strided_slice %get3A_2 {offsets = [8], sizes = [1], strides = [1]} : vector<16xf32> to vector<1xf32>
    %squeeze3A_18 = vector.extract %slice3A_17[0] : f32 from vector<1xf32>
    %slice3A_19 = vector.extract_strided_slice %get3A_2 {offsets = [9], sizes = [1], strides = [1]} : vector<16xf32> to vector<1xf32>
    %squeeze3A_20 = vector.extract %slice3A_19[0] : f32 from vector<1xf32>
    %slice3A_21 = vector.extract_strided_slice %get3A_2 {offsets = [10], sizes = [1], strides = [1]} : vector<16xf32> to vector<1xf32>
    %squeeze3A_22 = vector.extract %slice3A_21[0] : f32 from vector<1xf32>
    %slice3A_23 = vector.extract_strided_slice %get3A_2 {offsets = [11], sizes = [1], strides = [1]} : vector<16xf32> to vector<1xf32>
    %squeeze3A_24 = vector.extract %slice3A_23[0] : f32 from vector<1xf32>
    %slice3A_25 = vector.extract_strided_slice %get3A_2 {offsets = [12], sizes = [1], strides = [1]} : vector<16xf32> to vector<1xf32>
    %squeeze3A_26 = vector.extract %slice3A_25[0] : f32 from vector<1xf32>
    %slice3A_27 = vector.extract_strided_slice %get3A_2 {offsets = [13], sizes = [1], strides = [1]} : vector<16xf32> to vector<1xf32>
    %squeeze3A_28 = vector.extract %slice3A_27[0] : f32 from vector<1xf32>
    %slice3A_29 = vector.extract_strided_slice %get3A_2 {offsets = [14], sizes = [1], strides = [1]} : vector<16xf32> to vector<1xf32>
    %squeeze3A_30 = vector.extract %slice3A_29[0] : f32 from vector<1xf32>
    %slice3A_31 = vector.extract_strided_slice %get3A_2 {offsets = [15], sizes = [1], strides = [1]} : vector<16xf32> to vector<1xf32>
    %squeeze3A_32 = vector.extract %slice3A_31[0] : f32 from vector<1xf32>
    %mul3A_33 = arith.mulf %squeeze3A, %squeeze3A : f32
    %mul3A_34 = arith.mulf %squeeze3A_4, %squeeze3A_4 : f32
    %add3A_35 = arith.addf %mul3A_33, %mul3A_34 : f32
    %mul3A_36 = arith.mulf %squeeze3A_6, %squeeze3A_6 : f32
    %add3A_37 = arith.addf %add3A_35, %mul3A_36 : f32
    %mul3A_38 = arith.mulf %squeeze3A_8, %squeeze3A_8 : f32
    %add3A_39 = arith.addf %add3A_37, %mul3A_38 : f32
    %mul3A_40 = arith.mulf %squeeze3A_10, %squeeze3A_10 : f32
    %add3A_41 = arith.addf %add3A_39, %mul3A_40 : f32
    %mul3A_42 = arith.mulf %squeeze3A_12, %squeeze3A_12 : f32
    %add3A_43 = arith.addf %add3A_41, %mul3A_42 : f32
    %mul3A_44 = arith.mulf %squeeze3A_14, %squeeze3A_14 : f32
    %add3A_45 = arith.addf %add3A_43, %mul3A_44 : f32
    %mul3A_46 = arith.mulf %squeeze3A_16, %squeeze3A_16 : f32
    %add3A_47 = arith.addf %add3A_45, %mul3A_46 : f32
    %mul3A_48 = arith.mulf %squeeze3A_18, %squeeze3A_18 : f32
    %add3A_49 = arith.addf %add3A_47, %mul3A_48 : f32
    %mul3A_50 = arith.mulf %squeeze3A_20, %squeeze3A_20 : f32
    %add3A_51 = arith.addf %add3A_49, %mul3A_50 : f32
    %mul3A_52 = arith.mulf %squeeze3A_22, %squeeze3A_22 : f32
    %add3A_53 = arith.addf %add3A_51, %mul3A_52 : f32
    %mul3A_54 = arith.mulf %squeeze3A_24, %squeeze3A_24 : f32
    %add3A_55 = arith.addf %add3A_53, %mul3A_54 : f32
    %mul3A_56 = arith.mulf %squeeze3A_26, %squeeze3A_26 : f32
    %add3A_57 = arith.addf %add3A_55, %mul3A_56 : f32
    %mul3A_58 = arith.mulf %squeeze3A_28, %squeeze3A_28 : f32
    %add3A_59 = arith.addf %add3A_57, %mul3A_58 : f32
    %mul3A_60 = arith.mulf %squeeze3A_30, %squeeze3A_30 : f32
    %add3A_61 = arith.addf %add3A_59, %mul3A_60 : f32
    %mul3A_62 = arith.mulf %squeeze3A_32, %squeeze3A_32 : f32
    %add3A_63 = arith.addf %add3A_61, %mul3A_62 : f32
    %broadcast_in_dim3A = vector.broadcast %add3A_63 : f32 to vector<16xf32>
    %bitcast_convert_type3A = tpu.bitcast %broadcast_in_dim3A : vector<16xf32> -> vector<16xi32>
    %broadcast_in_dim3A_64 = arith.constant 1597463007 : i32
    %broadcast_in_dim3A_65 = vector.broadcast %broadcast_in_dim3A_64 : i32 to vector<16xi32>
    %shift_right_arithmetic3A = arith.constant 1 : i32
    %shift_right_arithmetic3A_66 = vector.broadcast %shift_right_arithmetic3A : i32 to vector<16xi32>
    %shift_right_arithmetic3A_67 = arith.shrsi %bitcast_convert_type3A, %shift_right_arithmetic3A_66 : vector<16xi32>
    %sub3A = arith.subi %broadcast_in_dim3A_65, %shift_right_arithmetic3A_67 : vector<16xi32>
    %bitcast_convert_type3A_68 = tpu.bitcast %sub3A : vector<16xi32> -> vector<16xf32>
    %mul3A_69 = arith.constant 5.000000e-01 : f32
    %mul3A_70 = vector.broadcast %mul3A_69 : f32 to vector<16xf32>
    %mul3A_71 = arith.mulf %mul3A_70, %broadcast_in_dim3A : vector<16xf32>
    %mul3A_72 = arith.mulf %mul3A_71, %bitcast_convert_type3A_68 : vector<16xf32>
    %mul3A_73 = arith.mulf %mul3A_72, %bitcast_convert_type3A_68 : vector<16xf32>
    %sub3A_74 = arith.constant 1.500000e+00 : f32
    %sub3A_75 = vector.broadcast %sub3A_74 : f32 to vector<16xf32>
    %sub3A_76 = arith.subf %sub3A_75, %mul3A_73 : vector<16xf32>
    %mul3A_77 = arith.mulf %bitcast_convert_type3A_68, %sub3A_76 : vector<16xf32>
    %mul3A_78 = arith.constant 5.000000e-01 : f32
    %mul3A_79 = vector.broadcast %mul3A_78 : f32 to vector<16xf32>
    %mul3A_80 = arith.mulf %mul3A_79, %broadcast_in_dim3A : vector<16xf32>
    %mul3A_81 = arith.mulf %mul3A_80, %mul3A_77 : vector<16xf32>
    %mul3A_82 = arith.mulf %mul3A_81, %mul3A_77 : vector<16xf32>
    %sub3A_83 = arith.constant 1.500000e+00 : f32
    %sub3A_84 = vector.broadcast %sub3A_83 : f32 to vector<16xf32>
    %sub3A_85 = arith.subf %sub3A_84, %mul3A_82 : vector<16xf32>
    %mul3A_86 = arith.mulf %mul3A_77, %sub3A_85 : vector<16xf32>
    %mul3A_87 = arith.constant 5.000000e-01 : f32
    %mul3A_88 = vector.broadcast %mul3A_87 : f32 to vector<16xf32>
    %mul3A_89 = arith.mulf %mul3A_88, %broadcast_in_dim3A : vector<16xf32>
    %mul3A_90 = arith.mulf %mul3A_89, %mul3A_86 : vector<16xf32>
    %mul3A_91 = arith.mulf %mul3A_90, %mul3A_86 : vector<16xf32>
    %sub3A_92 = arith.constant 1.500000e+00 : f32
    %sub3A_93 = vector.broadcast %sub3A_92 : f32 to vector<16xf32>
    %sub3A_94 = arith.subf %sub3A_93, %mul3A_91 : vector<16xf32>
    %mul3A_95 = arith.mulf %mul3A_86, %sub3A_94 : vector<16xf32>
    %mul3A_96 = arith.mulf %broadcast_in_dim3A, %mul3A_95 : vector<16xf32>
    %add3A_97 = arith.constant 9.99999993E-9 : f32
    %add3A_98 = vector.broadcast %add3A_97 : f32 to vector<16xf32>
    %add3A_99 = arith.addf %mul3A_96, %add3A_98 : vector<16xf32>
    %div3A = arith.divf %get3A_2, %add3A_99 : vector<16xf32>
    %swap3A = arith.constant 0 : index
    %swap3A_100 = tpu.vector_load %arg6[%swap3A] {strides = array<i32>} : memref<16xf32, #tpu.memory_space<vmem>>, vector<16xf32>,
    %swap3A_101 = vector.shape_cast %swap3A_100 : vector<16xf32> to vector<16xf32>
    %swap3A_102 = vector.shape_cast %div3A : vector<16xf32> to vector<16xf32>
    tpu.vector_store %arg6[%swap3A], %swap3A_102 {strides = array<i32>} : memref<16xf32, #tpu.memory_space<vmem>>, vector<16xf32>,
    %get3A_103 = arith.constant 0 : index
    %get3A_104 = tpu.vector_load %arg6[%get3A_103] {strides = array<i32>} : memref<16xf32, #tpu.memory_space<vmem>>, vector<16xf32>,
    %get3A_105 = vector.shape_cast %get3A_104 : vector<16xf32> to vector<16xf32>
    %slice3A_106 = vector.extract_strided_slice %get3A_105 {offsets = [0], sizes = [1], strides = [1]} : vector<16xf32> to vector<1xf32>
    %squeeze3A_107 = vector.extract %slice3A_106[0] : f32 from vector<1xf32>
    %slice3A_108 = vector.extract_strided_slice %get3A_105 {offsets = [1], sizes = [1], strides = [1]} : vector<16xf32> to vector<1xf32>
    %squeeze3A_109 = vector.extract %slice3A_108[0] : f32 from vector<1xf32>
    %slice3A_110 = vector.extract_strided_slice %get3A_105 {offsets = [2], sizes = [1], strides = [1]} : vector<16xf32> to vector<1xf32>
    %squeeze3A_111 = vector.extract %slice3A_110[0] : f32 from vector<1xf32>
    %slice3A_112 = vector.extract_strided_slice %get3A_105 {offsets = [3], sizes = [1], strides = [1]} : vector<16xf32> to vector<1xf32>
    %squeeze3A_113 = vector.extract %slice3A_112[0] : f32 from vector<1xf32>
    %slice3A_114 = vector.extract_strided_slice %get3A_105 {offsets = [4], sizes = [1], strides = [1]} : vector<16xf32> to vector<1xf32>
    %squeeze3A_115 = vector.extract %slice3A_114[0] : f32 from vector<1xf32>
    %slice3A_116 = vector.extract_strided_slice %get3A_105 {offsets = [5], sizes = [1], strides = [1]} : vector<16xf32> to vector<1xf32>
    %squeeze3A_117 = vector.extract %slice3A_116[0] : f32 from vector<1xf32>
    %slice3A_118 = vector.extract_strided_slice %get3A_105 {offsets = [6], sizes = [1], strides = [1]} : vector<16xf32> to vector<1xf32>
    %squeeze3A_119 = vector.extract %slice3A_118[0] : f32 from vector<1xf32>
    %slice3A_120 = vector.extract_strided_slice %get3A_105 {offsets = [7], sizes = [1], strides = [1]} : vector<16xf32> to vector<1xf32>
    %squeeze3A_121 = vector.extract %slice3A_120[0] : f32 from vector<1xf32>
    %slice3A_122 = vector.extract_strided_slice %get3A_105 {offsets = [8], sizes = [1], strides = [1]} : vector<16xf32> to vector<1xf32>
    %squeeze3A_123 = vector.extract %slice3A_122[0] : f32 from vector<1xf32>
    %slice3A_124 = vector.extract_strided_slice %get3A_105 {offsets = [9], sizes = [1], strides = [1]} : vector<16xf32> to vector<1xf32>
    %squeeze3A_125 = vector.extract %slice3A_124[0] : f32 from vector<1xf32>
    %slice3A_126 = vector.extract_strided_slice %get3A_105 {offsets = [10], sizes = [1], strides = [1]} : vector<16xf32> to vector<1xf32>
    %squeeze3A_127 = vector.extract %slice3A_126[0] : f32 from vector<1xf32>
    %slice3A_128 = vector.extract_strided_slice %get3A_105 {offsets = [11], sizes = [1], strides = [1]} : vector<16xf32> to vector<1xf32>
    %squeeze3A_129 = vector.extract %slice3A_128[0] : f32 from vector<1xf32>
    %slice3A_130 = vector.extract_strided_slice %get3A_105 {offsets = [12], sizes = [1], strides = [1]} : vector<16xf32> to vector<1xf32>
    %squeeze3A_131 = vector.extract %slice3A_130[0] : f32 from vector<1xf32>
    %slice3A_132 = vector.extract_strided_slice %get3A_105 {offsets = [13], sizes = [1], strides = [1]} : vector<16xf32> to vector<1xf32>
    %squeeze3A_133 = vector.extract %slice3A_132[0] : f32 from vector<1xf32>
    %slice3A_134 = vector.extract_strided_slice %get3A_105 {offsets = [14], sizes = [1], strides = [1]} : vector<16xf32> to vector<1xf32>
    %squeeze3A_135 = vector.extract %slice3A_134[0] : f32 from vector<1xf32>
    %slice3A_136 = vector.extract_strided_slice %get3A_105 {offsets = [15], sizes = [1], strides = [1]} : vector<16xf32> to vector<1xf32>
    %squeeze3A_137 = vector.extract %slice3A_136[0] : f32 from vector<1xf32>
    %mul3A_138 = arith.constant 6 : i32
    %mul3A_139 = arith.muli %add3A, %mul3A_138 : i32
    %add3A_140 = arith.constant 0 : i32
    %add3A_141 = arith.addi %mul3A_139, %add3A_140 : i32
    %shift_right_arithmetic3A_142 = arith.constant 2 : i32
    %shift_right_arithmetic3A_143 = arith.shrsi %add3A_141, %shift_right_arithmetic3A_142 : i32
    %add3A_144 = arith.constant 80 : i32
    %add3A_145 = arith.addi %add3A_144, %shift_right_arithmetic3A_143 : i32
    %mul3A_146 = arith.constant 8 : i32
    %mul3A_147 = arith.muli %add3A_145, %mul3A_146 : i32
    %and3A = arith.constant 3 : i32
    %and3A_148 = arith.andi %add3A_141, %and3A : i32
    %mul3A_149 = arith.constant 256 : i32
    %mul3A_150 = arith.muli %and3A_148, %mul3A_149 : i32
    %dma_start3A = arith.constant 0 : i32
    %dma_start3A_151 = arith.constant 0 : i32
    %dma_start3A_152 = arith.constant 0 : i32
    %dma_start3A_153 = arith.constant 0 : i32
    %dma_start3A_154 = arith.constant 0 : i32
    %dma_start3A_155 = tpu.memref_slice %arg7[%dma_start3A_151, %dma_start3A_152, %dma_start3A_153, %dma_start3A_154] : memref<2x16x8x256xf32, #tpu.memory_space<vmem>> -> memref<1x1x8x256xf32, #tpu.memory_space<vmem>>
    %dma_start3A_156 = tpu.memref_squeeze %dma_start3A_155 : memref<1x1x8x256xf32, #tpu.memory_space<vmem>> -> memref<8x256xf32, #tpu.memory_space<vmem>>
    %dma_start3A_157 = tpu.memref_slice %arg2[%dma_start3A, %mul3A_147, %mul3A_150] : memref<16x1024x1024xf32, #tpu.memory_space<hbm>> -> memref<1x8x256xf32, #tpu.memory_space<hbm>>
    %dma_start3A_158 = tpu.memref_squeeze %dma_start3A_157 : memref<1x8x256xf32, #tpu.memory_space<hbm>> -> memref<8x256xf32, #tpu.memory_space<hbm>>
    %dma_start3A_159 = arith.constant 0 : i32
    %dma_start3A_160 = arith.constant 0 : i32
    %dma_start3A_161 = tpu.memref_slice %arg7[%dma_start3A_151, %dma_start3A_152, %dma_start3A_159, %dma_start3A_160] : memref<2x16x8x256xf32, #tpu.memory_space<vmem>> -> memref<1x1x8x256xf32, #tpu.memory_space<vmem>>
    %dma_start3A_162 = tpu.memref_squeeze %dma_start3A_161 : memref<1x1x8x256xf32, #tpu.memory_space<vmem>> -> memref<8x256xf32, #tpu.memory_space<vmem>>
    %dma_start3A_163 = tpu.memref_slice %arg2[%dma_start3A, %mul3A_147, %mul3A_150] : memref<16x1024x1024xf32, #tpu.memory_space<hbm>> -> memref<1x8x256xf32, #tpu.memory_space<hbm>>
    %dma_start3A_164 = tpu.memref_squeeze %dma_start3A_163 : memref<1x8x256xf32, #tpu.memory_space<hbm>> -> memref<8x256xf32, #tpu.memory_space<hbm>>
    tpu.enqueue_dma source(%dma_start3A_164 : memref<8x256xf32, #tpu.memory_space<hbm>>) target(%dma_start3A_162 : memref<8x256xf32, #tpu.memory_space<vmem>>) target_semaphore(%arg10 : memref<!tpu.dma_semaphore, #tpu.memory_space<semaphore_mem>>)
    %dma_start3A_165 = arith.constant 1 : i32
    %dma_start3A_166 = arith.constant 0 : i32
    %dma_start3A_167 = arith.constant 1 : i32
    %dma_start3A_168 = arith.constant 0 : i32
    %dma_start3A_169 = arith.constant 0 : i32
    %dma_start3A_170 = tpu.memref_slice %arg7[%dma_start3A_166, %dma_start3A_167, %dma_start3A_168, %dma_start3A_169] : memref<2x16x8x256xf32, #tpu.memory_space<vmem>> -> memref<1x1x8x256xf32, #tpu.memory_space<vmem>>
    %dma_start3A_171 = tpu.memref_squeeze %dma_start3A_170 : memref<1x1x8x256xf32, #tpu.memory_space<vmem>> -> memref<8x256xf32, #tpu.memory_space<vmem>>
    %dma_start3A_172 = tpu.memref_slice %arg2[%dma_start3A_165, %mul3A_147, %mul3A_150] : memref<16x1024x1024xf32, #tpu.memory_space<hbm>> -> memref<1x8x256xf32, #tpu.memory_space<hbm>>
    %dma_start3A_173 = tpu.memref_squeeze %dma_start3A_172 : memref<1x8x256xf32, #tpu.memory_space<hbm>> -> memref<8x256xf32, #tpu.memory_space<hbm>>
    %dma_start3A_174 = arith.constant 0 : i32
    %dma_start3A_175 = arith.constant 0 : i32
    %dma_start3A_176 = tpu.memref_slice %arg7[%dma_start3A_166, %dma_start3A_167, %dma_start3A_174, %dma_start3A_175] : memref<2x16x8x256xf32, #tpu.memory_space<vmem>> -> memref<1x1x8x256xf32, #tpu.memory_space<vmem>>
    %dma_start3A_177 = tpu.memref_squeeze %dma_start3A_176 : memref<1x1x8x256xf32, #tpu.memory_space<vmem>> -> memref<8x256xf32, #tpu.memory_space<vmem>>
    %dma_start3A_178 = tpu.memref_slice %arg2[%dma_start3A_165, %mul3A_147, %mul3A_150] : memref<16x1024x1024xf32, #tpu.memory_space<hbm>> -> memref<1x8x256xf32, #tpu.memory_space<hbm>>
    %dma_start3A_179 = tpu.memref_squeeze %dma_start3A_178 : memref<1x8x256xf32, #tpu.memory_space<hbm>> -> memref<8x256xf32, #tpu.memory_space<hbm>>
    tpu.enqueue_dma source(%dma_start3A_179 : memref<8x256xf32, #tpu.memory_space<hbm>>) target(%dma_start3A_177 : memref<8x256xf32, #tpu.memory_space<vmem>>) target_semaphore(%arg10 : memref<!tpu.dma_semaphore, #tpu.memory_space<semaphore_mem>>)
    %dma_start3A_180 = arith.constant 2 : i32
    %dma_start3A_181 = arith.constant 0 : i32
    %dma_start3A_182 = arith.constant 2 : i32
    %dma_start3A_183 = arith.constant 0 : i32
    %dma_start3A_184 = arith.constant 0 : i32
    %dma_start3A_185 = tpu.memref_slice %arg7[%dma_start3A_181, %dma_start3A_182, %dma_start3A_183, %dma_start3A_184] : memref<2x16x8x256xf32, #tpu.memory_space<vmem>> -> memref<1x1x8x256xf32, #tpu.memory_space<vmem>>
    %dma_start3A_186 = tpu.memref_squeeze %dma_start3A_185 : memref<1x1x8x256xf32, #tpu.memory_space<vmem>> -> memref<8x256xf32, #tpu.memory_space<vmem>>
    %dma_start3A_187 = tpu.memref_slice %arg2[%dma_start3A_180, %mul3A_147, %mul3A_150] : memref<16x1024x1024xf32, #tpu.memory_space<hbm>> -> memref<1x8x256xf32, #tpu.memory_space<hbm>>
    %dma_start3A_188 = tpu.memref_squeeze %dma_start3A_187 : memref<1x8x256xf32, #tpu.memory_space<hbm>> -> memref<8x256xf32, #tpu.memory_space<hbm>>
    %dma_start3A_189 = arith.constant 0 : i32
    %dma_start3A_190 = arith.constant 0 : i32
    %dma_start3A_191 = tpu.memref_slice %arg7[%dma_start3A_181, %dma_start3A_182, %dma_start3A_189, %dma_start3A_190] : memref<2x16x8x256xf32, #tpu.memory_space<vmem>> -> memref<1x1x8x256xf32, #tpu.memory_space<vmem>>
    %dma_start3A_192 = tpu.memref_squeeze %dma_start3A_191 : memref<1x1x8x256xf32, #tpu.memory_space<vmem>> -> memref<8x256xf32, #tpu.memory_space<vmem>>
    %dma_start3A_193 = tpu.memref_slice %arg2[%dma_start3A_180, %mul3A_147, %mul3A_150] : memref<16x1024x1024xf32, #tpu.memory_space<hbm>> -> memref<1x8x256xf32, #tpu.memory_space<hbm>>
    %dma_start3A_194 = tpu.memref_squeeze %dma_start3A_193 : memref<1x8x256xf32, #tpu.memory_space<hbm>> -> memref<8x256xf32, #tpu.memory_space<hbm>>
    tpu.enqueue_dma source(%dma_start3A_194 : memref<8x256xf32, #tpu.memory_space<hbm>>) target(%dma_start3A_192 : memref<8x256xf32, #tpu.memory_space<vmem>>) target_semaphore(%arg10 : memref<!tpu.dma_semaphore, #tpu.memory_space<semaphore_mem>>)
    %dma_start3A_195 = arith.constant 3 : i32
    %dma_start3A_196 = arith.constant 0 : i32
    %dma_start3A_197 = arith.constant 3 : i32
    %dma_start3A_198 = arith.constant 0 : i32
    %dma_start3A_199 = arith.constant 0 : i32
    %dma_start3A_200 = tpu.memref_slice %arg7[%dma_start3A_196, %dma_start3A_197, %dma_start3A_198, %dma_start3A_199] : memref<2x16x8x256xf32, #tpu.memory_space<vmem>> -> memref<1x1x8x256xf32, #tpu.memory_space<vmem>>
    %dma_start3A_201 = tpu.memref_squeeze %dma_start3A_200 : memref<1x1x8x256xf32, #tpu.memory_space<vmem>> -> memref<8x256xf32, #tpu.memory_space<vmem>>
    %dma_start3A_202 = tpu.memref_slice %arg2[%dma_start3A_195, %mul3A_147, %mul3A_150] : memref<16x1024x1024xf32, #tpu.memory_space<hbm>> -> memref<1x8x256xf32, #tpu.memory_space<hbm>>
    %dma_start3A_203 = tpu.memref_squeeze %dma_start3A_202 : memref<1x8x256xf32, #tpu.memory_space<hbm>> -> memref<8x256xf32, #tpu.memory_space<hbm>>
    %dma_start3A_204 = arith.constant 0 : i32
    %dma_start3A_205 = arith.constant 0 : i32
    %dma_start3A_206 = tpu.memref_slice %arg7[%dma_start3A_196, %dma_start3A_197, %dma_start3A_204, %dma_start3A_205] : memref<2x16x8x256xf32, #tpu.memory_space<vmem>> -> memref<1x1x8x256xf32, #tpu.memory_space<vmem>>
    %dma_start3A_207 = tpu.memref_squeeze %dma_start3A_206 : memref<1x1x8x256xf32, #tpu.memory_space<vmem>> -> memref<8x256xf32, #tpu.memory_space<vmem>>
    %dma_start3A_208 = tpu.memref_slice %arg2[%dma_start3A_195, %mul3A_147, %mul3A_150] : memref<16x1024x1024xf32, #tpu.memory_space<hbm>> -> memref<1x8x256xf32, #tpu.memory_space<hbm>>
    %dma_start3A_209 = tpu.memref_squeeze %dma_start3A_208 : memref<1x8x256xf32, #tpu.memory_space<hbm>> -> memref<8x256xf32, #tpu.memory_space<hbm>>
    tpu.enqueue_dma source(%dma_start3A_209 : memref<8x256xf32, #tpu.memory_space<hbm>>) target(%dma_start3A_207 : memref<8x256xf32, #tpu.memory_space<vmem>>) target_semaphore(%arg10 : memref<!tpu.dma_semaphore, #tpu.memory_space<semaphore_mem>>)
    %dma_start3A_210 = arith.constant 4 : i32
    %dma_start3A_211 = arith.constant 0 : i32
    %dma_start3A_212 = arith.constant 4 : i32
    %dma_start3A_213 = arith.constant 0 : i32
    %dma_start3A_214 = arith.constant 0 : i32
    %dma_start3A_215 = tpu.memref_slice %arg7[%dma_start3A_211, %dma_start3A_212, %dma_start3A_213, %dma_start3A_214] : memref<2x16x8x256xf32, #tpu.memory_space<vmem>> -> memref<1x1x8x256xf32, #tpu.memory_space<vmem>>
    %dma_start3A_216 = tpu.memref_squeeze %dma_start3A_215 : memref<1x1x8x256xf32, #tpu.memory_space<vmem>> -> memref<8x256xf32, #tpu.memory_space<vmem>>
    %dma_start3A_217 = tpu.memref_slice %arg2[%dma_start3A_210, %mul3A_147, %mul3A_150] : memref<16x1024x1024xf32, #tpu.memory_space<hbm>> -> memref<1x8x256xf32, #tpu.memory_space<hbm>>
    %dma_start3A_218 = tpu.memref_squeeze %dma_start3A_217 : memref<1x8x256xf32, #tpu.memory_space<hbm>> -> memref<8x256xf32, #tpu.memory_space<hbm>>
    %dma_start3A_219 = arith.constant 0 : i32
    %dma_start3A_220 = arith.constant 0 : i32
    %dma_start3A_221 = tpu.memref_slice %arg7[%dma_start3A_211, %dma_start3A_212, %dma_start3A_219, %dma_start3A_220] : memref<2x16x8x256xf32, #tpu.memory_space<vmem>> -> memref<1x1x8x256xf32, #tpu.memory_space<vmem>>
    %dma_start3A_222 = tpu.memref_squeeze %dma_start3A_221 : memref<1x1x8x256xf32, #tpu.memory_space<vmem>> -> memref<8x256xf32, #tpu.memory_space<vmem>>
    %dma_start3A_223 = tpu.memref_slice %arg2[%dma_start3A_210, %mul3A_147, %mul3A_150] : memref<16x1024x1024xf32, #tpu.memory_space<hbm>> -> memref<1x8x256xf32, #tpu.memory_space<hbm>>
    %dma_start3A_224 = tpu.memref_squeeze %dma_start3A_223 : memref<1x8x256xf32, #tpu.memory_space<hbm>> -> memref<8x256xf32, #tpu.memory_space<hbm>>
    tpu.enqueue_dma source(%dma_start3A_224 : memref<8x256xf32, #tpu.memory_space<hbm>>) target(%dma_start3A_222 : memref<8x256xf32, #tpu.memory_space<vmem>>) target_semaphore(%arg10 : memref<!tpu.dma_semaphore, #tpu.memory_space<semaphore_mem>>)
    %dma_start3A_225 = arith.constant 5 : i32
    %dma_start3A_226 = arith.constant 0 : i32
    %dma_start3A_227 = arith.constant 5 : i32
    %dma_start3A_228 = arith.constant 0 : i32
    %dma_start3A_229 = arith.constant 0 : i32
    %dma_start3A_230 = tpu.memref_slice %arg7[%dma_start3A_226, %dma_start3A_227, %dma_start3A_228, %dma_start3A_229] : memref<2x16x8x256xf32, #tpu.memory_space<vmem>> -> memref<1x1x8x256xf32, #tpu.memory_space<vmem>>
    %dma_start3A_231 = tpu.memref_squeeze %dma_start3A_230 : memref<1x1x8x256xf32, #tpu.memory_space<vmem>> -> memref<8x256xf32, #tpu.memory_space<vmem>>
    %dma_start3A_232 = tpu.memref_slice %arg2[%dma_start3A_225, %mul3A_147, %mul3A_150] : memref<16x1024x1024xf32, #tpu.memory_space<hbm>> -> memref<1x8x256xf32, #tpu.memory_space<hbm>>
    %dma_start3A_233 = tpu.memref_squeeze %dma_start3A_232 : memref<1x8x256xf32, #tpu.memory_space<hbm>> -> memref<8x256xf32, #tpu.memory_space<hbm>>
    %dma_start3A_234 = arith.constant 0 : i32
    %dma_start3A_235 = arith.constant 0 : i32
    %dma_start3A_236 = tpu.memref_slice %arg7[%dma_start3A_226, %dma_start3A_227, %dma_start3A_234, %dma_start3A_235] : memref<2x16x8x256xf32, #tpu.memory_space<vmem>> -> memref<1x1x8x256xf32, #tpu.memory_space<vmem>>
    %dma_start3A_237 = tpu.memref_squeeze %dma_start3A_236 : memref<1x1x8x256xf32, #tpu.memory_space<vmem>> -> memref<8x256xf32, #tpu.memory_space<vmem>>
    %dma_start3A_238 = tpu.memref_slice %arg2[%dma_start3A_225, %mul3A_147, %mul3A_150] : memref<16x1024x1024xf32, #tpu.memory_space<hbm>> -> memref<1x8x256xf32, #tpu.memory_space<hbm>>
    %dma_start3A_239 = tpu.memref_squeeze %dma_start3A_238 : memref<1x8x256xf32, #tpu.memory_space<hbm>> -> memref<8x256xf32, #tpu.memory_space<hbm>>
    tpu.enqueue_dma source(%dma_start3A_239 : memref<8x256xf32, #tpu.memory_space<hbm>>) target(%dma_start3A_237 : memref<8x256xf32, #tpu.memory_space<vmem>>) target_semaphore(%arg10 : memref<!tpu.dma_semaphore, #tpu.memory_space<semaphore_mem>>)
    %dma_start3A_240 = arith.constant 6 : i32
    %dma_start3A_241 = arith.constant 0 : i32
    %dma_start3A_242 = arith.constant 6 : i32
    %dma_start3A_243 = arith.constant 0 : i32
    %dma_start3A_244 = arith.constant 0 : i32
    %dma_start3A_245 = tpu.memref_slice %arg7[%dma_start3A_241, %dma_start3A_242, %dma_start3A_243, %dma_start3A_244] : memref<2x16x8x256xf32, #tpu.memory_space<vmem>> -> memref<1x1x8x256xf32, #tpu.memory_space<vmem>>
    %dma_start3A_246 = tpu.memref_squeeze %dma_start3A_245 : memref<1x1x8x256xf32, #tpu.memory_space<vmem>> -> memref<8x256xf32, #tpu.memory_space<vmem>>
    %dma_start3A_247 = tpu.memref_slice %arg2[%dma_start3A_240, %mul3A_147, %mul3A_150] : memref<16x1024x1024xf32, #tpu.memory_space<hbm>> -> memref<1x8x256xf32, #tpu.memory_space<hbm>>
    %dma_start3A_248 = tpu.memref_squeeze %dma_start3A_247 : memref<1x8x256xf32, #tpu.memory_space<hbm>> -> memref<8x256xf32, #tpu.memory_space<hbm>>
    %dma_start3A_249 = arith.constant 0 : i32
    %dma_start3A_250 = arith.constant 0 : i32
    %dma_start3A_251 = tpu.memref_slice %arg7[%dma_start3A_241, %dma_start3A_242, %dma_start3A_249, %dma_start3A_250] : memref<2x16x8x256xf32, #tpu.memory_space<vmem>> -> memref<1x1x8x256xf32, #tpu.memory_space<vmem>>
    %dma_start3A_252 = tpu.memref_squeeze %dma_start3A_251 : memref<1x1x8x256xf32, #tpu.memory_space<vmem>> -> memref<8x256xf32, #tpu.memory_space<vmem>>
    %dma_start3A_253 = tpu.memref_slice %arg2[%dma_start3A_240, %mul3A_147, %mul3A_150] : memref<16x1024x1024xf32, #tpu.memory_space<hbm>> -> memref<1x8x256xf32, #tpu.memory_space<hbm>>
    %dma_start3A_254 = tpu.memref_squeeze %dma_start3A_253 : memref<1x8x256xf32, #tpu.memory_space<hbm>> -> memref<8x256xf32, #tpu.memory_space<hbm>>
    tpu.enqueue_dma source(%dma_start3A_254 : memref<8x256xf32, #tpu.memory_space<hbm>>) target(%dma_start3A_252 : memref<8x256xf32, #tpu.memory_space<vmem>>) target_semaphore(%arg10 : memref<!tpu.dma_semaphore, #tpu.memory_space<semaphore_mem>>)
    %dma_start3A_255 = arith.constant 7 : i32
    %dma_start3A_256 = arith.constant 0 : i32
    %dma_start3A_257 = arith.constant 7 : i32
    %dma_start3A_258 = arith.constant 0 : i32
    %dma_start3A_259 = arith.constant 0 : i32
    %dma_start3A_260 = tpu.memref_slice %arg7[%dma_start3A_256, %dma_start3A_257, %dma_start3A_258, %dma_start3A_259] : memref<2x16x8x256xf32, #tpu.memory_space<vmem>> -> memref<1x1x8x256xf32, #tpu.memory_space<vmem>>
    %dma_start3A_261 = tpu.memref_squeeze %dma_start3A_260 : memref<1x1x8x256xf32, #tpu.memory_space<vmem>> -> memref<8x256xf32, #tpu.memory_space<vmem>>
    %dma_start3A_262 = tpu.memref_slice %arg2[%dma_start3A_255, %mul3A_147, %mul3A_150] : memref<16x1024x1024xf32, #tpu.memory_space<hbm>> -> memref<1x8x256xf32, #tpu.memory_space<hbm>>
    %dma_start3A_263 = tpu.memref_squeeze %dma_start3A_262 : memref<1x8x256xf32, #tpu.memory_space<hbm>> -> memref<8x256xf32, #tpu.memory_space<hbm>>
    %dma_start3A_264 = arith.constant 0 : i32
    %dma_start3A_265 = arith.constant 0 : i32
    %dma_start3A_266 = tpu.memref_slice %arg7[%dma_start3A_256, %dma_start3A_257, %dma_start3A_264, %dma_start3A_265] : memref<2x16x8x256xf32, #tpu.memory_space<vmem>> -> memref<1x1x8x256xf32, #tpu.memory_space<vmem>>
    %dma_start3A_267 = tpu.memref_squeeze %dma_start3A_266 : memref<1x1x8x256xf32, #tpu.memory_space<vmem>> -> memref<8x256xf32, #tpu.memory_space<vmem>>
    %dma_start3A_268 = tpu.memref_slice %arg2[%dma_start3A_255, %mul3A_147, %mul3A_150] : memref<16x1024x1024xf32, #tpu.memory_space<hbm>> -> memref<1x8x256xf32, #tpu.memory_space<hbm>>
    %dma_start3A_269 = tpu.memref_squeeze %dma_start3A_268 : memref<1x8x256xf32, #tpu.memory_space<hbm>> -> memref<8x256xf32, #tpu.memory_space<hbm>>
    tpu.enqueue_dma source(%dma_start3A_269 : memref<8x256xf32, #tpu.memory_space<hbm>>) target(%dma_start3A_267 : memref<8x256xf32, #tpu.memory_space<vmem>>) target_semaphore(%arg10 : memref<!tpu.dma_semaphore, #tpu.memory_space<semaphore_mem>>)
    %dma_start3A_270 = arith.constant 8 : i32
    %dma_start3A_271 = arith.constant 0 : i32
    %dma_start3A_272 = arith.constant 8 : i32
    %dma_start3A_273 = arith.constant 0 : i32
    %dma_start3A_274 = arith.constant 0 : i32
    %dma_start3A_275 = tpu.memref_slice %arg7[%dma_start3A_271, %dma_start3A_272, %dma_start3A_273, %dma_start3A_274] : memref<2x16x8x256xf32, #tpu.memory_space<vmem>> -> memref<1x1x8x256xf32, #tpu.memory_space<vmem>>
    %dma_start3A_276 = tpu.memref_squeeze %dma_start3A_275 : memref<1x1x8x256xf32, #tpu.memory_space<vmem>> -> memref<8x256xf32, #tpu.memory_space<vmem>>
    %dma_start3A_277 = tpu.memref_slice %arg2[%dma_start3A_270, %mul3A_147, %mul3A_150] : memref<16x1024x1024xf32, #tpu.memory_space<hbm>> -> memref<1x8x256xf32, #tpu.memory_space<hbm>>
    %dma_start3A_278 = tpu.memref_squeeze %dma_start3A_277 : memref<1x8x256xf32, #tpu.memory_space<hbm>> -> memref<8x256xf32, #tpu.memory_space<hbm>>
    %dma_start3A_279 = arith.constant 0 : i32
    %dma_start3A_280 = arith.constant 0 : i32
    %dma_start3A_281 = tpu.memref_slice %arg7[%dma_start3A_271, %dma_start3A_272, %dma_start3A_279, %dma_start3A_280] : memref<2x16x8x256xf32, #tpu.memory_space<vmem>> -> memref<1x1x8x256xf32, #tpu.memory_space<vmem>>
    %dma_start3A_282 = tpu.memref_squeeze %dma_start3A_281 : memref<1x1x8x256xf32, #tpu.memory_space<vmem>> -> memref<8x256xf32, #tpu.memory_space<vmem>>
    %dma_start3A_283 = tpu.memref_slice %arg2[%dma_start3A_270, %mul3A_147, %mul3A_150] : memref<16x1024x1024xf32, #tpu.memory_space<hbm>> -> memref<1x8x256xf32, #tpu.memory_space<hbm>>
    %dma_start3A_284 = tpu.memref_squeeze %dma_start3A_283 : memref<1x8x256xf32, #tpu.memory_space<hbm>> -> memref<8x256xf32, #tpu.memory_space<hbm>>
    tpu.enqueue_dma source(%dma_start3A_284 : memref<8x256xf32, #tpu.memory_space<hbm>>) target(%dma_start3A_282 : memref<8x256xf32, #tpu.memory_space<vmem>>) target_semaphore(%arg10 : memref<!tpu.dma_semaphore, #tpu.memory_space<semaphore_mem>>)
    %dma_start3A_285 = arith.constant 9 : i32
    %dma_start3A_286 = arith.constant 0 : i32
    %dma_start3A_287 = arith.constant 9 : i32
    %dma_start3A_288 = arith.constant 0 : i32
    %dma_start3A_289 = arith.constant 0 : i32
    %dma_start3A_290 = tpu.memref_slice %arg7[%dma_start3A_286, %dma_start3A_287, %dma_start3A_288, %dma_start3A_289] : memref<2x16x8x256xf32, #tpu.memory_space<vmem>> -> memref<1x1x8x256xf32, #tpu.memory_space<vmem>>
    %dma_start3A_291 = tpu.memref_squeeze %dma_start3A_290 : memref<1x1x8x256xf32, #tpu.memory_space<vmem>> -> memref<8x256xf32, #tpu.memory_space<vmem>>
    %dma_start3A_292 = tpu.memref_slice %arg2[%dma_start3A_285, %mul3A_147, %mul3A_150] : memref<16x1024x1024xf32, #tpu.memory_space<hbm>> -> memref<1x8x256xf32, #tpu.memory_space<hbm>>
    %dma_start3A_293 = tpu.memref_squeeze %dma_start3A_292 : memref<1x8x256xf32, #tpu.memory_space<hbm>> -> memref<8x256xf32, #tpu.memory_space<hbm>>
    %dma_start3A_294 = arith.constant 0 : i32
    %dma_start3A_295 = arith.constant 0 : i32
    %dma_start3A_296 = tpu.memref_slice %arg7[%dma_start3A_286, %dma_start3A_287, %dma_start3A_294, %dma_start3A_295] : memref<2x16x8x256xf32, #tpu.memory_space<vmem>> -> memref<1x1x8x256xf32, #tpu.memory_space<vmem>>
    %dma_start3A_297 = tpu.memref_squeeze %dma_start3A_296 : memref<1x1x8x256xf32, #tpu.memory_space<vmem>> -> memref<8x256xf32, #tpu.memory_space<vmem>>
    %dma_start3A_298 = tpu.memref_slice %arg2[%dma_start3A_285, %mul3A_147, %mul3A_150] : memref<16x1024x1024xf32, #tpu.memory_space<hbm>> -> memref<1x8x256xf32, #tpu.memory_space<hbm>>
    %dma_start3A_299 = tpu.memref_squeeze %dma_start3A_298 : memref<1x8x256xf32, #tpu.memory_space<hbm>> -> memref<8x256xf32, #tpu.memory_space<hbm>>
    tpu.enqueue_dma source(%dma_start3A_299 : memref<8x256xf32, #tpu.memory_space<hbm>>) target(%dma_start3A_297 : memref<8x256xf32, #tpu.memory_space<vmem>>) target_semaphore(%arg10 : memref<!tpu.dma_semaphore, #tpu.memory_space<semaphore_mem>>)
    %dma_start3A_300 = arith.constant 10 : i32
    %dma_start3A_301 = arith.constant 0 : i32
    %dma_start3A_302 = arith.constant 10 : i32
    %dma_start3A_303 = arith.constant 0 : i32
    %dma_start3A_304 = arith.constant 0 : i32
    %dma_start3A_305 = tpu.memref_slice %arg7[%dma_start3A_301, %dma_start3A_302, %dma_start3A_303, %dma_start3A_304] : memref<2x16x8x256xf32, #tpu.memory_space<vmem>> -> memref<1x1x8x256xf32, #tpu.memory_space<vmem>>
    %dma_start3A_306 = tpu.memref_squeeze %dma_start3A_305 : memref<1x1x8x256xf32, #tpu.memory_space<vmem>> -> memref<8x256xf32, #tpu.memory_space<vmem>>
    %dma_start3A_307 = tpu.memref_slice %arg2[%dma_start3A_300, %mul3A_147, %mul3A_150] : memref<16x1024x1024xf32, #tpu.memory_space<hbm>> -> memref<1x8x256xf32, #tpu.memory_space<hbm>>
    %dma_start3A_308 = tpu.memref_squeeze %dma_start3A_307 : memref<1x8x256xf32, #tpu.memory_space<hbm>> -> memref<8x256xf32, #tpu.memory_space<hbm>>
    %dma_start3A_309 = arith.constant 0 : i32
    %dma_start3A_310 = arith.constant 0 : i32
    %dma_start3A_311 = tpu.memref_slice %arg7[%dma_start3A_301, %dma_start3A_302, %dma_start3A_309, %dma_start3A_310] : memref<2x16x8x256xf32, #tpu.memory_space<vmem>> -> memref<1x1x8x256xf32, #tpu.memory_space<vmem>>
    %dma_start3A_312 = tpu.memref_squeeze %dma_start3A_311 : memref<1x1x8x256xf32, #tpu.memory_space<vmem>> -> memref<8x256xf32, #tpu.memory_space<vmem>>
    %dma_start3A_313 = tpu.memref_slice %arg2[%dma_start3A_300, %mul3A_147, %mul3A_150] : memref<16x1024x1024xf32, #tpu.memory_space<hbm>> -> memref<1x8x256xf32, #tpu.memory_space<hbm>>
    %dma_start3A_314 = tpu.memref_squeeze %dma_start3A_313 : memref<1x8x256xf32, #tpu.memory_space<hbm>> -> memref<8x256xf32, #tpu.memory_space<hbm>>
    tpu.enqueue_dma source(%dma_start3A_314 : memref<8x256xf32, #tpu.memory_space<hbm>>) target(%dma_start3A_312 : memref<8x256xf32, #tpu.memory_space<vmem>>) target_semaphore(%arg10 : memref<!tpu.dma_semaphore, #tpu.memory_space<semaphore_mem>>)
    %dma_start3A_315 = arith.constant 11 : i32
    %dma_start3A_316 = arith.constant 0 : i32
    %dma_start3A_317 = arith.constant 11 : i32
    %dma_start3A_318 = arith.constant 0 : i32
    %dma_start3A_319 = arith.constant 0 : i32
    %dma_start3A_320 = tpu.memref_slice %arg7[%dma_start3A_316, %dma_start3A_317, %dma_start3A_318, %dma_start3A_319] : memref<2x16x8x256xf32, #tpu.memory_space<vmem>> -> memref<1x1x8x256xf32, #tpu.memory_space<vmem>>
    %dma_start3A_321 = tpu.memref_squeeze %dma_start3A_320 : memref<1x1x8x256xf32, #tpu.memory_space<vmem>> -> memref<8x256xf32, #tpu.memory_space<vmem>>
    %dma_start3A_322 = tpu.memref_slice %arg2[%dma_start3A_315, %mul3A_147, %mul3A_150] : memref<16x1024x1024xf32, #tpu.memory_space<hbm>> -> memref<1x8x256xf32, #tpu.memory_space<hbm>>
    %dma_start3A_323 = tpu.memref_squeeze %dma_start3A_322 : memref<1x8x256xf32, #tpu.memory_space<hbm>> -> memref<8x256xf32, #tpu.memory_space<hbm>>
    %dma_start3A_324 = arith.constant 0 : i32
    %dma_start3A_325 = arith.constant 0 : i32
    %dma_start3A_326 = tpu.memref_slice %arg7[%dma_start3A_316, %dma_start3A_317, %dma_start3A_324, %dma_start3A_325] : memref<2x16x8x256xf32, #tpu.memory_space<vmem>> -> memref<1x1x8x256xf32, #tpu.memory_space<vmem>>
    %dma_start3A_327 = tpu.memref_squeeze %dma_start3A_326 : memref<1x1x8x256xf32, #tpu.memory_space<vmem>> -> memref<8x256xf32, #tpu.memory_space<vmem>>
    %dma_start3A_328 = tpu.memref_slice %arg2[%dma_start3A_315, %mul3A_147, %mul3A_150] : memref<16x1024x1024xf32, #tpu.memory_space<hbm>> -> memref<1x8x256xf32, #tpu.memory_space<hbm>>
    %dma_start3A_329 = tpu.memref_squeeze %dma_start3A_328 : memref<1x8x256xf32, #tpu.memory_space<hbm>> -> memref<8x256xf32, #tpu.memory_space<hbm>>
    tpu.enqueue_dma source(%dma_start3A_329 : memref<8x256xf32, #tpu.memory_space<hbm>>) target(%dma_start3A_327 : memref<8x256xf32, #tpu.memory_space<vmem>>) target_semaphore(%arg10 : memref<!tpu.dma_semaphore, #tpu.memory_space<semaphore_mem>>)
    %dma_start3A_330 = arith.constant 12 : i32
    %dma_start3A_331 = arith.constant 0 : i32
    %dma_start3A_332 = arith.constant 12 : i32
    %dma_start3A_333 = arith.constant 0 : i32
    %dma_start3A_334 = arith.constant 0 : i32
    %dma_start3A_335 = tpu.memref_slice %arg7[%dma_start3A_331, %dma_start3A_332, %dma_start3A_333, %dma_start3A_334] : memref<2x16x8x256xf32, #tpu.memory_space<vmem>> -> memref<1x1x8x256xf32, #tpu.memory_space<vmem>>
    %dma_start3A_336 = tpu.memref_squeeze %dma_start3A_335 : memref<1x1x8x256xf32, #tpu.memory_space<vmem>> -> memref<8x256xf32, #tpu.memory_space<vmem>>
    %dma_start3A_337 = tpu.memref_slice %arg2[%dma_start3A_330, %mul3A_147, %mul3A_150] : memref<16x1024x1024xf32, #tpu.memory_space<hbm>> -> memref<1x8x256xf32, #tpu.memory_space<hbm>>
    %dma_start3A_338 = tpu.memref_squeeze %dma_start3A_337 : memref<1x8x256xf32, #tpu.memory_space<hbm>> -> memref<8x256xf32, #tpu.memory_space<hbm>>
    %dma_start3A_339 = arith.constant 0 : i32
    %dma_start3A_340 = arith.constant 0 : i32
    %dma_start3A_341 = tpu.memref_slice %arg7[%dma_start3A_331, %dma_start3A_332, %dma_start3A_339, %dma_start3A_340] : memref<2x16x8x256xf32, #tpu.memory_space<vmem>> -> memref<1x1x8x256xf32, #tpu.memory_space<vmem>>
    %dma_start3A_342 = tpu.memref_squeeze %dma_start3A_341 : memref<1x1x8x256xf32, #tpu.memory_space<vmem>> -> memref<8x256xf32, #tpu.memory_space<vmem>>
    %dma_start3A_343 = tpu.memref_slice %arg2[%dma_start3A_330, %mul3A_147, %mul3A_150] : memref<16x1024x1024xf32, #tpu.memory_space<hbm>> -> memref<1x8x256xf32, #tpu.memory_space<hbm>>
    %dma_start3A_344 = tpu.memref_squeeze %dma_start3A_343 : memref<1x8x256xf32, #tpu.memory_space<hbm>> -> memref<8x256xf32, #tpu.memory_space<hbm>>
    tpu.enqueue_dma source(%dma_start3A_344 : memref<8x256xf32, #tpu.memory_space<hbm>>) target(%dma_start3A_342 : memref<8x256xf32, #tpu.memory_space<vmem>>) target_semaphore(%arg10 : memref<!tpu.dma_semaphore, #tpu.memory_space<semaphore_mem>>)
    %dma_start3A_345 = arith.constant 13 : i32
    %dma_start3A_346 = arith.constant 0 : i32
    %dma_start3A_347 = arith.constant 13 : i32
    %dma_start3A_348 = arith.constant 0 : i32
    %dma_start3A_349 = arith.constant 0 : i32
    %dma_start3A_350 = tpu.memref_slice %arg7[%dma_start3A_346, %dma_start3A_347, %dma_start3A_348, %dma_start3A_349] : memref<2x16x8x256xf32, #tpu.memory_space<vmem>> -> memref<1x1x8x256xf32, #tpu.memory_space<vmem>>
    %dma_start3A_351 = tpu.memref_squeeze %dma_start3A_350 : memref<1x1x8x256xf32, #tpu.memory_space<vmem>> -> memref<8x256xf32, #tpu.memory_space<vmem>>
    %dma_start3A_352 = tpu.memref_slice %arg2[%dma_start3A_345, %mul3A_147, %mul3A_150] : memref<16x1024x1024xf32, #tpu.memory_space<hbm>> -> memref<1x8x256xf32, #tpu.memory_space<hbm>>
    %dma_start3A_353 = tpu.memref_squeeze %dma_start3A_352 : memref<1x8x256xf32, #tpu.memory_space<hbm>> -> memref<8x256xf32, #tpu.memory_space<hbm>>
    %dma_start3A_354 = arith.constant 0 : i32
    %dma_start3A_355 = arith.constant 0 : i32
    %dma_start3A_356 = tpu.memref_slice %arg7[%dma_start3A_346, %dma_start3A_347, %dma_start3A_354, %dma_start3A_355] : memref<2x16x8x256xf32, #tpu.memory_space<vmem>> -> memref<1x1x8x256xf32, #tpu.memory_space<vmem>>
    %dma_start3A_357 = tpu.memref_squeeze %dma_start3A_356 : memref<1x1x8x256xf32, #tpu.memory_space<vmem>> -> memref<8x256xf32, #tpu.memory_space<vmem>>
    %dma_start3A_358 = tpu.memref_slice %arg2[%dma_start3A_345, %mul3A_147, %mul3A_150] : memref<16x1024x1024xf32, #tpu.memory_space<hbm>> -> memref<1x8x256xf32, #tpu.memory_space<hbm>>
    %dma_start3A_359 = tpu.memref_squeeze %dma_start3A_358 : memref<1x8x256xf32, #tpu.memory_space<hbm>> -> memref<8x256xf32, #tpu.memory_space<hbm>>
    tpu.enqueue_dma source(%dma_start3A_359 : memref<8x256xf32, #tpu.memory_space<hbm>>) target(%dma_start3A_357 : memref<8x256xf32, #tpu.memory_space<vmem>>) target_semaphore(%arg10 : memref<!tpu.dma_semaphore, #tpu.memory_space<semaphore_mem>>)
    %dma_start3A_360 = arith.constant 14 : i32
    %dma_start3A_361 = arith.constant 0 : i32
    %dma_start3A_362 = arith.constant 14 : i32
    %dma_start3A_363 = arith.constant 0 : i32
    %dma_start3A_364 = arith.constant 0 : i32
    %dma_start3A_365 = tpu.memref_slice %arg7[%dma_start3A_361, %dma_start3A_362, %dma_start3A_363, %dma_start3A_364] : memref<2x16x8x256xf32, #tpu.memory_space<vmem>> -> memref<1x1x8x256xf32, #tpu.memory_space<vmem>>
    %dma_start3A_366 = tpu.memref_squeeze %dma_start3A_365 : memref<1x1x8x256xf32, #tpu.memory_space<vmem>> -> memref<8x256xf32, #tpu.memory_space<vmem>>
    %dma_start3A_367 = tpu.memref_slice %arg2[%dma_start3A_360, %mul3A_147, %mul3A_150] : memref<16x1024x1024xf32, #tpu.memory_space<hbm>> -> memref<1x8x256xf32, #tpu.memory_space<hbm>>
    %dma_start3A_368 = tpu.memref_squeeze %dma_start3A_367 : memref<1x8x256xf32, #tpu.memory_space<hbm>> -> memref<8x256xf32, #tpu.memory_space<hbm>>
    %dma_start3A_369 = arith.constant 0 : i32
    %dma_start3A_370 = arith.constant 0 : i32
    %dma_start3A_371 = tpu.memref_slice %arg7[%dma_start3A_361, %dma_start3A_362, %dma_start3A_369, %dma_start3A_370] : memref<2x16x8x256xf32, #tpu.memory_space<vmem>> -> memref<1x1x8x256xf32, #tpu.memory_space<vmem>>
    %dma_start3A_372 = tpu.memref_squeeze %dma_start3A_371 : memref<1x1x8x256xf32, #tpu.memory_space<vmem>> -> memref<8x256xf32, #tpu.memory_space<vmem>>
    %dma_start3A_373 = tpu.memref_slice %arg2[%dma_start3A_360, %mul3A_147, %mul3A_150] : memref<16x1024x1024xf32, #tpu.memory_space<hbm>> -> memref<1x8x256xf32, #tpu.memory_space<hbm>>
    %dma_start3A_374 = tpu.memref_squeeze %dma_start3A_373 : memref<1x8x256xf32, #tpu.memory_space<hbm>> -> memref<8x256xf32, #tpu.memory_space<hbm>>
    tpu.enqueue_dma source(%dma_start3A_374 : memref<8x256xf32, #tpu.memory_space<hbm>>) target(%dma_start3A_372 : memref<8x256xf32, #tpu.memory_space<vmem>>) target_semaphore(%arg10 : memref<!tpu.dma_semaphore, #tpu.memory_space<semaphore_mem>>)
    %dma_start3A_375 = arith.constant 15 : i32
    %dma_start3A_376 = arith.constant 0 : i32
    %dma_start3A_377 = arith.constant 15 : i32
    %dma_start3A_378 = arith.constant 0 : i32
    %dma_start3A_379 = arith.constant 0 : i32
    %dma_start3A_380 = tpu.memref_slice %arg7[%dma_start3A_376, %dma_start3A_377, %dma_start3A_378, %dma_start3A_379] : memref<2x16x8x256xf32, #tpu.memory_space<vmem>> -> memref<1x1x8x256xf32, #tpu.memory_space<vmem>>
    %dma_start3A_381 = tpu.memref_squeeze %dma_start3A_380 : memref<1x1x8x256xf32, #tpu.memory_space<vmem>> -> memref<8x256xf32, #tpu.memory_space<vmem>>
    %dma_start3A_382 = tpu.memref_slice %arg2[%dma_start3A_375, %mul3A_147, %mul3A_150] : memref<16x1024x1024xf32, #tpu.memory_space<hbm>> -> memref<1x8x256xf32, #tpu.memory_space<hbm>>
    %dma_start3A_383 = tpu.memref_squeeze %dma_start3A_382 : memref<1x8x256xf32, #tpu.memory_space<hbm>> -> memref<8x256xf32, #tpu.memory_space<hbm>>
    %dma_start3A_384 = arith.constant 0 : i32
    %dma_start3A_385 = arith.constant 0 : i32
    %dma_start3A_386 = tpu.memref_slice %arg7[%dma_start3A_376, %dma_start3A_377, %dma_start3A_384, %dma_start3A_385] : memref<2x16x8x256xf32, #tpu.memory_space<vmem>> -> memref<1x1x8x256xf32, #tpu.memory_space<vmem>>
    %dma_start3A_387 = tpu.memref_squeeze %dma_start3A_386 : memref<1x1x8x256xf32, #tpu.memory_space<vmem>> -> memref<8x256xf32, #tpu.memory_space<vmem>>
    %dma_start3A_388 = tpu.memref_slice %arg2[%dma_start3A_375, %mul3A_147, %mul3A_150] : memref<16x1024x1024xf32, #tpu.memory_space<hbm>> -> memref<1x8x256xf32, #tpu.memory_space<hbm>>
    %dma_start3A_389 = tpu.memref_squeeze %dma_start3A_388 : memref<1x8x256xf32, #tpu.memory_space<hbm>> -> memref<8x256xf32, #tpu.memory_space<hbm>>
    tpu.enqueue_dma source(%dma_start3A_389 : memref<8x256xf32, #tpu.memory_space<hbm>>) target(%dma_start3A_387 : memref<8x256xf32, #tpu.memory_space<vmem>>) target_semaphore(%arg10 : memref<!tpu.dma_semaphore, #tpu.memory_space<semaphore_mem>>)
    %dma_start3A_390 = arith.constant 0 : i32
    %dma_start3A_391 = arith.constant 0 : i32
    %dma_start3A_392 = arith.constant 0 : i32
    %dma_start3A_393 = tpu.memref_slice %arg8[%dma_start3A_390, %dma_start3A_391, %dma_start3A_392] : memref<2x8x256xf32, #tpu.memory_space<vmem>> -> memref<1x8x256xf32, #tpu.memory_space<vmem>>
    %dma_start3A_394 = tpu.memref_squeeze %dma_start3A_393 : memref<1x8x256xf32, #tpu.memory_space<vmem>> -> memref<8x256xf32, #tpu.memory_space<vmem>>
    %dma_start3A_395 = tpu.memref_slice %arg3[%mul3A_147, %mul3A_150] : memref<1024x1024xf32, #tpu.memory_space<hbm>> -> memref<8x256xf32, #tpu.memory_space<hbm>>
    %dma_start3A_396 = arith.constant 0 : i32
    %dma_start3A_397 = arith.constant 0 : i32
    %dma_start3A_398 = tpu.memref_slice %arg8[%dma_start3A_390, %dma_start3A_396, %dma_start3A_397] : memref<2x8x256xf32, #tpu.memory_space<vmem>> -> memref<1x8x256xf32, #tpu.memory_space<vmem>>
    %dma_start3A_399 = tpu.memref_squeeze %dma_start3A_398 : memref<1x8x256xf32, #tpu.memory_space<vmem>> -> memref<8x256xf32, #tpu.memory_space<vmem>>
    %dma_start3A_400 = tpu.memref_slice %arg3[%mul3A_147, %mul3A_150] : memref<1024x1024xf32, #tpu.memory_space<hbm>> -> memref<8x256xf32, #tpu.memory_space<hbm>>
    tpu.enqueue_dma source(%dma_start3A_400 : memref<8x256xf32, #tpu.memory_space<hbm>>) target(%dma_start3A_399 : memref<8x256xf32, #tpu.memory_space<vmem>>) target_semaphore(%arg10 : memref<!tpu.dma_semaphore, #tpu.memory_space<semaphore_mem>>)
    %broadcast_in_dim3A_401 = arith.constant 0.000000e+00 : f32
    %broadcast_in_dim3A_402 = vector.broadcast %broadcast_in_dim3A_401 : f32 to vector<16xf32>
    %scan3A = arith.constant 0 : i32
    %scan3A_403 = arith.constant 3 : i32
    %scan3A_404 = arith.addi %scan3A, %scan3A_403 : i32
    %scan3A_405 = arith.constant 1 : i32
    %scan3A_406 = scf.for %scan3A_412 = %scan3A to %scan3A_404 step %scan3A_405 iter_args(%scan3A_413 = %broadcast_in_dim3A_402) -> (vector<16xf32>)  : i32 {
      %mul3A_414 = arith.constant 2 : i32
      %mul3A_415 = arith.muli %scan3A_412, %mul3A_414 : i32
      %add3A_416 = arith.constant 0 : i32
      %add3A_417 = arith.addi %add3A_416, %mul3A_415 : i32
      %add3A_418 = arith.constant 0 : i32
      %add3A_419 = arith.addi %add3A_417, %add3A_418 : i32
      %add3A_420 = arith.constant 1 : i32
      %add3A_421 = arith.addi %add3A_419, %add3A_420 : i32
      %lt3A = arith.constant 6 : i32
      %lt3A_422 = arith.cmpi slt, %add3A_421, %lt3A : i32
      %convert_element_type3A = arith.extui %lt3A_422 : i1 to i32
      %cond3A = arith.constant 0 : i32
      %cond3A_423 = arith.cmpi ne, %convert_element_type3A, %cond3A : i32
      scf.if %cond3A_423 {
        %add3A_972 = arith.constant 1 : i32
        %add3A_973 = arith.addi %add3A_419, %add3A_972 : i32
        %mul3A_974 = arith.constant 6 : i32
        %mul3A_975 = arith.muli %add3A, %mul3A_974 : i32
        %add3A_976 = arith.addi %mul3A_975, %add3A_973 : i32
        %shift_right_arithmetic3A_977 = arith.constant 2 : i32
        %shift_right_arithmetic3A_978 = arith.shrsi %add3A_976, %shift_right_arithmetic3A_977 : i32
        %add3A_979 = arith.constant 80 : i32
        %add3A_980 = arith.addi %add3A_979, %shift_right_arithmetic3A_978 : i32
        %mul3A_981 = arith.constant 8 : i32
        %mul3A_982 = arith.muli %add3A_980, %mul3A_981 : i32
        %and3A_983 = arith.constant 3 : i32
        %and3A_984 = arith.andi %add3A_976, %and3A_983 : i32
        %mul3A_985 = arith.constant 256 : i32
        %mul3A_986 = arith.muli %and3A_984, %mul3A_985 : i32
        %dma_start3A_987 = arith.constant 0 : i32
        %dma_start3A_988 = arith.constant 1 : i32
        %dma_start3A_989 = arith.constant 0 : i32
        %dma_start3A_990 = arith.constant 0 : i32
        %dma_start3A_991 = arith.constant 0 : i32
        %dma_start3A_992 = tpu.memref_slice %arg7[%dma_start3A_988, %dma_start3A_989, %dma_start3A_990, %dma_start3A_991] : memref<2x16x8x256xf32, #tpu.memory_space<vmem>> -> memref<1x1x8x256xf32, #tpu.memory_space<vmem>>
        %dma_start3A_993 = tpu.memref_squeeze %dma_start3A_992 : memref<1x1x8x256xf32, #tpu.memory_space<vmem>> -> memref<8x256xf32, #tpu.memory_space<vmem>>
        %dma_start3A_994 = tpu.memref_slice %arg2[%dma_start3A_987, %mul3A_982, %mul3A_986] : memref<16x1024x1024xf32, #tpu.memory_space<hbm>> -> memref<1x8x256xf32, #tpu.memory_space<hbm>>
        %dma_start3A_995 = tpu.memref_squeeze %dma_start3A_994 : memref<1x8x256xf32, #tpu.memory_space<hbm>> -> memref<8x256xf32, #tpu.memory_space<hbm>>
        %dma_start3A_996 = arith.constant 0 : i32
        %dma_start3A_997 = arith.constant 0 : i32
        %dma_start3A_998 = tpu.memref_slice %arg7[%dma_start3A_988, %dma_start3A_989, %dma_start3A_996, %dma_start3A_997] : memref<2x16x8x256xf32, #tpu.memory_space<vmem>> -> memref<1x1x8x256xf32, #tpu.memory_space<vmem>>
        %dma_start3A_999 = tpu.memref_squeeze %dma_start3A_998 : memref<1x1x8x256xf32, #tpu.memory_space<vmem>> -> memref<8x256xf32, #tpu.memory_space<vmem>>
        %dma_start3A_1000 = tpu.memref_slice %arg2[%dma_start3A_987, %mul3A_982, %mul3A_986] : memref<16x1024x1024xf32, #tpu.memory_space<hbm>> -> memref<1x8x256xf32, #tpu.memory_space<hbm>>
        %dma_start3A_1001 = tpu.memref_squeeze %dma_start3A_1000 : memref<1x8x256xf32, #tpu.memory_space<hbm>> -> memref<8x256xf32, #tpu.memory_space<hbm>>
        tpu.enqueue_dma source(%dma_start3A_1001 : memref<8x256xf32, #tpu.memory_space<hbm>>) target(%dma_start3A_999 : memref<8x256xf32, #tpu.memory_space<vmem>>) target_semaphore(%arg11 : memref<!tpu.dma_semaphore, #tpu.memory_space<semaphore_mem>>)
        %dma_start3A_1002 = arith.constant 1 : i32
        %dma_start3A_1003 = arith.constant 1 : i32
        %dma_start3A_1004 = arith.constant 1 : i32
        %dma_start3A_1005 = arith.constant 0 : i32
        %dma_start3A_1006 = arith.constant 0 : i32
        %dma_start3A_1007 = tpu.memref_slice %arg7[%dma_start3A_1003, %dma_start3A_1004, %dma_start3A_1005, %dma_start3A_1006] : memref<2x16x8x256xf32, #tpu.memory_space<vmem>> -> memref<1x1x8x256xf32, #tpu.memory_space<vmem>>
        %dma_start3A_1008 = tpu.memref_squeeze %dma_start3A_1007 : memref<1x1x8x256xf32, #tpu.memory_space<vmem>> -> memref<8x256xf32, #tpu.memory_space<vmem>>
        %dma_start3A_1009 = tpu.memref_slice %arg2[%dma_start3A_1002, %mul3A_982, %mul3A_986] : memref<16x1024x1024xf32, #tpu.memory_space<hbm>> -> memref<1x8x256xf32, #tpu.memory_space<hbm>>
        %dma_start3A_1010 = tpu.memref_squeeze %dma_start3A_1009 : memref<1x8x256xf32, #tpu.memory_space<hbm>> -> memref<8x256xf32, #tpu.memory_space<hbm>>
        %dma_start3A_1011 = arith.constant 0 : i32
        %dma_start3A_1012 = arith.constant 0 : i32
        %dma_start3A_1013 = tpu.memref_slice %arg7[%dma_start3A_1003, %dma_start3A_1004, %dma_start3A_1011, %dma_start3A_1012] : memref<2x16x8x256xf32, #tpu.memory_space<vmem>> -> memref<1x1x8x256xf32, #tpu.memory_space<vmem>>
        %dma_start3A_1014 = tpu.memref_squeeze %dma_start3A_1013 : memref<1x1x8x256xf32, #tpu.memory_space<vmem>> -> memref<8x256xf32, #tpu.memory_space<vmem>>
        %dma_start3A_1015 = tpu.memref_slice %arg2[%dma_start3A_1002, %mul3A_982, %mul3A_986] : memref<16x1024x1024xf32, #tpu.memory_space<hbm>> -> memref<1x8x256xf32, #tpu.memory_space<hbm>>
        %dma_start3A_1016 = tpu.memref_squeeze %dma_start3A_1015 : memref<1x8x256xf32, #tpu.memory_space<hbm>> -> memref<8x256xf32, #tpu.memory_space<hbm>>
        tpu.enqueue_dma source(%dma_start3A_1016 : memref<8x256xf32, #tpu.memory_space<hbm>>) target(%dma_start3A_1014 : memref<8x256xf32, #tpu.memory_space<vmem>>) target_semaphore(%arg11 : memref<!tpu.dma_semaphore, #tpu.memory_space<semaphore_mem>>)
        %dma_start3A_1017 = arith.constant 2 : i32
        %dma_start3A_1018 = arith.constant 1 : i32
        %dma_start3A_1019 = arith.constant 2 : i32
        %dma_start3A_1020 = arith.constant 0 : i32
        %dma_start3A_1021 = arith.constant 0 : i32
        %dma_start3A_1022 = tpu.memref_slice %arg7[%dma_start3A_1018, %dma_start3A_1019, %dma_start3A_1020, %dma_start3A_1021] : memref<2x16x8x256xf32, #tpu.memory_space<vmem>> -> memref<1x1x8x256xf32, #tpu.memory_space<vmem>>
        %dma_start3A_1023 = tpu.memref_squeeze %dma_start3A_1022 : memref<1x1x8x256xf32, #tpu.memory_space<vmem>> -> memref<8x256xf32, #tpu.memory_space<vmem>>
        %dma_start3A_1024 = tpu.memref_slice %arg2[%dma_start3A_1017, %mul3A_982, %mul3A_986] : memref<16x1024x1024xf32, #tpu.memory_space<hbm>> -> memref<1x8x256xf32, #tpu.memory_space<hbm>>
        %dma_start3A_1025 = tpu.memref_squeeze %dma_start3A_1024 : memref<1x8x256xf32, #tpu.memory_space<hbm>> -> memref<8x256xf32, #tpu.memory_space<hbm>>
        %dma_start3A_1026 = arith.constant 0 : i32
        %dma_start3A_1027 = arith.constant 0 : i32
        %dma_start3A_1028 = tpu.memref_slice %arg7[%dma_start3A_1018, %dma_start3A_1019, %dma_start3A_1026, %dma_start3A_1027] : memref<2x16x8x256xf32, #tpu.memory_space<vmem>> -> memref<1x1x8x256xf32, #tpu.memory_space<vmem>>
        %dma_start3A_1029 = tpu.memref_squeeze %dma_start3A_1028 : memref<1x1x8x256xf32, #tpu.memory_space<vmem>> -> memref<8x256xf32, #tpu.memory_space<vmem>>
        %dma_start3A_1030 = tpu.memref_slice %arg2[%dma_start3A_1017, %mul3A_982, %mul3A_986] : memref<16x1024x1024xf32, #tpu.memory_space<hbm>> -> memref<1x8x256xf32, #tpu.memory_space<hbm>>
        %dma_start3A_1031 = tpu.memref_squeeze %dma_start3A_1030 : memref<1x8x256xf32, #tpu.memory_space<hbm>> -> memref<8x256xf32, #tpu.memory_space<hbm>>
        tpu.enqueue_dma source(%dma_start3A_1031 : memref<8x256xf32, #tpu.memory_space<hbm>>) target(%dma_start3A_1029 : memref<8x256xf32, #tpu.memory_space<vmem>>) target_semaphore(%arg11 : memref<!tpu.dma_semaphore, #tpu.memory_space<semaphore_mem>>)
        %dma_start3A_1032 = arith.constant 3 : i32
        %dma_start3A_1033 = arith.constant 1 : i32
        %dma_start3A_1034 = arith.constant 3 : i32
        %dma_start3A_1035 = arith.constant 0 : i32
        %dma_start3A_1036 = arith.constant 0 : i32
        %dma_start3A_1037 = tpu.memref_slice %arg7[%dma_start3A_1033, %dma_start3A_1034, %dma_start3A_1035, %dma_start3A_1036] : memref<2x16x8x256xf32, #tpu.memory_space<vmem>> -> memref<1x1x8x256xf32, #tpu.memory_space<vmem>>
        %dma_start3A_1038 = tpu.memref_squeeze %dma_start3A_1037 : memref<1x1x8x256xf32, #tpu.memory_space<vmem>> -> memref<8x256xf32, #tpu.memory_space<vmem>>
        %dma_start3A_1039 = tpu.memref_slice %arg2[%dma_start3A_1032, %mul3A_982, %mul3A_986] : memref<16x1024x1024xf32, #tpu.memory_space<hbm>> -> memref<1x8x256xf32, #tpu.memory_space<hbm>>
        %dma_start3A_1040 = tpu.memref_squeeze %dma_start3A_1039 : memref<1x8x256xf32, #tpu.memory_space<hbm>> -> memref<8x256xf32, #tpu.memory_space<hbm>>
        %dma_start3A_1041 = arith.constant 0 : i32
        %dma_start3A_1042 = arith.constant 0 : i32
        %dma_start3A_1043 = tpu.memref_slice %arg7[%dma_start3A_1033, %dma_start3A_1034, %dma_start3A_1041, %dma_start3A_1042] : memref<2x16x8x256xf32, #tpu.memory_space<vmem>> -> memref<1x1x8x256xf32, #tpu.memory_space<vmem>>
        %dma_start3A_1044 = tpu.memref_squeeze %dma_start3A_1043 : memref<1x1x8x256xf32, #tpu.memory_space<vmem>> -> memref<8x256xf32, #tpu.memory_space<vmem>>
        %dma_start3A_1045 = tpu.memref_slice %arg2[%dma_start3A_1032, %mul3A_982, %mul3A_986] : memref<16x1024x1024xf32, #tpu.memory_space<hbm>> -> memref<1x8x256xf32, #tpu.memory_space<hbm>>
        %dma_start3A_1046 = tpu.memref_squeeze %dma_start3A_1045 : memref<1x8x256xf32, #tpu.memory_space<hbm>> -> memref<8x256xf32, #tpu.memory_space<hbm>>
        tpu.enqueue_dma source(%dma_start3A_1046 : memref<8x256xf32, #tpu.memory_space<hbm>>) target(%dma_start3A_1044 : memref<8x256xf32, #tpu.memory_space<vmem>>) target_semaphore(%arg11 : memref<!tpu.dma_semaphore, #tpu.memory_space<semaphore_mem>>)
        %dma_start3A_1047 = arith.constant 4 : i32
        %dma_start3A_1048 = arith.constant 1 : i32
        %dma_start3A_1049 = arith.constant 4 : i32
        %dma_start3A_1050 = arith.constant 0 : i32
        %dma_start3A_1051 = arith.constant 0 : i32
        %dma_start3A_1052 = tpu.memref_slice %arg7[%dma_start3A_1048, %dma_start3A_1049, %dma_start3A_1050, %dma_start3A_1051] : memref<2x16x8x256xf32, #tpu.memory_space<vmem>> -> memref<1x1x8x256xf32, #tpu.memory_space<vmem>>
        %dma_start3A_1053 = tpu.memref_squeeze %dma_start3A_1052 : memref<1x1x8x256xf32, #tpu.memory_space<vmem>> -> memref<8x256xf32, #tpu.memory_space<vmem>>
        %dma_start3A_1054 = tpu.memref_slice %arg2[%dma_start3A_1047, %mul3A_982, %mul3A_986] : memref<16x1024x1024xf32, #tpu.memory_space<hbm>> -> memref<1x8x256xf32, #tpu.memory_space<hbm>>
        %dma_start3A_1055 = tpu.memref_squeeze %dma_start3A_1054 : memref<1x8x256xf32, #tpu.memory_space<hbm>> -> memref<8x256xf32, #tpu.memory_space<hbm>>
        %dma_start3A_1056 = arith.constant 0 : i32
        %dma_start3A_1057 = arith.constant 0 : i32
        %dma_start3A_1058 = tpu.memref_slice %arg7[%dma_start3A_1048, %dma_start3A_1049, %dma_start3A_1056, %dma_start3A_1057] : memref<2x16x8x256xf32, #tpu.memory_space<vmem>> -> memref<1x1x8x256xf32, #tpu.memory_space<vmem>>
        %dma_start3A_1059 = tpu.memref_squeeze %dma_start3A_1058 : memref<1x1x8x256xf32, #tpu.memory_space<vmem>> -> memref<8x256xf32, #tpu.memory_space<vmem>>
        %dma_start3A_1060 = tpu.memref_slice %arg2[%dma_start3A_1047, %mul3A_982, %mul3A_986] : memref<16x1024x1024xf32, #tpu.memory_space<hbm>> -> memref<1x8x256xf32, #tpu.memory_space<hbm>>
        %dma_start3A_1061 = tpu.memref_squeeze %dma_start3A_1060 : memref<1x8x256xf32, #tpu.memory_space<hbm>> -> memref<8x256xf32, #tpu.memory_space<hbm>>
        tpu.enqueue_dma source(%dma_start3A_1061 : memref<8x256xf32, #tpu.memory_space<hbm>>) target(%dma_start3A_1059 : memref<8x256xf32, #tpu.memory_space<vmem>>) target_semaphore(%arg11 : memref<!tpu.dma_semaphore, #tpu.memory_space<semaphore_mem>>)
        %dma_start3A_1062 = arith.constant 5 : i32
        %dma_start3A_1063 = arith.constant 1 : i32
        %dma_start3A_1064 = arith.constant 5 : i32
        %dma_start3A_1065 = arith.constant 0 : i32
        %dma_start3A_1066 = arith.constant 0 : i32
        %dma_start3A_1067 = tpu.memref_slice %arg7[%dma_start3A_1063, %dma_start3A_1064, %dma_start3A_1065, %dma_start3A_1066] : memref<2x16x8x256xf32, #tpu.memory_space<vmem>> -> memref<1x1x8x256xf32, #tpu.memory_space<vmem>>
        %dma_start3A_1068 = tpu.memref_squeeze %dma_start3A_1067 : memref<1x1x8x256xf32, #tpu.memory_space<vmem>> -> memref<8x256xf32, #tpu.memory_space<vmem>>
        %dma_start3A_1069 = tpu.memref_slice %arg2[%dma_start3A_1062, %mul3A_982, %mul3A_986] : memref<16x1024x1024xf32, #tpu.memory_space<hbm>> -> memref<1x8x256xf32, #tpu.memory_space<hbm>>
        %dma_start3A_1070 = tpu.memref_squeeze %dma_start3A_1069 : memref<1x8x256xf32, #tpu.memory_space<hbm>> -> memref<8x256xf32, #tpu.memory_space<hbm>>
        %dma_start3A_1071 = arith.constant 0 : i32
        %dma_start3A_1072 = arith.constant 0 : i32
        %dma_start3A_1073 = tpu.memref_slice %arg7[%dma_start3A_1063, %dma_start3A_1064, %dma_start3A_1071, %dma_start3A_1072] : memref<2x16x8x256xf32, #tpu.memory_space<vmem>> -> memref<1x1x8x256xf32, #tpu.memory_space<vmem>>
        %dma_start3A_1074 = tpu.memref_squeeze %dma_start3A_1073 : memref<1x1x8x256xf32, #tpu.memory_space<vmem>> -> memref<8x256xf32, #tpu.memory_space<vmem>>
        %dma_start3A_1075 = tpu.memref_slice %arg2[%dma_start3A_1062, %mul3A_982, %mul3A_986] : memref<16x1024x1024xf32, #tpu.memory_space<hbm>> -> memref<1x8x256xf32, #tpu.memory_space<hbm>>
        %dma_start3A_1076 = tpu.memref_squeeze %dma_start3A_1075 : memref<1x8x256xf32, #tpu.memory_space<hbm>> -> memref<8x256xf32, #tpu.memory_space<hbm>>
        tpu.enqueue_dma source(%dma_start3A_1076 : memref<8x256xf32, #tpu.memory_space<hbm>>) target(%dma_start3A_1074 : memref<8x256xf32, #tpu.memory_space<vmem>>) target_semaphore(%arg11 : memref<!tpu.dma_semaphore, #tpu.memory_space<semaphore_mem>>)
        %dma_start3A_1077 = arith.constant 6 : i32
        %dma_start3A_1078 = arith.constant 1 : i32
        %dma_start3A_1079 = arith.constant 6 : i32
        %dma_start3A_1080 = arith.constant 0 : i32
        %dma_start3A_1081 = arith.constant 0 : i32
        %dma_start3A_1082 = tpu.memref_slice %arg7[%dma_start3A_1078, %dma_start3A_1079, %dma_start3A_1080, %dma_start3A_1081] : memref<2x16x8x256xf32, #tpu.memory_space<vmem>> -> memref<1x1x8x256xf32, #tpu.memory_space<vmem>>
        %dma_start3A_1083 = tpu.memref_squeeze %dma_start3A_1082 : memref<1x1x8x256xf32, #tpu.memory_space<vmem>> -> memref<8x256xf32, #tpu.memory_space<vmem>>
        %dma_start3A_1084 = tpu.memref_slice %arg2[%dma_start3A_1077, %mul3A_982, %mul3A_986] : memref<16x1024x1024xf32, #tpu.memory_space<hbm>> -> memref<1x8x256xf32, #tpu.memory_space<hbm>>
        %dma_start3A_1085 = tpu.memref_squeeze %dma_start3A_1084 : memref<1x8x256xf32, #tpu.memory_space<hbm>> -> memref<8x256xf32, #tpu.memory_space<hbm>>
        %dma_start3A_1086 = arith.constant 0 : i32
        %dma_start3A_1087 = arith.constant 0 : i32
        %dma_start3A_1088 = tpu.memref_slice %arg7[%dma_start3A_1078, %dma_start3A_1079, %dma_start3A_1086, %dma_start3A_1087] : memref<2x16x8x256xf32, #tpu.memory_space<vmem>> -> memref<1x1x8x256xf32, #tpu.memory_space<vmem>>
        %dma_start3A_1089 = tpu.memref_squeeze %dma_start3A_1088 : memref<1x1x8x256xf32, #tpu.memory_space<vmem>> -> memref<8x256xf32, #tpu.memory_space<vmem>>
        %dma_start3A_1090 = tpu.memref_slice %arg2[%dma_start3A_1077, %mul3A_982, %mul3A_986] : memref<16x1024x1024xf32, #tpu.memory_space<hbm>> -> memref<1x8x256xf32, #tpu.memory_space<hbm>>
        %dma_start3A_1091 = tpu.memref_squeeze %dma_start3A_1090 : memref<1x8x256xf32, #tpu.memory_space<hbm>> -> memref<8x256xf32, #tpu.memory_space<hbm>>
        tpu.enqueue_dma source(%dma_start3A_1091 : memref<8x256xf32, #tpu.memory_space<hbm>>) target(%dma_start3A_1089 : memref<8x256xf32, #tpu.memory_space<vmem>>) target_semaphore(%arg11 : memref<!tpu.dma_semaphore, #tpu.memory_space<semaphore_mem>>)
        %dma_start3A_1092 = arith.constant 7 : i32
        %dma_start3A_1093 = arith.constant 1 : i32
        %dma_start3A_1094 = arith.constant 7 : i32
        %dma_start3A_1095 = arith.constant 0 : i32
        %dma_start3A_1096 = arith.constant 0 : i32
        %dma_start3A_1097 = tpu.memref_slice %arg7[%dma_start3A_1093, %dma_start3A_1094, %dma_start3A_1095, %dma_start3A_1096] : memref<2x16x8x256xf32, #tpu.memory_space<vmem>> -> memref<1x1x8x256xf32, #tpu.memory_space<vmem>>
        %dma_start3A_1098 = tpu.memref_squeeze %dma_start3A_1097 : memref<1x1x8x256xf32, #tpu.memory_space<vmem>> -> memref<8x256xf32, #tpu.memory_space<vmem>>
        %dma_start3A_1099 = tpu.memref_slice %arg2[%dma_start3A_1092, %mul3A_982, %mul3A_986] : memref<16x1024x1024xf32, #tpu.memory_space<hbm>> -> memref<1x8x256xf32, #tpu.memory_space<hbm>>
        %dma_start3A_1100 = tpu.memref_squeeze %dma_start3A_1099 : memref<1x8x256xf32, #tpu.memory_space<hbm>> -> memref<8x256xf32, #tpu.memory_space<hbm>>
        %dma_start3A_1101 = arith.constant 0 : i32
        %dma_start3A_1102 = arith.constant 0 : i32
        %dma_start3A_1103 = tpu.memref_slice %arg7[%dma_start3A_1093, %dma_start3A_1094, %dma_start3A_1101, %dma_start3A_1102] : memref<2x16x8x256xf32, #tpu.memory_space<vmem>> -> memref<1x1x8x256xf32, #tpu.memory_space<vmem>>
        %dma_start3A_1104 = tpu.memref_squeeze %dma_start3A_1103 : memref<1x1x8x256xf32, #tpu.memory_space<vmem>> -> memref<8x256xf32, #tpu.memory_space<vmem>>
        %dma_start3A_1105 = tpu.memref_slice %arg2[%dma_start3A_1092, %mul3A_982, %mul3A_986] : memref<16x1024x1024xf32, #tpu.memory_space<hbm>> -> memref<1x8x256xf32, #tpu.memory_space<hbm>>
        %dma_start3A_1106 = tpu.memref_squeeze %dma_start3A_1105 : memref<1x8x256xf32, #tpu.memory_space<hbm>> -> memref<8x256xf32, #tpu.memory_space<hbm>>
        tpu.enqueue_dma source(%dma_start3A_1106 : memref<8x256xf32, #tpu.memory_space<hbm>>) target(%dma_start3A_1104 : memref<8x256xf32, #tpu.memory_space<vmem>>) target_semaphore(%arg11 : memref<!tpu.dma_semaphore, #tpu.memory_space<semaphore_mem>>)
        %dma_start3A_1107 = arith.constant 8 : i32
        %dma_start3A_1108 = arith.constant 1 : i32
        %dma_start3A_1109 = arith.constant 8 : i32
        %dma_start3A_1110 = arith.constant 0 : i32
        %dma_start3A_1111 = arith.constant 0 : i32
        %dma_start3A_1112 = tpu.memref_slice %arg7[%dma_start3A_1108, %dma_start3A_1109, %dma_start3A_1110, %dma_start3A_1111] : memref<2x16x8x256xf32, #tpu.memory_space<vmem>> -> memref<1x1x8x256xf32, #tpu.memory_space<vmem>>
        %dma_start3A_1113 = tpu.memref_squeeze %dma_start3A_1112 : memref<1x1x8x256xf32, #tpu.memory_space<vmem>> -> memref<8x256xf32, #tpu.memory_space<vmem>>
        %dma_start3A_1114 = tpu.memref_slice %arg2[%dma_start3A_1107, %mul3A_982, %mul3A_986] : memref<16x1024x1024xf32, #tpu.memory_space<hbm>> -> memref<1x8x256xf32, #tpu.memory_space<hbm>>
        %dma_start3A_1115 = tpu.memref_squeeze %dma_start3A_1114 : memref<1x8x256xf32, #tpu.memory_space<hbm>> -> memref<8x256xf32, #tpu.memory_space<hbm>>
        %dma_start3A_1116 = arith.constant 0 : i32
        %dma_start3A_1117 = arith.constant 0 : i32
        %dma_start3A_1118 = tpu.memref_slice %arg7[%dma_start3A_1108, %dma_start3A_1109, %dma_start3A_1116, %dma_start3A_1117] : memref<2x16x8x256xf32, #tpu.memory_space<vmem>> -> memref<1x1x8x256xf32, #tpu.memory_space<vmem>>
        %dma_start3A_1119 = tpu.memref_squeeze %dma_start3A_1118 : memref<1x1x8x256xf32, #tpu.memory_space<vmem>> -> memref<8x256xf32, #tpu.memory_space<vmem>>
        %dma_start3A_1120 = tpu.memref_slice %arg2[%dma_start3A_1107, %mul3A_982, %mul3A_986] : memref<16x1024x1024xf32, #tpu.memory_space<hbm>> -> memref<1x8x256xf32, #tpu.memory_space<hbm>>
        %dma_start3A_1121 = tpu.memref_squeeze %dma_start3A_1120 : memref<1x8x256xf32, #tpu.memory_space<hbm>> -> memref<8x256xf32, #tpu.memory_space<hbm>>
        tpu.enqueue_dma source(%dma_start3A_1121 : memref<8x256xf32, #tpu.memory_space<hbm>>) target(%dma_start3A_1119 : memref<8x256xf32, #tpu.memory_space<vmem>>) target_semaphore(%arg11 : memref<!tpu.dma_semaphore, #tpu.memory_space<semaphore_mem>>)
        %dma_start3A_1122 = arith.constant 9 : i32
        %dma_start3A_1123 = arith.constant 1 : i32
        %dma_start3A_1124 = arith.constant 9 : i32
        %dma_start3A_1125 = arith.constant 0 : i32
        %dma_start3A_1126 = arith.constant 0 : i32
        %dma_start3A_1127 = tpu.memref_slice %arg7[%dma_start3A_1123, %dma_start3A_1124, %dma_start3A_1125, %dma_start3A_1126] : memref<2x16x8x256xf32, #tpu.memory_space<vmem>> -> memref<1x1x8x256xf32, #tpu.memory_space<vmem>>
        %dma_start3A_1128 = tpu.memref_squeeze %dma_start3A_1127 : memref<1x1x8x256xf32, #tpu.memory_space<vmem>> -> memref<8x256xf32, #tpu.memory_space<vmem>>
        %dma_start3A_1129 = tpu.memref_slice %arg2[%dma_start3A_1122, %mul3A_982, %mul3A_986] : memref<16x1024x1024xf32, #tpu.memory_space<hbm>> -> memref<1x8x256xf32, #tpu.memory_space<hbm>>
        %dma_start3A_1130 = tpu.memref_squeeze %dma_start3A_1129 : memref<1x8x256xf32, #tpu.memory_space<hbm>> -> memref<8x256xf32, #tpu.memory_space<hbm>>
        %dma_start3A_1131 = arith.constant 0 : i32
        %dma_start3A_1132 = arith.constant 0 : i32
        %dma_start3A_1133 = tpu.memref_slice %arg7[%dma_start3A_1123, %dma_start3A_1124, %dma_start3A_1131, %dma_start3A_1132] : memref<2x16x8x256xf32, #tpu.memory_space<vmem>> -> memref<1x1x8x256xf32, #tpu.memory_space<vmem>>
        %dma_start3A_1134 = tpu.memref_squeeze %dma_start3A_1133 : memref<1x1x8x256xf32, #tpu.memory_space<vmem>> -> memref<8x256xf32, #tpu.memory_space<vmem>>
        %dma_start3A_1135 = tpu.memref_slice %arg2[%dma_start3A_1122, %mul3A_982, %mul3A_986] : memref<16x1024x1024xf32, #tpu.memory_space<hbm>> -> memref<1x8x256xf32, #tpu.memory_space<hbm>>
        %dma_start3A_1136 = tpu.memref_squeeze %dma_start3A_1135 : memref<1x8x256xf32, #tpu.memory_space<hbm>> -> memref<8x256xf32, #tpu.memory_space<hbm>>
        tpu.enqueue_dma source(%dma_start3A_1136 : memref<8x256xf32, #tpu.memory_space<hbm>>) target(%dma_start3A_1134 : memref<8x256xf32, #tpu.memory_space<vmem>>) target_semaphore(%arg11 : memref<!tpu.dma_semaphore, #tpu.memory_space<semaphore_mem>>)
        %dma_start3A_1137 = arith.constant 10 : i32
        %dma_start3A_1138 = arith.constant 1 : i32
        %dma_start3A_1139 = arith.constant 10 : i32
        %dma_start3A_1140 = arith.constant 0 : i32
        %dma_start3A_1141 = arith.constant 0 : i32
        %dma_start3A_1142 = tpu.memref_slice %arg7[%dma_start3A_1138, %dma_start3A_1139, %dma_start3A_1140, %dma_start3A_1141] : memref<2x16x8x256xf32, #tpu.memory_space<vmem>> -> memref<1x1x8x256xf32, #tpu.memory_space<vmem>>
        %dma_start3A_1143 = tpu.memref_squeeze %dma_start3A_1142 : memref<1x1x8x256xf32, #tpu.memory_space<vmem>> -> memref<8x256xf32, #tpu.memory_space<vmem>>
        %dma_start3A_1144 = tpu.memref_slice %arg2[%dma_start3A_1137, %mul3A_982, %mul3A_986] : memref<16x1024x1024xf32, #tpu.memory_space<hbm>> -> memref<1x8x256xf32, #tpu.memory_space<hbm>>
        %dma_start3A_1145 = tpu.memref_squeeze %dma_start3A_1144 : memref<1x8x256xf32, #tpu.memory_space<hbm>> -> memref<8x256xf32, #tpu.memory_space<hbm>>
        %dma_start3A_1146 = arith.constant 0 : i32
        %dma_start3A_1147 = arith.constant 0 : i32
        %dma_start3A_1148 = tpu.memref_slice %arg7[%dma_start3A_1138, %dma_start3A_1139, %dma_start3A_1146, %dma_start3A_1147] : memref<2x16x8x256xf32, #tpu.memory_space<vmem>> -> memref<1x1x8x256xf32, #tpu.memory_space<vmem>>
        %dma_start3A_1149 = tpu.memref_squeeze %dma_start3A_1148 : memref<1x1x8x256xf32, #tpu.memory_space<vmem>> -> memref<8x256xf32, #tpu.memory_space<vmem>>
        %dma_start3A_1150 = tpu.memref_slice %arg2[%dma_start3A_1137, %mul3A_982, %mul3A_986] : memref<16x1024x1024xf32, #tpu.memory_space<hbm>> -> memref<1x8x256xf32, #tpu.memory_space<hbm>>
        %dma_start3A_1151 = tpu.memref_squeeze %dma_start3A_1150 : memref<1x8x256xf32, #tpu.memory_space<hbm>> -> memref<8x256xf32, #tpu.memory_space<hbm>>
        tpu.enqueue_dma source(%dma_start3A_1151 : memref<8x256xf32, #tpu.memory_space<hbm>>) target(%dma_start3A_1149 : memref<8x256xf32, #tpu.memory_space<vmem>>) target_semaphore(%arg11 : memref<!tpu.dma_semaphore, #tpu.memory_space<semaphore_mem>>)
        %dma_start3A_1152 = arith.constant 11 : i32
        %dma_start3A_1153 = arith.constant 1 : i32
        %dma_start3A_1154 = arith.constant 11 : i32
        %dma_start3A_1155 = arith.constant 0 : i32
        %dma_start3A_1156 = arith.constant 0 : i32
        %dma_start3A_1157 = tpu.memref_slice %arg7[%dma_start3A_1153, %dma_start3A_1154, %dma_start3A_1155, %dma_start3A_1156] : memref<2x16x8x256xf32, #tpu.memory_space<vmem>> -> memref<1x1x8x256xf32, #tpu.memory_space<vmem>>
        %dma_start3A_1158 = tpu.memref_squeeze %dma_start3A_1157 : memref<1x1x8x256xf32, #tpu.memory_space<vmem>> -> memref<8x256xf32, #tpu.memory_space<vmem>>
        %dma_start3A_1159 = tpu.memref_slice %arg2[%dma_start3A_1152, %mul3A_982, %mul3A_986] : memref<16x1024x1024xf32, #tpu.memory_space<hbm>> -> memref<1x8x256xf32, #tpu.memory_space<hbm>>
        %dma_start3A_1160 = tpu.memref_squeeze %dma_start3A_1159 : memref<1x8x256xf32, #tpu.memory_space<hbm>> -> memref<8x256xf32, #tpu.memory_space<hbm>>
        %dma_start3A_1161 = arith.constant 0 : i32
        %dma_start3A_1162 = arith.constant 0 : i32
        %dma_start3A_1163 = tpu.memref_slice %arg7[%dma_start3A_1153, %dma_start3A_1154, %dma_start3A_1161, %dma_start3A_1162] : memref<2x16x8x256xf32, #tpu.memory_space<vmem>> -> memref<1x1x8x256xf32, #tpu.memory_space<vmem>>
        %dma_start3A_1164 = tpu.memref_squeeze %dma_start3A_1163 : memref<1x1x8x256xf32, #tpu.memory_space<vmem>> -> memref<8x256xf32, #tpu.memory_space<vmem>>
        %dma_start3A_1165 = tpu.memref_slice %arg2[%dma_start3A_1152, %mul3A_982, %mul3A_986] : memref<16x1024x1024xf32, #tpu.memory_space<hbm>> -> memref<1x8x256xf32, #tpu.memory_space<hbm>>
        %dma_start3A_1166 = tpu.memref_squeeze %dma_start3A_1165 : memref<1x8x256xf32, #tpu.memory_space<hbm>> -> memref<8x256xf32, #tpu.memory_space<hbm>>
        tpu.enqueue_dma source(%dma_start3A_1166 : memref<8x256xf32, #tpu.memory_space<hbm>>) target(%dma_start3A_1164 : memref<8x256xf32, #tpu.memory_space<vmem>>) target_semaphore(%arg11 : memref<!tpu.dma_semaphore, #tpu.memory_space<semaphore_mem>>)
        %dma_start3A_1167 = arith.constant 12 : i32
        %dma_start3A_1168 = arith.constant 1 : i32
        %dma_start3A_1169 = arith.constant 12 : i32
        %dma_start3A_1170 = arith.constant 0 : i32
        %dma_start3A_1171 = arith.constant 0 : i32
        %dma_start3A_1172 = tpu.memref_slice %arg7[%dma_start3A_1168, %dma_start3A_1169, %dma_start3A_1170, %dma_start3A_1171] : memref<2x16x8x256xf32, #tpu.memory_space<vmem>> -> memref<1x1x8x256xf32, #tpu.memory_space<vmem>>
        %dma_start3A_1173 = tpu.memref_squeeze %dma_start3A_1172 : memref<1x1x8x256xf32, #tpu.memory_space<vmem>> -> memref<8x256xf32, #tpu.memory_space<vmem>>
        %dma_start3A_1174 = tpu.memref_slice %arg2[%dma_start3A_1167, %mul3A_982, %mul3A_986] : memref<16x1024x1024xf32, #tpu.memory_space<hbm>> -> memref<1x8x256xf32, #tpu.memory_space<hbm>>
        %dma_start3A_1175 = tpu.memref_squeeze %dma_start3A_1174 : memref<1x8x256xf32, #tpu.memory_space<hbm>> -> memref<8x256xf32, #tpu.memory_space<hbm>>
        %dma_start3A_1176 = arith.constant 0 : i32
        %dma_start3A_1177 = arith.constant 0 : i32
        %dma_start3A_1178 = tpu.memref_slice %arg7[%dma_start3A_1168, %dma_start3A_1169, %dma_start3A_1176, %dma_start3A_1177] : memref<2x16x8x256xf32, #tpu.memory_space<vmem>> -> memref<1x1x8x256xf32, #tpu.memory_space<vmem>>
        %dma_start3A_1179 = tpu.memref_squeeze %dma_start3A_1178 : memref<1x1x8x256xf32, #tpu.memory_space<vmem>> -> memref<8x256xf32, #tpu.memory_space<vmem>>
        %dma_start3A_1180 = tpu.memref_slice %arg2[%dma_start3A_1167, %mul3A_982, %mul3A_986] : memref<16x1024x1024xf32, #tpu.memory_space<hbm>> -> memref<1x8x256xf32, #tpu.memory_space<hbm>>
        %dma_start3A_1181 = tpu.memref_squeeze %dma_start3A_1180 : memref<1x8x256xf32, #tpu.memory_space<hbm>> -> memref<8x256xf32, #tpu.memory_space<hbm>>
        tpu.enqueue_dma source(%dma_start3A_1181 : memref<8x256xf32, #tpu.memory_space<hbm>>) target(%dma_start3A_1179 : memref<8x256xf32, #tpu.memory_space<vmem>>) target_semaphore(%arg11 : memref<!tpu.dma_semaphore, #tpu.memory_space<semaphore_mem>>)
        %dma_start3A_1182 = arith.constant 13 : i32
        %dma_start3A_1183 = arith.constant 1 : i32
        %dma_start3A_1184 = arith.constant 13 : i32
        %dma_start3A_1185 = arith.constant 0 : i32
        %dma_start3A_1186 = arith.constant 0 : i32
        %dma_start3A_1187 = tpu.memref_slice %arg7[%dma_start3A_1183, %dma_start3A_1184, %dma_start3A_1185, %dma_start3A_1186] : memref<2x16x8x256xf32, #tpu.memory_space<vmem>> -> memref<1x1x8x256xf32, #tpu.memory_space<vmem>>
        %dma_start3A_1188 = tpu.memref_squeeze %dma_start3A_1187 : memref<1x1x8x256xf32, #tpu.memory_space<vmem>> -> memref<8x256xf32, #tpu.memory_space<vmem>>
        %dma_start3A_1189 = tpu.memref_slice %arg2[%dma_start3A_1182, %mul3A_982, %mul3A_986] : memref<16x1024x1024xf32, #tpu.memory_space<hbm>> -> memref<1x8x256xf32, #tpu.memory_space<hbm>>
        %dma_start3A_1190 = tpu.memref_squeeze %dma_start3A_1189 : memref<1x8x256xf32, #tpu.memory_space<hbm>> -> memref<8x256xf32, #tpu.memory_space<hbm>>
        %dma_start3A_1191 = arith.constant 0 : i32
        %dma_start3A_1192 = arith.constant 0 : i32
        %dma_start3A_1193 = tpu.memref_slice %arg7[%dma_start3A_1183, %dma_start3A_1184, %dma_start3A_1191, %dma_start3A_1192] : memref<2x16x8x256xf32, #tpu.memory_space<vmem>> -> memref<1x1x8x256xf32, #tpu.memory_space<vmem>>
        %dma_start3A_1194 = tpu.memref_squeeze %dma_start3A_1193 : memref<1x1x8x256xf32, #tpu.memory_space<vmem>> -> memref<8x256xf32, #tpu.memory_space<vmem>>
        %dma_start3A_1195 = tpu.memref_slice %arg2[%dma_start3A_1182, %mul3A_982, %mul3A_986] : memref<16x1024x1024xf32, #tpu.memory_space<hbm>> -> memref<1x8x256xf32, #tpu.memory_space<hbm>>
        %dma_start3A_1196 = tpu.memref_squeeze %dma_start3A_1195 : memref<1x8x256xf32, #tpu.memory_space<hbm>> -> memref<8x256xf32, #tpu.memory_space<hbm>>
        tpu.enqueue_dma source(%dma_start3A_1196 : memref<8x256xf32, #tpu.memory_space<hbm>>) target(%dma_start3A_1194 : memref<8x256xf32, #tpu.memory_space<vmem>>) target_semaphore(%arg11 : memref<!tpu.dma_semaphore, #tpu.memory_space<semaphore_mem>>)
        %dma_start3A_1197 = arith.constant 14 : i32
        %dma_start3A_1198 = arith.constant 1 : i32
        %dma_start3A_1199 = arith.constant 14 : i32
        %dma_start3A_1200 = arith.constant 0 : i32
        %dma_start3A_1201 = arith.constant 0 : i32
        %dma_start3A_1202 = tpu.memref_slice %arg7[%dma_start3A_1198, %dma_start3A_1199, %dma_start3A_1200, %dma_start3A_1201] : memref<2x16x8x256xf32, #tpu.memory_space<vmem>> -> memref<1x1x8x256xf32, #tpu.memory_space<vmem>>
        %dma_start3A_1203 = tpu.memref_squeeze %dma_start3A_1202 : memref<1x1x8x256xf32, #tpu.memory_space<vmem>> -> memref<8x256xf32, #tpu.memory_space<vmem>>
        %dma_start3A_1204 = tpu.memref_slice %arg2[%dma_start3A_1197, %mul3A_982, %mul3A_986] : memref<16x1024x1024xf32, #tpu.memory_space<hbm>> -> memref<1x8x256xf32, #tpu.memory_space<hbm>>
        %dma_start3A_1205 = tpu.memref_squeeze %dma_start3A_1204 : memref<1x8x256xf32, #tpu.memory_space<hbm>> -> memref<8x256xf32, #tpu.memory_space<hbm>>
        %dma_start3A_1206 = arith.constant 0 : i32
        %dma_start3A_1207 = arith.constant 0 : i32
        %dma_start3A_1208 = tpu.memref_slice %arg7[%dma_start3A_1198, %dma_start3A_1199, %dma_start3A_1206, %dma_start3A_1207] : memref<2x16x8x256xf32, #tpu.memory_space<vmem>> -> memref<1x1x8x256xf32, #tpu.memory_space<vmem>>
        %dma_start3A_1209 = tpu.memref_squeeze %dma_start3A_1208 : memref<1x1x8x256xf32, #tpu.memory_space<vmem>> -> memref<8x256xf32, #tpu.memory_space<vmem>>
        %dma_start3A_1210 = tpu.memref_slice %arg2[%dma_start3A_1197, %mul3A_982, %mul3A_986] : memref<16x1024x1024xf32, #tpu.memory_space<hbm>> -> memref<1x8x256xf32, #tpu.memory_space<hbm>>
        %dma_start3A_1211 = tpu.memref_squeeze %dma_start3A_1210 : memref<1x8x256xf32, #tpu.memory_space<hbm>> -> memref<8x256xf32, #tpu.memory_space<hbm>>
        tpu.enqueue_dma source(%dma_start3A_1211 : memref<8x256xf32, #tpu.memory_space<hbm>>) target(%dma_start3A_1209 : memref<8x256xf32, #tpu.memory_space<vmem>>) target_semaphore(%arg11 : memref<!tpu.dma_semaphore, #tpu.memory_space<semaphore_mem>>)
        %dma_start3A_1212 = arith.constant 15 : i32
        %dma_start3A_1213 = arith.constant 1 : i32
        %dma_start3A_1214 = arith.constant 15 : i32
        %dma_start3A_1215 = arith.constant 0 : i32
        %dma_start3A_1216 = arith.constant 0 : i32
        %dma_start3A_1217 = tpu.memref_slice %arg7[%dma_start3A_1213, %dma_start3A_1214, %dma_start3A_1215, %dma_start3A_1216] : memref<2x16x8x256xf32, #tpu.memory_space<vmem>> -> memref<1x1x8x256xf32, #tpu.memory_space<vmem>>
        %dma_start3A_1218 = tpu.memref_squeeze %dma_start3A_1217 : memref<1x1x8x256xf32, #tpu.memory_space<vmem>> -> memref<8x256xf32, #tpu.memory_space<vmem>>
        %dma_start3A_1219 = tpu.memref_slice %arg2[%dma_start3A_1212, %mul3A_982, %mul3A_986] : memref<16x1024x1024xf32, #tpu.memory_space<hbm>> -> memref<1x8x256xf32, #tpu.memory_space<hbm>>
        %dma_start3A_1220 = tpu.memref_squeeze %dma_start3A_1219 : memref<1x8x256xf32, #tpu.memory_space<hbm>> -> memref<8x256xf32, #tpu.memory_space<hbm>>
        %dma_start3A_1221 = arith.constant 0 : i32
        %dma_start3A_1222 = arith.constant 0 : i32
        %dma_start3A_1223 = tpu.memref_slice %arg7[%dma_start3A_1213, %dma_start3A_1214, %dma_start3A_1221, %dma_start3A_1222] : memref<2x16x8x256xf32, #tpu.memory_space<vmem>> -> memref<1x1x8x256xf32, #tpu.memory_space<vmem>>
        %dma_start3A_1224 = tpu.memref_squeeze %dma_start3A_1223 : memref<1x1x8x256xf32, #tpu.memory_space<vmem>> -> memref<8x256xf32, #tpu.memory_space<vmem>>
        %dma_start3A_1225 = tpu.memref_slice %arg2[%dma_start3A_1212, %mul3A_982, %mul3A_986] : memref<16x1024x1024xf32, #tpu.memory_space<hbm>> -> memref<1x8x256xf32, #tpu.memory_space<hbm>>
        %dma_start3A_1226 = tpu.memref_squeeze %dma_start3A_1225 : memref<1x8x256xf32, #tpu.memory_space<hbm>> -> memref<8x256xf32, #tpu.memory_space<hbm>>
        tpu.enqueue_dma source(%dma_start3A_1226 : memref<8x256xf32, #tpu.memory_space<hbm>>) target(%dma_start3A_1224 : memref<8x256xf32, #tpu.memory_space<vmem>>) target_semaphore(%arg11 : memref<!tpu.dma_semaphore, #tpu.memory_space<semaphore_mem>>)
        %dma_start3A_1227 = arith.constant 1 : i32
        %dma_start3A_1228 = arith.constant 0 : i32
        %dma_start3A_1229 = arith.constant 0 : i32
        %dma_start3A_1230 = tpu.memref_slice %arg8[%dma_start3A_1227, %dma_start3A_1228, %dma_start3A_1229] : memref<2x8x256xf32, #tpu.memory_space<vmem>> -> memref<1x8x256xf32, #tpu.memory_space<vmem>>
        %dma_start3A_1231 = tpu.memref_squeeze %dma_start3A_1230 : memref<1x8x256xf32, #tpu.memory_space<vmem>> -> memref<8x256xf32, #tpu.memory_space<vmem>>
        %dma_start3A_1232 = tpu.memref_slice %arg3[%mul3A_982, %mul3A_986] : memref<1024x1024xf32, #tpu.memory_space<hbm>> -> memref<8x256xf32, #tpu.memory_space<hbm>>
        %dma_start3A_1233 = arith.constant 0 : i32
        %dma_start3A_1234 = arith.constant 0 : i32
        %dma_start3A_1235 = tpu.memref_slice %arg8[%dma_start3A_1227, %dma_start3A_1233, %dma_start3A_1234] : memref<2x8x256xf32, #tpu.memory_space<vmem>> -> memref<1x8x256xf32, #tpu.memory_space<vmem>>
        %dma_start3A_1236 = tpu.memref_squeeze %dma_start3A_1235 : memref<1x8x256xf32, #tpu.memory_space<vmem>> -> memref<8x256xf32, #tpu.memory_space<vmem>>
        %dma_start3A_1237 = tpu.memref_slice %arg3[%mul3A_982, %mul3A_986] : memref<1024x1024xf32, #tpu.memory_space<hbm>> -> memref<8x256xf32, #tpu.memory_space<hbm>>
        tpu.enqueue_dma source(%dma_start3A_1237 : memref<8x256xf32, #tpu.memory_space<hbm>>) target(%dma_start3A_1236 : memref<8x256xf32, #tpu.memory_space<vmem>>) target_semaphore(%arg11 : memref<!tpu.dma_semaphore, #tpu.memory_space<semaphore_mem>>)
      } else {
      }
      %mul3A_424 = arith.constant 6 : i32
      %mul3A_425 = arith.muli %add3A, %mul3A_424 : i32
      %add3A_426 = arith.addi %mul3A_425, %add3A_419 : i32
      %shift_right_arithmetic3A_427 = arith.constant 2 : i32
      %shift_right_arithmetic3A_428 = arith.shrsi %add3A_426, %shift_right_arithmetic3A_427 : i32
      %add3A_429 = arith.constant 80 : i32
      %add3A_430 = arith.addi %add3A_429, %shift_right_arithmetic3A_428 : i32
      %mul3A_431 = arith.constant 8 : i32
      %mul3A_432 = arith.muli %add3A_430, %mul3A_431 : i32
      %and3A_433 = arith.constant 3 : i32
      %and3A_434 = arith.andi %add3A_426, %and3A_433 : i32
      %mul3A_435 = arith.constant 256 : i32
      %mul3A_436 = arith.muli %and3A_434, %mul3A_435 : i32
      %dma_wait3A = arith.constant 0 : i32
      %dma_wait3A_437 = arith.constant 0 : i32
      %dma_wait3A_438 = arith.constant 0 : i32
      %dma_wait3A_439 = arith.constant 0 : i32
      %dma_wait3A_440 = arith.constant 0 : i32
      %dma_wait3A_441 = tpu.memref_slice %arg7[%dma_wait3A_437, %dma_wait3A_438, %dma_wait3A_439, %dma_wait3A_440] : memref<2x16x8x256xf32, #tpu.memory_space<vmem>> -> memref<1x1x8x256xf32, #tpu.memory_space<vmem>>
      %dma_wait3A_442 = tpu.memref_squeeze %dma_wait3A_441 : memref<1x1x8x256xf32, #tpu.memory_space<vmem>> -> memref<8x256xf32, #tpu.memory_space<vmem>>
      %dma_wait3A_443 = tpu.memref_slice %arg2[%dma_wait3A, %mul3A_432, %mul3A_436] : memref<16x1024x1024xf32, #tpu.memory_space<hbm>> -> memref<1x8x256xf32, #tpu.memory_space<hbm>>
      %dma_wait3A_444 = tpu.memref_squeeze %dma_wait3A_443 : memref<1x8x256xf32, #tpu.memory_space<hbm>> -> memref<8x256xf32, #tpu.memory_space<hbm>>
      %dma_wait3A_445 = arith.constant 0 : i32
      %dma_wait3A_446 = arith.constant 0 : i32
      %dma_wait3A_447 = tpu.memref_slice %arg7[%dma_wait3A_437, %dma_wait3A_438, %dma_wait3A_445, %dma_wait3A_446] : memref<2x16x8x256xf32, #tpu.memory_space<vmem>> -> memref<1x1x8x256xf32, #tpu.memory_space<vmem>>
      %dma_wait3A_448 = tpu.memref_squeeze %dma_wait3A_447 : memref<1x1x8x256xf32, #tpu.memory_space<vmem>> -> memref<8x256xf32, #tpu.memory_space<vmem>>
      %dma_wait3A_449 = tpu.memref_slice %arg2[%dma_wait3A, %mul3A_432, %mul3A_436] : memref<16x1024x1024xf32, #tpu.memory_space<hbm>> -> memref<1x8x256xf32, #tpu.memory_space<hbm>>
      %dma_wait3A_450 = tpu.memref_squeeze %dma_wait3A_449 : memref<1x8x256xf32, #tpu.memory_space<hbm>> -> memref<8x256xf32, #tpu.memory_space<hbm>>
      tpu.wait_dma2 semaphore(%arg10 : memref<!tpu.dma_semaphore, #tpu.memory_space<semaphore_mem>>) src(%dma_wait3A_450 : memref<8x256xf32, #tpu.memory_space<hbm>>) dst(%dma_wait3A_448 : memref<8x256xf32, #tpu.memory_space<vmem>>)
      %dma_wait3A_451 = arith.constant 1 : i32
      %dma_wait3A_452 = arith.constant 0 : i32
      %dma_wait3A_453 = arith.constant 1 : i32
      %dma_wait3A_454 = arith.constant 0 : i32
      %dma_wait3A_455 = arith.constant 0 : i32
      %dma_wait3A_456 = tpu.memref_slice %arg7[%dma_wait3A_452, %dma_wait3A_453, %dma_wait3A_454, %dma_wait3A_455] : memref<2x16x8x256xf32, #tpu.memory_space<vmem>> -> memref<1x1x8x256xf32, #tpu.memory_space<vmem>>
      %dma_wait3A_457 = tpu.memref_squeeze %dma_wait3A_456 : memref<1x1x8x256xf32, #tpu.memory_space<vmem>> -> memref<8x256xf32, #tpu.memory_space<vmem>>
      %dma_wait3A_458 = tpu.memref_slice %arg2[%dma_wait3A_451, %mul3A_432, %mul3A_436] : memref<16x1024x1024xf32, #tpu.memory_space<hbm>> -> memref<1x8x256xf32, #tpu.memory_space<hbm>>
      %dma_wait3A_459 = tpu.memref_squeeze %dma_wait3A_458 : memref<1x8x256xf32, #tpu.memory_space<hbm>> -> memref<8x256xf32, #tpu.memory_space<hbm>>
      %dma_wait3A_460 = arith.constant 0 : i32
      %dma_wait3A_461 = arith.constant 0 : i32
      %dma_wait3A_462 = tpu.memref_slice %arg7[%dma_wait3A_452, %dma_wait3A_453, %dma_wait3A_460, %dma_wait3A_461] : memref<2x16x8x256xf32, #tpu.memory_space<vmem>> -> memref<1x1x8x256xf32, #tpu.memory_space<vmem>>
      %dma_wait3A_463 = tpu.memref_squeeze %dma_wait3A_462 : memref<1x1x8x256xf32, #tpu.memory_space<vmem>> -> memref<8x256xf32, #tpu.memory_space<vmem>>
      %dma_wait3A_464 = tpu.memref_slice %arg2[%dma_wait3A_451, %mul3A_432, %mul3A_436] : memref<16x1024x1024xf32, #tpu.memory_space<hbm>> -> memref<1x8x256xf32, #tpu.memory_space<hbm>>
      %dma_wait3A_465 = tpu.memref_squeeze %dma_wait3A_464 : memref<1x8x256xf32, #tpu.memory_space<hbm>> -> memref<8x256xf32, #tpu.memory_space<hbm>>
      tpu.wait_dma2 semaphore(%arg10 : memref<!tpu.dma_semaphore, #tpu.memory_space<semaphore_mem>>) src(%dma_wait3A_465 : memref<8x256xf32, #tpu.memory_space<hbm>>) dst(%dma_wait3A_463 : memref<8x256xf32, #tpu.memory_space<vmem>>)
      %dma_wait3A_466 = arith.constant 2 : i32
      %dma_wait3A_467 = arith.constant 0 : i32
      %dma_wait3A_468 = arith.constant 2 : i32
      %dma_wait3A_469 = arith.constant 0 : i32
      %dma_wait3A_470 = arith.constant 0 : i32
      %dma_wait3A_471 = tpu.memref_slice %arg7[%dma_wait3A_467, %dma_wait3A_468, %dma_wait3A_469, %dma_wait3A_470] : memref<2x16x8x256xf32, #tpu.memory_space<vmem>> -> memref<1x1x8x256xf32, #tpu.memory_space<vmem>>
      %dma_wait3A_472 = tpu.memref_squeeze %dma_wait3A_471 : memref<1x1x8x256xf32, #tpu.memory_space<vmem>> -> memref<8x256xf32, #tpu.memory_space<vmem>>
      %dma_wait3A_473 = tpu.memref_slice %arg2[%dma_wait3A_466, %mul3A_432, %mul3A_436] : memref<16x1024x1024xf32, #tpu.memory_space<hbm>> -> memref<1x8x256xf32, #tpu.memory_space<hbm>>
      %dma_wait3A_474 = tpu.memref_squeeze %dma_wait3A_473 : memref<1x8x256xf32, #tpu.memory_space<hbm>> -> memref<8x256xf32, #tpu.memory_space<hbm>>
      %dma_wait3A_475 = arith.constant 0 : i32
      %dma_wait3A_476 = arith.constant 0 : i32
      %dma_wait3A_477 = tpu.memref_slice %arg7[%dma_wait3A_467, %dma_wait3A_468, %dma_wait3A_475, %dma_wait3A_476] : memref<2x16x8x256xf32, #tpu.memory_space<vmem>> -> memref<1x1x8x256xf32, #tpu.memory_space<vmem>>
      %dma_wait3A_478 = tpu.memref_squeeze %dma_wait3A_477 : memref<1x1x8x256xf32, #tpu.memory_space<vmem>> -> memref<8x256xf32, #tpu.memory_space<vmem>>
      %dma_wait3A_479 = tpu.memref_slice %arg2[%dma_wait3A_466, %mul3A_432, %mul3A_436] : memref<16x1024x1024xf32, #tpu.memory_space<hbm>> -> memref<1x8x256xf32, #tpu.memory_space<hbm>>
      %dma_wait3A_480 = tpu.memref_squeeze %dma_wait3A_479 : memref<1x8x256xf32, #tpu.memory_space<hbm>> -> memref<8x256xf32, #tpu.memory_space<hbm>>
      tpu.wait_dma2 semaphore(%arg10 : memref<!tpu.dma_semaphore, #tpu.memory_space<semaphore_mem>>) src(%dma_wait3A_480 : memref<8x256xf32, #tpu.memory_space<hbm>>) dst(%dma_wait3A_478 : memref<8x256xf32, #tpu.memory_space<vmem>>)
      %dma_wait3A_481 = arith.constant 3 : i32
      %dma_wait3A_482 = arith.constant 0 : i32
      %dma_wait3A_483 = arith.constant 3 : i32
      %dma_wait3A_484 = arith.constant 0 : i32
      %dma_wait3A_485 = arith.constant 0 : i32
      %dma_wait3A_486 = tpu.memref_slice %arg7[%dma_wait3A_482, %dma_wait3A_483, %dma_wait3A_484, %dma_wait3A_485] : memref<2x16x8x256xf32, #tpu.memory_space<vmem>> -> memref<1x1x8x256xf32, #tpu.memory_space<vmem>>
      %dma_wait3A_487 = tpu.memref_squeeze %dma_wait3A_486 : memref<1x1x8x256xf32, #tpu.memory_space<vmem>> -> memref<8x256xf32, #tpu.memory_space<vmem>>
      %dma_wait3A_488 = tpu.memref_slice %arg2[%dma_wait3A_481, %mul3A_432, %mul3A_436] : memref<16x1024x1024xf32, #tpu.memory_space<hbm>> -> memref<1x8x256xf32, #tpu.memory_space<hbm>>
      %dma_wait3A_489 = tpu.memref_squeeze %dma_wait3A_488 : memref<1x8x256xf32, #tpu.memory_space<hbm>> -> memref<8x256xf32, #tpu.memory_space<hbm>>
      %dma_wait3A_490 = arith.constant 0 : i32
      %dma_wait3A_491 = arith.constant 0 : i32
      %dma_wait3A_492 = tpu.memref_slice %arg7[%dma_wait3A_482, %dma_wait3A_483, %dma_wait3A_490, %dma_wait3A_491] : memref<2x16x8x256xf32, #tpu.memory_space<vmem>> -> memref<1x1x8x256xf32, #tpu.memory_space<vmem>>
      %dma_wait3A_493 = tpu.memref_squeeze %dma_wait3A_492 : memref<1x1x8x256xf32, #tpu.memory_space<vmem>> -> memref<8x256xf32, #tpu.memory_space<vmem>>
      %dma_wait3A_494 = tpu.memref_slice %arg2[%dma_wait3A_481, %mul3A_432, %mul3A_436] : memref<16x1024x1024xf32, #tpu.memory_space<hbm>> -> memref<1x8x256xf32, #tpu.memory_space<hbm>>
      %dma_wait3A_495 = tpu.memref_squeeze %dma_wait3A_494 : memref<1x8x256xf32, #tpu.memory_space<hbm>> -> memref<8x256xf32, #tpu.memory_space<hbm>>
      tpu.wait_dma2 semaphore(%arg10 : memref<!tpu.dma_semaphore, #tpu.memory_space<semaphore_mem>>) src(%dma_wait3A_495 : memref<8x256xf32, #tpu.memory_space<hbm>>) dst(%dma_wait3A_493 : memref<8x256xf32, #tpu.memory_space<vmem>>)
      %dma_wait3A_496 = arith.constant 4 : i32
      %dma_wait3A_497 = arith.constant 0 : i32
      %dma_wait3A_498 = arith.constant 4 : i32
      %dma_wait3A_499 = arith.constant 0 : i32
      %dma_wait3A_500 = arith.constant 0 : i32
      %dma_wait3A_501 = tpu.memref_slice %arg7[%dma_wait3A_497, %dma_wait3A_498, %dma_wait3A_499, %dma_wait3A_500] : memref<2x16x8x256xf32, #tpu.memory_space<vmem>> -> memref<1x1x8x256xf32, #tpu.memory_space<vmem>>
      %dma_wait3A_502 = tpu.memref_squeeze %dma_wait3A_501 : memref<1x1x8x256xf32, #tpu.memory_space<vmem>> -> memref<8x256xf32, #tpu.memory_space<vmem>>
      %dma_wait3A_503 = tpu.memref_slice %arg2[%dma_wait3A_496, %mul3A_432, %mul3A_436] : memref<16x1024x1024xf32, #tpu.memory_space<hbm>> -> memref<1x8x256xf32, #tpu.memory_space<hbm>>
      %dma_wait3A_504 = tpu.memref_squeeze %dma_wait3A_503 : memref<1x8x256xf32, #tpu.memory_space<hbm>> -> memref<8x256xf32, #tpu.memory_space<hbm>>
      %dma_wait3A_505 = arith.constant 0 : i32
      %dma_wait3A_506 = arith.constant 0 : i32
      %dma_wait3A_507 = tpu.memref_slice %arg7[%dma_wait3A_497, %dma_wait3A_498, %dma_wait3A_505, %dma_wait3A_506] : memref<2x16x8x256xf32, #tpu.memory_space<vmem>> -> memref<1x1x8x256xf32, #tpu.memory_space<vmem>>
      %dma_wait3A_508 = tpu.memref_squeeze %dma_wait3A_507 : memref<1x1x8x256xf32, #tpu.memory_space<vmem>> -> memref<8x256xf32, #tpu.memory_space<vmem>>
      %dma_wait3A_509 = tpu.memref_slice %arg2[%dma_wait3A_496, %mul3A_432, %mul3A_436] : memref<16x1024x1024xf32, #tpu.memory_space<hbm>> -> memref<1x8x256xf32, #tpu.memory_space<hbm>>
      %dma_wait3A_510 = tpu.memref_squeeze %dma_wait3A_509 : memref<1x8x256xf32, #tpu.memory_space<hbm>> -> memref<8x256xf32, #tpu.memory_space<hbm>>
      tpu.wait_dma2 semaphore(%arg10 : memref<!tpu.dma_semaphore, #tpu.memory_space<semaphore_mem>>) src(%dma_wait3A_510 : memref<8x256xf32, #tpu.memory_space<hbm>>) dst(%dma_wait3A_508 : memref<8x256xf32, #tpu.memory_space<vmem>>)
      %dma_wait3A_511 = arith.constant 5 : i32
      %dma_wait3A_512 = arith.constant 0 : i32
      %dma_wait3A_513 = arith.constant 5 : i32
      %dma_wait3A_514 = arith.constant 0 : i32
      %dma_wait3A_515 = arith.constant 0 : i32
      %dma_wait3A_516 = tpu.memref_slice %arg7[%dma_wait3A_512, %dma_wait3A_513, %dma_wait3A_514, %dma_wait3A_515] : memref<2x16x8x256xf32, #tpu.memory_space<vmem>> -> memref<1x1x8x256xf32, #tpu.memory_space<vmem>>
      %dma_wait3A_517 = tpu.memref_squeeze %dma_wait3A_516 : memref<1x1x8x256xf32, #tpu.memory_space<vmem>> -> memref<8x256xf32, #tpu.memory_space<vmem>>
      %dma_wait3A_518 = tpu.memref_slice %arg2[%dma_wait3A_511, %mul3A_432, %mul3A_436] : memref<16x1024x1024xf32, #tpu.memory_space<hbm>> -> memref<1x8x256xf32, #tpu.memory_space<hbm>>
      %dma_wait3A_519 = tpu.memref_squeeze %dma_wait3A_518 : memref<1x8x256xf32, #tpu.memory_space<hbm>> -> memref<8x256xf32, #tpu.memory_space<hbm>>
      %dma_wait3A_520 = arith.constant 0 : i32
      %dma_wait3A_521 = arith.constant 0 : i32
      %dma_wait3A_522 = tpu.memref_slice %arg7[%dma_wait3A_512, %dma_wait3A_513, %dma_wait3A_520, %dma_wait3A_521] : memref<2x16x8x256xf32, #tpu.memory_space<vmem>> -> memref<1x1x8x256xf32, #tpu.memory_space<vmem>>
      %dma_wait3A_523 = tpu.memref_squeeze %dma_wait3A_522 : memref<1x1x8x256xf32, #tpu.memory_space<vmem>> -> memref<8x256xf32, #tpu.memory_space<vmem>>
      %dma_wait3A_524 = tpu.memref_slice %arg2[%dma_wait3A_511, %mul3A_432, %mul3A_436] : memref<16x1024x1024xf32, #tpu.memory_space<hbm>> -> memref<1x8x256xf32, #tpu.memory_space<hbm>>
      %dma_wait3A_525 = tpu.memref_squeeze %dma_wait3A_524 : memref<1x8x256xf32, #tpu.memory_space<hbm>> -> memref<8x256xf32, #tpu.memory_space<hbm>>
      tpu.wait_dma2 semaphore(%arg10 : memref<!tpu.dma_semaphore, #tpu.memory_space<semaphore_mem>>) src(%dma_wait3A_525 : memref<8x256xf32, #tpu.memory_space<hbm>>) dst(%dma_wait3A_523 : memref<8x256xf32, #tpu.memory_space<vmem>>)
      %dma_wait3A_526 = arith.constant 6 : i32
      %dma_wait3A_527 = arith.constant 0 : i32
      %dma_wait3A_528 = arith.constant 6 : i32
      %dma_wait3A_529 = arith.constant 0 : i32
      %dma_wait3A_530 = arith.constant 0 : i32
      %dma_wait3A_531 = tpu.memref_slice %arg7[%dma_wait3A_527, %dma_wait3A_528, %dma_wait3A_529, %dma_wait3A_530] : memref<2x16x8x256xf32, #tpu.memory_space<vmem>> -> memref<1x1x8x256xf32, #tpu.memory_space<vmem>>
      %dma_wait3A_532 = tpu.memref_squeeze %dma_wait3A_531 : memref<1x1x8x256xf32, #tpu.memory_space<vmem>> -> memref<8x256xf32, #tpu.memory_space<vmem>>
      %dma_wait3A_533 = tpu.memref_slice %arg2[%dma_wait3A_526, %mul3A_432, %mul3A_436] : memref<16x1024x1024xf32, #tpu.memory_space<hbm>> -> memref<1x8x256xf32, #tpu.memory_space<hbm>>
      %dma_wait3A_534 = tpu.memref_squeeze %dma_wait3A_533 : memref<1x8x256xf32, #tpu.memory_space<hbm>> -> memref<8x256xf32, #tpu.memory_space<hbm>>
      %dma_wait3A_535 = arith.constant 0 : i32
      %dma_wait3A_536 = arith.constant 0 : i32
      %dma_wait3A_537 = tpu.memref_slice %arg7[%dma_wait3A_527, %dma_wait3A_528, %dma_wait3A_535, %dma_wait3A_536] : memref<2x16x8x256xf32, #tpu.memory_space<vmem>> -> memref<1x1x8x256xf32, #tpu.memory_space<vmem>>
      %dma_wait3A_538 = tpu.memref_squeeze %dma_wait3A_537 : memref<1x1x8x256xf32, #tpu.memory_space<vmem>> -> memref<8x256xf32, #tpu.memory_space<vmem>>
      %dma_wait3A_539 = tpu.memref_slice %arg2[%dma_wait3A_526, %mul3A_432, %mul3A_436] : memref<16x1024x1024xf32, #tpu.memory_space<hbm>> -> memref<1x8x256xf32, #tpu.memory_space<hbm>>
      %dma_wait3A_540 = tpu.memref_squeeze %dma_wait3A_539 : memref<1x8x256xf32, #tpu.memory_space<hbm>> -> memref<8x256xf32, #tpu.memory_space<hbm>>
      tpu.wait_dma2 semaphore(%arg10 : memref<!tpu.dma_semaphore, #tpu.memory_space<semaphore_mem>>) src(%dma_wait3A_540 : memref<8x256xf32, #tpu.memory_space<hbm>>) dst(%dma_wait3A_538 : memref<8x256xf32, #tpu.memory_space<vmem>>)
      %dma_wait3A_541 = arith.constant 7 : i32
      %dma_wait3A_542 = arith.constant 0 : i32
      %dma_wait3A_543 = arith.constant 7 : i32
      %dma_wait3A_544 = arith.constant 0 : i32
      %dma_wait3A_545 = arith.constant 0 : i32
      %dma_wait3A_546 = tpu.memref_slice %arg7[%dma_wait3A_542, %dma_wait3A_543, %dma_wait3A_544, %dma_wait3A_545] : memref<2x16x8x256xf32, #tpu.memory_space<vmem>> -> memref<1x1x8x256xf32, #tpu.memory_space<vmem>>
      %dma_wait3A_547 = tpu.memref_squeeze %dma_wait3A_546 : memref<1x1x8x256xf32, #tpu.memory_space<vmem>> -> memref<8x256xf32, #tpu.memory_space<vmem>>
      %dma_wait3A_548 = tpu.memref_slice %arg2[%dma_wait3A_541, %mul3A_432, %mul3A_436] : memref<16x1024x1024xf32, #tpu.memory_space<hbm>> -> memref<1x8x256xf32, #tpu.memory_space<hbm>>
      %dma_wait3A_549 = tpu.memref_squeeze %dma_wait3A_548 : memref<1x8x256xf32, #tpu.memory_space<hbm>> -> memref<8x256xf32, #tpu.memory_space<hbm>>
      %dma_wait3A_550 = arith.constant 0 : i32
      %dma_wait3A_551 = arith.constant 0 : i32
      %dma_wait3A_552 = tpu.memref_slice %arg7[%dma_wait3A_542, %dma_wait3A_543, %dma_wait3A_550, %dma_wait3A_551] : memref<2x16x8x256xf32, #tpu.memory_space<vmem>> -> memref<1x1x8x256xf32, #tpu.memory_space<vmem>>
      %dma_wait3A_553 = tpu.memref_squeeze %dma_wait3A_552 : memref<1x1x8x256xf32, #tpu.memory_space<vmem>> -> memref<8x256xf32, #tpu.memory_space<vmem>>
      %dma_wait3A_554 = tpu.memref_slice %arg2[%dma_wait3A_541, %mul3A_432, %mul3A_436] : memref<16x1024x1024xf32, #tpu.memory_space<hbm>> -> memref<1x8x256xf32, #tpu.memory_space<hbm>>
      %dma_wait3A_555 = tpu.memref_squeeze %dma_wait3A_554 : memref<1x8x256xf32, #tpu.memory_space<hbm>> -> memref<8x256xf32, #tpu.memory_space<hbm>>
      tpu.wait_dma2 semaphore(%arg10 : memref<!tpu.dma_semaphore, #tpu.memory_space<semaphore_mem>>) src(%dma_wait3A_555 : memref<8x256xf32, #tpu.memory_space<hbm>>) dst(%dma_wait3A_553 : memref<8x256xf32, #tpu.memory_space<vmem>>)
      %dma_wait3A_556 = arith.constant 8 : i32
      %dma_wait3A_557 = arith.constant 0 : i32
      %dma_wait3A_558 = arith.constant 8 : i32
      %dma_wait3A_559 = arith.constant 0 : i32
      %dma_wait3A_560 = arith.constant 0 : i32
      %dma_wait3A_561 = tpu.memref_slice %arg7[%dma_wait3A_557, %dma_wait3A_558, %dma_wait3A_559, %dma_wait3A_560] : memref<2x16x8x256xf32, #tpu.memory_space<vmem>> -> memref<1x1x8x256xf32, #tpu.memory_space<vmem>>
      %dma_wait3A_562 = tpu.memref_squeeze %dma_wait3A_561 : memref<1x1x8x256xf32, #tpu.memory_space<vmem>> -> memref<8x256xf32, #tpu.memory_space<vmem>>
      %dma_wait3A_563 = tpu.memref_slice %arg2[%dma_wait3A_556, %mul3A_432, %mul3A_436] : memref<16x1024x1024xf32, #tpu.memory_space<hbm>> -> memref<1x8x256xf32, #tpu.memory_space<hbm>>
      %dma_wait3A_564 = tpu.memref_squeeze %dma_wait3A_563 : memref<1x8x256xf32, #tpu.memory_space<hbm>> -> memref<8x256xf32, #tpu.memory_space<hbm>>
      %dma_wait3A_565 = arith.constant 0 : i32
      %dma_wait3A_566 = arith.constant 0 : i32
      %dma_wait3A_567 = tpu.memref_slice %arg7[%dma_wait3A_557, %dma_wait3A_558, %dma_wait3A_565, %dma_wait3A_566] : memref<2x16x8x256xf32, #tpu.memory_space<vmem>> -> memref<1x1x8x256xf32, #tpu.memory_space<vmem>>
      %dma_wait3A_568 = tpu.memref_squeeze %dma_wait3A_567 : memref<1x1x8x256xf32, #tpu.memory_space<vmem>> -> memref<8x256xf32, #tpu.memory_space<vmem>>
      %dma_wait3A_569 = tpu.memref_slice %arg2[%dma_wait3A_556, %mul3A_432, %mul3A_436] : memref<16x1024x1024xf32, #tpu.memory_space<hbm>> -> memref<1x8x256xf32, #tpu.memory_space<hbm>>
      %dma_wait3A_570 = tpu.memref_squeeze %dma_wait3A_569 : memref<1x8x256xf32, #tpu.memory_space<hbm>> -> memref<8x256xf32, #tpu.memory_space<hbm>>
      tpu.wait_dma2 semaphore(%arg10 : memref<!tpu.dma_semaphore, #tpu.memory_space<semaphore_mem>>) src(%dma_wait3A_570 : memref<8x256xf32, #tpu.memory_space<hbm>>) dst(%dma_wait3A_568 : memref<8x256xf32, #tpu.memory_space<vmem>>)
      %dma_wait3A_571 = arith.constant 9 : i32
      %dma_wait3A_572 = arith.constant 0 : i32
      %dma_wait3A_573 = arith.constant 9 : i32
      %dma_wait3A_574 = arith.constant 0 : i32
      %dma_wait3A_575 = arith.constant 0 : i32
      %dma_wait3A_576 = tpu.memref_slice %arg7[%dma_wait3A_572, %dma_wait3A_573, %dma_wait3A_574, %dma_wait3A_575] : memref<2x16x8x256xf32, #tpu.memory_space<vmem>> -> memref<1x1x8x256xf32, #tpu.memory_space<vmem>>
      %dma_wait3A_577 = tpu.memref_squeeze %dma_wait3A_576 : memref<1x1x8x256xf32, #tpu.memory_space<vmem>> -> memref<8x256xf32, #tpu.memory_space<vmem>>
      %dma_wait3A_578 = tpu.memref_slice %arg2[%dma_wait3A_571, %mul3A_432, %mul3A_436] : memref<16x1024x1024xf32, #tpu.memory_space<hbm>> -> memref<1x8x256xf32, #tpu.memory_space<hbm>>
      %dma_wait3A_579 = tpu.memref_squeeze %dma_wait3A_578 : memref<1x8x256xf32, #tpu.memory_space<hbm>> -> memref<8x256xf32, #tpu.memory_space<hbm>>
      %dma_wait3A_580 = arith.constant 0 : i32
      %dma_wait3A_581 = arith.constant 0 : i32
      %dma_wait3A_582 = tpu.memref_slice %arg7[%dma_wait3A_572, %dma_wait3A_573, %dma_wait3A_580, %dma_wait3A_581] : memref<2x16x8x256xf32, #tpu.memory_space<vmem>> -> memref<1x1x8x256xf32, #tpu.memory_space<vmem>>
      %dma_wait3A_583 = tpu.memref_squeeze %dma_wait3A_582 : memref<1x1x8x256xf32, #tpu.memory_space<vmem>> -> memref<8x256xf32, #tpu.memory_space<vmem>>
      %dma_wait3A_584 = tpu.memref_slice %arg2[%dma_wait3A_571, %mul3A_432, %mul3A_436] : memref<16x1024x1024xf32, #tpu.memory_space<hbm>> -> memref<1x8x256xf32, #tpu.memory_space<hbm>>
      %dma_wait3A_585 = tpu.memref_squeeze %dma_wait3A_584 : memref<1x8x256xf32, #tpu.memory_space<hbm>> -> memref<8x256xf32, #tpu.memory_space<hbm>>
      tpu.wait_dma2 semaphore(%arg10 : memref<!tpu.dma_semaphore, #tpu.memory_space<semaphore_mem>>) src(%dma_wait3A_585 : memref<8x256xf32, #tpu.memory_space<hbm>>) dst(%dma_wait3A_583 : memref<8x256xf32, #tpu.memory_space<vmem>>)
      %dma_wait3A_586 = arith.constant 10 : i32
      %dma_wait3A_587 = arith.constant 0 : i32
      %dma_wait3A_588 = arith.constant 10 : i32
      %dma_wait3A_589 = arith.constant 0 : i32
      %dma_wait3A_590 = arith.constant 0 : i32
      %dma_wait3A_591 = tpu.memref_slice %arg7[%dma_wait3A_587, %dma_wait3A_588, %dma_wait3A_589, %dma_wait3A_590] : memref<2x16x8x256xf32, #tpu.memory_space<vmem>> -> memref<1x1x8x256xf32, #tpu.memory_space<vmem>>
      %dma_wait3A_592 = tpu.memref_squeeze %dma_wait3A_591 : memref<1x1x8x256xf32, #tpu.memory_space<vmem>> -> memref<8x256xf32, #tpu.memory_space<vmem>>
      %dma_wait3A_593 = tpu.memref_slice %arg2[%dma_wait3A_586, %mul3A_432, %mul3A_436] : memref<16x1024x1024xf32, #tpu.memory_space<hbm>> -> memref<1x8x256xf32, #tpu.memory_space<hbm>>
      %dma_wait3A_594 = tpu.memref_squeeze %dma_wait3A_593 : memref<1x8x256xf32, #tpu.memory_space<hbm>> -> memref<8x256xf32, #tpu.memory_space<hbm>>
      %dma_wait3A_595 = arith.constant 0 : i32
      %dma_wait3A_596 = arith.constant 0 : i32
      %dma_wait3A_597 = tpu.memref_slice %arg7[%dma_wait3A_587, %dma_wait3A_588, %dma_wait3A_595, %dma_wait3A_596] : memref<2x16x8x256xf32, #tpu.memory_space<vmem>> -> memref<1x1x8x256xf32, #tpu.memory_space<vmem>>
      %dma_wait3A_598 = tpu.memref_squeeze %dma_wait3A_597 : memref<1x1x8x256xf32, #tpu.memory_space<vmem>> -> memref<8x256xf32, #tpu.memory_space<vmem>>
      %dma_wait3A_599 = tpu.memref_slice %arg2[%dma_wait3A_586, %mul3A_432, %mul3A_436] : memref<16x1024x1024xf32, #tpu.memory_space<hbm>> -> memref<1x8x256xf32, #tpu.memory_space<hbm>>
      %dma_wait3A_600 = tpu.memref_squeeze %dma_wait3A_599 : memref<1x8x256xf32, #tpu.memory_space<hbm>> -> memref<8x256xf32, #tpu.memory_space<hbm>>
      tpu.wait_dma2 semaphore(%arg10 : memref<!tpu.dma_semaphore, #tpu.memory_space<semaphore_mem>>) src(%dma_wait3A_600 : memref<8x256xf32, #tpu.memory_space<hbm>>) dst(%dma_wait3A_598 : memref<8x256xf32, #tpu.memory_space<vmem>>)
      %dma_wait3A_601 = arith.constant 11 : i32
      %dma_wait3A_602 = arith.constant 0 : i32
      %dma_wait3A_603 = arith.constant 11 : i32
      %dma_wait3A_604 = arith.constant 0 : i32
      %dma_wait3A_605 = arith.constant 0 : i32
      %dma_wait3A_606 = tpu.memref_slice %arg7[%dma_wait3A_602, %dma_wait3A_603, %dma_wait3A_604, %dma_wait3A_605] : memref<2x16x8x256xf32, #tpu.memory_space<vmem>> -> memref<1x1x8x256xf32, #tpu.memory_space<vmem>>
      %dma_wait3A_607 = tpu.memref_squeeze %dma_wait3A_606 : memref<1x1x8x256xf32, #tpu.memory_space<vmem>> -> memref<8x256xf32, #tpu.memory_space<vmem>>
      %dma_wait3A_608 = tpu.memref_slice %arg2[%dma_wait3A_601, %mul3A_432, %mul3A_436] : memref<16x1024x1024xf32, #tpu.memory_space<hbm>> -> memref<1x8x256xf32, #tpu.memory_space<hbm>>
      %dma_wait3A_609 = tpu.memref_squeeze %dma_wait3A_608 : memref<1x8x256xf32, #tpu.memory_space<hbm>> -> memref<8x256xf32, #tpu.memory_space<hbm>>
      %dma_wait3A_610 = arith.constant 0 : i32
      %dma_wait3A_611 = arith.constant 0 : i32
      %dma_wait3A_612 = tpu.memref_slice %arg7[%dma_wait3A_602, %dma_wait3A_603, %dma_wait3A_610, %dma_wait3A_611] : memref<2x16x8x256xf32, #tpu.memory_space<vmem>> -> memref<1x1x8x256xf32, #tpu.memory_space<vmem>>
      %dma_wait3A_613 = tpu.memref_squeeze %dma_wait3A_612 : memref<1x1x8x256xf32, #tpu.memory_space<vmem>> -> memref<8x256xf32, #tpu.memory_space<vmem>>
      %dma_wait3A_614 = tpu.memref_slice %arg2[%dma_wait3A_601, %mul3A_432, %mul3A_436] : memref<16x1024x1024xf32, #tpu.memory_space<hbm>> -> memref<1x8x256xf32, #tpu.memory_space<hbm>>
      %dma_wait3A_615 = tpu.memref_squeeze %dma_wait3A_614 : memref<1x8x256xf32, #tpu.memory_space<hbm>> -> memref<8x256xf32, #tpu.memory_space<hbm>>
      tpu.wait_dma2 semaphore(%arg10 : memref<!tpu.dma_semaphore, #tpu.memory_space<semaphore_mem>>) src(%dma_wait3A_615 : memref<8x256xf32, #tpu.memory_space<hbm>>) dst(%dma_wait3A_613 : memref<8x256xf32, #tpu.memory_space<vmem>>)
      %dma_wait3A_616 = arith.constant 12 : i32
      %dma_wait3A_617 = arith.constant 0 : i32
      %dma_wait3A_618 = arith.constant 12 : i32
      %dma_wait3A_619 = arith.constant 0 : i32
      %dma_wait3A_620 = arith.constant 0 : i32
      %dma_wait3A_621 = tpu.memref_slice %arg7[%dma_wait3A_617, %dma_wait3A_618, %dma_wait3A_619, %dma_wait3A_620] : memref<2x16x8x256xf32, #tpu.memory_space<vmem>> -> memref<1x1x8x256xf32, #tpu.memory_space<vmem>>
      %dma_wait3A_622 = tpu.memref_squeeze %dma_wait3A_621 : memref<1x1x8x256xf32, #tpu.memory_space<vmem>> -> memref<8x256xf32, #tpu.memory_space<vmem>>
      %dma_wait3A_623 = tpu.memref_slice %arg2[%dma_wait3A_616, %mul3A_432, %mul3A_436] : memref<16x1024x1024xf32, #tpu.memory_space<hbm>> -> memref<1x8x256xf32, #tpu.memory_space<hbm>>
      %dma_wait3A_624 = tpu.memref_squeeze %dma_wait3A_623 : memref<1x8x256xf32, #tpu.memory_space<hbm>> -> memref<8x256xf32, #tpu.memory_space<hbm>>
      %dma_wait3A_625 = arith.constant 0 : i32
      %dma_wait3A_626 = arith.constant 0 : i32
      %dma_wait3A_627 = tpu.memref_slice %arg7[%dma_wait3A_617, %dma_wait3A_618, %dma_wait3A_625, %dma_wait3A_626] : memref<2x16x8x256xf32, #tpu.memory_space<vmem>> -> memref<1x1x8x256xf32, #tpu.memory_space<vmem>>
      %dma_wait3A_628 = tpu.memref_squeeze %dma_wait3A_627 : memref<1x1x8x256xf32, #tpu.memory_space<vmem>> -> memref<8x256xf32, #tpu.memory_space<vmem>>
      %dma_wait3A_629 = tpu.memref_slice %arg2[%dma_wait3A_616, %mul3A_432, %mul3A_436] : memref<16x1024x1024xf32, #tpu.memory_space<hbm>> -> memref<1x8x256xf32, #tpu.memory_space<hbm>>
      %dma_wait3A_630 = tpu.memref_squeeze %dma_wait3A_629 : memref<1x8x256xf32, #tpu.memory_space<hbm>> -> memref<8x256xf32, #tpu.memory_space<hbm>>
      tpu.wait_dma2 semaphore(%arg10 : memref<!tpu.dma_semaphore, #tpu.memory_space<semaphore_mem>>) src(%dma_wait3A_630 : memref<8x256xf32, #tpu.memory_space<hbm>>) dst(%dma_wait3A_628 : memref<8x256xf32, #tpu.memory_space<vmem>>)
      %dma_wait3A_631 = arith.constant 13 : i32
      %dma_wait3A_632 = arith.constant 0 : i32
      %dma_wait3A_633 = arith.constant 13 : i32
      %dma_wait3A_634 = arith.constant 0 : i32
      %dma_wait3A_635 = arith.constant 0 : i32
      %dma_wait3A_636 = tpu.memref_slice %arg7[%dma_wait3A_632, %dma_wait3A_633, %dma_wait3A_634, %dma_wait3A_635] : memref<2x16x8x256xf32, #tpu.memory_space<vmem>> -> memref<1x1x8x256xf32, #tpu.memory_space<vmem>>
      %dma_wait3A_637 = tpu.memref_squeeze %dma_wait3A_636 : memref<1x1x8x256xf32, #tpu.memory_space<vmem>> -> memref<8x256xf32, #tpu.memory_space<vmem>>
      %dma_wait3A_638 = tpu.memref_slice %arg2[%dma_wait3A_631, %mul3A_432, %mul3A_436] : memref<16x1024x1024xf32, #tpu.memory_space<hbm>> -> memref<1x8x256xf32, #tpu.memory_space<hbm>>
      %dma_wait3A_639 = tpu.memref_squeeze %dma_wait3A_638 : memref<1x8x256xf32, #tpu.memory_space<hbm>> -> memref<8x256xf32, #tpu.memory_space<hbm>>
      %dma_wait3A_640 = arith.constant 0 : i32
      %dma_wait3A_641 = arith.constant 0 : i32
      %dma_wait3A_642 = tpu.memref_slice %arg7[%dma_wait3A_632, %dma_wait3A_633, %dma_wait3A_640, %dma_wait3A_641] : memref<2x16x8x256xf32, #tpu.memory_space<vmem>> -> memref<1x1x8x256xf32, #tpu.memory_space<vmem>>
      %dma_wait3A_643 = tpu.memref_squeeze %dma_wait3A_642 : memref<1x1x8x256xf32, #tpu.memory_space<vmem>> -> memref<8x256xf32, #tpu.memory_space<vmem>>
      %dma_wait3A_644 = tpu.memref_slice %arg2[%dma_wait3A_631, %mul3A_432, %mul3A_436] : memref<16x1024x1024xf32, #tpu.memory_space<hbm>> -> memref<1x8x256xf32, #tpu.memory_space<hbm>>
      %dma_wait3A_645 = tpu.memref_squeeze %dma_wait3A_644 : memref<1x8x256xf32, #tpu.memory_space<hbm>> -> memref<8x256xf32, #tpu.memory_space<hbm>>
      tpu.wait_dma2 semaphore(%arg10 : memref<!tpu.dma_semaphore, #tpu.memory_space<semaphore_mem>>) src(%dma_wait3A_645 : memref<8x256xf32, #tpu.memory_space<hbm>>) dst(%dma_wait3A_643 : memref<8x256xf32, #tpu.memory_space<vmem>>)
      %dma_wait3A_646 = arith.constant 14 : i32
      %dma_wait3A_647 = arith.constant 0 : i32
      %dma_wait3A_648 = arith.constant 14 : i32
      %dma_wait3A_649 = arith.constant 0 : i32
      %dma_wait3A_650 = arith.constant 0 : i32
      %dma_wait3A_651 = tpu.memref_slice %arg7[%dma_wait3A_647, %dma_wait3A_648, %dma_wait3A_649, %dma_wait3A_650] : memref<2x16x8x256xf32, #tpu.memory_space<vmem>> -> memref<1x1x8x256xf32, #tpu.memory_space<vmem>>
      %dma_wait3A_652 = tpu.memref_squeeze %dma_wait3A_651 : memref<1x1x8x256xf32, #tpu.memory_space<vmem>> -> memref<8x256xf32, #tpu.memory_space<vmem>>
      %dma_wait3A_653 = tpu.memref_slice %arg2[%dma_wait3A_646, %mul3A_432, %mul3A_436] : memref<16x1024x1024xf32, #tpu.memory_space<hbm>> -> memref<1x8x256xf32, #tpu.memory_space<hbm>>
      %dma_wait3A_654 = tpu.memref_squeeze %dma_wait3A_653 : memref<1x8x256xf32, #tpu.memory_space<hbm>> -> memref<8x256xf32, #tpu.memory_space<hbm>>
      %dma_wait3A_655 = arith.constant 0 : i32
      %dma_wait3A_656 = arith.constant 0 : i32
      %dma_wait3A_657 = tpu.memref_slice %arg7[%dma_wait3A_647, %dma_wait3A_648, %dma_wait3A_655, %dma_wait3A_656] : memref<2x16x8x256xf32, #tpu.memory_space<vmem>> -> memref<1x1x8x256xf32, #tpu.memory_space<vmem>>
      %dma_wait3A_658 = tpu.memref_squeeze %dma_wait3A_657 : memref<1x1x8x256xf32, #tpu.memory_space<vmem>> -> memref<8x256xf32, #tpu.memory_space<vmem>>
      %dma_wait3A_659 = tpu.memref_slice %arg2[%dma_wait3A_646, %mul3A_432, %mul3A_436] : memref<16x1024x1024xf32, #tpu.memory_space<hbm>> -> memref<1x8x256xf32, #tpu.memory_space<hbm>>
      %dma_wait3A_660 = tpu.memref_squeeze %dma_wait3A_659 : memref<1x8x256xf32, #tpu.memory_space<hbm>> -> memref<8x256xf32, #tpu.memory_space<hbm>>
      tpu.wait_dma2 semaphore(%arg10 : memref<!tpu.dma_semaphore, #tpu.memory_space<semaphore_mem>>) src(%dma_wait3A_660 : memref<8x256xf32, #tpu.memory_space<hbm>>) dst(%dma_wait3A_658 : memref<8x256xf32, #tpu.memory_space<vmem>>)
      %dma_wait3A_661 = arith.constant 15 : i32
      %dma_wait3A_662 = arith.constant 0 : i32
      %dma_wait3A_663 = arith.constant 15 : i32
      %dma_wait3A_664 = arith.constant 0 : i32
      %dma_wait3A_665 = arith.constant 0 : i32
      %dma_wait3A_666 = tpu.memref_slice %arg7[%dma_wait3A_662, %dma_wait3A_663, %dma_wait3A_664, %dma_wait3A_665] : memref<2x16x8x256xf32, #tpu.memory_space<vmem>> -> memref<1x1x8x256xf32, #tpu.memory_space<vmem>>
      %dma_wait3A_667 = tpu.memref_squeeze %dma_wait3A_666 : memref<1x1x8x256xf32, #tpu.memory_space<vmem>> -> memref<8x256xf32, #tpu.memory_space<vmem>>
      %dma_wait3A_668 = tpu.memref_slice %arg2[%dma_wait3A_661, %mul3A_432, %mul3A_436] : memref<16x1024x1024xf32, #tpu.memory_space<hbm>> -> memref<1x8x256xf32, #tpu.memory_space<hbm>>
      %dma_wait3A_669 = tpu.memref_squeeze %dma_wait3A_668 : memref<1x8x256xf32, #tpu.memory_space<hbm>> -> memref<8x256xf32, #tpu.memory_space<hbm>>
      %dma_wait3A_670 = arith.constant 0 : i32
      %dma_wait3A_671 = arith.constant 0 : i32
      %dma_wait3A_672 = tpu.memref_slice %arg7[%dma_wait3A_662, %dma_wait3A_663, %dma_wait3A_670, %dma_wait3A_671] : memref<2x16x8x256xf32, #tpu.memory_space<vmem>> -> memref<1x1x8x256xf32, #tpu.memory_space<vmem>>
      %dma_wait3A_673 = tpu.memref_squeeze %dma_wait3A_672 : memref<1x1x8x256xf32, #tpu.memory_space<vmem>> -> memref<8x256xf32, #tpu.memory_space<vmem>>
      %dma_wait3A_674 = tpu.memref_slice %arg2[%dma_wait3A_661, %mul3A_432, %mul3A_436] : memref<16x1024x1024xf32, #tpu.memory_space<hbm>> -> memref<1x8x256xf32, #tpu.memory_space<hbm>>
      %dma_wait3A_675 = tpu.memref_squeeze %dma_wait3A_674 : memref<1x8x256xf32, #tpu.memory_space<hbm>> -> memref<8x256xf32, #tpu.memory_space<hbm>>
      tpu.wait_dma2 semaphore(%arg10 : memref<!tpu.dma_semaphore, #tpu.memory_space<semaphore_mem>>) src(%dma_wait3A_675 : memref<8x256xf32, #tpu.memory_space<hbm>>) dst(%dma_wait3A_673 : memref<8x256xf32, #tpu.memory_space<vmem>>)
      %dma_wait3A_676 = arith.constant 0 : i32
      %dma_wait3A_677 = arith.constant 0 : i32
      %dma_wait3A_678 = arith.constant 0 : i32
      %dma_wait3A_679 = tpu.memref_slice %arg8[%dma_wait3A_676, %dma_wait3A_677, %dma_wait3A_678] : memref<2x8x256xf32, #tpu.memory_space<vmem>> -> memref<1x8x256xf32, #tpu.memory_space<vmem>>
      %dma_wait3A_680 = tpu.memref_squeeze %dma_wait3A_679 : memref<1x8x256xf32, #tpu.memory_space<vmem>> -> memref<8x256xf32, #tpu.memory_space<vmem>>
      %dma_wait3A_681 = tpu.memref_slice %arg3[%mul3A_432, %mul3A_436] : memref<1024x1024xf32, #tpu.memory_space<hbm>> -> memref<8x256xf32, #tpu.memory_space<hbm>>
      %dma_wait3A_682 = arith.constant 0 : i32
      %dma_wait3A_683 = arith.constant 0 : i32
      %dma_wait3A_684 = tpu.memref_slice %arg8[%dma_wait3A_676, %dma_wait3A_682, %dma_wait3A_683] : memref<2x8x256xf32, #tpu.memory_space<vmem>> -> memref<1x8x256xf32, #tpu.memory_space<vmem>>
      %dma_wait3A_685 = tpu.memref_squeeze %dma_wait3A_684 : memref<1x8x256xf32, #tpu.memory_space<vmem>> -> memref<8x256xf32, #tpu.memory_space<vmem>>
      %dma_wait3A_686 = tpu.memref_slice %arg3[%mul3A_432, %mul3A_436] : memref<1024x1024xf32, #tpu.memory_space<hbm>> -> memref<8x256xf32, #tpu.memory_space<hbm>>
      tpu.wait_dma2 semaphore(%arg10 : memref<!tpu.dma_semaphore, #tpu.memory_space<semaphore_mem>>) src(%dma_wait3A_686 : memref<8x256xf32, #tpu.memory_space<hbm>>) dst(%dma_wait3A_685 : memref<8x256xf32, #tpu.memory_space<vmem>>)
      %scan3A_687 = arith.constant 0 : i32
      %scan3A_688 = arith.constant 128 : i32
      %scan3A_689 = arith.addi %scan3A_687, %scan3A_688 : i32
      %scan3A_690 = arith.constant 2 : i32
      %scan3A_691 = scf.for %scan3A_972 = %scan3A_687 to %scan3A_689 step %scan3A_690 iter_args(%scan3A_973 = %scan3A_413) -> (vector<16xf32>)  : i32 {
        %shift_right_arithmetic3A_974 = arith.constant 4 : i32
        %shift_right_arithmetic3A_975 = arith.shrsi %scan3A_972, %shift_right_arithmetic3A_974 : i32
        %and3A_976 = arith.constant 15 : i32
        %and3A_977 = arith.andi %scan3A_972, %and3A_976 : i32
        %mul3A_978 = arith.constant 16 : i32
        %mul3A_979 = arith.muli %and3A_977, %mul3A_978 : i32
        %get3A_980 = arith.constant 0 : i32
        %get3A_981 = arith.constant 0 : i32
        %get3A_982 = arith.index_cast %get3A_980 : i32 to index
        %get3A_983 = arith.index_cast %get3A_981 : i32 to index
        %get3A_984 = arith.index_cast %shift_right_arithmetic3A_975 : i32 to index
        %get3A_985 = arith.index_cast %mul3A_979 : i32 to index
        %get3A_986 = tpu.vector_load %arg7[%get3A_982, %get3A_983, %get3A_984, %get3A_985] {strides = array<i32>} : memref<2x16x8x256xf32, #tpu.memory_space<vmem>>, vector<1x1x1x16xf32>,
        %get3A_987 = vector.shape_cast %get3A_986 : vector<1x1x1x16xf32> to vector<16xf32>
        %mul3A_988 = arith.mulf %get3A_987, %get3A_987 : vector<16xf32>
        %mul3A_989 = vector.broadcast %squeeze3A_107 : f32 to vector<16xf32>
        %mul3A_990 = arith.mulf %mul3A_989, %get3A_987 : vector<16xf32>
        %get3A_991 = arith.constant 0 : i32
        %get3A_992 = arith.constant 1 : i32
        %get3A_993 = arith.index_cast %get3A_991 : i32 to index
        %get3A_994 = arith.index_cast %get3A_992 : i32 to index
        %get3A_995 = arith.index_cast %shift_right_arithmetic3A_975 : i32 to index
        %get3A_996 = arith.index_cast %mul3A_979 : i32 to index
        %get3A_997 = tpu.vector_load %arg7[%get3A_993, %get3A_994, %get3A_995, %get3A_996] {strides = array<i32>} : memref<2x16x8x256xf32, #tpu.memory_space<vmem>>, vector<1x1x1x16xf32>,
        %get3A_998 = vector.shape_cast %get3A_997 : vector<1x1x1x16xf32> to vector<16xf32>
        %mul3A_999 = arith.mulf %get3A_998, %get3A_998 : vector<16xf32>
        %add3A_1000 = arith.addf %mul3A_988, %mul3A_999 : vector<16xf32>
        %mul3A_1001 = vector.broadcast %squeeze3A_109 : f32 to vector<16xf32>
        %mul3A_1002 = arith.mulf %mul3A_1001, %get3A_998 : vector<16xf32>
        %add3A_1003 = arith.addf %mul3A_990, %mul3A_1002 : vector<16xf32>
        %get3A_1004 = arith.constant 0 : i32
        %get3A_1005 = arith.constant 2 : i32
        %get3A_1006 = arith.index_cast %get3A_1004 : i32 to index
        %get3A_1007 = arith.index_cast %get3A_1005 : i32 to index
        %get3A_1008 = arith.index_cast %shift_right_arithmetic3A_975 : i32 to index
        %get3A_1009 = arith.index_cast %mul3A_979 : i32 to index
        %get3A_1010 = tpu.vector_load %arg7[%get3A_1006, %get3A_1007, %get3A_1008, %get3A_1009] {strides = array<i32>} : memref<2x16x8x256xf32, #tpu.memory_space<vmem>>, vector<1x1x1x16xf32>,
        %get3A_1011 = vector.shape_cast %get3A_1010 : vector<1x1x1x16xf32> to vector<16xf32>
        %mul3A_1012 = arith.mulf %get3A_1011, %get3A_1011 : vector<16xf32>
        %add3A_1013 = arith.addf %add3A_1000, %mul3A_1012 : vector<16xf32>
        %mul3A_1014 = vector.broadcast %squeeze3A_111 : f32 to vector<16xf32>
        %mul3A_1015 = arith.mulf %mul3A_1014, %get3A_1011 : vector<16xf32>
        %add3A_1016 = arith.addf %add3A_1003, %mul3A_1015 : vector<16xf32>
        %get3A_1017 = arith.constant 0 : i32
        %get3A_1018 = arith.constant 3 : i32
        %get3A_1019 = arith.index_cast %get3A_1017 : i32 to index
        %get3A_1020 = arith.index_cast %get3A_1018 : i32 to index
        %get3A_1021 = arith.index_cast %shift_right_arithmetic3A_975 : i32 to index
        %get3A_1022 = arith.index_cast %mul3A_979 : i32 to index
        %get3A_1023 = tpu.vector_load %arg7[%get3A_1019, %get3A_1020, %get3A_1021, %get3A_1022] {strides = array<i32>} : memref<2x16x8x256xf32, #tpu.memory_space<vmem>>, vector<1x1x1x16xf32>,
        %get3A_1024 = vector.shape_cast %get3A_1023 : vector<1x1x1x16xf32> to vector<16xf32>
        %mul3A_1025 = arith.mulf %get3A_1024, %get3A_1024 : vector<16xf32>
        %add3A_1026 = arith.addf %add3A_1013, %mul3A_1025 : vector<16xf32>
        %mul3A_1027 = vector.broadcast %squeeze3A_113 : f32 to vector<16xf32>
        %mul3A_1028 = arith.mulf %mul3A_1027, %get3A_1024 : vector<16xf32>
        %add3A_1029 = arith.addf %add3A_1016, %mul3A_1028 : vector<16xf32>
        %get3A_1030 = arith.constant 0 : i32
        %get3A_1031 = arith.constant 4 : i32
        %get3A_1032 = arith.index_cast %get3A_1030 : i32 to index
        %get3A_1033 = arith.index_cast %get3A_1031 : i32 to index
        %get3A_1034 = arith.index_cast %shift_right_arithmetic3A_975 : i32 to index
        %get3A_1035 = arith.index_cast %mul3A_979 : i32 to index
        %get3A_1036 = tpu.vector_load %arg7[%get3A_1032, %get3A_1033, %get3A_1034, %get3A_1035] {strides = array<i32>} : memref<2x16x8x256xf32, #tpu.memory_space<vmem>>, vector<1x1x1x16xf32>,
        %get3A_1037 = vector.shape_cast %get3A_1036 : vector<1x1x1x16xf32> to vector<16xf32>
        %mul3A_1038 = arith.mulf %get3A_1037, %get3A_1037 : vector<16xf32>
        %add3A_1039 = arith.addf %add3A_1026, %mul3A_1038 : vector<16xf32>
        %mul3A_1040 = vector.broadcast %squeeze3A_115 : f32 to vector<16xf32>
        %mul3A_1041 = arith.mulf %mul3A_1040, %get3A_1037 : vector<16xf32>
        %add3A_1042 = arith.addf %add3A_1029, %mul3A_1041 : vector<16xf32>
        %get3A_1043 = arith.constant 0 : i32
        %get3A_1044 = arith.constant 5 : i32
        %get3A_1045 = arith.index_cast %get3A_1043 : i32 to index
        %get3A_1046 = arith.index_cast %get3A_1044 : i32 to index
        %get3A_1047 = arith.index_cast %shift_right_arithmetic3A_975 : i32 to index
        %get3A_1048 = arith.index_cast %mul3A_979 : i32 to index
        %get3A_1049 = tpu.vector_load %arg7[%get3A_1045, %get3A_1046, %get3A_1047, %get3A_1048] {strides = array<i32>} : memref<2x16x8x256xf32, #tpu.memory_space<vmem>>, vector<1x1x1x16xf32>,
        %get3A_1050 = vector.shape_cast %get3A_1049 : vector<1x1x1x16xf32> to vector<16xf32>
        %mul3A_1051 = arith.mulf %get3A_1050, %get3A_1050 : vector<16xf32>
        %add3A_1052 = arith.addf %add3A_1039, %mul3A_1051 : vector<16xf32>
        %mul3A_1053 = vector.broadcast %squeeze3A_117 : f32 to vector<16xf32>
        %mul3A_1054 = arith.mulf %mul3A_1053, %get3A_1050 : vector<16xf32>
        %add3A_1055 = arith.addf %add3A_1042, %mul3A_1054 : vector<16xf32>
        %get3A_1056 = arith.constant 0 : i32
        %get3A_1057 = arith.constant 6 : i32
        %get3A_1058 = arith.index_cast %get3A_1056 : i32 to index
        %get3A_1059 = arith.index_cast %get3A_1057 : i32 to index
        %get3A_1060 = arith.index_cast %shift_right_arithmetic3A_975 : i32 to index
        %get3A_1061 = arith.index_cast %mul3A_979 : i32 to index
        %get3A_1062 = tpu.vector_load %arg7[%get3A_1058, %get3A_1059, %get3A_1060, %get3A_1061] {strides = array<i32>} : memref<2x16x8x256xf32, #tpu.memory_space<vmem>>, vector<1x1x1x16xf32>,
        %get3A_1063 = vector.shape_cast %get3A_1062 : vector<1x1x1x16xf32> to vector<16xf32>
        %mul3A_1064 = arith.mulf %get3A_1063, %get3A_1063 : vector<16xf32>
        %add3A_1065 = arith.addf %add3A_1052, %mul3A_1064 : vector<16xf32>
        %mul3A_1066 = vector.broadcast %squeeze3A_119 : f32 to vector<16xf32>
        %mul3A_1067 = arith.mulf %mul3A_1066, %get3A_1063 : vector<16xf32>
        %add3A_1068 = arith.addf %add3A_1055, %mul3A_1067 : vector<16xf32>
        %get3A_1069 = arith.constant 0 : i32
        %get3A_1070 = arith.constant 7 : i32
        %get3A_1071 = arith.index_cast %get3A_1069 : i32 to index
        %get3A_1072 = arith.index_cast %get3A_1070 : i32 to index
        %get3A_1073 = arith.index_cast %shift_right_arithmetic3A_975 : i32 to index
        %get3A_1074 = arith.index_cast %mul3A_979 : i32 to index
        %get3A_1075 = tpu.vector_load %arg7[%get3A_1071, %get3A_1072, %get3A_1073, %get3A_1074] {strides = array<i32>} : memref<2x16x8x256xf32, #tpu.memory_space<vmem>>, vector<1x1x1x16xf32>,
        %get3A_1076 = vector.shape_cast %get3A_1075 : vector<1x1x1x16xf32> to vector<16xf32>
        %mul3A_1077 = arith.mulf %get3A_1076, %get3A_1076 : vector<16xf32>
        %add3A_1078 = arith.addf %add3A_1065, %mul3A_1077 : vector<16xf32>
        %mul3A_1079 = vector.broadcast %squeeze3A_121 : f32 to vector<16xf32>
        %mul3A_1080 = arith.mulf %mul3A_1079, %get3A_1076 : vector<16xf32>
        %add3A_1081 = arith.addf %add3A_1068, %mul3A_1080 : vector<16xf32>
        %get3A_1082 = arith.constant 0 : i32
        %get3A_1083 = arith.constant 8 : i32
        %get3A_1084 = arith.index_cast %get3A_1082 : i32 to index
        %get3A_1085 = arith.index_cast %get3A_1083 : i32 to index
        %get3A_1086 = arith.index_cast %shift_right_arithmetic3A_975 : i32 to index
        %get3A_1087 = arith.index_cast %mul3A_979 : i32 to index
        %get3A_1088 = tpu.vector_load %arg7[%get3A_1084, %get3A_1085, %get3A_1086, %get3A_1087] {strides = array<i32>} : memref<2x16x8x256xf32, #tpu.memory_space<vmem>>, vector<1x1x1x16xf32>,
        %get3A_1089 = vector.shape_cast %get3A_1088 : vector<1x1x1x16xf32> to vector<16xf32>
        %mul3A_1090 = arith.mulf %get3A_1089, %get3A_1089 : vector<16xf32>
        %add3A_1091 = arith.addf %add3A_1078, %mul3A_1090 : vector<16xf32>
        %mul3A_1092 = vector.broadcast %squeeze3A_123 : f32 to vector<16xf32>
        %mul3A_1093 = arith.mulf %mul3A_1092, %get3A_1089 : vector<16xf32>
        %add3A_1094 = arith.addf %add3A_1081, %mul3A_1093 : vector<16xf32>
        %get3A_1095 = arith.constant 0 : i32
        %get3A_1096 = arith.constant 9 : i32
        %get3A_1097 = arith.index_cast %get3A_1095 : i32 to index
        %get3A_1098 = arith.index_cast %get3A_1096 : i32 to index
        %get3A_1099 = arith.index_cast %shift_right_arithmetic3A_975 : i32 to index
        %get3A_1100 = arith.index_cast %mul3A_979 : i32 to index
        %get3A_1101 = tpu.vector_load %arg7[%get3A_1097, %get3A_1098, %get3A_1099, %get3A_1100] {strides = array<i32>} : memref<2x16x8x256xf32, #tpu.memory_space<vmem>>, vector<1x1x1x16xf32>,
        %get3A_1102 = vector.shape_cast %get3A_1101 : vector<1x1x1x16xf32> to vector<16xf32>
        %mul3A_1103 = arith.mulf %get3A_1102, %get3A_1102 : vector<16xf32>
        %add3A_1104 = arith.addf %add3A_1091, %mul3A_1103 : vector<16xf32>
        %mul3A_1105 = vector.broadcast %squeeze3A_125 : f32 to vector<16xf32>
        %mul3A_1106 = arith.mulf %mul3A_1105, %get3A_1102 : vector<16xf32>
        %add3A_1107 = arith.addf %add3A_1094, %mul3A_1106 : vector<16xf32>
        %get3A_1108 = arith.constant 0 : i32
        %get3A_1109 = arith.constant 10 : i32
        %get3A_1110 = arith.index_cast %get3A_1108 : i32 to index
        %get3A_1111 = arith.index_cast %get3A_1109 : i32 to index
        %get3A_1112 = arith.index_cast %shift_right_arithmetic3A_975 : i32 to index
        %get3A_1113 = arith.index_cast %mul3A_979 : i32 to index
        %get3A_1114 = tpu.vector_load %arg7[%get3A_1110, %get3A_1111, %get3A_1112, %get3A_1113] {strides = array<i32>} : memref<2x16x8x256xf32, #tpu.memory_space<vmem>>, vector<1x1x1x16xf32>,
        %get3A_1115 = vector.shape_cast %get3A_1114 : vector<1x1x1x16xf32> to vector<16xf32>
        %mul3A_1116 = arith.mulf %get3A_1115, %get3A_1115 : vector<16xf32>
        %add3A_1117 = arith.addf %add3A_1104, %mul3A_1116 : vector<16xf32>
        %mul3A_1118 = vector.broadcast %squeeze3A_127 : f32 to vector<16xf32>
        %mul3A_1119 = arith.mulf %mul3A_1118, %get3A_1115 : vector<16xf32>
        %add3A_1120 = arith.addf %add3A_1107, %mul3A_1119 : vector<16xf32>
        %get3A_1121 = arith.constant 0 : i32
        %get3A_1122 = arith.constant 11 : i32
        %get3A_1123 = arith.index_cast %get3A_1121 : i32 to index
        %get3A_1124 = arith.index_cast %get3A_1122 : i32 to index
        %get3A_1125 = arith.index_cast %shift_right_arithmetic3A_975 : i32 to index
        %get3A_1126 = arith.index_cast %mul3A_979 : i32 to index
        %get3A_1127 = tpu.vector_load %arg7[%get3A_1123, %get3A_1124, %get3A_1125, %get3A_1126] {strides = array<i32>} : memref<2x16x8x256xf32, #tpu.memory_space<vmem>>, vector<1x1x1x16xf32>,
        %get3A_1128 = vector.shape_cast %get3A_1127 : vector<1x1x1x16xf32> to vector<16xf32>
        %mul3A_1129 = arith.mulf %get3A_1128, %get3A_1128 : vector<16xf32>
        %add3A_1130 = arith.addf %add3A_1117, %mul3A_1129 : vector<16xf32>
        %mul3A_1131 = vector.broadcast %squeeze3A_129 : f32 to vector<16xf32>
        %mul3A_1132 = arith.mulf %mul3A_1131, %get3A_1128 : vector<16xf32>
        %add3A_1133 = arith.addf %add3A_1120, %mul3A_1132 : vector<16xf32>
        %get3A_1134 = arith.constant 0 : i32
        %get3A_1135 = arith.constant 12 : i32
        %get3A_1136 = arith.index_cast %get3A_1134 : i32 to index
        %get3A_1137 = arith.index_cast %get3A_1135 : i32 to index
        %get3A_1138 = arith.index_cast %shift_right_arithmetic3A_975 : i32 to index
        %get3A_1139 = arith.index_cast %mul3A_979 : i32 to index
        %get3A_1140 = tpu.vector_load %arg7[%get3A_1136, %get3A_1137, %get3A_1138, %get3A_1139] {strides = array<i32>} : memref<2x16x8x256xf32, #tpu.memory_space<vmem>>, vector<1x1x1x16xf32>,
        %get3A_1141 = vector.shape_cast %get3A_1140 : vector<1x1x1x16xf32> to vector<16xf32>
        %mul3A_1142 = arith.mulf %get3A_1141, %get3A_1141 : vector<16xf32>
        %add3A_1143 = arith.addf %add3A_1130, %mul3A_1142 : vector<16xf32>
        %mul3A_1144 = vector.broadcast %squeeze3A_131 : f32 to vector<16xf32>
        %mul3A_1145 = arith.mulf %mul3A_1144, %get3A_1141 : vector<16xf32>
        %add3A_1146 = arith.addf %add3A_1133, %mul3A_1145 : vector<16xf32>
        %get3A_1147 = arith.constant 0 : i32
        %get3A_1148 = arith.constant 13 : i32
        %get3A_1149 = arith.index_cast %get3A_1147 : i32 to index
        %get3A_1150 = arith.index_cast %get3A_1148 : i32 to index
        %get3A_1151 = arith.index_cast %shift_right_arithmetic3A_975 : i32 to index
        %get3A_1152 = arith.index_cast %mul3A_979 : i32 to index
        %get3A_1153 = tpu.vector_load %arg7[%get3A_1149, %get3A_1150, %get3A_1151, %get3A_1152] {strides = array<i32>} : memref<2x16x8x256xf32, #tpu.memory_space<vmem>>, vector<1x1x1x16xf32>,
        %get3A_1154 = vector.shape_cast %get3A_1153 : vector<1x1x1x16xf32> to vector<16xf32>
        %mul3A_1155 = arith.mulf %get3A_1154, %get3A_1154 : vector<16xf32>
        %add3A_1156 = arith.addf %add3A_1143, %mul3A_1155 : vector<16xf32>
        %mul3A_1157 = vector.broadcast %squeeze3A_133 : f32 to vector<16xf32>
        %mul3A_1158 = arith.mulf %mul3A_1157, %get3A_1154 : vector<16xf32>
        %add3A_1159 = arith.addf %add3A_1146, %mul3A_1158 : vector<16xf32>
        %get3A_1160 = arith.constant 0 : i32
        %get3A_1161 = arith.constant 14 : i32
        %get3A_1162 = arith.index_cast %get3A_1160 : i32 to index
        %get3A_1163 = arith.index_cast %get3A_1161 : i32 to index
        %get3A_1164 = arith.index_cast %shift_right_arithmetic3A_975 : i32 to index
        %get3A_1165 = arith.index_cast %mul3A_979 : i32 to index
        %get3A_1166 = tpu.vector_load %arg7[%get3A_1162, %get3A_1163, %get3A_1164, %get3A_1165] {strides = array<i32>} : memref<2x16x8x256xf32, #tpu.memory_space<vmem>>, vector<1x1x1x16xf32>,
        %get3A_1167 = vector.shape_cast %get3A_1166 : vector<1x1x1x16xf32> to vector<16xf32>
        %mul3A_1168 = arith.mulf %get3A_1167, %get3A_1167 : vector<16xf32>
        %add3A_1169 = arith.addf %add3A_1156, %mul3A_1168 : vector<16xf32>
        %mul3A_1170 = vector.broadcast %squeeze3A_135 : f32 to vector<16xf32>
        %mul3A_1171 = arith.mulf %mul3A_1170, %get3A_1167 : vector<16xf32>
        %add3A_1172 = arith.addf %add3A_1159, %mul3A_1171 : vector<16xf32>
        %get3A_1173 = arith.constant 0 : i32
        %get3A_1174 = arith.constant 15 : i32
        %get3A_1175 = arith.index_cast %get3A_1173 : i32 to index
        %get3A_1176 = arith.index_cast %get3A_1174 : i32 to index
        %get3A_1177 = arith.index_cast %shift_right_arithmetic3A_975 : i32 to index
        %get3A_1178 = arith.index_cast %mul3A_979 : i32 to index
        %get3A_1179 = tpu.vector_load %arg7[%get3A_1175, %get3A_1176, %get3A_1177, %get3A_1178] {strides = array<i32>} : memref<2x16x8x256xf32, #tpu.memory_space<vmem>>, vector<1x1x1x16xf32>,
        %get3A_1180 = vector.shape_cast %get3A_1179 : vector<1x1x1x16xf32> to vector<16xf32>
        %mul3A_1181 = arith.mulf %get3A_1180, %get3A_1180 : vector<16xf32>
        %add3A_1182 = arith.addf %add3A_1169, %mul3A_1181 : vector<16xf32>
        %mul3A_1183 = vector.broadcast %squeeze3A_137 : f32 to vector<16xf32>
        %mul3A_1184 = arith.mulf %mul3A_1183, %get3A_1180 : vector<16xf32>
        %add3A_1185 = arith.addf %add3A_1172, %mul3A_1184 : vector<16xf32>
        %bitcast_convert_type3A_1186 = tpu.bitcast %add3A_1182 : vector<16xf32> -> vector<16xi32>
        %broadcast_in_dim3A_1187 = arith.constant 1597463007 : i32
        %broadcast_in_dim3A_1188 = vector.broadcast %broadcast_in_dim3A_1187 : i32 to vector<16xi32>
        %shift_right_arithmetic3A_1189 = arith.constant 1 : i32
        %shift_right_arithmetic3A_1190 = vector.broadcast %shift_right_arithmetic3A_1189 : i32 to vector<16xi32>
        %shift_right_arithmetic3A_1191 = arith.shrsi %bitcast_convert_type3A_1186, %shift_right_arithmetic3A_1190 : vector<16xi32>
        %sub3A_1192 = arith.subi %broadcast_in_dim3A_1188, %shift_right_arithmetic3A_1191 : vector<16xi32>
        %bitcast_convert_type3A_1193 = tpu.bitcast %sub3A_1192 : vector<16xi32> -> vector<16xf32>
        %mul3A_1194 = arith.constant 5.000000e-01 : f32
        %mul3A_1195 = vector.broadcast %mul3A_1194 : f32 to vector<16xf32>
        %mul3A_1196 = arith.mulf %mul3A_1195, %add3A_1182 : vector<16xf32>
        %mul3A_1197 = arith.mulf %mul3A_1196, %bitcast_convert_type3A_1193 : vector<16xf32>
        %mul3A_1198 = arith.mulf %mul3A_1197, %bitcast_convert_type3A_1193 : vector<16xf32>
        %sub3A_1199 = arith.constant 1.500000e+00 : f32
        %sub3A_1200 = vector.broadcast %sub3A_1199 : f32 to vector<16xf32>
        %sub3A_1201 = arith.subf %sub3A_1200, %mul3A_1198 : vector<16xf32>
        %mul3A_1202 = arith.mulf %bitcast_convert_type3A_1193, %sub3A_1201 : vector<16xf32>
        %mul3A_1203 = arith.constant 5.000000e-01 : f32
        %mul3A_1204 = vector.broadcast %mul3A_1203 : f32 to vector<16xf32>
        %mul3A_1205 = arith.mulf %mul3A_1204, %add3A_1182 : vector<16xf32>
        %mul3A_1206 = arith.mulf %mul3A_1205, %mul3A_1202 : vector<16xf32>
        %mul3A_1207 = arith.mulf %mul3A_1206, %mul3A_1202 : vector<16xf32>
        %sub3A_1208 = arith.constant 1.500000e+00 : f32
        %sub3A_1209 = vector.broadcast %sub3A_1208 : f32 to vector<16xf32>
        %sub3A_1210 = arith.subf %sub3A_1209, %mul3A_1207 : vector<16xf32>
        %mul3A_1211 = arith.mulf %mul3A_1202, %sub3A_1210 : vector<16xf32>
        %mul3A_1212 = arith.mulf %add3A_1185, %mul3A_1211 : vector<16xf32>
        %get3A_1213 = arith.constant 0 : i32
        %get3A_1214 = arith.index_cast %get3A_1213 : i32 to index
        %get3A_1215 = arith.index_cast %shift_right_arithmetic3A_975 : i32 to index
        %get3A_1216 = arith.index_cast %mul3A_979 : i32 to index
        %get3A_1217 = tpu.vector_load %arg8[%get3A_1214, %get3A_1215, %get3A_1216] {strides = array<i32>} : memref<2x8x256xf32, #tpu.memory_space<vmem>>, vector<1x1x16xf32>,
        %get3A_1218 = vector.shape_cast %get3A_1217 : vector<1x1x16xf32> to vector<16xf32>
        %sub3A_1219 = arith.subf %mul3A_1212, %get3A_1218 : vector<16xf32>
        %mul3A_1220 = arith.mulf %sub3A_1219, %sub3A_1219 : vector<16xf32>
        %add3A_1221 = arith.addf %scan3A_973, %mul3A_1220 : vector<16xf32>
        %scan3A_1222 = arith.constant 1 : i32
        %scan3A_1223 = arith.addi %scan3A_972, %scan3A_1222 : i32
        %shift_right_arithmetic3A_1224 = arith.constant 4 : i32
        %shift_right_arithmetic3A_1225 = arith.shrsi %scan3A_1223, %shift_right_arithmetic3A_1224 : i32
        %and3A_1226 = arith.constant 15 : i32
        %and3A_1227 = arith.andi %scan3A_1223, %and3A_1226 : i32
        %mul3A_1228 = arith.constant 16 : i32
        %mul3A_1229 = arith.muli %and3A_1227, %mul3A_1228 : i32
        %get3A_1230 = arith.constant 0 : i32
        %get3A_1231 = arith.constant 0 : i32
        %get3A_1232 = arith.index_cast %get3A_1230 : i32 to index
        %get3A_1233 = arith.index_cast %get3A_1231 : i32 to index
        %get3A_1234 = arith.index_cast %shift_right_arithmetic3A_1225 : i32 to index
        %get3A_1235 = arith.index_cast %mul3A_1229 : i32 to index
        %get3A_1236 = tpu.vector_load %arg7[%get3A_1232, %get3A_1233, %get3A_1234, %get3A_1235] {strides = array<i32>} : memref<2x16x8x256xf32, #tpu.memory_space<vmem>>, vector<1x1x1x16xf32>,
        %get3A_1237 = vector.shape_cast %get3A_1236 : vector<1x1x1x16xf32> to vector<16xf32>
        %mul3A_1238 = arith.mulf %get3A_1237, %get3A_1237 : vector<16xf32>
        %mul3A_1239 = vector.broadcast %squeeze3A_107 : f32 to vector<16xf32>
        %mul3A_1240 = arith.mulf %mul3A_1239, %get3A_1237 : vector<16xf32>
        %get3A_1241 = arith.constant 0 : i32
        %get3A_1242 = arith.constant 1 : i32
        %get3A_1243 = arith.index_cast %get3A_1241 : i32 to index
        %get3A_1244 = arith.index_cast %get3A_1242 : i32 to index
        %get3A_1245 = arith.index_cast %shift_right_arithmetic3A_1225 : i32 to index
        %get3A_1246 = arith.index_cast %mul3A_1229 : i32 to index
        %get3A_1247 = tpu.vector_load %arg7[%get3A_1243, %get3A_1244, %get3A_1245, %get3A_1246] {strides = array<i32>} : memref<2x16x8x256xf32, #tpu.memory_space<vmem>>, vector<1x1x1x16xf32>,
        %get3A_1248 = vector.shape_cast %get3A_1247 : vector<1x1x1x16xf32> to vector<16xf32>
        %mul3A_1249 = arith.mulf %get3A_1248, %get3A_1248 : vector<16xf32>
        %add3A_1250 = arith.addf %mul3A_1238, %mul3A_1249 : vector<16xf32>
        %mul3A_1251 = vector.broadcast %squeeze3A_109 : f32 to vector<16xf32>
        %mul3A_1252 = arith.mulf %mul3A_1251, %get3A_1248 : vector<16xf32>
        %add3A_1253 = arith.addf %mul3A_1240, %mul3A_1252 : vector<16xf32>
        %get3A_1254 = arith.constant 0 : i32
        %get3A_1255 = arith.constant 2 : i32
        %get3A_1256 = arith.index_cast %get3A_1254 : i32 to index
        %get3A_1257 = arith.index_cast %get3A_1255 : i32 to index
        %get3A_1258 = arith.index_cast %shift_right_arithmetic3A_1225 : i32 to index
        %get3A_1259 = arith.index_cast %mul3A_1229 : i32 to index
        %get3A_1260 = tpu.vector_load %arg7[%get3A_1256, %get3A_1257, %get3A_1258, %get3A_1259] {strides = array<i32>} : memref<2x16x8x256xf32, #tpu.memory_space<vmem>>, vector<1x1x1x16xf32>,
        %get3A_1261 = vector.shape_cast %get3A_1260 : vector<1x1x1x16xf32> to vector<16xf32>
        %mul3A_1262 = arith.mulf %get3A_1261, %get3A_1261 : vector<16xf32>
        %add3A_1263 = arith.addf %add3A_1250, %mul3A_1262 : vector<16xf32>
        %mul3A_1264 = vector.broadcast %squeeze3A_111 : f32 to vector<16xf32>
        %mul3A_1265 = arith.mulf %mul3A_1264, %get3A_1261 : vector<16xf32>
        %add3A_1266 = arith.addf %add3A_1253, %mul3A_1265 : vector<16xf32>
        %get3A_1267 = arith.constant 0 : i32
        %get3A_1268 = arith.constant 3 : i32
        %get3A_1269 = arith.index_cast %get3A_1267 : i32 to index
        %get3A_1270 = arith.index_cast %get3A_1268 : i32 to index
        %get3A_1271 = arith.index_cast %shift_right_arithmetic3A_1225 : i32 to index
        %get3A_1272 = arith.index_cast %mul3A_1229 : i32 to index
        %get3A_1273 = tpu.vector_load %arg7[%get3A_1269, %get3A_1270, %get3A_1271, %get3A_1272] {strides = array<i32>} : memref<2x16x8x256xf32, #tpu.memory_space<vmem>>, vector<1x1x1x16xf32>,
        %get3A_1274 = vector.shape_cast %get3A_1273 : vector<1x1x1x16xf32> to vector<16xf32>
        %mul3A_1275 = arith.mulf %get3A_1274, %get3A_1274 : vector<16xf32>
        %add3A_1276 = arith.addf %add3A_1263, %mul3A_1275 : vector<16xf32>
        %mul3A_1277 = vector.broadcast %squeeze3A_113 : f32 to vector<16xf32>
        %mul3A_1278 = arith.mulf %mul3A_1277, %get3A_1274 : vector<16xf32>
        %add3A_1279 = arith.addf %add3A_1266, %mul3A_1278 : vector<16xf32>
        %get3A_1280 = arith.constant 0 : i32
        %get3A_1281 = arith.constant 4 : i32
        %get3A_1282 = arith.index_cast %get3A_1280 : i32 to index
        %get3A_1283 = arith.index_cast %get3A_1281 : i32 to index
        %get3A_1284 = arith.index_cast %shift_right_arithmetic3A_1225 : i32 to index
        %get3A_1285 = arith.index_cast %mul3A_1229 : i32 to index
        %get3A_1286 = tpu.vector_load %arg7[%get3A_1282, %get3A_1283, %get3A_1284, %get3A_1285] {strides = array<i32>} : memref<2x16x8x256xf32, #tpu.memory_space<vmem>>, vector<1x1x1x16xf32>,
        %get3A_1287 = vector.shape_cast %get3A_1286 : vector<1x1x1x16xf32> to vector<16xf32>
        %mul3A_1288 = arith.mulf %get3A_1287, %get3A_1287 : vector<16xf32>
        %add3A_1289 = arith.addf %add3A_1276, %mul3A_1288 : vector<16xf32>
        %mul3A_1290 = vector.broadcast %squeeze3A_115 : f32 to vector<16xf32>
        %mul3A_1291 = arith.mulf %mul3A_1290, %get3A_1287 : vector<16xf32>
        %add3A_1292 = arith.addf %add3A_1279, %mul3A_1291 : vector<16xf32>
        %get3A_1293 = arith.constant 0 : i32
        %get3A_1294 = arith.constant 5 : i32
        %get3A_1295 = arith.index_cast %get3A_1293 : i32 to index
        %get3A_1296 = arith.index_cast %get3A_1294 : i32 to index
        %get3A_1297 = arith.index_cast %shift_right_arithmetic3A_1225 : i32 to index
        %get3A_1298 = arith.index_cast %mul3A_1229 : i32 to index
        %get3A_1299 = tpu.vector_load %arg7[%get3A_1295, %get3A_1296, %get3A_1297, %get3A_1298] {strides = array<i32>} : memref<2x16x8x256xf32, #tpu.memory_space<vmem>>, vector<1x1x1x16xf32>,
        %get3A_1300 = vector.shape_cast %get3A_1299 : vector<1x1x1x16xf32> to vector<16xf32>
        %mul3A_1301 = arith.mulf %get3A_1300, %get3A_1300 : vector<16xf32>
        %add3A_1302 = arith.addf %add3A_1289, %mul3A_1301 : vector<16xf32>
        %mul3A_1303 = vector.broadcast %squeeze3A_117 : f32 to vector<16xf32>
        %mul3A_1304 = arith.mulf %mul3A_1303, %get3A_1300 : vector<16xf32>
        %add3A_1305 = arith.addf %add3A_1292, %mul3A_1304 : vector<16xf32>
        %get3A_1306 = arith.constant 0 : i32
        %get3A_1307 = arith.constant 6 : i32
        %get3A_1308 = arith.index_cast %get3A_1306 : i32 to index
        %get3A_1309 = arith.index_cast %get3A_1307 : i32 to index
        %get3A_1310 = arith.index_cast %shift_right_arithmetic3A_1225 : i32 to index
        %get3A_1311 = arith.index_cast %mul3A_1229 : i32 to index
        %get3A_1312 = tpu.vector_load %arg7[%get3A_1308, %get3A_1309, %get3A_1310, %get3A_1311] {strides = array<i32>} : memref<2x16x8x256xf32, #tpu.memory_space<vmem>>, vector<1x1x1x16xf32>,
        %get3A_1313 = vector.shape_cast %get3A_1312 : vector<1x1x1x16xf32> to vector<16xf32>
        %mul3A_1314 = arith.mulf %get3A_1313, %get3A_1313 : vector<16xf32>
        %add3A_1315 = arith.addf %add3A_1302, %mul3A_1314 : vector<16xf32>
        %mul3A_1316 = vector.broadcast %squeeze3A_119 : f32 to vector<16xf32>
        %mul3A_1317 = arith.mulf %mul3A_1316, %get3A_1313 : vector<16xf32>
        %add3A_1318 = arith.addf %add3A_1305, %mul3A_1317 : vector<16xf32>
        %get3A_1319 = arith.constant 0 : i32
        %get3A_1320 = arith.constant 7 : i32
        %get3A_1321 = arith.index_cast %get3A_1319 : i32 to index
        %get3A_1322 = arith.index_cast %get3A_1320 : i32 to index
        %get3A_1323 = arith.index_cast %shift_right_arithmetic3A_1225 : i32 to index
        %get3A_1324 = arith.index_cast %mul3A_1229 : i32 to index
        %get3A_1325 = tpu.vector_load %arg7[%get3A_1321, %get3A_1322, %get3A_1323, %get3A_1324] {strides = array<i32>} : memref<2x16x8x256xf32, #tpu.memory_space<vmem>>, vector<1x1x1x16xf32>,
        %get3A_1326 = vector.shape_cast %get3A_1325 : vector<1x1x1x16xf32> to vector<16xf32>
        %mul3A_1327 = arith.mulf %get3A_1326, %get3A_1326 : vector<16xf32>
        %add3A_1328 = arith.addf %add3A_1315, %mul3A_1327 : vector<16xf32>
        %mul3A_1329 = vector.broadcast %squeeze3A_121 : f32 to vector<16xf32>
        %mul3A_1330 = arith.mulf %mul3A_1329, %get3A_1326 : vector<16xf32>
        %add3A_1331 = arith.addf %add3A_1318, %mul3A_1330 : vector<16xf32>
        %get3A_1332 = arith.constant 0 : i32
        %get3A_1333 = arith.constant 8 : i32
        %get3A_1334 = arith.index_cast %get3A_1332 : i32 to index
        %get3A_1335 = arith.index_cast %get3A_1333 : i32 to index
        %get3A_1336 = arith.index_cast %shift_right_arithmetic3A_1225 : i32 to index
        %get3A_1337 = arith.index_cast %mul3A_1229 : i32 to index
        %get3A_1338 = tpu.vector_load %arg7[%get3A_1334, %get3A_1335, %get3A_1336, %get3A_1337] {strides = array<i32>} : memref<2x16x8x256xf32, #tpu.memory_space<vmem>>, vector<1x1x1x16xf32>,
        %get3A_1339 = vector.shape_cast %get3A_1338 : vector<1x1x1x16xf32> to vector<16xf32>
        %mul3A_1340 = arith.mulf %get3A_1339, %get3A_1339 : vector<16xf32>
        %add3A_1341 = arith.addf %add3A_1328, %mul3A_1340 : vector<16xf32>
        %mul3A_1342 = vector.broadcast %squeeze3A_123 : f32 to vector<16xf32>
        %mul3A_1343 = arith.mulf %mul3A_1342, %get3A_1339 : vector<16xf32>
        %add3A_1344 = arith.addf %add3A_1331, %mul3A_1343 : vector<16xf32>
        %get3A_1345 = arith.constant 0 : i32
        %get3A_1346 = arith.constant 9 : i32
        %get3A_1347 = arith.index_cast %get3A_1345 : i32 to index
        %get3A_1348 = arith.index_cast %get3A_1346 : i32 to index
        %get3A_1349 = arith.index_cast %shift_right_arithmetic3A_1225 : i32 to index
        %get3A_1350 = arith.index_cast %mul3A_1229 : i32 to index
        %get3A_1351 = tpu.vector_load %arg7[%get3A_1347, %get3A_1348, %get3A_1349, %get3A_1350] {strides = array<i32>} : memref<2x16x8x256xf32, #tpu.memory_space<vmem>>, vector<1x1x1x16xf32>,
        %get3A_1352 = vector.shape_cast %get3A_1351 : vector<1x1x1x16xf32> to vector<16xf32>
        %mul3A_1353 = arith.mulf %get3A_1352, %get3A_1352 : vector<16xf32>
        %add3A_1354 = arith.addf %add3A_1341, %mul3A_1353 : vector<16xf32>
        %mul3A_1355 = vector.broadcast %squeeze3A_125 : f32 to vector<16xf32>
        %mul3A_1356 = arith.mulf %mul3A_1355, %get3A_1352 : vector<16xf32>
        %add3A_1357 = arith.addf %add3A_1344, %mul3A_1356 : vector<16xf32>
        %get3A_1358 = arith.constant 0 : i32
        %get3A_1359 = arith.constant 10 : i32
        %get3A_1360 = arith.index_cast %get3A_1358 : i32 to index
        %get3A_1361 = arith.index_cast %get3A_1359 : i32 to index
        %get3A_1362 = arith.index_cast %shift_right_arithmetic3A_1225 : i32 to index
        %get3A_1363 = arith.index_cast %mul3A_1229 : i32 to index
        %get3A_1364 = tpu.vector_load %arg7[%get3A_1360, %get3A_1361, %get3A_1362, %get3A_1363] {strides = array<i32>} : memref<2x16x8x256xf32, #tpu.memory_space<vmem>>, vector<1x1x1x16xf32>,
        %get3A_1365 = vector.shape_cast %get3A_1364 : vector<1x1x1x16xf32> to vector<16xf32>
        %mul3A_1366 = arith.mulf %get3A_1365, %get3A_1365 : vector<16xf32>
        %add3A_1367 = arith.addf %add3A_1354, %mul3A_1366 : vector<16xf32>
        %mul3A_1368 = vector.broadcast %squeeze3A_127 : f32 to vector<16xf32>
        %mul3A_1369 = arith.mulf %mul3A_1368, %get3A_1365 : vector<16xf32>
        %add3A_1370 = arith.addf %add3A_1357, %mul3A_1369 : vector<16xf32>
        %get3A_1371 = arith.constant 0 : i32
        %get3A_1372 = arith.constant 11 : i32
        %get3A_1373 = arith.index_cast %get3A_1371 : i32 to index
        %get3A_1374 = arith.index_cast %get3A_1372 : i32 to index
        %get3A_1375 = arith.index_cast %shift_right_arithmetic3A_1225 : i32 to index
        %get3A_1376 = arith.index_cast %mul3A_1229 : i32 to index
        %get3A_1377 = tpu.vector_load %arg7[%get3A_1373, %get3A_1374, %get3A_1375, %get3A_1376] {strides = array<i32>} : memref<2x16x8x256xf32, #tpu.memory_space<vmem>>, vector<1x1x1x16xf32>,
        %get3A_1378 = vector.shape_cast %get3A_1377 : vector<1x1x1x16xf32> to vector<16xf32>
        %mul3A_1379 = arith.mulf %get3A_1378, %get3A_1378 : vector<16xf32>
        %add3A_1380 = arith.addf %add3A_1367, %mul3A_1379 : vector<16xf32>
        %mul3A_1381 = vector.broadcast %squeeze3A_129 : f32 to vector<16xf32>
        %mul3A_1382 = arith.mulf %mul3A_1381, %get3A_1378 : vector<16xf32>
        %add3A_1383 = arith.addf %add3A_1370, %mul3A_1382 : vector<16xf32>
        %get3A_1384 = arith.constant 0 : i32
        %get3A_1385 = arith.constant 12 : i32
        %get3A_1386 = arith.index_cast %get3A_1384 : i32 to index
        %get3A_1387 = arith.index_cast %get3A_1385 : i32 to index
        %get3A_1388 = arith.index_cast %shift_right_arithmetic3A_1225 : i32 to index
        %get3A_1389 = arith.index_cast %mul3A_1229 : i32 to index
        %get3A_1390 = tpu.vector_load %arg7[%get3A_1386, %get3A_1387, %get3A_1388, %get3A_1389] {strides = array<i32>} : memref<2x16x8x256xf32, #tpu.memory_space<vmem>>, vector<1x1x1x16xf32>,
        %get3A_1391 = vector.shape_cast %get3A_1390 : vector<1x1x1x16xf32> to vector<16xf32>
        %mul3A_1392 = arith.mulf %get3A_1391, %get3A_1391 : vector<16xf32>
        %add3A_1393 = arith.addf %add3A_1380, %mul3A_1392 : vector<16xf32>
        %mul3A_1394 = vector.broadcast %squeeze3A_131 : f32 to vector<16xf32>
        %mul3A_1395 = arith.mulf %mul3A_1394, %get3A_1391 : vector<16xf32>
        %add3A_1396 = arith.addf %add3A_1383, %mul3A_1395 : vector<16xf32>
        %get3A_1397 = arith.constant 0 : i32
        %get3A_1398 = arith.constant 13 : i32
        %get3A_1399 = arith.index_cast %get3A_1397 : i32 to index
        %get3A_1400 = arith.index_cast %get3A_1398 : i32 to index
        %get3A_1401 = arith.index_cast %shift_right_arithmetic3A_1225 : i32 to index
        %get3A_1402 = arith.index_cast %mul3A_1229 : i32 to index
        %get3A_1403 = tpu.vector_load %arg7[%get3A_1399, %get3A_1400, %get3A_1401, %get3A_1402] {strides = array<i32>} : memref<2x16x8x256xf32, #tpu.memory_space<vmem>>, vector<1x1x1x16xf32>,
        %get3A_1404 = vector.shape_cast %get3A_1403 : vector<1x1x1x16xf32> to vector<16xf32>
        %mul3A_1405 = arith.mulf %get3A_1404, %get3A_1404 : vector<16xf32>
        %add3A_1406 = arith.addf %add3A_1393, %mul3A_1405 : vector<16xf32>
        %mul3A_1407 = vector.broadcast %squeeze3A_133 : f32 to vector<16xf32>
        %mul3A_1408 = arith.mulf %mul3A_1407, %get3A_1404 : vector<16xf32>
        %add3A_1409 = arith.addf %add3A_1396, %mul3A_1408 : vector<16xf32>
        %get3A_1410 = arith.constant 0 : i32
        %get3A_1411 = arith.constant 14 : i32
        %get3A_1412 = arith.index_cast %get3A_1410 : i32 to index
        %get3A_1413 = arith.index_cast %get3A_1411 : i32 to index
        %get3A_1414 = arith.index_cast %shift_right_arithmetic3A_1225 : i32 to index
        %get3A_1415 = arith.index_cast %mul3A_1229 : i32 to index
        %get3A_1416 = tpu.vector_load %arg7[%get3A_1412, %get3A_1413, %get3A_1414, %get3A_1415] {strides = array<i32>} : memref<2x16x8x256xf32, #tpu.memory_space<vmem>>, vector<1x1x1x16xf32>,
        %get3A_1417 = vector.shape_cast %get3A_1416 : vector<1x1x1x16xf32> to vector<16xf32>
        %mul3A_1418 = arith.mulf %get3A_1417, %get3A_1417 : vector<16xf32>
        %add3A_1419 = arith.addf %add3A_1406, %mul3A_1418 : vector<16xf32>
        %mul3A_1420 = vector.broadcast %squeeze3A_135 : f32 to vector<16xf32>
        %mul3A_1421 = arith.mulf %mul3A_1420, %get3A_1417 : vector<16xf32>
        %add3A_1422 = arith.addf %add3A_1409, %mul3A_1421 : vector<16xf32>
        %get3A_1423 = arith.constant 0 : i32
        %get3A_1424 = arith.constant 15 : i32
        %get3A_1425 = arith.index_cast %get3A_1423 : i32 to index
        %get3A_1426 = arith.index_cast %get3A_1424 : i32 to index
        %get3A_1427 = arith.index_cast %shift_right_arithmetic3A_1225 : i32 to index
        %get3A_1428 = arith.index_cast %mul3A_1229 : i32 to index
        %get3A_1429 = tpu.vector_load %arg7[%get3A_1425, %get3A_1426, %get3A_1427, %get3A_1428] {strides = array<i32>} : memref<2x16x8x256xf32, #tpu.memory_space<vmem>>, vector<1x1x1x16xf32>,
        %get3A_1430 = vector.shape_cast %get3A_1429 : vector<1x1x1x16xf32> to vector<16xf32>
        %mul3A_1431 = arith.mulf %get3A_1430, %get3A_1430 : vector<16xf32>
        %add3A_1432 = arith.addf %add3A_1419, %mul3A_1431 : vector<16xf32>
        %mul3A_1433 = vector.broadcast %squeeze3A_137 : f32 to vector<16xf32>
        %mul3A_1434 = arith.mulf %mul3A_1433, %get3A_1430 : vector<16xf32>
        %add3A_1435 = arith.addf %add3A_1422, %mul3A_1434 : vector<16xf32>
        %bitcast_convert_type3A_1436 = tpu.bitcast %add3A_1432 : vector<16xf32> -> vector<16xi32>
        %broadcast_in_dim3A_1437 = arith.constant 1597463007 : i32
        %broadcast_in_dim3A_1438 = vector.broadcast %broadcast_in_dim3A_1437 : i32 to vector<16xi32>
        %shift_right_arithmetic3A_1439 = arith.constant 1 : i32
        %shift_right_arithmetic3A_1440 = vector.broadcast %shift_right_arithmetic3A_1439 : i32 to vector<16xi32>
        %shift_right_arithmetic3A_1441 = arith.shrsi %bitcast_convert_type3A_1436, %shift_right_arithmetic3A_1440 : vector<16xi32>
        %sub3A_1442 = arith.subi %broadcast_in_dim3A_1438, %shift_right_arithmetic3A_1441 : vector<16xi32>
        %bitcast_convert_type3A_1443 = tpu.bitcast %sub3A_1442 : vector<16xi32> -> vector<16xf32>
        %mul3A_1444 = arith.constant 5.000000e-01 : f32
        %mul3A_1445 = vector.broadcast %mul3A_1444 : f32 to vector<16xf32>
        %mul3A_1446 = arith.mulf %mul3A_1445, %add3A_1432 : vector<16xf32>
        %mul3A_1447 = arith.mulf %mul3A_1446, %bitcast_convert_type3A_1443 : vector<16xf32>
        %mul3A_1448 = arith.mulf %mul3A_1447, %bitcast_convert_type3A_1443 : vector<16xf32>
        %sub3A_1449 = arith.constant 1.500000e+00 : f32
        %sub3A_1450 = vector.broadcast %sub3A_1449 : f32 to vector<16xf32>
        %sub3A_1451 = arith.subf %sub3A_1450, %mul3A_1448 : vector<16xf32>
        %mul3A_1452 = arith.mulf %bitcast_convert_type3A_1443, %sub3A_1451 : vector<16xf32>
        %mul3A_1453 = arith.constant 5.000000e-01 : f32
        %mul3A_1454 = vector.broadcast %mul3A_1453 : f32 to vector<16xf32>
        %mul3A_1455 = arith.mulf %mul3A_1454, %add3A_1432 : vector<16xf32>
        %mul3A_1456 = arith.mulf %mul3A_1455, %mul3A_1452 : vector<16xf32>
        %mul3A_1457 = arith.mulf %mul3A_1456, %mul3A_1452 : vector<16xf32>
        %sub3A_1458 = arith.constant 1.500000e+00 : f32
        %sub3A_1459 = vector.broadcast %sub3A_1458 : f32 to vector<16xf32>
        %sub3A_1460 = arith.subf %sub3A_1459, %mul3A_1457 : vector<16xf32>
        %mul3A_1461 = arith.mulf %mul3A_1452, %sub3A_1460 : vector<16xf32>
        %mul3A_1462 = arith.mulf %add3A_1435, %mul3A_1461 : vector<16xf32>
        %get3A_1463 = arith.constant 0 : i32
        %get3A_1464 = arith.index_cast %get3A_1463 : i32 to index
        %get3A_1465 = arith.index_cast %shift_right_arithmetic3A_1225 : i32 to index
        %get3A_1466 = arith.index_cast %mul3A_1229 : i32 to index
        %get3A_1467 = tpu.vector_load %arg8[%get3A_1464, %get3A_1465, %get3A_1466] {strides = array<i32>} : memref<2x8x256xf32, #tpu.memory_space<vmem>>, vector<1x1x16xf32>,
        %get3A_1468 = vector.shape_cast %get3A_1467 : vector<1x1x16xf32> to vector<16xf32>
        %sub3A_1469 = arith.subf %mul3A_1462, %get3A_1468 : vector<16xf32>
        %mul3A_1470 = arith.mulf %sub3A_1469, %sub3A_1469 : vector<16xf32>
        %add3A_1471 = arith.addf %add3A_1221, %mul3A_1470 : vector<16xf32>
        scf.yield %add3A_1471 : vector<16xf32>
      }
      %scan3A_692 = arith.constant 128 : i32
      %add3A_693 = arith.constant 1 : i32
      %add3A_694 = arith.addi %add3A_417, %add3A_693 : i32
      %add3A_695 = arith.constant 1 : i32
      %add3A_696 = arith.addi %add3A_694, %add3A_695 : i32
      %lt3A_697 = arith.constant 6 : i32
      %lt3A_698 = arith.cmpi slt, %add3A_696, %lt3A_697 : i32
      %convert_element_type3A_699 = arith.extui %lt3A_698 : i1 to i32
      %cond3A_700 = arith.constant 0 : i32
      %cond3A_701 = arith.cmpi ne, %convert_element_type3A_699, %cond3A_700 : i32
      scf.if %cond3A_701 {
        %add3A_972 = arith.constant 1 : i32
        %add3A_973 = arith.addi %add3A_694, %add3A_972 : i32
        %mul3A_974 = arith.constant 6 : i32
        %mul3A_975 = arith.muli %add3A, %mul3A_974 : i32
        %add3A_976 = arith.addi %mul3A_975, %add3A_973 : i32
        %shift_right_arithmetic3A_977 = arith.constant 2 : i32
        %shift_right_arithmetic3A_978 = arith.shrsi %add3A_976, %shift_right_arithmetic3A_977 : i32
        %add3A_979 = arith.constant 80 : i32
        %add3A_980 = arith.addi %add3A_979, %shift_right_arithmetic3A_978 : i32
        %mul3A_981 = arith.constant 8 : i32
        %mul3A_982 = arith.muli %add3A_980, %mul3A_981 : i32
        %and3A_983 = arith.constant 3 : i32
        %and3A_984 = arith.andi %add3A_976, %and3A_983 : i32
        %mul3A_985 = arith.constant 256 : i32
        %mul3A_986 = arith.muli %and3A_984, %mul3A_985 : i32
        %dma_start3A_987 = arith.constant 0 : i32
        %dma_start3A_988 = arith.constant 0 : i32
        %dma_start3A_989 = arith.constant 0 : i32
        %dma_start3A_990 = arith.constant 0 : i32
        %dma_start3A_991 = arith.constant 0 : i32
        %dma_start3A_992 = tpu.memref_slice %arg7[%dma_start3A_988, %dma_start3A_989, %dma_start3A_990, %dma_start3A_991] : memref<2x16x8x256xf32, #tpu.memory_space<vmem>> -> memref<1x1x8x256xf32, #tpu.memory_space<vmem>>
        %dma_start3A_993 = tpu.memref_squeeze %dma_start3A_992 : memref<1x1x8x256xf32, #tpu.memory_space<vmem>> -> memref<8x256xf32, #tpu.memory_space<vmem>>
        %dma_start3A_994 = tpu.memref_slice %arg2[%dma_start3A_987, %mul3A_982, %mul3A_986] : memref<16x1024x1024xf32, #tpu.memory_space<hbm>> -> memref<1x8x256xf32, #tpu.memory_space<hbm>>
        %dma_start3A_995 = tpu.memref_squeeze %dma_start3A_994 : memref<1x8x256xf32, #tpu.memory_space<hbm>> -> memref<8x256xf32, #tpu.memory_space<hbm>>
        %dma_start3A_996 = arith.constant 0 : i32
        %dma_start3A_997 = arith.constant 0 : i32
        %dma_start3A_998 = tpu.memref_slice %arg7[%dma_start3A_988, %dma_start3A_989, %dma_start3A_996, %dma_start3A_997] : memref<2x16x8x256xf32, #tpu.memory_space<vmem>> -> memref<1x1x8x256xf32, #tpu.memory_space<vmem>>
        %dma_start3A_999 = tpu.memref_squeeze %dma_start3A_998 : memref<1x1x8x256xf32, #tpu.memory_space<vmem>> -> memref<8x256xf32, #tpu.memory_space<vmem>>
        %dma_start3A_1000 = tpu.memref_slice %arg2[%dma_start3A_987, %mul3A_982, %mul3A_986] : memref<16x1024x1024xf32, #tpu.memory_space<hbm>> -> memref<1x8x256xf32, #tpu.memory_space<hbm>>
        %dma_start3A_1001 = tpu.memref_squeeze %dma_start3A_1000 : memref<1x8x256xf32, #tpu.memory_space<hbm>> -> memref<8x256xf32, #tpu.memory_space<hbm>>
        tpu.enqueue_dma source(%dma_start3A_1001 : memref<8x256xf32, #tpu.memory_space<hbm>>) target(%dma_start3A_999 : memref<8x256xf32, #tpu.memory_space<vmem>>) target_semaphore(%arg10 : memref<!tpu.dma_semaphore, #tpu.memory_space<semaphore_mem>>)
        %dma_start3A_1002 = arith.constant 1 : i32
        %dma_start3A_1003 = arith.constant 0 : i32
        %dma_start3A_1004 = arith.constant 1 : i32
        %dma_start3A_1005 = arith.constant 0 : i32
        %dma_start3A_1006 = arith.constant 0 : i32
        %dma_start3A_1007 = tpu.memref_slice %arg7[%dma_start3A_1003, %dma_start3A_1004, %dma_start3A_1005, %dma_start3A_1006] : memref<2x16x8x256xf32, #tpu.memory_space<vmem>> -> memref<1x1x8x256xf32, #tpu.memory_space<vmem>>
        %dma_start3A_1008 = tpu.memref_squeeze %dma_start3A_1007 : memref<1x1x8x256xf32, #tpu.memory_space<vmem>> -> memref<8x256xf32, #tpu.memory_space<vmem>>
        %dma_start3A_1009 = tpu.memref_slice %arg2[%dma_start3A_1002, %mul3A_982, %mul3A_986] : memref<16x1024x1024xf32, #tpu.memory_space<hbm>> -> memref<1x8x256xf32, #tpu.memory_space<hbm>>
        %dma_start3A_1010 = tpu.memref_squeeze %dma_start3A_1009 : memref<1x8x256xf32, #tpu.memory_space<hbm>> -> memref<8x256xf32, #tpu.memory_space<hbm>>
        %dma_start3A_1011 = arith.constant 0 : i32
        %dma_start3A_1012 = arith.constant 0 : i32
        %dma_start3A_1013 = tpu.memref_slice %arg7[%dma_start3A_1003, %dma_start3A_1004, %dma_start3A_1011, %dma_start3A_1012] : memref<2x16x8x256xf32, #tpu.memory_space<vmem>> -> memref<1x1x8x256xf32, #tpu.memory_space<vmem>>
        %dma_start3A_1014 = tpu.memref_squeeze %dma_start3A_1013 : memref<1x1x8x256xf32, #tpu.memory_space<vmem>> -> memref<8x256xf32, #tpu.memory_space<vmem>>
        %dma_start3A_1015 = tpu.memref_slice %arg2[%dma_start3A_1002, %mul3A_982, %mul3A_986] : memref<16x1024x1024xf32, #tpu.memory_space<hbm>> -> memref<1x8x256xf32, #tpu.memory_space<hbm>>
        %dma_start3A_1016 = tpu.memref_squeeze %dma_start3A_1015 : memref<1x8x256xf32, #tpu.memory_space<hbm>> -> memref<8x256xf32, #tpu.memory_space<hbm>>
        tpu.enqueue_dma source(%dma_start3A_1016 : memref<8x256xf32, #tpu.memory_space<hbm>>) target(%dma_start3A_1014 : memref<8x256xf32, #tpu.memory_space<vmem>>) target_semaphore(%arg10 : memref<!tpu.dma_semaphore, #tpu.memory_space<semaphore_mem>>)
        %dma_start3A_1017 = arith.constant 2 : i32
        %dma_start3A_1018 = arith.constant 0 : i32
        %dma_start3A_1019 = arith.constant 2 : i32
        %dma_start3A_1020 = arith.constant 0 : i32
        %dma_start3A_1021 = arith.constant 0 : i32
        %dma_start3A_1022 = tpu.memref_slice %arg7[%dma_start3A_1018, %dma_start3A_1019, %dma_start3A_1020, %dma_start3A_1021] : memref<2x16x8x256xf32, #tpu.memory_space<vmem>> -> memref<1x1x8x256xf32, #tpu.memory_space<vmem>>
        %dma_start3A_1023 = tpu.memref_squeeze %dma_start3A_1022 : memref<1x1x8x256xf32, #tpu.memory_space<vmem>> -> memref<8x256xf32, #tpu.memory_space<vmem>>
        %dma_start3A_1024 = tpu.memref_slice %arg2[%dma_start3A_1017, %mul3A_982, %mul3A_986] : memref<16x1024x1024xf32, #tpu.memory_space<hbm>> -> memref<1x8x256xf32, #tpu.memory_space<hbm>>
        %dma_start3A_1025 = tpu.memref_squeeze %dma_start3A_1024 : memref<1x8x256xf32, #tpu.memory_space<hbm>> -> memref<8x256xf32, #tpu.memory_space<hbm>>
        %dma_start3A_1026 = arith.constant 0 : i32
        %dma_start3A_1027 = arith.constant 0 : i32
        %dma_start3A_1028 = tpu.memref_slice %arg7[%dma_start3A_1018, %dma_start3A_1019, %dma_start3A_1026, %dma_start3A_1027] : memref<2x16x8x256xf32, #tpu.memory_space<vmem>> -> memref<1x1x8x256xf32, #tpu.memory_space<vmem>>
        %dma_start3A_1029 = tpu.memref_squeeze %dma_start3A_1028 : memref<1x1x8x256xf32, #tpu.memory_space<vmem>> -> memref<8x256xf32, #tpu.memory_space<vmem>>
        %dma_start3A_1030 = tpu.memref_slice %arg2[%dma_start3A_1017, %mul3A_982, %mul3A_986] : memref<16x1024x1024xf32, #tpu.memory_space<hbm>> -> memref<1x8x256xf32, #tpu.memory_space<hbm>>
        %dma_start3A_1031 = tpu.memref_squeeze %dma_start3A_1030 : memref<1x8x256xf32, #tpu.memory_space<hbm>> -> memref<8x256xf32, #tpu.memory_space<hbm>>
        tpu.enqueue_dma source(%dma_start3A_1031 : memref<8x256xf32, #tpu.memory_space<hbm>>) target(%dma_start3A_1029 : memref<8x256xf32, #tpu.memory_space<vmem>>) target_semaphore(%arg10 : memref<!tpu.dma_semaphore, #tpu.memory_space<semaphore_mem>>)
        %dma_start3A_1032 = arith.constant 3 : i32
        %dma_start3A_1033 = arith.constant 0 : i32
        %dma_start3A_1034 = arith.constant 3 : i32
        %dma_start3A_1035 = arith.constant 0 : i32
        %dma_start3A_1036 = arith.constant 0 : i32
        %dma_start3A_1037 = tpu.memref_slice %arg7[%dma_start3A_1033, %dma_start3A_1034, %dma_start3A_1035, %dma_start3A_1036] : memref<2x16x8x256xf32, #tpu.memory_space<vmem>> -> memref<1x1x8x256xf32, #tpu.memory_space<vmem>>
        %dma_start3A_1038 = tpu.memref_squeeze %dma_start3A_1037 : memref<1x1x8x256xf32, #tpu.memory_space<vmem>> -> memref<8x256xf32, #tpu.memory_space<vmem>>
        %dma_start3A_1039 = tpu.memref_slice %arg2[%dma_start3A_1032, %mul3A_982, %mul3A_986] : memref<16x1024x1024xf32, #tpu.memory_space<hbm>> -> memref<1x8x256xf32, #tpu.memory_space<hbm>>
        %dma_start3A_1040 = tpu.memref_squeeze %dma_start3A_1039 : memref<1x8x256xf32, #tpu.memory_space<hbm>> -> memref<8x256xf32, #tpu.memory_space<hbm>>
        %dma_start3A_1041 = arith.constant 0 : i32
        %dma_start3A_1042 = arith.constant 0 : i32
        %dma_start3A_1043 = tpu.memref_slice %arg7[%dma_start3A_1033, %dma_start3A_1034, %dma_start3A_1041, %dma_start3A_1042] : memref<2x16x8x256xf32, #tpu.memory_space<vmem>> -> memref<1x1x8x256xf32, #tpu.memory_space<vmem>>
        %dma_start3A_1044 = tpu.memref_squeeze %dma_start3A_1043 : memref<1x1x8x256xf32, #tpu.memory_space<vmem>> -> memref<8x256xf32, #tpu.memory_space<vmem>>
        %dma_start3A_1045 = tpu.memref_slice %arg2[%dma_start3A_1032, %mul3A_982, %mul3A_986] : memref<16x1024x1024xf32, #tpu.memory_space<hbm>> -> memref<1x8x256xf32, #tpu.memory_space<hbm>>
        %dma_start3A_1046 = tpu.memref_squeeze %dma_start3A_1045 : memref<1x8x256xf32, #tpu.memory_space<hbm>> -> memref<8x256xf32, #tpu.memory_space<hbm>>
        tpu.enqueue_dma source(%dma_start3A_1046 : memref<8x256xf32, #tpu.memory_space<hbm>>) target(%dma_start3A_1044 : memref<8x256xf32, #tpu.memory_space<vmem>>) target_semaphore(%arg10 : memref<!tpu.dma_semaphore, #tpu.memory_space<semaphore_mem>>)
        %dma_start3A_1047 = arith.constant 4 : i32
        %dma_start3A_1048 = arith.constant 0 : i32
        %dma_start3A_1049 = arith.constant 4 : i32
        %dma_start3A_1050 = arith.constant 0 : i32
        %dma_start3A_1051 = arith.constant 0 : i32
        %dma_start3A_1052 = tpu.memref_slice %arg7[%dma_start3A_1048, %dma_start3A_1049, %dma_start3A_1050, %dma_start3A_1051] : memref<2x16x8x256xf32, #tpu.memory_space<vmem>> -> memref<1x1x8x256xf32, #tpu.memory_space<vmem>>
        %dma_start3A_1053 = tpu.memref_squeeze %dma_start3A_1052 : memref<1x1x8x256xf32, #tpu.memory_space<vmem>> -> memref<8x256xf32, #tpu.memory_space<vmem>>
        %dma_start3A_1054 = tpu.memref_slice %arg2[%dma_start3A_1047, %mul3A_982, %mul3A_986] : memref<16x1024x1024xf32, #tpu.memory_space<hbm>> -> memref<1x8x256xf32, #tpu.memory_space<hbm>>
        %dma_start3A_1055 = tpu.memref_squeeze %dma_start3A_1054 : memref<1x8x256xf32, #tpu.memory_space<hbm>> -> memref<8x256xf32, #tpu.memory_space<hbm>>
        %dma_start3A_1056 = arith.constant 0 : i32
        %dma_start3A_1057 = arith.constant 0 : i32
        %dma_start3A_1058 = tpu.memref_slice %arg7[%dma_start3A_1048, %dma_start3A_1049, %dma_start3A_1056, %dma_start3A_1057] : memref<2x16x8x256xf32, #tpu.memory_space<vmem>> -> memref<1x1x8x256xf32, #tpu.memory_space<vmem>>
        %dma_start3A_1059 = tpu.memref_squeeze %dma_start3A_1058 : memref<1x1x8x256xf32, #tpu.memory_space<vmem>> -> memref<8x256xf32, #tpu.memory_space<vmem>>
        %dma_start3A_1060 = tpu.memref_slice %arg2[%dma_start3A_1047, %mul3A_982, %mul3A_986] : memref<16x1024x1024xf32, #tpu.memory_space<hbm>> -> memref<1x8x256xf32, #tpu.memory_space<hbm>>
        %dma_start3A_1061 = tpu.memref_squeeze %dma_start3A_1060 : memref<1x8x256xf32, #tpu.memory_space<hbm>> -> memref<8x256xf32, #tpu.memory_space<hbm>>
        tpu.enqueue_dma source(%dma_start3A_1061 : memref<8x256xf32, #tpu.memory_space<hbm>>) target(%dma_start3A_1059 : memref<8x256xf32, #tpu.memory_space<vmem>>) target_semaphore(%arg10 : memref<!tpu.dma_semaphore, #tpu.memory_space<semaphore_mem>>)
        %dma_start3A_1062 = arith.constant 5 : i32
        %dma_start3A_1063 = arith.constant 0 : i32
        %dma_start3A_1064 = arith.constant 5 : i32
        %dma_start3A_1065 = arith.constant 0 : i32
        %dma_start3A_1066 = arith.constant 0 : i32
        %dma_start3A_1067 = tpu.memref_slice %arg7[%dma_start3A_1063, %dma_start3A_1064, %dma_start3A_1065, %dma_start3A_1066] : memref<2x16x8x256xf32, #tpu.memory_space<vmem>> -> memref<1x1x8x256xf32, #tpu.memory_space<vmem>>
        %dma_start3A_1068 = tpu.memref_squeeze %dma_start3A_1067 : memref<1x1x8x256xf32, #tpu.memory_space<vmem>> -> memref<8x256xf32, #tpu.memory_space<vmem>>
        %dma_start3A_1069 = tpu.memref_slice %arg2[%dma_start3A_1062, %mul3A_982, %mul3A_986] : memref<16x1024x1024xf32, #tpu.memory_space<hbm>> -> memref<1x8x256xf32, #tpu.memory_space<hbm>>
        %dma_start3A_1070 = tpu.memref_squeeze %dma_start3A_1069 : memref<1x8x256xf32, #tpu.memory_space<hbm>> -> memref<8x256xf32, #tpu.memory_space<hbm>>
        %dma_start3A_1071 = arith.constant 0 : i32
        %dma_start3A_1072 = arith.constant 0 : i32
        %dma_start3A_1073 = tpu.memref_slice %arg7[%dma_start3A_1063, %dma_start3A_1064, %dma_start3A_1071, %dma_start3A_1072] : memref<2x16x8x256xf32, #tpu.memory_space<vmem>> -> memref<1x1x8x256xf32, #tpu.memory_space<vmem>>
        %dma_start3A_1074 = tpu.memref_squeeze %dma_start3A_1073 : memref<1x1x8x256xf32, #tpu.memory_space<vmem>> -> memref<8x256xf32, #tpu.memory_space<vmem>>
        %dma_start3A_1075 = tpu.memref_slice %arg2[%dma_start3A_1062, %mul3A_982, %mul3A_986] : memref<16x1024x1024xf32, #tpu.memory_space<hbm>> -> memref<1x8x256xf32, #tpu.memory_space<hbm>>
        %dma_start3A_1076 = tpu.memref_squeeze %dma_start3A_1075 : memref<1x8x256xf32, #tpu.memory_space<hbm>> -> memref<8x256xf32, #tpu.memory_space<hbm>>
        tpu.enqueue_dma source(%dma_start3A_1076 : memref<8x256xf32, #tpu.memory_space<hbm>>) target(%dma_start3A_1074 : memref<8x256xf32, #tpu.memory_space<vmem>>) target_semaphore(%arg10 : memref<!tpu.dma_semaphore, #tpu.memory_space<semaphore_mem>>)
        %dma_start3A_1077 = arith.constant 6 : i32
        %dma_start3A_1078 = arith.constant 0 : i32
        %dma_start3A_1079 = arith.constant 6 : i32
        %dma_start3A_1080 = arith.constant 0 : i32
        %dma_start3A_1081 = arith.constant 0 : i32
        %dma_start3A_1082 = tpu.memref_slice %arg7[%dma_start3A_1078, %dma_start3A_1079, %dma_start3A_1080, %dma_start3A_1081] : memref<2x16x8x256xf32, #tpu.memory_space<vmem>> -> memref<1x1x8x256xf32, #tpu.memory_space<vmem>>
        %dma_start3A_1083 = tpu.memref_squeeze %dma_start3A_1082 : memref<1x1x8x256xf32, #tpu.memory_space<vmem>> -> memref<8x256xf32, #tpu.memory_space<vmem>>
        %dma_start3A_1084 = tpu.memref_slice %arg2[%dma_start3A_1077, %mul3A_982, %mul3A_986] : memref<16x1024x1024xf32, #tpu.memory_space<hbm>> -> memref<1x8x256xf32, #tpu.memory_space<hbm>>
        %dma_start3A_1085 = tpu.memref_squeeze %dma_start3A_1084 : memref<1x8x256xf32, #tpu.memory_space<hbm>> -> memref<8x256xf32, #tpu.memory_space<hbm>>
        %dma_start3A_1086 = arith.constant 0 : i32
        %dma_start3A_1087 = arith.constant 0 : i32
        %dma_start3A_1088 = tpu.memref_slice %arg7[%dma_start3A_1078, %dma_start3A_1079, %dma_start3A_1086, %dma_start3A_1087] : memref<2x16x8x256xf32, #tpu.memory_space<vmem>> -> memref<1x1x8x256xf32, #tpu.memory_space<vmem>>
        %dma_start3A_1089 = tpu.memref_squeeze %dma_start3A_1088 : memref<1x1x8x256xf32, #tpu.memory_space<vmem>> -> memref<8x256xf32, #tpu.memory_space<vmem>>
        %dma_start3A_1090 = tpu.memref_slice %arg2[%dma_start3A_1077, %mul3A_982, %mul3A_986] : memref<16x1024x1024xf32, #tpu.memory_space<hbm>> -> memref<1x8x256xf32, #tpu.memory_space<hbm>>
        %dma_start3A_1091 = tpu.memref_squeeze %dma_start3A_1090 : memref<1x8x256xf32, #tpu.memory_space<hbm>> -> memref<8x256xf32, #tpu.memory_space<hbm>>
        tpu.enqueue_dma source(%dma_start3A_1091 : memref<8x256xf32, #tpu.memory_space<hbm>>) target(%dma_start3A_1089 : memref<8x256xf32, #tpu.memory_space<vmem>>) target_semaphore(%arg10 : memref<!tpu.dma_semaphore, #tpu.memory_space<semaphore_mem>>)
        %dma_start3A_1092 = arith.constant 7 : i32
        %dma_start3A_1093 = arith.constant 0 : i32
        %dma_start3A_1094 = arith.constant 7 : i32
        %dma_start3A_1095 = arith.constant 0 : i32
        %dma_start3A_1096 = arith.constant 0 : i32
        %dma_start3A_1097 = tpu.memref_slice %arg7[%dma_start3A_1093, %dma_start3A_1094, %dma_start3A_1095, %dma_start3A_1096] : memref<2x16x8x256xf32, #tpu.memory_space<vmem>> -> memref<1x1x8x256xf32, #tpu.memory_space<vmem>>
        %dma_start3A_1098 = tpu.memref_squeeze %dma_start3A_1097 : memref<1x1x8x256xf32, #tpu.memory_space<vmem>> -> memref<8x256xf32, #tpu.memory_space<vmem>>
        %dma_start3A_1099 = tpu.memref_slice %arg2[%dma_start3A_1092, %mul3A_982, %mul3A_986] : memref<16x1024x1024xf32, #tpu.memory_space<hbm>> -> memref<1x8x256xf32, #tpu.memory_space<hbm>>
        %dma_start3A_1100 = tpu.memref_squeeze %dma_start3A_1099 : memref<1x8x256xf32, #tpu.memory_space<hbm>> -> memref<8x256xf32, #tpu.memory_space<hbm>>
        %dma_start3A_1101 = arith.constant 0 : i32
        %dma_start3A_1102 = arith.constant 0 : i32
        %dma_start3A_1103 = tpu.memref_slice %arg7[%dma_start3A_1093, %dma_start3A_1094, %dma_start3A_1101, %dma_start3A_1102] : memref<2x16x8x256xf32, #tpu.memory_space<vmem>> -> memref<1x1x8x256xf32, #tpu.memory_space<vmem>>
        %dma_start3A_1104 = tpu.memref_squeeze %dma_start3A_1103 : memref<1x1x8x256xf32, #tpu.memory_space<vmem>> -> memref<8x256xf32, #tpu.memory_space<vmem>>
        %dma_start3A_1105 = tpu.memref_slice %arg2[%dma_start3A_1092, %mul3A_982, %mul3A_986] : memref<16x1024x1024xf32, #tpu.memory_space<hbm>> -> memref<1x8x256xf32, #tpu.memory_space<hbm>>
        %dma_start3A_1106 = tpu.memref_squeeze %dma_start3A_1105 : memref<1x8x256xf32, #tpu.memory_space<hbm>> -> memref<8x256xf32, #tpu.memory_space<hbm>>
        tpu.enqueue_dma source(%dma_start3A_1106 : memref<8x256xf32, #tpu.memory_space<hbm>>) target(%dma_start3A_1104 : memref<8x256xf32, #tpu.memory_space<vmem>>) target_semaphore(%arg10 : memref<!tpu.dma_semaphore, #tpu.memory_space<semaphore_mem>>)
        %dma_start3A_1107 = arith.constant 8 : i32
        %dma_start3A_1108 = arith.constant 0 : i32
        %dma_start3A_1109 = arith.constant 8 : i32
        %dma_start3A_1110 = arith.constant 0 : i32
        %dma_start3A_1111 = arith.constant 0 : i32
        %dma_start3A_1112 = tpu.memref_slice %arg7[%dma_start3A_1108, %dma_start3A_1109, %dma_start3A_1110, %dma_start3A_1111] : memref<2x16x8x256xf32, #tpu.memory_space<vmem>> -> memref<1x1x8x256xf32, #tpu.memory_space<vmem>>
        %dma_start3A_1113 = tpu.memref_squeeze %dma_start3A_1112 : memref<1x1x8x256xf32, #tpu.memory_space<vmem>> -> memref<8x256xf32, #tpu.memory_space<vmem>>
        %dma_start3A_1114 = tpu.memref_slice %arg2[%dma_start3A_1107, %mul3A_982, %mul3A_986] : memref<16x1024x1024xf32, #tpu.memory_space<hbm>> -> memref<1x8x256xf32, #tpu.memory_space<hbm>>
        %dma_start3A_1115 = tpu.memref_squeeze %dma_start3A_1114 : memref<1x8x256xf32, #tpu.memory_space<hbm>> -> memref<8x256xf32, #tpu.memory_space<hbm>>
        %dma_start3A_1116 = arith.constant 0 : i32
        %dma_start3A_1117 = arith.constant 0 : i32
        %dma_start3A_1118 = tpu.memref_slice %arg7[%dma_start3A_1108, %dma_start3A_1109, %dma_start3A_1116, %dma_start3A_1117] : memref<2x16x8x256xf32, #tpu.memory_space<vmem>> -> memref<1x1x8x256xf32, #tpu.memory_space<vmem>>
        %dma_start3A_1119 = tpu.memref_squeeze %dma_start3A_1118 : memref<1x1x8x256xf32, #tpu.memory_space<vmem>> -> memref<8x256xf32, #tpu.memory_space<vmem>>
        %dma_start3A_1120 = tpu.memref_slice %arg2[%dma_start3A_1107, %mul3A_982, %mul3A_986] : memref<16x1024x1024xf32, #tpu.memory_space<hbm>> -> memref<1x8x256xf32, #tpu.memory_space<hbm>>
        %dma_start3A_1121 = tpu.memref_squeeze %dma_start3A_1120 : memref<1x8x256xf32, #tpu.memory_space<hbm>> -> memref<8x256xf32, #tpu.memory_space<hbm>>
        tpu.enqueue_dma source(%dma_start3A_1121 : memref<8x256xf32, #tpu.memory_space<hbm>>) target(%dma_start3A_1119 : memref<8x256xf32, #tpu.memory_space<vmem>>) target_semaphore(%arg10 : memref<!tpu.dma_semaphore, #tpu.memory_space<semaphore_mem>>)
        %dma_start3A_1122 = arith.constant 9 : i32
        %dma_start3A_1123 = arith.constant 0 : i32
        %dma_start3A_1124 = arith.constant 9 : i32
        %dma_start3A_1125 = arith.constant 0 : i32
        %dma_start3A_1126 = arith.constant 0 : i32
        %dma_start3A_1127 = tpu.memref_slice %arg7[%dma_start3A_1123, %dma_start3A_1124, %dma_start3A_1125, %dma_start3A_1126] : memref<2x16x8x256xf32, #tpu.memory_space<vmem>> -> memref<1x1x8x256xf32, #tpu.memory_space<vmem>>
        %dma_start3A_1128 = tpu.memref_squeeze %dma_start3A_1127 : memref<1x1x8x256xf32, #tpu.memory_space<vmem>> -> memref<8x256xf32, #tpu.memory_space<vmem>>
        %dma_start3A_1129 = tpu.memref_slice %arg2[%dma_start3A_1122, %mul3A_982, %mul3A_986] : memref<16x1024x1024xf32, #tpu.memory_space<hbm>> -> memref<1x8x256xf32, #tpu.memory_space<hbm>>
        %dma_start3A_1130 = tpu.memref_squeeze %dma_start3A_1129 : memref<1x8x256xf32, #tpu.memory_space<hbm>> -> memref<8x256xf32, #tpu.memory_space<hbm>>
        %dma_start3A_1131 = arith.constant 0 : i32
        %dma_start3A_1132 = arith.constant 0 : i32
        %dma_start3A_1133 = tpu.memref_slice %arg7[%dma_start3A_1123, %dma_start3A_1124, %dma_start3A_1131, %dma_start3A_1132] : memref<2x16x8x256xf32, #tpu.memory_space<vmem>> -> memref<1x1x8x256xf32, #tpu.memory_space<vmem>>
        %dma_start3A_1134 = tpu.memref_squeeze %dma_start3A_1133 : memref<1x1x8x256xf32, #tpu.memory_space<vmem>> -> memref<8x256xf32, #tpu.memory_space<vmem>>
        %dma_start3A_1135 = tpu.memref_slice %arg2[%dma_start3A_1122, %mul3A_982, %mul3A_986] : memref<16x1024x1024xf32, #tpu.memory_space<hbm>> -> memref<1x8x256xf32, #tpu.memory_space<hbm>>
        %dma_start3A_1136 = tpu.memref_squeeze %dma_start3A_1135 : memref<1x8x256xf32, #tpu.memory_space<hbm>> -> memref<8x256xf32, #tpu.memory_space<hbm>>
        tpu.enqueue_dma source(%dma_start3A_1136 : memref<8x256xf32, #tpu.memory_space<hbm>>) target(%dma_start3A_1134 : memref<8x256xf32, #tpu.memory_space<vmem>>) target_semaphore(%arg10 : memref<!tpu.dma_semaphore, #tpu.memory_space<semaphore_mem>>)
        %dma_start3A_1137 = arith.constant 10 : i32
        %dma_start3A_1138 = arith.constant 0 : i32
        %dma_start3A_1139 = arith.constant 10 : i32
        %dma_start3A_1140 = arith.constant 0 : i32
        %dma_start3A_1141 = arith.constant 0 : i32
        %dma_start3A_1142 = tpu.memref_slice %arg7[%dma_start3A_1138, %dma_start3A_1139, %dma_start3A_1140, %dma_start3A_1141] : memref<2x16x8x256xf32, #tpu.memory_space<vmem>> -> memref<1x1x8x256xf32, #tpu.memory_space<vmem>>
        %dma_start3A_1143 = tpu.memref_squeeze %dma_start3A_1142 : memref<1x1x8x256xf32, #tpu.memory_space<vmem>> -> memref<8x256xf32, #tpu.memory_space<vmem>>
        %dma_start3A_1144 = tpu.memref_slice %arg2[%dma_start3A_1137, %mul3A_982, %mul3A_986] : memref<16x1024x1024xf32, #tpu.memory_space<hbm>> -> memref<1x8x256xf32, #tpu.memory_space<hbm>>
        %dma_start3A_1145 = tpu.memref_squeeze %dma_start3A_1144 : memref<1x8x256xf32, #tpu.memory_space<hbm>> -> memref<8x256xf32, #tpu.memory_space<hbm>>
        %dma_start3A_1146 = arith.constant 0 : i32
        %dma_start3A_1147 = arith.constant 0 : i32
        %dma_start3A_1148 = tpu.memref_slice %arg7[%dma_start3A_1138, %dma_start3A_1139, %dma_start3A_1146, %dma_start3A_1147] : memref<2x16x8x256xf32, #tpu.memory_space<vmem>> -> memref<1x1x8x256xf32, #tpu.memory_space<vmem>>
        %dma_start3A_1149 = tpu.memref_squeeze %dma_start3A_1148 : memref<1x1x8x256xf32, #tpu.memory_space<vmem>> -> memref<8x256xf32, #tpu.memory_space<vmem>>
        %dma_start3A_1150 = tpu.memref_slice %arg2[%dma_start3A_1137, %mul3A_982, %mul3A_986] : memref<16x1024x1024xf32, #tpu.memory_space<hbm>> -> memref<1x8x256xf32, #tpu.memory_space<hbm>>
        %dma_start3A_1151 = tpu.memref_squeeze %dma_start3A_1150 : memref<1x8x256xf32, #tpu.memory_space<hbm>> -> memref<8x256xf32, #tpu.memory_space<hbm>>
        tpu.enqueue_dma source(%dma_start3A_1151 : memref<8x256xf32, #tpu.memory_space<hbm>>) target(%dma_start3A_1149 : memref<8x256xf32, #tpu.memory_space<vmem>>) target_semaphore(%arg10 : memref<!tpu.dma_semaphore, #tpu.memory_space<semaphore_mem>>)
        %dma_start3A_1152 = arith.constant 11 : i32
        %dma_start3A_1153 = arith.constant 0 : i32
        %dma_start3A_1154 = arith.constant 11 : i32
        %dma_start3A_1155 = arith.constant 0 : i32
        %dma_start3A_1156 = arith.constant 0 : i32
        %dma_start3A_1157 = tpu.memref_slice %arg7[%dma_start3A_1153, %dma_start3A_1154, %dma_start3A_1155, %dma_start3A_1156] : memref<2x16x8x256xf32, #tpu.memory_space<vmem>> -> memref<1x1x8x256xf32, #tpu.memory_space<vmem>>
        %dma_start3A_1158 = tpu.memref_squeeze %dma_start3A_1157 : memref<1x1x8x256xf32, #tpu.memory_space<vmem>> -> memref<8x256xf32, #tpu.memory_space<vmem>>
        %dma_start3A_1159 = tpu.memref_slice %arg2[%dma_start3A_1152, %mul3A_982, %mul3A_986] : memref<16x1024x1024xf32, #tpu.memory_space<hbm>> -> memref<1x8x256xf32, #tpu.memory_space<hbm>>
        %dma_start3A_1160 = tpu.memref_squeeze %dma_start3A_1159 : memref<1x8x256xf32, #tpu.memory_space<hbm>> -> memref<8x256xf32, #tpu.memory_space<hbm>>
        %dma_start3A_1161 = arith.constant 0 : i32
        %dma_start3A_1162 = arith.constant 0 : i32
        %dma_start3A_1163 = tpu.memref_slice %arg7[%dma_start3A_1153, %dma_start3A_1154, %dma_start3A_1161, %dma_start3A_1162] : memref<2x16x8x256xf32, #tpu.memory_space<vmem>> -> memref<1x1x8x256xf32, #tpu.memory_space<vmem>>
        %dma_start3A_1164 = tpu.memref_squeeze %dma_start3A_1163 : memref<1x1x8x256xf32, #tpu.memory_space<vmem>> -> memref<8x256xf32, #tpu.memory_space<vmem>>
        %dma_start3A_1165 = tpu.memref_slice %arg2[%dma_start3A_1152, %mul3A_982, %mul3A_986] : memref<16x1024x1024xf32, #tpu.memory_space<hbm>> -> memref<1x8x256xf32, #tpu.memory_space<hbm>>
        %dma_start3A_1166 = tpu.memref_squeeze %dma_start3A_1165 : memref<1x8x256xf32, #tpu.memory_space<hbm>> -> memref<8x256xf32, #tpu.memory_space<hbm>>
        tpu.enqueue_dma source(%dma_start3A_1166 : memref<8x256xf32, #tpu.memory_space<hbm>>) target(%dma_start3A_1164 : memref<8x256xf32, #tpu.memory_space<vmem>>) target_semaphore(%arg10 : memref<!tpu.dma_semaphore, #tpu.memory_space<semaphore_mem>>)
        %dma_start3A_1167 = arith.constant 12 : i32
        %dma_start3A_1168 = arith.constant 0 : i32
        %dma_start3A_1169 = arith.constant 12 : i32
        %dma_start3A_1170 = arith.constant 0 : i32
        %dma_start3A_1171 = arith.constant 0 : i32
        %dma_start3A_1172 = tpu.memref_slice %arg7[%dma_start3A_1168, %dma_start3A_1169, %dma_start3A_1170, %dma_start3A_1171] : memref<2x16x8x256xf32, #tpu.memory_space<vmem>> -> memref<1x1x8x256xf32, #tpu.memory_space<vmem>>
        %dma_start3A_1173 = tpu.memref_squeeze %dma_start3A_1172 : memref<1x1x8x256xf32, #tpu.memory_space<vmem>> -> memref<8x256xf32, #tpu.memory_space<vmem>>
        %dma_start3A_1174 = tpu.memref_slice %arg2[%dma_start3A_1167, %mul3A_982, %mul3A_986] : memref<16x1024x1024xf32, #tpu.memory_space<hbm>> -> memref<1x8x256xf32, #tpu.memory_space<hbm>>
        %dma_start3A_1175 = tpu.memref_squeeze %dma_start3A_1174 : memref<1x8x256xf32, #tpu.memory_space<hbm>> -> memref<8x256xf32, #tpu.memory_space<hbm>>
        %dma_start3A_1176 = arith.constant 0 : i32
        %dma_start3A_1177 = arith.constant 0 : i32
        %dma_start3A_1178 = tpu.memref_slice %arg7[%dma_start3A_1168, %dma_start3A_1169, %dma_start3A_1176, %dma_start3A_1177] : memref<2x16x8x256xf32, #tpu.memory_space<vmem>> -> memref<1x1x8x256xf32, #tpu.memory_space<vmem>>
        %dma_start3A_1179 = tpu.memref_squeeze %dma_start3A_1178 : memref<1x1x8x256xf32, #tpu.memory_space<vmem>> -> memref<8x256xf32, #tpu.memory_space<vmem>>
        %dma_start3A_1180 = tpu.memref_slice %arg2[%dma_start3A_1167, %mul3A_982, %mul3A_986] : memref<16x1024x1024xf32, #tpu.memory_space<hbm>> -> memref<1x8x256xf32, #tpu.memory_space<hbm>>
        %dma_start3A_1181 = tpu.memref_squeeze %dma_start3A_1180 : memref<1x8x256xf32, #tpu.memory_space<hbm>> -> memref<8x256xf32, #tpu.memory_space<hbm>>
        tpu.enqueue_dma source(%dma_start3A_1181 : memref<8x256xf32, #tpu.memory_space<hbm>>) target(%dma_start3A_1179 : memref<8x256xf32, #tpu.memory_space<vmem>>) target_semaphore(%arg10 : memref<!tpu.dma_semaphore, #tpu.memory_space<semaphore_mem>>)
        %dma_start3A_1182 = arith.constant 13 : i32
        %dma_start3A_1183 = arith.constant 0 : i32
        %dma_start3A_1184 = arith.constant 13 : i32
        %dma_start3A_1185 = arith.constant 0 : i32
        %dma_start3A_1186 = arith.constant 0 : i32
        %dma_start3A_1187 = tpu.memref_slice %arg7[%dma_start3A_1183, %dma_start3A_1184, %dma_start3A_1185, %dma_start3A_1186] : memref<2x16x8x256xf32, #tpu.memory_space<vmem>> -> memref<1x1x8x256xf32, #tpu.memory_space<vmem>>
        %dma_start3A_1188 = tpu.memref_squeeze %dma_start3A_1187 : memref<1x1x8x256xf32, #tpu.memory_space<vmem>> -> memref<8x256xf32, #tpu.memory_space<vmem>>
        %dma_start3A_1189 = tpu.memref_slice %arg2[%dma_start3A_1182, %mul3A_982, %mul3A_986] : memref<16x1024x1024xf32, #tpu.memory_space<hbm>> -> memref<1x8x256xf32, #tpu.memory_space<hbm>>
        %dma_start3A_1190 = tpu.memref_squeeze %dma_start3A_1189 : memref<1x8x256xf32, #tpu.memory_space<hbm>> -> memref<8x256xf32, #tpu.memory_space<hbm>>
        %dma_start3A_1191 = arith.constant 0 : i32
        %dma_start3A_1192 = arith.constant 0 : i32
        %dma_start3A_1193 = tpu.memref_slice %arg7[%dma_start3A_1183, %dma_start3A_1184, %dma_start3A_1191, %dma_start3A_1192] : memref<2x16x8x256xf32, #tpu.memory_space<vmem>> -> memref<1x1x8x256xf32, #tpu.memory_space<vmem>>
        %dma_start3A_1194 = tpu.memref_squeeze %dma_start3A_1193 : memref<1x1x8x256xf32, #tpu.memory_space<vmem>> -> memref<8x256xf32, #tpu.memory_space<vmem>>
        %dma_start3A_1195 = tpu.memref_slice %arg2[%dma_start3A_1182, %mul3A_982, %mul3A_986] : memref<16x1024x1024xf32, #tpu.memory_space<hbm>> -> memref<1x8x256xf32, #tpu.memory_space<hbm>>
        %dma_start3A_1196 = tpu.memref_squeeze %dma_start3A_1195 : memref<1x8x256xf32, #tpu.memory_space<hbm>> -> memref<8x256xf32, #tpu.memory_space<hbm>>
        tpu.enqueue_dma source(%dma_start3A_1196 : memref<8x256xf32, #tpu.memory_space<hbm>>) target(%dma_start3A_1194 : memref<8x256xf32, #tpu.memory_space<vmem>>) target_semaphore(%arg10 : memref<!tpu.dma_semaphore, #tpu.memory_space<semaphore_mem>>)
        %dma_start3A_1197 = arith.constant 14 : i32
        %dma_start3A_1198 = arith.constant 0 : i32
        %dma_start3A_1199 = arith.constant 14 : i32
        %dma_start3A_1200 = arith.constant 0 : i32
        %dma_start3A_1201 = arith.constant 0 : i32
        %dma_start3A_1202 = tpu.memref_slice %arg7[%dma_start3A_1198, %dma_start3A_1199, %dma_start3A_1200, %dma_start3A_1201] : memref<2x16x8x256xf32, #tpu.memory_space<vmem>> -> memref<1x1x8x256xf32, #tpu.memory_space<vmem>>
        %dma_start3A_1203 = tpu.memref_squeeze %dma_start3A_1202 : memref<1x1x8x256xf32, #tpu.memory_space<vmem>> -> memref<8x256xf32, #tpu.memory_space<vmem>>
        %dma_start3A_1204 = tpu.memref_slice %arg2[%dma_start3A_1197, %mul3A_982, %mul3A_986] : memref<16x1024x1024xf32, #tpu.memory_space<hbm>> -> memref<1x8x256xf32, #tpu.memory_space<hbm>>
        %dma_start3A_1205 = tpu.memref_squeeze %dma_start3A_1204 : memref<1x8x256xf32, #tpu.memory_space<hbm>> -> memref<8x256xf32, #tpu.memory_space<hbm>>
        %dma_start3A_1206 = arith.constant 0 : i32
        %dma_start3A_1207 = arith.constant 0 : i32
        %dma_start3A_1208 = tpu.memref_slice %arg7[%dma_start3A_1198, %dma_start3A_1199, %dma_start3A_1206, %dma_start3A_1207] : memref<2x16x8x256xf32, #tpu.memory_space<vmem>> -> memref<1x1x8x256xf32, #tpu.memory_space<vmem>>
        %dma_start3A_1209 = tpu.memref_squeeze %dma_start3A_1208 : memref<1x1x8x256xf32, #tpu.memory_space<vmem>> -> memref<8x256xf32, #tpu.memory_space<vmem>>
        %dma_start3A_1210 = tpu.memref_slice %arg2[%dma_start3A_1197, %mul3A_982, %mul3A_986] : memref<16x1024x1024xf32, #tpu.memory_space<hbm>> -> memref<1x8x256xf32, #tpu.memory_space<hbm>>
        %dma_start3A_1211 = tpu.memref_squeeze %dma_start3A_1210 : memref<1x8x256xf32, #tpu.memory_space<hbm>> -> memref<8x256xf32, #tpu.memory_space<hbm>>
        tpu.enqueue_dma source(%dma_start3A_1211 : memref<8x256xf32, #tpu.memory_space<hbm>>) target(%dma_start3A_1209 : memref<8x256xf32, #tpu.memory_space<vmem>>) target_semaphore(%arg10 : memref<!tpu.dma_semaphore, #tpu.memory_space<semaphore_mem>>)
        %dma_start3A_1212 = arith.constant 15 : i32
        %dma_start3A_1213 = arith.constant 0 : i32
        %dma_start3A_1214 = arith.constant 15 : i32
        %dma_start3A_1215 = arith.constant 0 : i32
        %dma_start3A_1216 = arith.constant 0 : i32
        %dma_start3A_1217 = tpu.memref_slice %arg7[%dma_start3A_1213, %dma_start3A_1214, %dma_start3A_1215, %dma_start3A_1216] : memref<2x16x8x256xf32, #tpu.memory_space<vmem>> -> memref<1x1x8x256xf32, #tpu.memory_space<vmem>>
        %dma_start3A_1218 = tpu.memref_squeeze %dma_start3A_1217 : memref<1x1x8x256xf32, #tpu.memory_space<vmem>> -> memref<8x256xf32, #tpu.memory_space<vmem>>
        %dma_start3A_1219 = tpu.memref_slice %arg2[%dma_start3A_1212, %mul3A_982, %mul3A_986] : memref<16x1024x1024xf32, #tpu.memory_space<hbm>> -> memref<1x8x256xf32, #tpu.memory_space<hbm>>
        %dma_start3A_1220 = tpu.memref_squeeze %dma_start3A_1219 : memref<1x8x256xf32, #tpu.memory_space<hbm>> -> memref<8x256xf32, #tpu.memory_space<hbm>>
        %dma_start3A_1221 = arith.constant 0 : i32
        %dma_start3A_1222 = arith.constant 0 : i32
        %dma_start3A_1223 = tpu.memref_slice %arg7[%dma_start3A_1213, %dma_start3A_1214, %dma_start3A_1221, %dma_start3A_1222] : memref<2x16x8x256xf32, #tpu.memory_space<vmem>> -> memref<1x1x8x256xf32, #tpu.memory_space<vmem>>
        %dma_start3A_1224 = tpu.memref_squeeze %dma_start3A_1223 : memref<1x1x8x256xf32, #tpu.memory_space<vmem>> -> memref<8x256xf32, #tpu.memory_space<vmem>>
        %dma_start3A_1225 = tpu.memref_slice %arg2[%dma_start3A_1212, %mul3A_982, %mul3A_986] : memref<16x1024x1024xf32, #tpu.memory_space<hbm>> -> memref<1x8x256xf32, #tpu.memory_space<hbm>>
        %dma_start3A_1226 = tpu.memref_squeeze %dma_start3A_1225 : memref<1x8x256xf32, #tpu.memory_space<hbm>> -> memref<8x256xf32, #tpu.memory_space<hbm>>
        tpu.enqueue_dma source(%dma_start3A_1226 : memref<8x256xf32, #tpu.memory_space<hbm>>) target(%dma_start3A_1224 : memref<8x256xf32, #tpu.memory_space<vmem>>) target_semaphore(%arg10 : memref<!tpu.dma_semaphore, #tpu.memory_space<semaphore_mem>>)
        %dma_start3A_1227 = arith.constant 0 : i32
        %dma_start3A_1228 = arith.constant 0 : i32
        %dma_start3A_1229 = arith.constant 0 : i32
        %dma_start3A_1230 = tpu.memref_slice %arg8[%dma_start3A_1227, %dma_start3A_1228, %dma_start3A_1229] : memref<2x8x256xf32, #tpu.memory_space<vmem>> -> memref<1x8x256xf32, #tpu.memory_space<vmem>>
        %dma_start3A_1231 = tpu.memref_squeeze %dma_start3A_1230 : memref<1x8x256xf32, #tpu.memory_space<vmem>> -> memref<8x256xf32, #tpu.memory_space<vmem>>
        %dma_start3A_1232 = tpu.memref_slice %arg3[%mul3A_982, %mul3A_986] : memref<1024x1024xf32, #tpu.memory_space<hbm>> -> memref<8x256xf32, #tpu.memory_space<hbm>>
        %dma_start3A_1233 = arith.constant 0 : i32
        %dma_start3A_1234 = arith.constant 0 : i32
        %dma_start3A_1235 = tpu.memref_slice %arg8[%dma_start3A_1227, %dma_start3A_1233, %dma_start3A_1234] : memref<2x8x256xf32, #tpu.memory_space<vmem>> -> memref<1x8x256xf32, #tpu.memory_space<vmem>>
        %dma_start3A_1236 = tpu.memref_squeeze %dma_start3A_1235 : memref<1x8x256xf32, #tpu.memory_space<vmem>> -> memref<8x256xf32, #tpu.memory_space<vmem>>
        %dma_start3A_1237 = tpu.memref_slice %arg3[%mul3A_982, %mul3A_986] : memref<1024x1024xf32, #tpu.memory_space<hbm>> -> memref<8x256xf32, #tpu.memory_space<hbm>>
        tpu.enqueue_dma source(%dma_start3A_1237 : memref<8x256xf32, #tpu.memory_space<hbm>>) target(%dma_start3A_1236 : memref<8x256xf32, #tpu.memory_space<vmem>>) target_semaphore(%arg10 : memref<!tpu.dma_semaphore, #tpu.memory_space<semaphore_mem>>)
      } else {
      }
      %mul3A_702 = arith.constant 6 : i32
      %mul3A_703 = arith.muli %add3A, %mul3A_702 : i32
      %add3A_704 = arith.addi %mul3A_703, %add3A_694 : i32
      %shift_right_arithmetic3A_705 = arith.constant 2 : i32
      %shift_right_arithmetic3A_706 = arith.shrsi %add3A_704, %shift_right_arithmetic3A_705 : i32
      %add3A_707 = arith.constant 80 : i32
      %add3A_708 = arith.addi %add3A_707, %shift_right_arithmetic3A_706 : i32
      %mul3A_709 = arith.constant 8 : i32
      %mul3A_710 = arith.muli %add3A_708, %mul3A_709 : i32
      %and3A_711 = arith.constant 3 : i32
      %and3A_712 = arith.andi %add3A_704, %and3A_711 : i32
      %mul3A_713 = arith.constant 256 : i32
      %mul3A_714 = arith.muli %and3A_712, %mul3A_713 : i32
      %dma_wait3A_715 = arith.constant 0 : i32
      %dma_wait3A_716 = arith.constant 1 : i32
      %dma_wait3A_717 = arith.constant 0 : i32
      %dma_wait3A_718 = arith.constant 0 : i32
      %dma_wait3A_719 = arith.constant 0 : i32
      %dma_wait3A_720 = tpu.memref_slice %arg7[%dma_wait3A_716, %dma_wait3A_717, %dma_wait3A_718, %dma_wait3A_719] : memref<2x16x8x256xf32, #tpu.memory_space<vmem>> -> memref<1x1x8x256xf32, #tpu.memory_space<vmem>>
      %dma_wait3A_721 = tpu.memref_squeeze %dma_wait3A_720 : memref<1x1x8x256xf32, #tpu.memory_space<vmem>> -> memref<8x256xf32, #tpu.memory_space<vmem>>
      %dma_wait3A_722 = tpu.memref_slice %arg2[%dma_wait3A_715, %mul3A_710, %mul3A_714] : memref<16x1024x1024xf32, #tpu.memory_space<hbm>> -> memref<1x8x256xf32, #tpu.memory_space<hbm>>
      %dma_wait3A_723 = tpu.memref_squeeze %dma_wait3A_722 : memref<1x8x256xf32, #tpu.memory_space<hbm>> -> memref<8x256xf32, #tpu.memory_space<hbm>>
      %dma_wait3A_724 = arith.constant 0 : i32
      %dma_wait3A_725 = arith.constant 0 : i32
      %dma_wait3A_726 = tpu.memref_slice %arg7[%dma_wait3A_716, %dma_wait3A_717, %dma_wait3A_724, %dma_wait3A_725] : memref<2x16x8x256xf32, #tpu.memory_space<vmem>> -> memref<1x1x8x256xf32, #tpu.memory_space<vmem>>
      %dma_wait3A_727 = tpu.memref_squeeze %dma_wait3A_726 : memref<1x1x8x256xf32, #tpu.memory_space<vmem>> -> memref<8x256xf32, #tpu.memory_space<vmem>>
      %dma_wait3A_728 = tpu.memref_slice %arg2[%dma_wait3A_715, %mul3A_710, %mul3A_714] : memref<16x1024x1024xf32, #tpu.memory_space<hbm>> -> memref<1x8x256xf32, #tpu.memory_space<hbm>>
      %dma_wait3A_729 = tpu.memref_squeeze %dma_wait3A_728 : memref<1x8x256xf32, #tpu.memory_space<hbm>> -> memref<8x256xf32, #tpu.memory_space<hbm>>
      tpu.wait_dma2 semaphore(%arg11 : memref<!tpu.dma_semaphore, #tpu.memory_space<semaphore_mem>>) src(%dma_wait3A_729 : memref<8x256xf32, #tpu.memory_space<hbm>>) dst(%dma_wait3A_727 : memref<8x256xf32, #tpu.memory_space<vmem>>)
      %dma_wait3A_730 = arith.constant 1 : i32
      %dma_wait3A_731 = arith.constant 1 : i32
      %dma_wait3A_732 = arith.constant 1 : i32
      %dma_wait3A_733 = arith.constant 0 : i32
      %dma_wait3A_734 = arith.constant 0 : i32
      %dma_wait3A_735 = tpu.memref_slice %arg7[%dma_wait3A_731, %dma_wait3A_732, %dma_wait3A_733, %dma_wait3A_734] : memref<2x16x8x256xf32, #tpu.memory_space<vmem>> -> memref<1x1x8x256xf32, #tpu.memory_space<vmem>>
      %dma_wait3A_736 = tpu.memref_squeeze %dma_wait3A_735 : memref<1x1x8x256xf32, #tpu.memory_space<vmem>> -> memref<8x256xf32, #tpu.memory_space<vmem>>
      %dma_wait3A_737 = tpu.memref_slice %arg2[%dma_wait3A_730, %mul3A_710, %mul3A_714] : memref<16x1024x1024xf32, #tpu.memory_space<hbm>> -> memref<1x8x256xf32, #tpu.memory_space<hbm>>
      %dma_wait3A_738 = tpu.memref_squeeze %dma_wait3A_737 : memref<1x8x256xf32, #tpu.memory_space<hbm>> -> memref<8x256xf32, #tpu.memory_space<hbm>>
      %dma_wait3A_739 = arith.constant 0 : i32
      %dma_wait3A_740 = arith.constant 0 : i32
      %dma_wait3A_741 = tpu.memref_slice %arg7[%dma_wait3A_731, %dma_wait3A_732, %dma_wait3A_739, %dma_wait3A_740] : memref<2x16x8x256xf32, #tpu.memory_space<vmem>> -> memref<1x1x8x256xf32, #tpu.memory_space<vmem>>
      %dma_wait3A_742 = tpu.memref_squeeze %dma_wait3A_741 : memref<1x1x8x256xf32, #tpu.memory_space<vmem>> -> memref<8x256xf32, #tpu.memory_space<vmem>>
      %dma_wait3A_743 = tpu.memref_slice %arg2[%dma_wait3A_730, %mul3A_710, %mul3A_714] : memref<16x1024x1024xf32, #tpu.memory_space<hbm>> -> memref<1x8x256xf32, #tpu.memory_space<hbm>>
      %dma_wait3A_744 = tpu.memref_squeeze %dma_wait3A_743 : memref<1x8x256xf32, #tpu.memory_space<hbm>> -> memref<8x256xf32, #tpu.memory_space<hbm>>
      tpu.wait_dma2 semaphore(%arg11 : memref<!tpu.dma_semaphore, #tpu.memory_space<semaphore_mem>>) src(%dma_wait3A_744 : memref<8x256xf32, #tpu.memory_space<hbm>>) dst(%dma_wait3A_742 : memref<8x256xf32, #tpu.memory_space<vmem>>)
      %dma_wait3A_745 = arith.constant 2 : i32
      %dma_wait3A_746 = arith.constant 1 : i32
      %dma_wait3A_747 = arith.constant 2 : i32
      %dma_wait3A_748 = arith.constant 0 : i32
      %dma_wait3A_749 = arith.constant 0 : i32
      %dma_wait3A_750 = tpu.memref_slice %arg7[%dma_wait3A_746, %dma_wait3A_747, %dma_wait3A_748, %dma_wait3A_749] : memref<2x16x8x256xf32, #tpu.memory_space<vmem>> -> memref<1x1x8x256xf32, #tpu.memory_space<vmem>>
      %dma_wait3A_751 = tpu.memref_squeeze %dma_wait3A_750 : memref<1x1x8x256xf32, #tpu.memory_space<vmem>> -> memref<8x256xf32, #tpu.memory_space<vmem>>
      %dma_wait3A_752 = tpu.memref_slice %arg2[%dma_wait3A_745, %mul3A_710, %mul3A_714] : memref<16x1024x1024xf32, #tpu.memory_space<hbm>> -> memref<1x8x256xf32, #tpu.memory_space<hbm>>
      %dma_wait3A_753 = tpu.memref_squeeze %dma_wait3A_752 : memref<1x8x256xf32, #tpu.memory_space<hbm>> -> memref<8x256xf32, #tpu.memory_space<hbm>>
      %dma_wait3A_754 = arith.constant 0 : i32
      %dma_wait3A_755 = arith.constant 0 : i32
      %dma_wait3A_756 = tpu.memref_slice %arg7[%dma_wait3A_746, %dma_wait3A_747, %dma_wait3A_754, %dma_wait3A_755] : memref<2x16x8x256xf32, #tpu.memory_space<vmem>> -> memref<1x1x8x256xf32, #tpu.memory_space<vmem>>
      %dma_wait3A_757 = tpu.memref_squeeze %dma_wait3A_756 : memref<1x1x8x256xf32, #tpu.memory_space<vmem>> -> memref<8x256xf32, #tpu.memory_space<vmem>>
      %dma_wait3A_758 = tpu.memref_slice %arg2[%dma_wait3A_745, %mul3A_710, %mul3A_714] : memref<16x1024x1024xf32, #tpu.memory_space<hbm>> -> memref<1x8x256xf32, #tpu.memory_space<hbm>>
      %dma_wait3A_759 = tpu.memref_squeeze %dma_wait3A_758 : memref<1x8x256xf32, #tpu.memory_space<hbm>> -> memref<8x256xf32, #tpu.memory_space<hbm>>
      tpu.wait_dma2 semaphore(%arg11 : memref<!tpu.dma_semaphore, #tpu.memory_space<semaphore_mem>>) src(%dma_wait3A_759 : memref<8x256xf32, #tpu.memory_space<hbm>>) dst(%dma_wait3A_757 : memref<8x256xf32, #tpu.memory_space<vmem>>)
      %dma_wait3A_760 = arith.constant 3 : i32
      %dma_wait3A_761 = arith.constant 1 : i32
      %dma_wait3A_762 = arith.constant 3 : i32
      %dma_wait3A_763 = arith.constant 0 : i32
      %dma_wait3A_764 = arith.constant 0 : i32
      %dma_wait3A_765 = tpu.memref_slice %arg7[%dma_wait3A_761, %dma_wait3A_762, %dma_wait3A_763, %dma_wait3A_764] : memref<2x16x8x256xf32, #tpu.memory_space<vmem>> -> memref<1x1x8x256xf32, #tpu.memory_space<vmem>>
      %dma_wait3A_766 = tpu.memref_squeeze %dma_wait3A_765 : memref<1x1x8x256xf32, #tpu.memory_space<vmem>> -> memref<8x256xf32, #tpu.memory_space<vmem>>
      %dma_wait3A_767 = tpu.memref_slice %arg2[%dma_wait3A_760, %mul3A_710, %mul3A_714] : memref<16x1024x1024xf32, #tpu.memory_space<hbm>> -> memref<1x8x256xf32, #tpu.memory_space<hbm>>
      %dma_wait3A_768 = tpu.memref_squeeze %dma_wait3A_767 : memref<1x8x256xf32, #tpu.memory_space<hbm>> -> memref<8x256xf32, #tpu.memory_space<hbm>>
      %dma_wait3A_769 = arith.constant 0 : i32
      %dma_wait3A_770 = arith.constant 0 : i32
      %dma_wait3A_771 = tpu.memref_slice %arg7[%dma_wait3A_761, %dma_wait3A_762, %dma_wait3A_769, %dma_wait3A_770] : memref<2x16x8x256xf32, #tpu.memory_space<vmem>> -> memref<1x1x8x256xf32, #tpu.memory_space<vmem>>
      %dma_wait3A_772 = tpu.memref_squeeze %dma_wait3A_771 : memref<1x1x8x256xf32, #tpu.memory_space<vmem>> -> memref<8x256xf32, #tpu.memory_space<vmem>>
      %dma_wait3A_773 = tpu.memref_slice %arg2[%dma_wait3A_760, %mul3A_710, %mul3A_714] : memref<16x1024x1024xf32, #tpu.memory_space<hbm>> -> memref<1x8x256xf32, #tpu.memory_space<hbm>>
      %dma_wait3A_774 = tpu.memref_squeeze %dma_wait3A_773 : memref<1x8x256xf32, #tpu.memory_space<hbm>> -> memref<8x256xf32, #tpu.memory_space<hbm>>
      tpu.wait_dma2 semaphore(%arg11 : memref<!tpu.dma_semaphore, #tpu.memory_space<semaphore_mem>>) src(%dma_wait3A_774 : memref<8x256xf32, #tpu.memory_space<hbm>>) dst(%dma_wait3A_772 : memref<8x256xf32, #tpu.memory_space<vmem>>)
      %dma_wait3A_775 = arith.constant 4 : i32
      %dma_wait3A_776 = arith.constant 1 : i32
      %dma_wait3A_777 = arith.constant 4 : i32
      %dma_wait3A_778 = arith.constant 0 : i32
      %dma_wait3A_779 = arith.constant 0 : i32
      %dma_wait3A_780 = tpu.memref_slice %arg7[%dma_wait3A_776, %dma_wait3A_777, %dma_wait3A_778, %dma_wait3A_779] : memref<2x16x8x256xf32, #tpu.memory_space<vmem>> -> memref<1x1x8x256xf32, #tpu.memory_space<vmem>>
      %dma_wait3A_781 = tpu.memref_squeeze %dma_wait3A_780 : memref<1x1x8x256xf32, #tpu.memory_space<vmem>> -> memref<8x256xf32, #tpu.memory_space<vmem>>
      %dma_wait3A_782 = tpu.memref_slice %arg2[%dma_wait3A_775, %mul3A_710, %mul3A_714] : memref<16x1024x1024xf32, #tpu.memory_space<hbm>> -> memref<1x8x256xf32, #tpu.memory_space<hbm>>
      %dma_wait3A_783 = tpu.memref_squeeze %dma_wait3A_782 : memref<1x8x256xf32, #tpu.memory_space<hbm>> -> memref<8x256xf32, #tpu.memory_space<hbm>>
      %dma_wait3A_784 = arith.constant 0 : i32
      %dma_wait3A_785 = arith.constant 0 : i32
      %dma_wait3A_786 = tpu.memref_slice %arg7[%dma_wait3A_776, %dma_wait3A_777, %dma_wait3A_784, %dma_wait3A_785] : memref<2x16x8x256xf32, #tpu.memory_space<vmem>> -> memref<1x1x8x256xf32, #tpu.memory_space<vmem>>
      %dma_wait3A_787 = tpu.memref_squeeze %dma_wait3A_786 : memref<1x1x8x256xf32, #tpu.memory_space<vmem>> -> memref<8x256xf32, #tpu.memory_space<vmem>>
      %dma_wait3A_788 = tpu.memref_slice %arg2[%dma_wait3A_775, %mul3A_710, %mul3A_714] : memref<16x1024x1024xf32, #tpu.memory_space<hbm>> -> memref<1x8x256xf32, #tpu.memory_space<hbm>>
      %dma_wait3A_789 = tpu.memref_squeeze %dma_wait3A_788 : memref<1x8x256xf32, #tpu.memory_space<hbm>> -> memref<8x256xf32, #tpu.memory_space<hbm>>
      tpu.wait_dma2 semaphore(%arg11 : memref<!tpu.dma_semaphore, #tpu.memory_space<semaphore_mem>>) src(%dma_wait3A_789 : memref<8x256xf32, #tpu.memory_space<hbm>>) dst(%dma_wait3A_787 : memref<8x256xf32, #tpu.memory_space<vmem>>)
      %dma_wait3A_790 = arith.constant 5 : i32
      %dma_wait3A_791 = arith.constant 1 : i32
      %dma_wait3A_792 = arith.constant 5 : i32
      %dma_wait3A_793 = arith.constant 0 : i32
      %dma_wait3A_794 = arith.constant 0 : i32
      %dma_wait3A_795 = tpu.memref_slice %arg7[%dma_wait3A_791, %dma_wait3A_792, %dma_wait3A_793, %dma_wait3A_794] : memref<2x16x8x256xf32, #tpu.memory_space<vmem>> -> memref<1x1x8x256xf32, #tpu.memory_space<vmem>>
      %dma_wait3A_796 = tpu.memref_squeeze %dma_wait3A_795 : memref<1x1x8x256xf32, #tpu.memory_space<vmem>> -> memref<8x256xf32, #tpu.memory_space<vmem>>
      %dma_wait3A_797 = tpu.memref_slice %arg2[%dma_wait3A_790, %mul3A_710, %mul3A_714] : memref<16x1024x1024xf32, #tpu.memory_space<hbm>> -> memref<1x8x256xf32, #tpu.memory_space<hbm>>
      %dma_wait3A_798 = tpu.memref_squeeze %dma_wait3A_797 : memref<1x8x256xf32, #tpu.memory_space<hbm>> -> memref<8x256xf32, #tpu.memory_space<hbm>>
      %dma_wait3A_799 = arith.constant 0 : i32
      %dma_wait3A_800 = arith.constant 0 : i32
      %dma_wait3A_801 = tpu.memref_slice %arg7[%dma_wait3A_791, %dma_wait3A_792, %dma_wait3A_799, %dma_wait3A_800] : memref<2x16x8x256xf32, #tpu.memory_space<vmem>> -> memref<1x1x8x256xf32, #tpu.memory_space<vmem>>
      %dma_wait3A_802 = tpu.memref_squeeze %dma_wait3A_801 : memref<1x1x8x256xf32, #tpu.memory_space<vmem>> -> memref<8x256xf32, #tpu.memory_space<vmem>>
      %dma_wait3A_803 = tpu.memref_slice %arg2[%dma_wait3A_790, %mul3A_710, %mul3A_714] : memref<16x1024x1024xf32, #tpu.memory_space<hbm>> -> memref<1x8x256xf32, #tpu.memory_space<hbm>>
      %dma_wait3A_804 = tpu.memref_squeeze %dma_wait3A_803 : memref<1x8x256xf32, #tpu.memory_space<hbm>> -> memref<8x256xf32, #tpu.memory_space<hbm>>
      tpu.wait_dma2 semaphore(%arg11 : memref<!tpu.dma_semaphore, #tpu.memory_space<semaphore_mem>>) src(%dma_wait3A_804 : memref<8x256xf32, #tpu.memory_space<hbm>>) dst(%dma_wait3A_802 : memref<8x256xf32, #tpu.memory_space<vmem>>)
      %dma_wait3A_805 = arith.constant 6 : i32
      %dma_wait3A_806 = arith.constant 1 : i32
      %dma_wait3A_807 = arith.constant 6 : i32
      %dma_wait3A_808 = arith.constant 0 : i32
      %dma_wait3A_809 = arith.constant 0 : i32
      %dma_wait3A_810 = tpu.memref_slice %arg7[%dma_wait3A_806, %dma_wait3A_807, %dma_wait3A_808, %dma_wait3A_809] : memref<2x16x8x256xf32, #tpu.memory_space<vmem>> -> memref<1x1x8x256xf32, #tpu.memory_space<vmem>>
      %dma_wait3A_811 = tpu.memref_squeeze %dma_wait3A_810 : memref<1x1x8x256xf32, #tpu.memory_space<vmem>> -> memref<8x256xf32, #tpu.memory_space<vmem>>
      %dma_wait3A_812 = tpu.memref_slice %arg2[%dma_wait3A_805, %mul3A_710, %mul3A_714] : memref<16x1024x1024xf32, #tpu.memory_space<hbm>> -> memref<1x8x256xf32, #tpu.memory_space<hbm>>
      %dma_wait3A_813 = tpu.memref_squeeze %dma_wait3A_812 : memref<1x8x256xf32, #tpu.memory_space<hbm>> -> memref<8x256xf32, #tpu.memory_space<hbm>>
      %dma_wait3A_814 = arith.constant 0 : i32
      %dma_wait3A_815 = arith.constant 0 : i32
      %dma_wait3A_816 = tpu.memref_slice %arg7[%dma_wait3A_806, %dma_wait3A_807, %dma_wait3A_814, %dma_wait3A_815] : memref<2x16x8x256xf32, #tpu.memory_space<vmem>> -> memref<1x1x8x256xf32, #tpu.memory_space<vmem>>
      %dma_wait3A_817 = tpu.memref_squeeze %dma_wait3A_816 : memref<1x1x8x256xf32, #tpu.memory_space<vmem>> -> memref<8x256xf32, #tpu.memory_space<vmem>>
      %dma_wait3A_818 = tpu.memref_slice %arg2[%dma_wait3A_805, %mul3A_710, %mul3A_714] : memref<16x1024x1024xf32, #tpu.memory_space<hbm>> -> memref<1x8x256xf32, #tpu.memory_space<hbm>>
      %dma_wait3A_819 = tpu.memref_squeeze %dma_wait3A_818 : memref<1x8x256xf32, #tpu.memory_space<hbm>> -> memref<8x256xf32, #tpu.memory_space<hbm>>
      tpu.wait_dma2 semaphore(%arg11 : memref<!tpu.dma_semaphore, #tpu.memory_space<semaphore_mem>>) src(%dma_wait3A_819 : memref<8x256xf32, #tpu.memory_space<hbm>>) dst(%dma_wait3A_817 : memref<8x256xf32, #tpu.memory_space<vmem>>)
      %dma_wait3A_820 = arith.constant 7 : i32
      %dma_wait3A_821 = arith.constant 1 : i32
      %dma_wait3A_822 = arith.constant 7 : i32
      %dma_wait3A_823 = arith.constant 0 : i32
      %dma_wait3A_824 = arith.constant 0 : i32
      %dma_wait3A_825 = tpu.memref_slice %arg7[%dma_wait3A_821, %dma_wait3A_822, %dma_wait3A_823, %dma_wait3A_824] : memref<2x16x8x256xf32, #tpu.memory_space<vmem>> -> memref<1x1x8x256xf32, #tpu.memory_space<vmem>>
      %dma_wait3A_826 = tpu.memref_squeeze %dma_wait3A_825 : memref<1x1x8x256xf32, #tpu.memory_space<vmem>> -> memref<8x256xf32, #tpu.memory_space<vmem>>
      %dma_wait3A_827 = tpu.memref_slice %arg2[%dma_wait3A_820, %mul3A_710, %mul3A_714] : memref<16x1024x1024xf32, #tpu.memory_space<hbm>> -> memref<1x8x256xf32, #tpu.memory_space<hbm>>
      %dma_wait3A_828 = tpu.memref_squeeze %dma_wait3A_827 : memref<1x8x256xf32, #tpu.memory_space<hbm>> -> memref<8x256xf32, #tpu.memory_space<hbm>>
      %dma_wait3A_829 = arith.constant 0 : i32
      %dma_wait3A_830 = arith.constant 0 : i32
      %dma_wait3A_831 = tpu.memref_slice %arg7[%dma_wait3A_821, %dma_wait3A_822, %dma_wait3A_829, %dma_wait3A_830] : memref<2x16x8x256xf32, #tpu.memory_space<vmem>> -> memref<1x1x8x256xf32, #tpu.memory_space<vmem>>
      %dma_wait3A_832 = tpu.memref_squeeze %dma_wait3A_831 : memref<1x1x8x256xf32, #tpu.memory_space<vmem>> -> memref<8x256xf32, #tpu.memory_space<vmem>>
      %dma_wait3A_833 = tpu.memref_slice %arg2[%dma_wait3A_820, %mul3A_710, %mul3A_714] : memref<16x1024x1024xf32, #tpu.memory_space<hbm>> -> memref<1x8x256xf32, #tpu.memory_space<hbm>>
      %dma_wait3A_834 = tpu.memref_squeeze %dma_wait3A_833 : memref<1x8x256xf32, #tpu.memory_space<hbm>> -> memref<8x256xf32, #tpu.memory_space<hbm>>
      tpu.wait_dma2 semaphore(%arg11 : memref<!tpu.dma_semaphore, #tpu.memory_space<semaphore_mem>>) src(%dma_wait3A_834 : memref<8x256xf32, #tpu.memory_space<hbm>>) dst(%dma_wait3A_832 : memref<8x256xf32, #tpu.memory_space<vmem>>)
      %dma_wait3A_835 = arith.constant 8 : i32
      %dma_wait3A_836 = arith.constant 1 : i32
      %dma_wait3A_837 = arith.constant 8 : i32
      %dma_wait3A_838 = arith.constant 0 : i32
      %dma_wait3A_839 = arith.constant 0 : i32
      %dma_wait3A_840 = tpu.memref_slice %arg7[%dma_wait3A_836, %dma_wait3A_837, %dma_wait3A_838, %dma_wait3A_839] : memref<2x16x8x256xf32, #tpu.memory_space<vmem>> -> memref<1x1x8x256xf32, #tpu.memory_space<vmem>>
      %dma_wait3A_841 = tpu.memref_squeeze %dma_wait3A_840 : memref<1x1x8x256xf32, #tpu.memory_space<vmem>> -> memref<8x256xf32, #tpu.memory_space<vmem>>
      %dma_wait3A_842 = tpu.memref_slice %arg2[%dma_wait3A_835, %mul3A_710, %mul3A_714] : memref<16x1024x1024xf32, #tpu.memory_space<hbm>> -> memref<1x8x256xf32, #tpu.memory_space<hbm>>
      %dma_wait3A_843 = tpu.memref_squeeze %dma_wait3A_842 : memref<1x8x256xf32, #tpu.memory_space<hbm>> -> memref<8x256xf32, #tpu.memory_space<hbm>>
      %dma_wait3A_844 = arith.constant 0 : i32
      %dma_wait3A_845 = arith.constant 0 : i32
      %dma_wait3A_846 = tpu.memref_slice %arg7[%dma_wait3A_836, %dma_wait3A_837, %dma_wait3A_844, %dma_wait3A_845] : memref<2x16x8x256xf32, #tpu.memory_space<vmem>> -> memref<1x1x8x256xf32, #tpu.memory_space<vmem>>
      %dma_wait3A_847 = tpu.memref_squeeze %dma_wait3A_846 : memref<1x1x8x256xf32, #tpu.memory_space<vmem>> -> memref<8x256xf32, #tpu.memory_space<vmem>>
      %dma_wait3A_848 = tpu.memref_slice %arg2[%dma_wait3A_835, %mul3A_710, %mul3A_714] : memref<16x1024x1024xf32, #tpu.memory_space<hbm>> -> memref<1x8x256xf32, #tpu.memory_space<hbm>>
      %dma_wait3A_849 = tpu.memref_squeeze %dma_wait3A_848 : memref<1x8x256xf32, #tpu.memory_space<hbm>> -> memref<8x256xf32, #tpu.memory_space<hbm>>
      tpu.wait_dma2 semaphore(%arg11 : memref<!tpu.dma_semaphore, #tpu.memory_space<semaphore_mem>>) src(%dma_wait3A_849 : memref<8x256xf32, #tpu.memory_space<hbm>>) dst(%dma_wait3A_847 : memref<8x256xf32, #tpu.memory_space<vmem>>)
      %dma_wait3A_850 = arith.constant 9 : i32
      %dma_wait3A_851 = arith.constant 1 : i32
      %dma_wait3A_852 = arith.constant 9 : i32
      %dma_wait3A_853 = arith.constant 0 : i32
      %dma_wait3A_854 = arith.constant 0 : i32
      %dma_wait3A_855 = tpu.memref_slice %arg7[%dma_wait3A_851, %dma_wait3A_852, %dma_wait3A_853, %dma_wait3A_854] : memref<2x16x8x256xf32, #tpu.memory_space<vmem>> -> memref<1x1x8x256xf32, #tpu.memory_space<vmem>>
      %dma_wait3A_856 = tpu.memref_squeeze %dma_wait3A_855 : memref<1x1x8x256xf32, #tpu.memory_space<vmem>> -> memref<8x256xf32, #tpu.memory_space<vmem>>
      %dma_wait3A_857 = tpu.memref_slice %arg2[%dma_wait3A_850, %mul3A_710, %mul3A_714] : memref<16x1024x1024xf32, #tpu.memory_space<hbm>> -> memref<1x8x256xf32, #tpu.memory_space<hbm>>
      %dma_wait3A_858 = tpu.memref_squeeze %dma_wait3A_857 : memref<1x8x256xf32, #tpu.memory_space<hbm>> -> memref<8x256xf32, #tpu.memory_space<hbm>>
      %dma_wait3A_859 = arith.constant 0 : i32
      %dma_wait3A_860 = arith.constant 0 : i32
      %dma_wait3A_861 = tpu.memref_slice %arg7[%dma_wait3A_851, %dma_wait3A_852, %dma_wait3A_859, %dma_wait3A_860] : memref<2x16x8x256xf32, #tpu.memory_space<vmem>> -> memref<1x1x8x256xf32, #tpu.memory_space<vmem>>
      %dma_wait3A_862 = tpu.memref_squeeze %dma_wait3A_861 : memref<1x1x8x256xf32, #tpu.memory_space<vmem>> -> memref<8x256xf32, #tpu.memory_space<vmem>>
      %dma_wait3A_863 = tpu.memref_slice %arg2[%dma_wait3A_850, %mul3A_710, %mul3A_714] : memref<16x1024x1024xf32, #tpu.memory_space<hbm>> -> memref<1x8x256xf32, #tpu.memory_space<hbm>>
      %dma_wait3A_864 = tpu.memref_squeeze %dma_wait3A_863 : memref<1x8x256xf32, #tpu.memory_space<hbm>> -> memref<8x256xf32, #tpu.memory_space<hbm>>
      tpu.wait_dma2 semaphore(%arg11 : memref<!tpu.dma_semaphore, #tpu.memory_space<semaphore_mem>>) src(%dma_wait3A_864 : memref<8x256xf32, #tpu.memory_space<hbm>>) dst(%dma_wait3A_862 : memref<8x256xf32, #tpu.memory_space<vmem>>)
      %dma_wait3A_865 = arith.constant 10 : i32
      %dma_wait3A_866 = arith.constant 1 : i32
      %dma_wait3A_867 = arith.constant 10 : i32
      %dma_wait3A_868 = arith.constant 0 : i32
      %dma_wait3A_869 = arith.constant 0 : i32
      %dma_wait3A_870 = tpu.memref_slice %arg7[%dma_wait3A_866, %dma_wait3A_867, %dma_wait3A_868, %dma_wait3A_869] : memref<2x16x8x256xf32, #tpu.memory_space<vmem>> -> memref<1x1x8x256xf32, #tpu.memory_space<vmem>>
      %dma_wait3A_871 = tpu.memref_squeeze %dma_wait3A_870 : memref<1x1x8x256xf32, #tpu.memory_space<vmem>> -> memref<8x256xf32, #tpu.memory_space<vmem>>
      %dma_wait3A_872 = tpu.memref_slice %arg2[%dma_wait3A_865, %mul3A_710, %mul3A_714] : memref<16x1024x1024xf32, #tpu.memory_space<hbm>> -> memref<1x8x256xf32, #tpu.memory_space<hbm>>
      %dma_wait3A_873 = tpu.memref_squeeze %dma_wait3A_872 : memref<1x8x256xf32, #tpu.memory_space<hbm>> -> memref<8x256xf32, #tpu.memory_space<hbm>>
      %dma_wait3A_874 = arith.constant 0 : i32
      %dma_wait3A_875 = arith.constant 0 : i32
      %dma_wait3A_876 = tpu.memref_slice %arg7[%dma_wait3A_866, %dma_wait3A_867, %dma_wait3A_874, %dma_wait3A_875] : memref<2x16x8x256xf32, #tpu.memory_space<vmem>> -> memref<1x1x8x256xf32, #tpu.memory_space<vmem>>
      %dma_wait3A_877 = tpu.memref_squeeze %dma_wait3A_876 : memref<1x1x8x256xf32, #tpu.memory_space<vmem>> -> memref<8x256xf32, #tpu.memory_space<vmem>>
      %dma_wait3A_878 = tpu.memref_slice %arg2[%dma_wait3A_865, %mul3A_710, %mul3A_714] : memref<16x1024x1024xf32, #tpu.memory_space<hbm>> -> memref<1x8x256xf32, #tpu.memory_space<hbm>>
      %dma_wait3A_879 = tpu.memref_squeeze %dma_wait3A_878 : memref<1x8x256xf32, #tpu.memory_space<hbm>> -> memref<8x256xf32, #tpu.memory_space<hbm>>
      tpu.wait_dma2 semaphore(%arg11 : memref<!tpu.dma_semaphore, #tpu.memory_space<semaphore_mem>>) src(%dma_wait3A_879 : memref<8x256xf32, #tpu.memory_space<hbm>>) dst(%dma_wait3A_877 : memref<8x256xf32, #tpu.memory_space<vmem>>)
      %dma_wait3A_880 = arith.constant 11 : i32
      %dma_wait3A_881 = arith.constant 1 : i32
      %dma_wait3A_882 = arith.constant 11 : i32
      %dma_wait3A_883 = arith.constant 0 : i32
      %dma_wait3A_884 = arith.constant 0 : i32
      %dma_wait3A_885 = tpu.memref_slice %arg7[%dma_wait3A_881, %dma_wait3A_882, %dma_wait3A_883, %dma_wait3A_884] : memref<2x16x8x256xf32, #tpu.memory_space<vmem>> -> memref<1x1x8x256xf32, #tpu.memory_space<vmem>>
      %dma_wait3A_886 = tpu.memref_squeeze %dma_wait3A_885 : memref<1x1x8x256xf32, #tpu.memory_space<vmem>> -> memref<8x256xf32, #tpu.memory_space<vmem>>
      %dma_wait3A_887 = tpu.memref_slice %arg2[%dma_wait3A_880, %mul3A_710, %mul3A_714] : memref<16x1024x1024xf32, #tpu.memory_space<hbm>> -> memref<1x8x256xf32, #tpu.memory_space<hbm>>
      %dma_wait3A_888 = tpu.memref_squeeze %dma_wait3A_887 : memref<1x8x256xf32, #tpu.memory_space<hbm>> -> memref<8x256xf32, #tpu.memory_space<hbm>>
      %dma_wait3A_889 = arith.constant 0 : i32
      %dma_wait3A_890 = arith.constant 0 : i32
      %dma_wait3A_891 = tpu.memref_slice %arg7[%dma_wait3A_881, %dma_wait3A_882, %dma_wait3A_889, %dma_wait3A_890] : memref<2x16x8x256xf32, #tpu.memory_space<vmem>> -> memref<1x1x8x256xf32, #tpu.memory_space<vmem>>
      %dma_wait3A_892 = tpu.memref_squeeze %dma_wait3A_891 : memref<1x1x8x256xf32, #tpu.memory_space<vmem>> -> memref<8x256xf32, #tpu.memory_space<vmem>>
      %dma_wait3A_893 = tpu.memref_slice %arg2[%dma_wait3A_880, %mul3A_710, %mul3A_714] : memref<16x1024x1024xf32, #tpu.memory_space<hbm>> -> memref<1x8x256xf32, #tpu.memory_space<hbm>>
      %dma_wait3A_894 = tpu.memref_squeeze %dma_wait3A_893 : memref<1x8x256xf32, #tpu.memory_space<hbm>> -> memref<8x256xf32, #tpu.memory_space<hbm>>
      tpu.wait_dma2 semaphore(%arg11 : memref<!tpu.dma_semaphore, #tpu.memory_space<semaphore_mem>>) src(%dma_wait3A_894 : memref<8x256xf32, #tpu.memory_space<hbm>>) dst(%dma_wait3A_892 : memref<8x256xf32, #tpu.memory_space<vmem>>)
      %dma_wait3A_895 = arith.constant 12 : i32
      %dma_wait3A_896 = arith.constant 1 : i32
      %dma_wait3A_897 = arith.constant 12 : i32
      %dma_wait3A_898 = arith.constant 0 : i32
      %dma_wait3A_899 = arith.constant 0 : i32
      %dma_wait3A_900 = tpu.memref_slice %arg7[%dma_wait3A_896, %dma_wait3A_897, %dma_wait3A_898, %dma_wait3A_899] : memref<2x16x8x256xf32, #tpu.memory_space<vmem>> -> memref<1x1x8x256xf32, #tpu.memory_space<vmem>>
      %dma_wait3A_901 = tpu.memref_squeeze %dma_wait3A_900 : memref<1x1x8x256xf32, #tpu.memory_space<vmem>> -> memref<8x256xf32, #tpu.memory_space<vmem>>
      %dma_wait3A_902 = tpu.memref_slice %arg2[%dma_wait3A_895, %mul3A_710, %mul3A_714] : memref<16x1024x1024xf32, #tpu.memory_space<hbm>> -> memref<1x8x256xf32, #tpu.memory_space<hbm>>
      %dma_wait3A_903 = tpu.memref_squeeze %dma_wait3A_902 : memref<1x8x256xf32, #tpu.memory_space<hbm>> -> memref<8x256xf32, #tpu.memory_space<hbm>>
      %dma_wait3A_904 = arith.constant 0 : i32
      %dma_wait3A_905 = arith.constant 0 : i32
      %dma_wait3A_906 = tpu.memref_slice %arg7[%dma_wait3A_896, %dma_wait3A_897, %dma_wait3A_904, %dma_wait3A_905] : memref<2x16x8x256xf32, #tpu.memory_space<vmem>> -> memref<1x1x8x256xf32, #tpu.memory_space<vmem>>
      %dma_wait3A_907 = tpu.memref_squeeze %dma_wait3A_906 : memref<1x1x8x256xf32, #tpu.memory_space<vmem>> -> memref<8x256xf32, #tpu.memory_space<vmem>>
      %dma_wait3A_908 = tpu.memref_slice %arg2[%dma_wait3A_895, %mul3A_710, %mul3A_714] : memref<16x1024x1024xf32, #tpu.memory_space<hbm>> -> memref<1x8x256xf32, #tpu.memory_space<hbm>>
      %dma_wait3A_909 = tpu.memref_squeeze %dma_wait3A_908 : memref<1x8x256xf32, #tpu.memory_space<hbm>> -> memref<8x256xf32, #tpu.memory_space<hbm>>
      tpu.wait_dma2 semaphore(%arg11 : memref<!tpu.dma_semaphore, #tpu.memory_space<semaphore_mem>>) src(%dma_wait3A_909 : memref<8x256xf32, #tpu.memory_space<hbm>>) dst(%dma_wait3A_907 : memref<8x256xf32, #tpu.memory_space<vmem>>)
      %dma_wait3A_910 = arith.constant 13 : i32
      %dma_wait3A_911 = arith.constant 1 : i32
      %dma_wait3A_912 = arith.constant 13 : i32
      %dma_wait3A_913 = arith.constant 0 : i32
      %dma_wait3A_914 = arith.constant 0 : i32
      %dma_wait3A_915 = tpu.memref_slice %arg7[%dma_wait3A_911, %dma_wait3A_912, %dma_wait3A_913, %dma_wait3A_914] : memref<2x16x8x256xf32, #tpu.memory_space<vmem>> -> memref<1x1x8x256xf32, #tpu.memory_space<vmem>>
      %dma_wait3A_916 = tpu.memref_squeeze %dma_wait3A_915 : memref<1x1x8x256xf32, #tpu.memory_space<vmem>> -> memref<8x256xf32, #tpu.memory_space<vmem>>
      %dma_wait3A_917 = tpu.memref_slice %arg2[%dma_wait3A_910, %mul3A_710, %mul3A_714] : memref<16x1024x1024xf32, #tpu.memory_space<hbm>> -> memref<1x8x256xf32, #tpu.memory_space<hbm>>
      %dma_wait3A_918 = tpu.memref_squeeze %dma_wait3A_917 : memref<1x8x256xf32, #tpu.memory_space<hbm>> -> memref<8x256xf32, #tpu.memory_space<hbm>>
      %dma_wait3A_919 = arith.constant 0 : i32
      %dma_wait3A_920 = arith.constant 0 : i32
      %dma_wait3A_921 = tpu.memref_slice %arg7[%dma_wait3A_911, %dma_wait3A_912, %dma_wait3A_919, %dma_wait3A_920] : memref<2x16x8x256xf32, #tpu.memory_space<vmem>> -> memref<1x1x8x256xf32, #tpu.memory_space<vmem>>
      %dma_wait3A_922 = tpu.memref_squeeze %dma_wait3A_921 : memref<1x1x8x256xf32, #tpu.memory_space<vmem>> -> memref<8x256xf32, #tpu.memory_space<vmem>>
      %dma_wait3A_923 = tpu.memref_slice %arg2[%dma_wait3A_910, %mul3A_710, %mul3A_714] : memref<16x1024x1024xf32, #tpu.memory_space<hbm>> -> memref<1x8x256xf32, #tpu.memory_space<hbm>>
      %dma_wait3A_924 = tpu.memref_squeeze %dma_wait3A_923 : memref<1x8x256xf32, #tpu.memory_space<hbm>> -> memref<8x256xf32, #tpu.memory_space<hbm>>
      tpu.wait_dma2 semaphore(%arg11 : memref<!tpu.dma_semaphore, #tpu.memory_space<semaphore_mem>>) src(%dma_wait3A_924 : memref<8x256xf32, #tpu.memory_space<hbm>>) dst(%dma_wait3A_922 : memref<8x256xf32, #tpu.memory_space<vmem>>)
      %dma_wait3A_925 = arith.constant 14 : i32
      %dma_wait3A_926 = arith.constant 1 : i32
      %dma_wait3A_927 = arith.constant 14 : i32
      %dma_wait3A_928 = arith.constant 0 : i32
      %dma_wait3A_929 = arith.constant 0 : i32
      %dma_wait3A_930 = tpu.memref_slice %arg7[%dma_wait3A_926, %dma_wait3A_927, %dma_wait3A_928, %dma_wait3A_929] : memref<2x16x8x256xf32, #tpu.memory_space<vmem>> -> memref<1x1x8x256xf32, #tpu.memory_space<vmem>>
      %dma_wait3A_931 = tpu.memref_squeeze %dma_wait3A_930 : memref<1x1x8x256xf32, #tpu.memory_space<vmem>> -> memref<8x256xf32, #tpu.memory_space<vmem>>
      %dma_wait3A_932 = tpu.memref_slice %arg2[%dma_wait3A_925, %mul3A_710, %mul3A_714] : memref<16x1024x1024xf32, #tpu.memory_space<hbm>> -> memref<1x8x256xf32, #tpu.memory_space<hbm>>
      %dma_wait3A_933 = tpu.memref_squeeze %dma_wait3A_932 : memref<1x8x256xf32, #tpu.memory_space<hbm>> -> memref<8x256xf32, #tpu.memory_space<hbm>>
      %dma_wait3A_934 = arith.constant 0 : i32
      %dma_wait3A_935 = arith.constant 0 : i32
      %dma_wait3A_936 = tpu.memref_slice %arg7[%dma_wait3A_926, %dma_wait3A_927, %dma_wait3A_934, %dma_wait3A_935] : memref<2x16x8x256xf32, #tpu.memory_space<vmem>> -> memref<1x1x8x256xf32, #tpu.memory_space<vmem>>
      %dma_wait3A_937 = tpu.memref_squeeze %dma_wait3A_936 : memref<1x1x8x256xf32, #tpu.memory_space<vmem>> -> memref<8x256xf32, #tpu.memory_space<vmem>>
      %dma_wait3A_938 = tpu.memref_slice %arg2[%dma_wait3A_925, %mul3A_710, %mul3A_714] : memref<16x1024x1024xf32, #tpu.memory_space<hbm>> -> memref<1x8x256xf32, #tpu.memory_space<hbm>>
      %dma_wait3A_939 = tpu.memref_squeeze %dma_wait3A_938 : memref<1x8x256xf32, #tpu.memory_space<hbm>> -> memref<8x256xf32, #tpu.memory_space<hbm>>
      tpu.wait_dma2 semaphore(%arg11 : memref<!tpu.dma_semaphore, #tpu.memory_space<semaphore_mem>>) src(%dma_wait3A_939 : memref<8x256xf32, #tpu.memory_space<hbm>>) dst(%dma_wait3A_937 : memref<8x256xf32, #tpu.memory_space<vmem>>)
      %dma_wait3A_940 = arith.constant 15 : i32
      %dma_wait3A_941 = arith.constant 1 : i32
      %dma_wait3A_942 = arith.constant 15 : i32
      %dma_wait3A_943 = arith.constant 0 : i32
      %dma_wait3A_944 = arith.constant 0 : i32
      %dma_wait3A_945 = tpu.memref_slice %arg7[%dma_wait3A_941, %dma_wait3A_942, %dma_wait3A_943, %dma_wait3A_944] : memref<2x16x8x256xf32, #tpu.memory_space<vmem>> -> memref<1x1x8x256xf32, #tpu.memory_space<vmem>>
      %dma_wait3A_946 = tpu.memref_squeeze %dma_wait3A_945 : memref<1x1x8x256xf32, #tpu.memory_space<vmem>> -> memref<8x256xf32, #tpu.memory_space<vmem>>
      %dma_wait3A_947 = tpu.memref_slice %arg2[%dma_wait3A_940, %mul3A_710, %mul3A_714] : memref<16x1024x1024xf32, #tpu.memory_space<hbm>> -> memref<1x8x256xf32, #tpu.memory_space<hbm>>
      %dma_wait3A_948 = tpu.memref_squeeze %dma_wait3A_947 : memref<1x8x256xf32, #tpu.memory_space<hbm>> -> memref<8x256xf32, #tpu.memory_space<hbm>>
      %dma_wait3A_949 = arith.constant 0 : i32
      %dma_wait3A_950 = arith.constant 0 : i32
      %dma_wait3A_951 = tpu.memref_slice %arg7[%dma_wait3A_941, %dma_wait3A_942, %dma_wait3A_949, %dma_wait3A_950] : memref<2x16x8x256xf32, #tpu.memory_space<vmem>> -> memref<1x1x8x256xf32, #tpu.memory_space<vmem>>
      %dma_wait3A_952 = tpu.memref_squeeze %dma_wait3A_951 : memref<1x1x8x256xf32, #tpu.memory_space<vmem>> -> memref<8x256xf32, #tpu.memory_space<vmem>>
      %dma_wait3A_953 = tpu.memref_slice %arg2[%dma_wait3A_940, %mul3A_710, %mul3A_714] : memref<16x1024x1024xf32, #tpu.memory_space<hbm>> -> memref<1x8x256xf32, #tpu.memory_space<hbm>>
      %dma_wait3A_954 = tpu.memref_squeeze %dma_wait3A_953 : memref<1x8x256xf32, #tpu.memory_space<hbm>> -> memref<8x256xf32, #tpu.memory_space<hbm>>
      tpu.wait_dma2 semaphore(%arg11 : memref<!tpu.dma_semaphore, #tpu.memory_space<semaphore_mem>>) src(%dma_wait3A_954 : memref<8x256xf32, #tpu.memory_space<hbm>>) dst(%dma_wait3A_952 : memref<8x256xf32, #tpu.memory_space<vmem>>)
      %dma_wait3A_955 = arith.constant 1 : i32
      %dma_wait3A_956 = arith.constant 0 : i32
      %dma_wait3A_957 = arith.constant 0 : i32
      %dma_wait3A_958 = tpu.memref_slice %arg8[%dma_wait3A_955, %dma_wait3A_956, %dma_wait3A_957] : memref<2x8x256xf32, #tpu.memory_space<vmem>> -> memref<1x8x256xf32, #tpu.memory_space<vmem>>
      %dma_wait3A_959 = tpu.memref_squeeze %dma_wait3A_958 : memref<1x8x256xf32, #tpu.memory_space<vmem>> -> memref<8x256xf32, #tpu.memory_space<vmem>>
      %dma_wait3A_960 = tpu.memref_slice %arg3[%mul3A_710, %mul3A_714] : memref<1024x1024xf32, #tpu.memory_space<hbm>> -> memref<8x256xf32, #tpu.memory_space<hbm>>
      %dma_wait3A_961 = arith.constant 0 : i32
      %dma_wait3A_962 = arith.constant 0 : i32
      %dma_wait3A_963 = tpu.memref_slice %arg8[%dma_wait3A_955, %dma_wait3A_961, %dma_wait3A_962] : memref<2x8x256xf32, #tpu.memory_space<vmem>> -> memref<1x8x256xf32, #tpu.memory_space<vmem>>
      %dma_wait3A_964 = tpu.memref_squeeze %dma_wait3A_963 : memref<1x8x256xf32, #tpu.memory_space<vmem>> -> memref<8x256xf32, #tpu.memory_space<vmem>>
      %dma_wait3A_965 = tpu.memref_slice %arg3[%mul3A_710, %mul3A_714] : memref<1024x1024xf32, #tpu.memory_space<hbm>> -> memref<8x256xf32, #tpu.memory_space<hbm>>
      tpu.wait_dma2 semaphore(%arg11 : memref<!tpu.dma_semaphore, #tpu.memory_space<semaphore_mem>>) src(%dma_wait3A_965 : memref<8x256xf32, #tpu.memory_space<hbm>>) dst(%dma_wait3A_964 : memref<8x256xf32, #tpu.memory_space<vmem>>)
      %scan3A_966 = arith.constant 0 : i32
      %scan3A_967 = arith.constant 128 : i32
      %scan3A_968 = arith.addi %scan3A_966, %scan3A_967 : i32
      %scan3A_969 = arith.constant 2 : i32
      %scan3A_970 = scf.for %scan3A_972 = %scan3A_966 to %scan3A_968 step %scan3A_969 iter_args(%scan3A_973 = %scan3A_691) -> (vector<16xf32>)  : i32 {
        %shift_right_arithmetic3A_974 = arith.constant 4 : i32
        %shift_right_arithmetic3A_975 = arith.shrsi %scan3A_972, %shift_right_arithmetic3A_974 : i32
        %and3A_976 = arith.constant 15 : i32
        %and3A_977 = arith.andi %scan3A_972, %and3A_976 : i32
        %mul3A_978 = arith.constant 16 : i32
        %mul3A_979 = arith.muli %and3A_977, %mul3A_978 : i32
        %get3A_980 = arith.constant 1 : i32
        %get3A_981 = arith.constant 0 : i32
        %get3A_982 = arith.index_cast %get3A_980 : i32 to index
        %get3A_983 = arith.index_cast %get3A_981 : i32 to index
        %get3A_984 = arith.index_cast %shift_right_arithmetic3A_975 : i32 to index
        %get3A_985 = arith.index_cast %mul3A_979 : i32 to index
        %get3A_986 = tpu.vector_load %arg7[%get3A_982, %get3A_983, %get3A_984, %get3A_985] {strides = array<i32>} : memref<2x16x8x256xf32, #tpu.memory_space<vmem>>, vector<1x1x1x16xf32>,
        %get3A_987 = vector.shape_cast %get3A_986 : vector<1x1x1x16xf32> to vector<16xf32>
        %mul3A_988 = arith.mulf %get3A_987, %get3A_987 : vector<16xf32>
        %mul3A_989 = vector.broadcast %squeeze3A_107 : f32 to vector<16xf32>
        %mul3A_990 = arith.mulf %mul3A_989, %get3A_987 : vector<16xf32>
        %get3A_991 = arith.constant 1 : i32
        %get3A_992 = arith.constant 1 : i32
        %get3A_993 = arith.index_cast %get3A_991 : i32 to index
        %get3A_994 = arith.index_cast %get3A_992 : i32 to index
        %get3A_995 = arith.index_cast %shift_right_arithmetic3A_975 : i32 to index
        %get3A_996 = arith.index_cast %mul3A_979 : i32 to index
        %get3A_997 = tpu.vector_load %arg7[%get3A_993, %get3A_994, %get3A_995, %get3A_996] {strides = array<i32>} : memref<2x16x8x256xf32, #tpu.memory_space<vmem>>, vector<1x1x1x16xf32>,
        %get3A_998 = vector.shape_cast %get3A_997 : vector<1x1x1x16xf32> to vector<16xf32>
        %mul3A_999 = arith.mulf %get3A_998, %get3A_998 : vector<16xf32>
        %add3A_1000 = arith.addf %mul3A_988, %mul3A_999 : vector<16xf32>
        %mul3A_1001 = vector.broadcast %squeeze3A_109 : f32 to vector<16xf32>
        %mul3A_1002 = arith.mulf %mul3A_1001, %get3A_998 : vector<16xf32>
        %add3A_1003 = arith.addf %mul3A_990, %mul3A_1002 : vector<16xf32>
        %get3A_1004 = arith.constant 1 : i32
        %get3A_1005 = arith.constant 2 : i32
        %get3A_1006 = arith.index_cast %get3A_1004 : i32 to index
        %get3A_1007 = arith.index_cast %get3A_1005 : i32 to index
        %get3A_1008 = arith.index_cast %shift_right_arithmetic3A_975 : i32 to index
        %get3A_1009 = arith.index_cast %mul3A_979 : i32 to index
        %get3A_1010 = tpu.vector_load %arg7[%get3A_1006, %get3A_1007, %get3A_1008, %get3A_1009] {strides = array<i32>} : memref<2x16x8x256xf32, #tpu.memory_space<vmem>>, vector<1x1x1x16xf32>,
        %get3A_1011 = vector.shape_cast %get3A_1010 : vector<1x1x1x16xf32> to vector<16xf32>
        %mul3A_1012 = arith.mulf %get3A_1011, %get3A_1011 : vector<16xf32>
        %add3A_1013 = arith.addf %add3A_1000, %mul3A_1012 : vector<16xf32>
        %mul3A_1014 = vector.broadcast %squeeze3A_111 : f32 to vector<16xf32>
        %mul3A_1015 = arith.mulf %mul3A_1014, %get3A_1011 : vector<16xf32>
        %add3A_1016 = arith.addf %add3A_1003, %mul3A_1015 : vector<16xf32>
        %get3A_1017 = arith.constant 1 : i32
        %get3A_1018 = arith.constant 3 : i32
        %get3A_1019 = arith.index_cast %get3A_1017 : i32 to index
        %get3A_1020 = arith.index_cast %get3A_1018 : i32 to index
        %get3A_1021 = arith.index_cast %shift_right_arithmetic3A_975 : i32 to index
        %get3A_1022 = arith.index_cast %mul3A_979 : i32 to index
        %get3A_1023 = tpu.vector_load %arg7[%get3A_1019, %get3A_1020, %get3A_1021, %get3A_1022] {strides = array<i32>} : memref<2x16x8x256xf32, #tpu.memory_space<vmem>>, vector<1x1x1x16xf32>,
        %get3A_1024 = vector.shape_cast %get3A_1023 : vector<1x1x1x16xf32> to vector<16xf32>
        %mul3A_1025 = arith.mulf %get3A_1024, %get3A_1024 : vector<16xf32>
        %add3A_1026 = arith.addf %add3A_1013, %mul3A_1025 : vector<16xf32>
        %mul3A_1027 = vector.broadcast %squeeze3A_113 : f32 to vector<16xf32>
        %mul3A_1028 = arith.mulf %mul3A_1027, %get3A_1024 : vector<16xf32>
        %add3A_1029 = arith.addf %add3A_1016, %mul3A_1028 : vector<16xf32>
        %get3A_1030 = arith.constant 1 : i32
        %get3A_1031 = arith.constant 4 : i32
        %get3A_1032 = arith.index_cast %get3A_1030 : i32 to index
        %get3A_1033 = arith.index_cast %get3A_1031 : i32 to index
        %get3A_1034 = arith.index_cast %shift_right_arithmetic3A_975 : i32 to index
        %get3A_1035 = arith.index_cast %mul3A_979 : i32 to index
        %get3A_1036 = tpu.vector_load %arg7[%get3A_1032, %get3A_1033, %get3A_1034, %get3A_1035] {strides = array<i32>} : memref<2x16x8x256xf32, #tpu.memory_space<vmem>>, vector<1x1x1x16xf32>,
        %get3A_1037 = vector.shape_cast %get3A_1036 : vector<1x1x1x16xf32> to vector<16xf32>
        %mul3A_1038 = arith.mulf %get3A_1037, %get3A_1037 : vector<16xf32>
        %add3A_1039 = arith.addf %add3A_1026, %mul3A_1038 : vector<16xf32>
        %mul3A_1040 = vector.broadcast %squeeze3A_115 : f32 to vector<16xf32>
        %mul3A_1041 = arith.mulf %mul3A_1040, %get3A_1037 : vector<16xf32>
        %add3A_1042 = arith.addf %add3A_1029, %mul3A_1041 : vector<16xf32>
        %get3A_1043 = arith.constant 1 : i32
        %get3A_1044 = arith.constant 5 : i32
        %get3A_1045 = arith.index_cast %get3A_1043 : i32 to index
        %get3A_1046 = arith.index_cast %get3A_1044 : i32 to index
        %get3A_1047 = arith.index_cast %shift_right_arithmetic3A_975 : i32 to index
        %get3A_1048 = arith.index_cast %mul3A_979 : i32 to index
        %get3A_1049 = tpu.vector_load %arg7[%get3A_1045, %get3A_1046, %get3A_1047, %get3A_1048] {strides = array<i32>} : memref<2x16x8x256xf32, #tpu.memory_space<vmem>>, vector<1x1x1x16xf32>,
        %get3A_1050 = vector.shape_cast %get3A_1049 : vector<1x1x1x16xf32> to vector<16xf32>
        %mul3A_1051 = arith.mulf %get3A_1050, %get3A_1050 : vector<16xf32>
        %add3A_1052 = arith.addf %add3A_1039, %mul3A_1051 : vector<16xf32>
        %mul3A_1053 = vector.broadcast %squeeze3A_117 : f32 to vector<16xf32>
        %mul3A_1054 = arith.mulf %mul3A_1053, %get3A_1050 : vector<16xf32>
        %add3A_1055 = arith.addf %add3A_1042, %mul3A_1054 : vector<16xf32>
        %get3A_1056 = arith.constant 1 : i32
        %get3A_1057 = arith.constant 6 : i32
        %get3A_1058 = arith.index_cast %get3A_1056 : i32 to index
        %get3A_1059 = arith.index_cast %get3A_1057 : i32 to index
        %get3A_1060 = arith.index_cast %shift_right_arithmetic3A_975 : i32 to index
        %get3A_1061 = arith.index_cast %mul3A_979 : i32 to index
        %get3A_1062 = tpu.vector_load %arg7[%get3A_1058, %get3A_1059, %get3A_1060, %get3A_1061] {strides = array<i32>} : memref<2x16x8x256xf32, #tpu.memory_space<vmem>>, vector<1x1x1x16xf32>,
        %get3A_1063 = vector.shape_cast %get3A_1062 : vector<1x1x1x16xf32> to vector<16xf32>
        %mul3A_1064 = arith.mulf %get3A_1063, %get3A_1063 : vector<16xf32>
        %add3A_1065 = arith.addf %add3A_1052, %mul3A_1064 : vector<16xf32>
        %mul3A_1066 = vector.broadcast %squeeze3A_119 : f32 to vector<16xf32>
        %mul3A_1067 = arith.mulf %mul3A_1066, %get3A_1063 : vector<16xf32>
        %add3A_1068 = arith.addf %add3A_1055, %mul3A_1067 : vector<16xf32>
        %get3A_1069 = arith.constant 1 : i32
        %get3A_1070 = arith.constant 7 : i32
        %get3A_1071 = arith.index_cast %get3A_1069 : i32 to index
        %get3A_1072 = arith.index_cast %get3A_1070 : i32 to index
        %get3A_1073 = arith.index_cast %shift_right_arithmetic3A_975 : i32 to index
        %get3A_1074 = arith.index_cast %mul3A_979 : i32 to index
        %get3A_1075 = tpu.vector_load %arg7[%get3A_1071, %get3A_1072, %get3A_1073, %get3A_1074] {strides = array<i32>} : memref<2x16x8x256xf32, #tpu.memory_space<vmem>>, vector<1x1x1x16xf32>,
        %get3A_1076 = vector.shape_cast %get3A_1075 : vector<1x1x1x16xf32> to vector<16xf32>
        %mul3A_1077 = arith.mulf %get3A_1076, %get3A_1076 : vector<16xf32>
        %add3A_1078 = arith.addf %add3A_1065, %mul3A_1077 : vector<16xf32>
        %mul3A_1079 = vector.broadcast %squeeze3A_121 : f32 to vector<16xf32>
        %mul3A_1080 = arith.mulf %mul3A_1079, %get3A_1076 : vector<16xf32>
        %add3A_1081 = arith.addf %add3A_1068, %mul3A_1080 : vector<16xf32>
        %get3A_1082 = arith.constant 1 : i32
        %get3A_1083 = arith.constant 8 : i32
        %get3A_1084 = arith.index_cast %get3A_1082 : i32 to index
        %get3A_1085 = arith.index_cast %get3A_1083 : i32 to index
        %get3A_1086 = arith.index_cast %shift_right_arithmetic3A_975 : i32 to index
        %get3A_1087 = arith.index_cast %mul3A_979 : i32 to index
        %get3A_1088 = tpu.vector_load %arg7[%get3A_1084, %get3A_1085, %get3A_1086, %get3A_1087] {strides = array<i32>} : memref<2x16x8x256xf32, #tpu.memory_space<vmem>>, vector<1x1x1x16xf32>,
        %get3A_1089 = vector.shape_cast %get3A_1088 : vector<1x1x1x16xf32> to vector<16xf32>
        %mul3A_1090 = arith.mulf %get3A_1089, %get3A_1089 : vector<16xf32>
        %add3A_1091 = arith.addf %add3A_1078, %mul3A_1090 : vector<16xf32>
        %mul3A_1092 = vector.broadcast %squeeze3A_123 : f32 to vector<16xf32>
        %mul3A_1093 = arith.mulf %mul3A_1092, %get3A_1089 : vector<16xf32>
        %add3A_1094 = arith.addf %add3A_1081, %mul3A_1093 : vector<16xf32>
        %get3A_1095 = arith.constant 1 : i32
        %get3A_1096 = arith.constant 9 : i32
        %get3A_1097 = arith.index_cast %get3A_1095 : i32 to index
        %get3A_1098 = arith.index_cast %get3A_1096 : i32 to index
        %get3A_1099 = arith.index_cast %shift_right_arithmetic3A_975 : i32 to index
        %get3A_1100 = arith.index_cast %mul3A_979 : i32 to index
        %get3A_1101 = tpu.vector_load %arg7[%get3A_1097, %get3A_1098, %get3A_1099, %get3A_1100] {strides = array<i32>} : memref<2x16x8x256xf32, #tpu.memory_space<vmem>>, vector<1x1x1x16xf32>,
        %get3A_1102 = vector.shape_cast %get3A_1101 : vector<1x1x1x16xf32> to vector<16xf32>
        %mul3A_1103 = arith.mulf %get3A_1102, %get3A_1102 : vector<16xf32>
        %add3A_1104 = arith.addf %add3A_1091, %mul3A_1103 : vector<16xf32>
        %mul3A_1105 = vector.broadcast %squeeze3A_125 : f32 to vector<16xf32>
        %mul3A_1106 = arith.mulf %mul3A_1105, %get3A_1102 : vector<16xf32>
        %add3A_1107 = arith.addf %add3A_1094, %mul3A_1106 : vector<16xf32>
        %get3A_1108 = arith.constant 1 : i32
        %get3A_1109 = arith.constant 10 : i32
        %get3A_1110 = arith.index_cast %get3A_1108 : i32 to index
        %get3A_1111 = arith.index_cast %get3A_1109 : i32 to index
        %get3A_1112 = arith.index_cast %shift_right_arithmetic3A_975 : i32 to index
        %get3A_1113 = arith.index_cast %mul3A_979 : i32 to index
        %get3A_1114 = tpu.vector_load %arg7[%get3A_1110, %get3A_1111, %get3A_1112, %get3A_1113] {strides = array<i32>} : memref<2x16x8x256xf32, #tpu.memory_space<vmem>>, vector<1x1x1x16xf32>,
        %get3A_1115 = vector.shape_cast %get3A_1114 : vector<1x1x1x16xf32> to vector<16xf32>
        %mul3A_1116 = arith.mulf %get3A_1115, %get3A_1115 : vector<16xf32>
        %add3A_1117 = arith.addf %add3A_1104, %mul3A_1116 : vector<16xf32>
        %mul3A_1118 = vector.broadcast %squeeze3A_127 : f32 to vector<16xf32>
        %mul3A_1119 = arith.mulf %mul3A_1118, %get3A_1115 : vector<16xf32>
        %add3A_1120 = arith.addf %add3A_1107, %mul3A_1119 : vector<16xf32>
        %get3A_1121 = arith.constant 1 : i32
        %get3A_1122 = arith.constant 11 : i32
        %get3A_1123 = arith.index_cast %get3A_1121 : i32 to index
        %get3A_1124 = arith.index_cast %get3A_1122 : i32 to index
        %get3A_1125 = arith.index_cast %shift_right_arithmetic3A_975 : i32 to index
        %get3A_1126 = arith.index_cast %mul3A_979 : i32 to index
        %get3A_1127 = tpu.vector_load %arg7[%get3A_1123, %get3A_1124, %get3A_1125, %get3A_1126] {strides = array<i32>} : memref<2x16x8x256xf32, #tpu.memory_space<vmem>>, vector<1x1x1x16xf32>,
        %get3A_1128 = vector.shape_cast %get3A_1127 : vector<1x1x1x16xf32> to vector<16xf32>
        %mul3A_1129 = arith.mulf %get3A_1128, %get3A_1128 : vector<16xf32>
        %add3A_1130 = arith.addf %add3A_1117, %mul3A_1129 : vector<16xf32>
        %mul3A_1131 = vector.broadcast %squeeze3A_129 : f32 to vector<16xf32>
        %mul3A_1132 = arith.mulf %mul3A_1131, %get3A_1128 : vector<16xf32>
        %add3A_1133 = arith.addf %add3A_1120, %mul3A_1132 : vector<16xf32>
        %get3A_1134 = arith.constant 1 : i32
        %get3A_1135 = arith.constant 12 : i32
        %get3A_1136 = arith.index_cast %get3A_1134 : i32 to index
        %get3A_1137 = arith.index_cast %get3A_1135 : i32 to index
        %get3A_1138 = arith.index_cast %shift_right_arithmetic3A_975 : i32 to index
        %get3A_1139 = arith.index_cast %mul3A_979 : i32 to index
        %get3A_1140 = tpu.vector_load %arg7[%get3A_1136, %get3A_1137, %get3A_1138, %get3A_1139] {strides = array<i32>} : memref<2x16x8x256xf32, #tpu.memory_space<vmem>>, vector<1x1x1x16xf32>,
        %get3A_1141 = vector.shape_cast %get3A_1140 : vector<1x1x1x16xf32> to vector<16xf32>
        %mul3A_1142 = arith.mulf %get3A_1141, %get3A_1141 : vector<16xf32>
        %add3A_1143 = arith.addf %add3A_1130, %mul3A_1142 : vector<16xf32>
        %mul3A_1144 = vector.broadcast %squeeze3A_131 : f32 to vector<16xf32>
        %mul3A_1145 = arith.mulf %mul3A_1144, %get3A_1141 : vector<16xf32>
        %add3A_1146 = arith.addf %add3A_1133, %mul3A_1145 : vector<16xf32>
        %get3A_1147 = arith.constant 1 : i32
        %get3A_1148 = arith.constant 13 : i32
        %get3A_1149 = arith.index_cast %get3A_1147 : i32 to index
        %get3A_1150 = arith.index_cast %get3A_1148 : i32 to index
        %get3A_1151 = arith.index_cast %shift_right_arithmetic3A_975 : i32 to index
        %get3A_1152 = arith.index_cast %mul3A_979 : i32 to index
        %get3A_1153 = tpu.vector_load %arg7[%get3A_1149, %get3A_1150, %get3A_1151, %get3A_1152] {strides = array<i32>} : memref<2x16x8x256xf32, #tpu.memory_space<vmem>>, vector<1x1x1x16xf32>,
        %get3A_1154 = vector.shape_cast %get3A_1153 : vector<1x1x1x16xf32> to vector<16xf32>
        %mul3A_1155 = arith.mulf %get3A_1154, %get3A_1154 : vector<16xf32>
        %add3A_1156 = arith.addf %add3A_1143, %mul3A_1155 : vector<16xf32>
        %mul3A_1157 = vector.broadcast %squeeze3A_133 : f32 to vector<16xf32>
        %mul3A_1158 = arith.mulf %mul3A_1157, %get3A_1154 : vector<16xf32>
        %add3A_1159 = arith.addf %add3A_1146, %mul3A_1158 : vector<16xf32>
        %get3A_1160 = arith.constant 1 : i32
        %get3A_1161 = arith.constant 14 : i32
        %get3A_1162 = arith.index_cast %get3A_1160 : i32 to index
        %get3A_1163 = arith.index_cast %get3A_1161 : i32 to index
        %get3A_1164 = arith.index_cast %shift_right_arithmetic3A_975 : i32 to index
        %get3A_1165 = arith.index_cast %mul3A_979 : i32 to index
        %get3A_1166 = tpu.vector_load %arg7[%get3A_1162, %get3A_1163, %get3A_1164, %get3A_1165] {strides = array<i32>} : memref<2x16x8x256xf32, #tpu.memory_space<vmem>>, vector<1x1x1x16xf32>,
        %get3A_1167 = vector.shape_cast %get3A_1166 : vector<1x1x1x16xf32> to vector<16xf32>
        %mul3A_1168 = arith.mulf %get3A_1167, %get3A_1167 : vector<16xf32>
        %add3A_1169 = arith.addf %add3A_1156, %mul3A_1168 : vector<16xf32>
        %mul3A_1170 = vector.broadcast %squeeze3A_135 : f32 to vector<16xf32>
        %mul3A_1171 = arith.mulf %mul3A_1170, %get3A_1167 : vector<16xf32>
        %add3A_1172 = arith.addf %add3A_1159, %mul3A_1171 : vector<16xf32>
        %get3A_1173 = arith.constant 1 : i32
        %get3A_1174 = arith.constant 15 : i32
        %get3A_1175 = arith.index_cast %get3A_1173 : i32 to index
        %get3A_1176 = arith.index_cast %get3A_1174 : i32 to index
        %get3A_1177 = arith.index_cast %shift_right_arithmetic3A_975 : i32 to index
        %get3A_1178 = arith.index_cast %mul3A_979 : i32 to index
        %get3A_1179 = tpu.vector_load %arg7[%get3A_1175, %get3A_1176, %get3A_1177, %get3A_1178] {strides = array<i32>} : memref<2x16x8x256xf32, #tpu.memory_space<vmem>>, vector<1x1x1x16xf32>,
        %get3A_1180 = vector.shape_cast %get3A_1179 : vector<1x1x1x16xf32> to vector<16xf32>
        %mul3A_1181 = arith.mulf %get3A_1180, %get3A_1180 : vector<16xf32>
        %add3A_1182 = arith.addf %add3A_1169, %mul3A_1181 : vector<16xf32>
        %mul3A_1183 = vector.broadcast %squeeze3A_137 : f32 to vector<16xf32>
        %mul3A_1184 = arith.mulf %mul3A_1183, %get3A_1180 : vector<16xf32>
        %add3A_1185 = arith.addf %add3A_1172, %mul3A_1184 : vector<16xf32>
        %bitcast_convert_type3A_1186 = tpu.bitcast %add3A_1182 : vector<16xf32> -> vector<16xi32>
        %broadcast_in_dim3A_1187 = arith.constant 1597463007 : i32
        %broadcast_in_dim3A_1188 = vector.broadcast %broadcast_in_dim3A_1187 : i32 to vector<16xi32>
        %shift_right_arithmetic3A_1189 = arith.constant 1 : i32
        %shift_right_arithmetic3A_1190 = vector.broadcast %shift_right_arithmetic3A_1189 : i32 to vector<16xi32>
        %shift_right_arithmetic3A_1191 = arith.shrsi %bitcast_convert_type3A_1186, %shift_right_arithmetic3A_1190 : vector<16xi32>
        %sub3A_1192 = arith.subi %broadcast_in_dim3A_1188, %shift_right_arithmetic3A_1191 : vector<16xi32>
        %bitcast_convert_type3A_1193 = tpu.bitcast %sub3A_1192 : vector<16xi32> -> vector<16xf32>
        %mul3A_1194 = arith.constant 5.000000e-01 : f32
        %mul3A_1195 = vector.broadcast %mul3A_1194 : f32 to vector<16xf32>
        %mul3A_1196 = arith.mulf %mul3A_1195, %add3A_1182 : vector<16xf32>
        %mul3A_1197 = arith.mulf %mul3A_1196, %bitcast_convert_type3A_1193 : vector<16xf32>
        %mul3A_1198 = arith.mulf %mul3A_1197, %bitcast_convert_type3A_1193 : vector<16xf32>
        %sub3A_1199 = arith.constant 1.500000e+00 : f32
        %sub3A_1200 = vector.broadcast %sub3A_1199 : f32 to vector<16xf32>
        %sub3A_1201 = arith.subf %sub3A_1200, %mul3A_1198 : vector<16xf32>
        %mul3A_1202 = arith.mulf %bitcast_convert_type3A_1193, %sub3A_1201 : vector<16xf32>
        %mul3A_1203 = arith.constant 5.000000e-01 : f32
        %mul3A_1204 = vector.broadcast %mul3A_1203 : f32 to vector<16xf32>
        %mul3A_1205 = arith.mulf %mul3A_1204, %add3A_1182 : vector<16xf32>
        %mul3A_1206 = arith.mulf %mul3A_1205, %mul3A_1202 : vector<16xf32>
        %mul3A_1207 = arith.mulf %mul3A_1206, %mul3A_1202 : vector<16xf32>
        %sub3A_1208 = arith.constant 1.500000e+00 : f32
        %sub3A_1209 = vector.broadcast %sub3A_1208 : f32 to vector<16xf32>
        %sub3A_1210 = arith.subf %sub3A_1209, %mul3A_1207 : vector<16xf32>
        %mul3A_1211 = arith.mulf %mul3A_1202, %sub3A_1210 : vector<16xf32>
        %mul3A_1212 = arith.mulf %add3A_1185, %mul3A_1211 : vector<16xf32>
        %get3A_1213 = arith.constant 1 : i32
        %get3A_1214 = arith.index_cast %get3A_1213 : i32 to index
        %get3A_1215 = arith.index_cast %shift_right_arithmetic3A_975 : i32 to index
        %get3A_1216 = arith.index_cast %mul3A_979 : i32 to index
        %get3A_1217 = tpu.vector_load %arg8[%get3A_1214, %get3A_1215, %get3A_1216] {strides = array<i32>} : memref<2x8x256xf32, #tpu.memory_space<vmem>>, vector<1x1x16xf32>,
        %get3A_1218 = vector.shape_cast %get3A_1217 : vector<1x1x16xf32> to vector<16xf32>
        %sub3A_1219 = arith.subf %mul3A_1212, %get3A_1218 : vector<16xf32>
        %mul3A_1220 = arith.mulf %sub3A_1219, %sub3A_1219 : vector<16xf32>
        %add3A_1221 = arith.addf %scan3A_973, %mul3A_1220 : vector<16xf32>
        %scan3A_1222 = arith.constant 1 : i32
        %scan3A_1223 = arith.addi %scan3A_972, %scan3A_1222 : i32
        %shift_right_arithmetic3A_1224 = arith.constant 4 : i32
        %shift_right_arithmetic3A_1225 = arith.shrsi %scan3A_1223, %shift_right_arithmetic3A_1224 : i32
        %and3A_1226 = arith.constant 15 : i32
        %and3A_1227 = arith.andi %scan3A_1223, %and3A_1226 : i32
        %mul3A_1228 = arith.constant 16 : i32
        %mul3A_1229 = arith.muli %and3A_1227, %mul3A_1228 : i32
        %get3A_1230 = arith.constant 1 : i32
        %get3A_1231 = arith.constant 0 : i32
        %get3A_1232 = arith.index_cast %get3A_1230 : i32 to index
        %get3A_1233 = arith.index_cast %get3A_1231 : i32 to index
        %get3A_1234 = arith.index_cast %shift_right_arithmetic3A_1225 : i32 to index
        %get3A_1235 = arith.index_cast %mul3A_1229 : i32 to index
        %get3A_1236 = tpu.vector_load %arg7[%get3A_1232, %get3A_1233, %get3A_1234, %get3A_1235] {strides = array<i32>} : memref<2x16x8x256xf32, #tpu.memory_space<vmem>>, vector<1x1x1x16xf32>,
        %get3A_1237 = vector.shape_cast %get3A_1236 : vector<1x1x1x16xf32> to vector<16xf32>
        %mul3A_1238 = arith.mulf %get3A_1237, %get3A_1237 : vector<16xf32>
        %mul3A_1239 = vector.broadcast %squeeze3A_107 : f32 to vector<16xf32>
        %mul3A_1240 = arith.mulf %mul3A_1239, %get3A_1237 : vector<16xf32>
        %get3A_1241 = arith.constant 1 : i32
        %get3A_1242 = arith.constant 1 : i32
        %get3A_1243 = arith.index_cast %get3A_1241 : i32 to index
        %get3A_1244 = arith.index_cast %get3A_1242 : i32 to index
        %get3A_1245 = arith.index_cast %shift_right_arithmetic3A_1225 : i32 to index
        %get3A_1246 = arith.index_cast %mul3A_1229 : i32 to index
        %get3A_1247 = tpu.vector_load %arg7[%get3A_1243, %get3A_1244, %get3A_1245, %get3A_1246] {strides = array<i32>} : memref<2x16x8x256xf32, #tpu.memory_space<vmem>>, vector<1x1x1x16xf32>,
        %get3A_1248 = vector.shape_cast %get3A_1247 : vector<1x1x1x16xf32> to vector<16xf32>
        %mul3A_1249 = arith.mulf %get3A_1248, %get3A_1248 : vector<16xf32>
        %add3A_1250 = arith.addf %mul3A_1238, %mul3A_1249 : vector<16xf32>
        %mul3A_1251 = vector.broadcast %squeeze3A_109 : f32 to vector<16xf32>
        %mul3A_1252 = arith.mulf %mul3A_1251, %get3A_1248 : vector<16xf32>
        %add3A_1253 = arith.addf %mul3A_1240, %mul3A_1252 : vector<16xf32>
        %get3A_1254 = arith.constant 1 : i32
        %get3A_1255 = arith.constant 2 : i32
        %get3A_1256 = arith.index_cast %get3A_1254 : i32 to index
        %get3A_1257 = arith.index_cast %get3A_1255 : i32 to index
        %get3A_1258 = arith.index_cast %shift_right_arithmetic3A_1225 : i32 to index
        %get3A_1259 = arith.index_cast %mul3A_1229 : i32 to index
        %get3A_1260 = tpu.vector_load %arg7[%get3A_1256, %get3A_1257, %get3A_1258, %get3A_1259] {strides = array<i32>} : memref<2x16x8x256xf32, #tpu.memory_space<vmem>>, vector<1x1x1x16xf32>,
        %get3A_1261 = vector.shape_cast %get3A_1260 : vector<1x1x1x16xf32> to vector<16xf32>
        %mul3A_1262 = arith.mulf %get3A_1261, %get3A_1261 : vector<16xf32>
        %add3A_1263 = arith.addf %add3A_1250, %mul3A_1262 : vector<16xf32>
        %mul3A_1264 = vector.broadcast %squeeze3A_111 : f32 to vector<16xf32>
        %mul3A_1265 = arith.mulf %mul3A_1264, %get3A_1261 : vector<16xf32>
        %add3A_1266 = arith.addf %add3A_1253, %mul3A_1265 : vector<16xf32>
        %get3A_1267 = arith.constant 1 : i32
        %get3A_1268 = arith.constant 3 : i32
        %get3A_1269 = arith.index_cast %get3A_1267 : i32 to index
        %get3A_1270 = arith.index_cast %get3A_1268 : i32 to index
        %get3A_1271 = arith.index_cast %shift_right_arithmetic3A_1225 : i32 to index
        %get3A_1272 = arith.index_cast %mul3A_1229 : i32 to index
        %get3A_1273 = tpu.vector_load %arg7[%get3A_1269, %get3A_1270, %get3A_1271, %get3A_1272] {strides = array<i32>} : memref<2x16x8x256xf32, #tpu.memory_space<vmem>>, vector<1x1x1x16xf32>,
        %get3A_1274 = vector.shape_cast %get3A_1273 : vector<1x1x1x16xf32> to vector<16xf32>
        %mul3A_1275 = arith.mulf %get3A_1274, %get3A_1274 : vector<16xf32>
        %add3A_1276 = arith.addf %add3A_1263, %mul3A_1275 : vector<16xf32>
        %mul3A_1277 = vector.broadcast %squeeze3A_113 : f32 to vector<16xf32>
        %mul3A_1278 = arith.mulf %mul3A_1277, %get3A_1274 : vector<16xf32>
        %add3A_1279 = arith.addf %add3A_1266, %mul3A_1278 : vector<16xf32>
        %get3A_1280 = arith.constant 1 : i32
        %get3A_1281 = arith.constant 4 : i32
        %get3A_1282 = arith.index_cast %get3A_1280 : i32 to index
        %get3A_1283 = arith.index_cast %get3A_1281 : i32 to index
        %get3A_1284 = arith.index_cast %shift_right_arithmetic3A_1225 : i32 to index
        %get3A_1285 = arith.index_cast %mul3A_1229 : i32 to index
        %get3A_1286 = tpu.vector_load %arg7[%get3A_1282, %get3A_1283, %get3A_1284, %get3A_1285] {strides = array<i32>} : memref<2x16x8x256xf32, #tpu.memory_space<vmem>>, vector<1x1x1x16xf32>,
        %get3A_1287 = vector.shape_cast %get3A_1286 : vector<1x1x1x16xf32> to vector<16xf32>
        %mul3A_1288 = arith.mulf %get3A_1287, %get3A_1287 : vector<16xf32>
        %add3A_1289 = arith.addf %add3A_1276, %mul3A_1288 : vector<16xf32>
        %mul3A_1290 = vector.broadcast %squeeze3A_115 : f32 to vector<16xf32>
        %mul3A_1291 = arith.mulf %mul3A_1290, %get3A_1287 : vector<16xf32>
        %add3A_1292 = arith.addf %add3A_1279, %mul3A_1291 : vector<16xf32>
        %get3A_1293 = arith.constant 1 : i32
        %get3A_1294 = arith.constant 5 : i32
        %get3A_1295 = arith.index_cast %get3A_1293 : i32 to index
        %get3A_1296 = arith.index_cast %get3A_1294 : i32 to index
        %get3A_1297 = arith.index_cast %shift_right_arithmetic3A_1225 : i32 to index
        %get3A_1298 = arith.index_cast %mul3A_1229 : i32 to index
        %get3A_1299 = tpu.vector_load %arg7[%get3A_1295, %get3A_1296, %get3A_1297, %get3A_1298] {strides = array<i32>} : memref<2x16x8x256xf32, #tpu.memory_space<vmem>>, vector<1x1x1x16xf32>,
        %get3A_1300 = vector.shape_cast %get3A_1299 : vector<1x1x1x16xf32> to vector<16xf32>
        %mul3A_1301 = arith.mulf %get3A_1300, %get3A_1300 : vector<16xf32>
        %add3A_1302 = arith.addf %add3A_1289, %mul3A_1301 : vector<16xf32>
        %mul3A_1303 = vector.broadcast %squeeze3A_117 : f32 to vector<16xf32>
        %mul3A_1304 = arith.mulf %mul3A_1303, %get3A_1300 : vector<16xf32>
        %add3A_1305 = arith.addf %add3A_1292, %mul3A_1304 : vector<16xf32>
        %get3A_1306 = arith.constant 1 : i32
        %get3A_1307 = arith.constant 6 : i32
        %get3A_1308 = arith.index_cast %get3A_1306 : i32 to index
        %get3A_1309 = arith.index_cast %get3A_1307 : i32 to index
        %get3A_1310 = arith.index_cast %shift_right_arithmetic3A_1225 : i32 to index
        %get3A_1311 = arith.index_cast %mul3A_1229 : i32 to index
        %get3A_1312 = tpu.vector_load %arg7[%get3A_1308, %get3A_1309, %get3A_1310, %get3A_1311] {strides = array<i32>} : memref<2x16x8x256xf32, #tpu.memory_space<vmem>>, vector<1x1x1x16xf32>,
        %get3A_1313 = vector.shape_cast %get3A_1312 : vector<1x1x1x16xf32> to vector<16xf32>
        %mul3A_1314 = arith.mulf %get3A_1313, %get3A_1313 : vector<16xf32>
        %add3A_1315 = arith.addf %add3A_1302, %mul3A_1314 : vector<16xf32>
        %mul3A_1316 = vector.broadcast %squeeze3A_119 : f32 to vector<16xf32>
        %mul3A_1317 = arith.mulf %mul3A_1316, %get3A_1313 : vector<16xf32>
        %add3A_1318 = arith.addf %add3A_1305, %mul3A_1317 : vector<16xf32>
        %get3A_1319 = arith.constant 1 : i32
        %get3A_1320 = arith.constant 7 : i32
        %get3A_1321 = arith.index_cast %get3A_1319 : i32 to index
        %get3A_1322 = arith.index_cast %get3A_1320 : i32 to index
        %get3A_1323 = arith.index_cast %shift_right_arithmetic3A_1225 : i32 to index
        %get3A_1324 = arith.index_cast %mul3A_1229 : i32 to index
        %get3A_1325 = tpu.vector_load %arg7[%get3A_1321, %get3A_1322, %get3A_1323, %get3A_1324] {strides = array<i32>} : memref<2x16x8x256xf32, #tpu.memory_space<vmem>>, vector<1x1x1x16xf32>,
        %get3A_1326 = vector.shape_cast %get3A_1325 : vector<1x1x1x16xf32> to vector<16xf32>
        %mul3A_1327 = arith.mulf %get3A_1326, %get3A_1326 : vector<16xf32>
        %add3A_1328 = arith.addf %add3A_1315, %mul3A_1327 : vector<16xf32>
        %mul3A_1329 = vector.broadcast %squeeze3A_121 : f32 to vector<16xf32>
        %mul3A_1330 = arith.mulf %mul3A_1329, %get3A_1326 : vector<16xf32>
        %add3A_1331 = arith.addf %add3A_1318, %mul3A_1330 : vector<16xf32>
        %get3A_1332 = arith.constant 1 : i32
        %get3A_1333 = arith.constant 8 : i32
        %get3A_1334 = arith.index_cast %get3A_1332 : i32 to index
        %get3A_1335 = arith.index_cast %get3A_1333 : i32 to index
        %get3A_1336 = arith.index_cast %shift_right_arithmetic3A_1225 : i32 to index
        %get3A_1337 = arith.index_cast %mul3A_1229 : i32 to index
        %get3A_1338 = tpu.vector_load %arg7[%get3A_1334, %get3A_1335, %get3A_1336, %get3A_1337] {strides = array<i32>} : memref<2x16x8x256xf32, #tpu.memory_space<vmem>>, vector<1x1x1x16xf32>,
        %get3A_1339 = vector.shape_cast %get3A_1338 : vector<1x1x1x16xf32> to vector<16xf32>
        %mul3A_1340 = arith.mulf %get3A_1339, %get3A_1339 : vector<16xf32>
        %add3A_1341 = arith.addf %add3A_1328, %mul3A_1340 : vector<16xf32>
        %mul3A_1342 = vector.broadcast %squeeze3A_123 : f32 to vector<16xf32>
        %mul3A_1343 = arith.mulf %mul3A_1342, %get3A_1339 : vector<16xf32>
        %add3A_1344 = arith.addf %add3A_1331, %mul3A_1343 : vector<16xf32>
        %get3A_1345 = arith.constant 1 : i32
        %get3A_1346 = arith.constant 9 : i32
        %get3A_1347 = arith.index_cast %get3A_1345 : i32 to index
        %get3A_1348 = arith.index_cast %get3A_1346 : i32 to index
        %get3A_1349 = arith.index_cast %shift_right_arithmetic3A_1225 : i32 to index
        %get3A_1350 = arith.index_cast %mul3A_1229 : i32 to index
        %get3A_1351 = tpu.vector_load %arg7[%get3A_1347, %get3A_1348, %get3A_1349, %get3A_1350] {strides = array<i32>} : memref<2x16x8x256xf32, #tpu.memory_space<vmem>>, vector<1x1x1x16xf32>,
        %get3A_1352 = vector.shape_cast %get3A_1351 : vector<1x1x1x16xf32> to vector<16xf32>
        %mul3A_1353 = arith.mulf %get3A_1352, %get3A_1352 : vector<16xf32>
        %add3A_1354 = arith.addf %add3A_1341, %mul3A_1353 : vector<16xf32>
        %mul3A_1355 = vector.broadcast %squeeze3A_125 : f32 to vector<16xf32>
        %mul3A_1356 = arith.mulf %mul3A_1355, %get3A_1352 : vector<16xf32>
        %add3A_1357 = arith.addf %add3A_1344, %mul3A_1356 : vector<16xf32>
        %get3A_1358 = arith.constant 1 : i32
        %get3A_1359 = arith.constant 10 : i32
        %get3A_1360 = arith.index_cast %get3A_1358 : i32 to index
        %get3A_1361 = arith.index_cast %get3A_1359 : i32 to index
        %get3A_1362 = arith.index_cast %shift_right_arithmetic3A_1225 : i32 to index
        %get3A_1363 = arith.index_cast %mul3A_1229 : i32 to index
        %get3A_1364 = tpu.vector_load %arg7[%get3A_1360, %get3A_1361, %get3A_1362, %get3A_1363] {strides = array<i32>} : memref<2x16x8x256xf32, #tpu.memory_space<vmem>>, vector<1x1x1x16xf32>,
        %get3A_1365 = vector.shape_cast %get3A_1364 : vector<1x1x1x16xf32> to vector<16xf32>
        %mul3A_1366 = arith.mulf %get3A_1365, %get3A_1365 : vector<16xf32>
        %add3A_1367 = arith.addf %add3A_1354, %mul3A_1366 : vector<16xf32>
        %mul3A_1368 = vector.broadcast %squeeze3A_127 : f32 to vector<16xf32>
        %mul3A_1369 = arith.mulf %mul3A_1368, %get3A_1365 : vector<16xf32>
        %add3A_1370 = arith.addf %add3A_1357, %mul3A_1369 : vector<16xf32>
        %get3A_1371 = arith.constant 1 : i32
        %get3A_1372 = arith.constant 11 : i32
        %get3A_1373 = arith.index_cast %get3A_1371 : i32 to index
        %get3A_1374 = arith.index_cast %get3A_1372 : i32 to index
        %get3A_1375 = arith.index_cast %shift_right_arithmetic3A_1225 : i32 to index
        %get3A_1376 = arith.index_cast %mul3A_1229 : i32 to index
        %get3A_1377 = tpu.vector_load %arg7[%get3A_1373, %get3A_1374, %get3A_1375, %get3A_1376] {strides = array<i32>} : memref<2x16x8x256xf32, #tpu.memory_space<vmem>>, vector<1x1x1x16xf32>,
        %get3A_1378 = vector.shape_cast %get3A_1377 : vector<1x1x1x16xf32> to vector<16xf32>
        %mul3A_1379 = arith.mulf %get3A_1378, %get3A_1378 : vector<16xf32>
        %add3A_1380 = arith.addf %add3A_1367, %mul3A_1379 : vector<16xf32>
        %mul3A_1381 = vector.broadcast %squeeze3A_129 : f32 to vector<16xf32>
        %mul3A_1382 = arith.mulf %mul3A_1381, %get3A_1378 : vector<16xf32>
        %add3A_1383 = arith.addf %add3A_1370, %mul3A_1382 : vector<16xf32>
        %get3A_1384 = arith.constant 1 : i32
        %get3A_1385 = arith.constant 12 : i32
        %get3A_1386 = arith.index_cast %get3A_1384 : i32 to index
        %get3A_1387 = arith.index_cast %get3A_1385 : i32 to index
        %get3A_1388 = arith.index_cast %shift_right_arithmetic3A_1225 : i32 to index
        %get3A_1389 = arith.index_cast %mul3A_1229 : i32 to index
        %get3A_1390 = tpu.vector_load %arg7[%get3A_1386, %get3A_1387, %get3A_1388, %get3A_1389] {strides = array<i32>} : memref<2x16x8x256xf32, #tpu.memory_space<vmem>>, vector<1x1x1x16xf32>,
        %get3A_1391 = vector.shape_cast %get3A_1390 : vector<1x1x1x16xf32> to vector<16xf32>
        %mul3A_1392 = arith.mulf %get3A_1391, %get3A_1391 : vector<16xf32>
        %add3A_1393 = arith.addf %add3A_1380, %mul3A_1392 : vector<16xf32>
        %mul3A_1394 = vector.broadcast %squeeze3A_131 : f32 to vector<16xf32>
        %mul3A_1395 = arith.mulf %mul3A_1394, %get3A_1391 : vector<16xf32>
        %add3A_1396 = arith.addf %add3A_1383, %mul3A_1395 : vector<16xf32>
        %get3A_1397 = arith.constant 1 : i32
        %get3A_1398 = arith.constant 13 : i32
        %get3A_1399 = arith.index_cast %get3A_1397 : i32 to index
        %get3A_1400 = arith.index_cast %get3A_1398 : i32 to index
        %get3A_1401 = arith.index_cast %shift_right_arithmetic3A_1225 : i32 to index
        %get3A_1402 = arith.index_cast %mul3A_1229 : i32 to index
        %get3A_1403 = tpu.vector_load %arg7[%get3A_1399, %get3A_1400, %get3A_1401, %get3A_1402] {strides = array<i32>} : memref<2x16x8x256xf32, #tpu.memory_space<vmem>>, vector<1x1x1x16xf32>,
        %get3A_1404 = vector.shape_cast %get3A_1403 : vector<1x1x1x16xf32> to vector<16xf32>
        %mul3A_1405 = arith.mulf %get3A_1404, %get3A_1404 : vector<16xf32>
        %add3A_1406 = arith.addf %add3A_1393, %mul3A_1405 : vector<16xf32>
        %mul3A_1407 = vector.broadcast %squeeze3A_133 : f32 to vector<16xf32>
        %mul3A_1408 = arith.mulf %mul3A_1407, %get3A_1404 : vector<16xf32>
        %add3A_1409 = arith.addf %add3A_1396, %mul3A_1408 : vector<16xf32>
        %get3A_1410 = arith.constant 1 : i32
        %get3A_1411 = arith.constant 14 : i32
        %get3A_1412 = arith.index_cast %get3A_1410 : i32 to index
        %get3A_1413 = arith.index_cast %get3A_1411 : i32 to index
        %get3A_1414 = arith.index_cast %shift_right_arithmetic3A_1225 : i32 to index
        %get3A_1415 = arith.index_cast %mul3A_1229 : i32 to index
        %get3A_1416 = tpu.vector_load %arg7[%get3A_1412, %get3A_1413, %get3A_1414, %get3A_1415] {strides = array<i32>} : memref<2x16x8x256xf32, #tpu.memory_space<vmem>>, vector<1x1x1x16xf32>,
        %get3A_1417 = vector.shape_cast %get3A_1416 : vector<1x1x1x16xf32> to vector<16xf32>
        %mul3A_1418 = arith.mulf %get3A_1417, %get3A_1417 : vector<16xf32>
        %add3A_1419 = arith.addf %add3A_1406, %mul3A_1418 : vector<16xf32>
        %mul3A_1420 = vector.broadcast %squeeze3A_135 : f32 to vector<16xf32>
        %mul3A_1421 = arith.mulf %mul3A_1420, %get3A_1417 : vector<16xf32>
        %add3A_1422 = arith.addf %add3A_1409, %mul3A_1421 : vector<16xf32>
        %get3A_1423 = arith.constant 1 : i32
        %get3A_1424 = arith.constant 15 : i32
        %get3A_1425 = arith.index_cast %get3A_1423 : i32 to index
        %get3A_1426 = arith.index_cast %get3A_1424 : i32 to index
        %get3A_1427 = arith.index_cast %shift_right_arithmetic3A_1225 : i32 to index
        %get3A_1428 = arith.index_cast %mul3A_1229 : i32 to index
        %get3A_1429 = tpu.vector_load %arg7[%get3A_1425, %get3A_1426, %get3A_1427, %get3A_1428] {strides = array<i32>} : memref<2x16x8x256xf32, #tpu.memory_space<vmem>>, vector<1x1x1x16xf32>,
        %get3A_1430 = vector.shape_cast %get3A_1429 : vector<1x1x1x16xf32> to vector<16xf32>
        %mul3A_1431 = arith.mulf %get3A_1430, %get3A_1430 : vector<16xf32>
        %add3A_1432 = arith.addf %add3A_1419, %mul3A_1431 : vector<16xf32>
        %mul3A_1433 = vector.broadcast %squeeze3A_137 : f32 to vector<16xf32>
        %mul3A_1434 = arith.mulf %mul3A_1433, %get3A_1430 : vector<16xf32>
        %add3A_1435 = arith.addf %add3A_1422, %mul3A_1434 : vector<16xf32>
        %bitcast_convert_type3A_1436 = tpu.bitcast %add3A_1432 : vector<16xf32> -> vector<16xi32>
        %broadcast_in_dim3A_1437 = arith.constant 1597463007 : i32
        %broadcast_in_dim3A_1438 = vector.broadcast %broadcast_in_dim3A_1437 : i32 to vector<16xi32>
        %shift_right_arithmetic3A_1439 = arith.constant 1 : i32
        %shift_right_arithmetic3A_1440 = vector.broadcast %shift_right_arithmetic3A_1439 : i32 to vector<16xi32>
        %shift_right_arithmetic3A_1441 = arith.shrsi %bitcast_convert_type3A_1436, %shift_right_arithmetic3A_1440 : vector<16xi32>
        %sub3A_1442 = arith.subi %broadcast_in_dim3A_1438, %shift_right_arithmetic3A_1441 : vector<16xi32>
        %bitcast_convert_type3A_1443 = tpu.bitcast %sub3A_1442 : vector<16xi32> -> vector<16xf32>
        %mul3A_1444 = arith.constant 5.000000e-01 : f32
        %mul3A_1445 = vector.broadcast %mul3A_1444 : f32 to vector<16xf32>
        %mul3A_1446 = arith.mulf %mul3A_1445, %add3A_1432 : vector<16xf32>
        %mul3A_1447 = arith.mulf %mul3A_1446, %bitcast_convert_type3A_1443 : vector<16xf32>
        %mul3A_1448 = arith.mulf %mul3A_1447, %bitcast_convert_type3A_1443 : vector<16xf32>
        %sub3A_1449 = arith.constant 1.500000e+00 : f32
        %sub3A_1450 = vector.broadcast %sub3A_1449 : f32 to vector<16xf32>
        %sub3A_1451 = arith.subf %sub3A_1450, %mul3A_1448 : vector<16xf32>
        %mul3A_1452 = arith.mulf %bitcast_convert_type3A_1443, %sub3A_1451 : vector<16xf32>
        %mul3A_1453 = arith.constant 5.000000e-01 : f32
        %mul3A_1454 = vector.broadcast %mul3A_1453 : f32 to vector<16xf32>
        %mul3A_1455 = arith.mulf %mul3A_1454, %add3A_1432 : vector<16xf32>
        %mul3A_1456 = arith.mulf %mul3A_1455, %mul3A_1452 : vector<16xf32>
        %mul3A_1457 = arith.mulf %mul3A_1456, %mul3A_1452 : vector<16xf32>
        %sub3A_1458 = arith.constant 1.500000e+00 : f32
        %sub3A_1459 = vector.broadcast %sub3A_1458 : f32 to vector<16xf32>
        %sub3A_1460 = arith.subf %sub3A_1459, %mul3A_1457 : vector<16xf32>
        %mul3A_1461 = arith.mulf %mul3A_1452, %sub3A_1460 : vector<16xf32>
        %mul3A_1462 = arith.mulf %add3A_1435, %mul3A_1461 : vector<16xf32>
        %get3A_1463 = arith.constant 1 : i32
        %get3A_1464 = arith.index_cast %get3A_1463 : i32 to index
        %get3A_1465 = arith.index_cast %shift_right_arithmetic3A_1225 : i32 to index
        %get3A_1466 = arith.index_cast %mul3A_1229 : i32 to index
        %get3A_1467 = tpu.vector_load %arg8[%get3A_1464, %get3A_1465, %get3A_1466] {strides = array<i32>} : memref<2x8x256xf32, #tpu.memory_space<vmem>>, vector<1x1x16xf32>,
        %get3A_1468 = vector.shape_cast %get3A_1467 : vector<1x1x16xf32> to vector<16xf32>
        %sub3A_1469 = arith.subf %mul3A_1462, %get3A_1468 : vector<16xf32>
        %mul3A_1470 = arith.mulf %sub3A_1469, %sub3A_1469 : vector<16xf32>
        %add3A_1471 = arith.addf %add3A_1221, %mul3A_1470 : vector<16xf32>
        scf.yield %add3A_1471 : vector<16xf32>
      }
      %scan3A_971 = arith.constant 128 : i32
      scf.yield %scan3A_970 : vector<16xf32>
    }
    %scan3A_407 = arith.constant 3 : i32
    %swap3A_408 = arith.constant 0 : index
    %swap3A_409 = tpu.vector_load %arg9[%swap3A_408] {strides = array<i32>} : memref<16xf32, #tpu.memory_space<vmem>>, vector<16xf32>,
    %swap3A_410 = vector.shape_cast %swap3A_409 : vector<16xf32> to vector<16xf32>
    %swap3A_411 = vector.shape_cast %scan3A_406 : vector<16xf32> to vector<16xf32>
    tpu.vector_store %arg9[%swap3A_408], %swap3A_411 {strides = array<i32>} : memref<16xf32, #tpu.memory_space<vmem>>, vector<16xf32>,
    "tpu.region"() ({
      %run_scoped3A = tpu.sem_alloc : memref<!tpu.dma_semaphore, #tpu.memory_space<semaphore_mem>>
      %dma_start3A_412 = arith.constant 0 : i32
      %dma_start3A_413 = tpu.memref_slice %arg5[%add3A, %dma_start3A_412] : memref<32x16xf32, #tpu.memory_space<hbm>> -> memref<1x16xf32, #tpu.memory_space<hbm>>
      %dma_start3A_414 = tpu.memref_squeeze %dma_start3A_413 : memref<1x16xf32, #tpu.memory_space<hbm>> -> memref<16xf32, #tpu.memory_space<hbm>>
      %dma_start3A_415 = arith.constant 0 : i32
      %dma_start3A_416 = tpu.memref_slice %arg5[%add3A, %dma_start3A_415] : memref<32x16xf32, #tpu.memory_space<hbm>> -> memref<1x16xf32, #tpu.memory_space<hbm>>
      %dma_start3A_417 = tpu.memref_squeeze %dma_start3A_416 : memref<1x16xf32, #tpu.memory_space<hbm>> -> memref<16xf32, #tpu.memory_space<hbm>>
      tpu.enqueue_dma source(%arg9 : memref<16xf32, #tpu.memory_space<vmem>>) target(%dma_start3A_417 : memref<16xf32, #tpu.memory_space<hbm>>) target_semaphore(%run_scoped3A : memref<!tpu.dma_semaphore, #tpu.memory_space<semaphore_mem>>)
      %dma_wait3A = arith.constant 0 : i32
      %dma_wait3A_418 = tpu.memref_slice %arg5[%add3A, %dma_wait3A] : memref<32x16xf32, #tpu.memory_space<hbm>> -> memref<1x16xf32, #tpu.memory_space<hbm>>
      %dma_wait3A_419 = tpu.memref_squeeze %dma_wait3A_418 : memref<1x16xf32, #tpu.memory_space<hbm>> -> memref<16xf32, #tpu.memory_space<hbm>>
      %dma_wait3A_420 = arith.constant 0 : i32
      %dma_wait3A_421 = tpu.memref_slice %arg5[%add3A, %dma_wait3A_420] : memref<32x16xf32, #tpu.memory_space<hbm>> -> memref<1x16xf32, #tpu.memory_space<hbm>>
      %dma_wait3A_422 = tpu.memref_squeeze %dma_wait3A_421 : memref<1x16xf32, #tpu.memory_space<hbm>> -> memref<16xf32, #tpu.memory_space<hbm>>
      tpu.wait_dma2 semaphore(%run_scoped3A : memref<!tpu.dma_semaphore, #tpu.memory_space<semaphore_mem>>) src(%arg9 : memref<16xf32, #tpu.memory_space<vmem>>) dst(%dma_wait3A_422 : memref<16xf32, #tpu.memory_space<hbm>>)
      tpu.yield
    }) : () -> ()
    return
  }
}

module attributes {stable_mosaic.version = 14 : i64} {
  func.func @_tc_body(%arg0: i32, %arg1: memref<1x16xf32, #tpu.memory_space<vmem>>, %arg2: memref<16x64x1024xf32, #tpu.memory_space<vmem>>, %arg3: memref<64x1024xf32, #tpu.memory_space<vmem>>, %arg4: memref<1x1xf32, #tpu.memory_space<vmem>>) attributes {dimension_semantics = [#tpu.dimension_semantics<arbitrary>], iteration_bounds = array<i64: 10>, scalar_prefetch = 0 : i64, scratch_operands = 0 : i64, tpu.core_type = #tpu.core_type<tc>, window_params = [{pipeline_mode = #tpu.pipeline_mode<synchronous>, transform_indices = @transform_0, window_bounds = array<i64: 1, 16>}, {transform_indices = @transform_1, window_bounds = array<i64: 16, 64, 1024>}, {transform_indices = @transform_2, window_bounds = array<i64: 64, 1024>}, {pipeline_mode = #tpu.pipeline_mode<synchronous>, transform_indices = @transform_3, window_bounds = array<i64: 1, 1>}]} {
    %get3A = arith.constant 0 : index
    %get3A_0 = arith.constant 0 : index
    %get3A_1 = vector.load %arg1[%get3A, %get3A_0] : memref<1x16xf32, #tpu.memory_space<vmem>>, vector<1x16xf32>
    %get3A_2 = vector.shape_cast %get3A_1 : vector<1x16xf32> to vector<16xf32>
    %mul3A = arith.mulf %get3A_2, %get3A_2 : vector<16xf32>
    %reduce_sum3A = vector.shape_cast %mul3A : vector<16xf32> to vector<1x16xf32>
    %reduce_sum3A_3 = arith.constant dense<0.000000e+00> : vector<1xf32>
    %reduce_sum3A_4 = vector.multi_reduction <add>, %reduce_sum3A, %reduce_sum3A_3 [1] : vector<1x16xf32> to vector<1xf32>
    %reduce_sum3A_5 = vector.shape_cast %reduce_sum3A_4 : vector<1xf32> to vector<1x1xf32>
    %reduce_sum3A_6 = vector.extract %reduce_sum3A_5[0, 0] : f32 from vector<1x1xf32>
    %sqrt3A = math.sqrt %reduce_sum3A_6 : f32
    %add3A = arith.constant 9.99999993E-9 : f32
    %add3A_7 = arith.addf %sqrt3A, %add3A : f32
    %div3A = vector.broadcast %add3A_7 : f32 to vector<16xf32>
    %div3A_8 = arith.divf %get3A_2, %div3A : vector<16xf32>
    %get3A_9 = arith.constant 0 : index
    %get3A_10 = arith.constant 0 : index
    %get3A_11 = arith.constant 0 : index
    %get3A_12 = vector.load %arg2[%get3A_9, %get3A_10, %get3A_11] : memref<16x64x1024xf32, #tpu.memory_space<vmem>>, vector<16x64x1024xf32>
    %mul3A_13 = arith.mulf %get3A_12, %get3A_12 : vector<16x64x1024xf32>
    %reduce_sum3A_14 = arith.constant dense<0.000000e+00> : vector<64x1024xf32>
    %reduce_sum3A_15 = vector.multi_reduction <add>, %mul3A_13, %reduce_sum3A_14 [0] : vector<16x64x1024xf32> to vector<64x1024xf32>
    %broadcast_in_dim3A = vector.shape_cast %div3A_8 : vector<16xf32> to vector<16x1x1xf32>
    %mul3A_16 = vector.broadcast %broadcast_in_dim3A : vector<16x1x1xf32> to vector<16x64x1024xf32>
    %mul3A_17 = arith.mulf %get3A_12, %mul3A_16 : vector<16x64x1024xf32>
    %reduce_sum3A_18 = arith.constant dense<0.000000e+00> : vector<64x1024xf32>
    %reduce_sum3A_19 = vector.multi_reduction <add>, %mul3A_17, %reduce_sum3A_18 [0] : vector<16x64x1024xf32> to vector<64x1024xf32>
    %sqrt3A_20 = math.sqrt %reduce_sum3A_15 : vector<64x1024xf32>
    %add3A_21 = arith.constant 9.99999993E-9 : f32
    %add3A_22 = vector.broadcast %add3A_21 : f32 to vector<64x1024xf32>
    %add3A_23 = arith.addf %sqrt3A_20, %add3A_22 : vector<64x1024xf32>
    %div3A_24 = arith.divf %reduce_sum3A_19, %add3A_23 : vector<64x1024xf32>
    %get3A_25 = arith.constant 0 : index
    %get3A_26 = arith.constant 0 : index
    %get3A_27 = vector.load %arg3[%get3A_25, %get3A_26] : memref<64x1024xf32, #tpu.memory_space<vmem>>, vector<64x1024xf32>
    %sub3A = arith.subf %div3A_24, %get3A_27 : vector<64x1024xf32>
    %mul3A_28 = arith.mulf %sub3A, %sub3A : vector<64x1024xf32>
    %reduce_sum3A_29 = vector.shape_cast %mul3A_28 : vector<64x1024xf32> to vector<1x64x1024xf32>
    %reduce_sum3A_30 = arith.constant dense<0.000000e+00> : vector<1xf32>
    %reduce_sum3A_31 = vector.multi_reduction <add>, %reduce_sum3A_29, %reduce_sum3A_30 [1, 2] : vector<1x64x1024xf32> to vector<1xf32>
    %reduce_sum3A_32 = vector.shape_cast %reduce_sum3A_31 : vector<1xf32> to vector<1x1x1xf32>
    %reduce_sum3A_33 = vector.extract %reduce_sum3A_32[0, 0, 0] : f32 from vector<1x1x1xf32>
    %eq3A = arith.constant 0 : i32
    %eq3A_34 = arith.cmpi eq, %arg0, %eq3A : i32
    %convert_element_type3A = arith.extui %eq3A_34 : i1 to i32
    %cond3A = arith.constant 0 : i32
    %cond3A_35 = arith.cmpi ne, %convert_element_type3A, %cond3A : i32
    scf.if %cond3A_35 {
      %broadcast_in_dim3A_42 = arith.constant 0.000000e+00 : f32
      %broadcast_in_dim3A_43 = vector.broadcast %broadcast_in_dim3A_42 : f32 to vector<1x1xf32>
      %swap3A_44 = arith.constant 0 : index
      %swap3A_45 = arith.constant 0 : index
      %swap3A_46 = vector.load %arg4[%swap3A_44, %swap3A_45] : memref<1x1xf32, #tpu.memory_space<vmem>>, vector<1x1xf32>
      tpu.vector_store %arg4[%swap3A_44, %swap3A_45], %broadcast_in_dim3A_43 {strides = array<i32>} : memref<1x1xf32, #tpu.memory_space<vmem>>, vector<1x1xf32>,
    } else {
    }
    %get3A_36 = arith.constant 0 : index
    %get3A_37 = arith.constant 0 : index
    %get3A_38 = vector.load %arg4[%get3A_36, %get3A_37] : memref<1x1xf32, #tpu.memory_space<vmem>>, vector<1x1xf32>
    %reshape3A = vector.broadcast %reduce_sum3A_33 : f32 to vector<1x1xf32>
    %add3A_39 = arith.addf %get3A_38, %reshape3A : vector<1x1xf32>
    %swap3A = arith.constant 0 : index
    %swap3A_40 = arith.constant 0 : index
    %swap3A_41 = vector.load %arg4[%swap3A, %swap3A_40] : memref<1x1xf32, #tpu.memory_space<vmem>>, vector<1x1xf32>
    tpu.vector_store %arg4[%swap3A, %swap3A_40], %add3A_39 {strides = array<i32>} : memref<1x1xf32, #tpu.memory_space<vmem>>, vector<1x1xf32>,
    return
  }
  func.func @transform_0(%arg0: i32) -> (i32, i32) {
    %c0_i32 = arith.constant 0 : i32
    %c0_i32_0 = arith.constant 0 : i32
    %c0_i32_1 = arith.constant 0 : i32
    return %c0_i32, %c0_i32_0 : i32, i32
  }
  func.func @transform_1(%arg0: i32) -> (i32, i32, i32) {
    %c0_i32 = arith.constant 0 : i32
    %c0_i32_0 = arith.constant 0 : i32
    %c0_i32_1 = arith.constant 0 : i32
    return %c0_i32, %arg0, %c0_i32_0 : i32, i32, i32
  }
  func.func @transform_2(%arg0: i32) -> (i32, i32) {
    %c0_i32 = arith.constant 0 : i32
    %c0_i32_0 = arith.constant 0 : i32
    return %arg0, %c0_i32 : i32, i32
  }
  func.func @transform_3(%arg0: i32) -> (i32, i32) {
    %c0_i32 = arith.constant 0 : i32
    %c0_i32_0 = arith.constant 0 : i32
    %c0_i32_1 = arith.constant 0 : i32
    return %c0_i32, %c0_i32_0 : i32, i32
  }
}

</mosaic_0001>

<sc_bundles>
// kernel: kernel.4.cloned.1.call-start
scs
__scs_entry_jumppad:
0x0: {  	(pc) =	sbr.rel $0x88, $3  }
0x1: {  	(tag) =	ssettag $0x0;
	lr =	simm.s32 $0x1  }
0x2: {  	[smem:$0x3F9D] =	sst lr;
	_ =	strace $0xD0000000  }
0x3: {  	_ = 	snop  }
0x4: {  	_ = 	snop  }
0x5: {  	_ = 	snop  }
0x6: {  	_ = 	snop  }
0x7: {  	_ = 	snop  }
__scs_overlays_trampoline_lowered:
0x8: {  	[smem:$0x3FAC] =	sst s0  }
0x9: {  	[smem:$0x3FAD] =	sst s1  }
0xa: {  	[smem:$0x3FAE] =	sst s2  }
0xb: {  	[smem:$0x3FAF] =	sst s3  }
0xc: {  	[smem:$0x3FB0] =	sst s4  }
0xd: {  	[smem:$0x3FB1] =	sst s5  }
0xe: {  	[smem:$0x3FB2] =	sst s6  }
0xf: {  	[smem:$0x3FB3] =	sst s7  }
0x10: {  	[smem:$0x3FB4] =	sst s8  }
0x11: {  	[smem:$0x3FB5] =	sst s9;
	s0 =	simm.s32 @!p0 $0x0  }
0x12: {  	s1 =	sld [smem:$0x3F9B];
	s0 =	simm.s32 @p0 $0x1  }
0x13: {  	[smem:$0x3FB6] =	sst s0;
	s0 =	simm.s32 @!p1 $0x0  }
0x14: {  	s2 =	sld [smem:$0x3F9A];
	s0 =	simm.s32 @p1 $0x1  }
0x15: {  	[smem:$0x3FB7] =	sst s0;
	s0 =	simm.s32 @!p2 $0x0  }
0x16: {  	s3 =	sld [smem:$0x3FDB];
	s0 =	simm.s32 @p2 $0x1  }
0x17: {  	s4 =	simm.s32 $0x1BF5;
	[smem:$0x3FB9] =	sst s0  }
0x18: {  	s0 =	sld [smem:$0x3F9C];
	_ =	swait.ge [sflag:s4], $0x0  }
0x19: {  	s7 =	sld [smem:$0x3F9D]  }
0x1a: {  	s8 =	sadd.s32 $0xFFFFE003, lr  }
0x1b: {  	s9 =	sadd.s32 $0xFFFFFEF7, lr;
	s5 =	simm.s32 $0xFFFFFFFF;
	p2 =	slt.u32 s8, $0xFFFFF086  }
0x1c: {  	p1 =	slt.u32 s9, $0xF7A;
	s5 =	simm.s32 @!p2 $0x0  }
0x1d: {  	s5 =	simm.s32 @p1 $0x1;
	p0 =	seq.s32 s7, s2  }
0x1e: {  	s7 =	smul.u32 @!p0 $0xF7A, s2;
	p2 =	seq.s32 @!p0 s5, $0x0  }
0x1f: {  	s9 =	smul.u32 $0xF7A, s1;
	s8 =	simm.s32 @!p0 $0x1BF5;
	p2 =	por !p2, p0  }
0x20: {  	[sflag:s8] =	ssyncset.s32 @!p0 $0xFFFFF086;
	s6 =	sadd.s32 @!p0 s3, s7;
	s7 =	simm.s32 @!p0 $0x108  }
0x21: {  	s3 =	sadd.s32 s3, s9;
	s6 =	sadd.s32 @!p0 $0x88, s6;
	s7 =	simm.s32 @p2 $0x1082  }
0x22: {  	[simem:s7], [sflag:s8] =	dma.local @!p0 [hbm:s6], $0xF7A  }
0x23: {  	s9 =	sor.u32 $0xD0000000, s2;
	s6 =	simm.s32 $0x108;
	_ =	swait.ge @!p0 [sflag:s8], $0x0  }
0x24: {  	s3 =	sadd.s32 $0x88, s3;
	s6 =	simm.s32 @!p1 $0x1082;
	[sflag:s4] =	ssyncset.s32 $0xFFFFF086  }
0x25: {  	[simem:s6], [sflag:s4] =	dma.local [hbm:s3], $0xF7A  }
0x26: {  	[smem:$0x3F9D] =	sst s1;
	(tag) =	ssettag s2;
	_ =	strace s9  }
0x27: {  	s1 =	sld [smem:$0x3FAD]  }
0x28: {  	s2 =	sld [smem:$0x3FAE]  }
0x29: {  	s4 =	sld [smem:$0x3FB0]  }
0x2a: {  	p0 =	seq.s32 s5, $0x0;
	s5 =	sld [smem:$0x3FB1]  }
0x2b: {  	s6 =	sld [smem:$0x3FB2]  }
0x2c: {  	s7 =	sld [smem:$0x3FB3]  }
0x2d: {  	s3 =	simm.s32 $0x108;
	s8 =	sld [smem:$0x3FB4]  }
0x2e: {  	s3 =	simm.s32 @!p0 $0x1082;
	s9 =	sld [smem:$0x3FB5]  }
0x2f: {  	lr =	sadd.s32 s0, s3;
	s0 =	sld [smem:$0x3FAC]  }
0x30: {  	s3 =	sld [smem:$0x3FAF]  }
0x31: {  	[smem:$0x3FB8] =	sst s10  }
0x32: {  	s10 =	sld [smem:$0x3FB6];
	_ =	sdelay $0x3  }
0x33: {  	p0 =	seq.s32 s10, $0x1;
	s10 =	sld [smem:$0x3FB8];
	_ =	sdelay $0x3  }
0x34: {  	[smem:$0x3FB8] =	sst s10  }
0x35: {  	s10 =	sld [smem:$0x3FB7];
	_ =	sdelay $0x3  }
0x36: {  	p1 =	seq.s32 s10, $0x1;
	s10 =	sld [smem:$0x3FB8];
	_ =	sdelay $0x3  }
0x37: {  	[smem:$0x3FB8] =	sst s10  }
0x38: {  	s10 =	sld [smem:$0x3FB9]  }
0x39: {  	_ = 	snop;
	(pc) =	sbr.ind lr, $3  }
0x3a: {  	_ = 	snop  }
0x3b: {  	_ = 	snop  }
0x3c: {  	p2 =	seq.s32 s10, $0x1;
	s10 =	sld [smem:$0x3FB8]  }
0x3d: {  	_ =	shalt  }
0x3e: {  	_ =	shalt  }
0x3f: {  	_ =	shalt  }
0x40: {  	_ =	shalt  }
0x41: {  	_ =	shalt  }
0x42: {  	_ =	shalt  }
0x43: {  	_ =	shalt  }
0x44: {  	_ =	shalt  }
0x45: {  	_ =	shalt  }
0x46: {  	_ =	shalt  }
0x47: {  	_ =	shalt  }
0x48: {  	_ =	shalt  }
0x49: {  	_ =	shalt  }
0x4a: {  	_ =	shalt  }
0x4b: {  	_ =	shalt  }
0x4c: {  	_ =	shalt  }
0x4d: {  	_ =	shalt  }
0x4e: {  	_ =	shalt  }
0x4f: {  	_ =	shalt  }
0x50: {  	_ =	shalt  }
0x51: {  	_ =	shalt  }
0x52: {  	_ =	shalt  }
0x53: {  	_ =	shalt  }
0x54: {  	_ =	shalt  }
0x55: {  	_ =	shalt  }
0x56: {  	_ =	shalt  }
0x57: {  	_ =	shalt  }
0x58: {  	_ =	shalt  }
0x59: {  	_ =	shalt  }
0x5a: {  	_ =	shalt  }
0x5b: {  	_ =	shalt  }
0x5c: {  	_ =	shalt  }
0x5d: {  	_ =	shalt  }
0x5e: {  	_ =	shalt  }
0x5f: {  	_ =	shalt  }
0x60: {  	_ =	shalt  }
0x61: {  	_ =	shalt  }
0x62: {  	_ =	shalt  }
0x63: {  	_ =	shalt  }
0x64: {  	_ =	shalt  }
0x65: {  	_ =	shalt  }
0x66: {  	_ =	shalt  }
0x67: {  	_ =	shalt  }
0x68: {  	_ =	shalt  }
0x69: {  	_ =	shalt  }
0x6a: {  	_ =	shalt  }
0x6b: {  	_ =	shalt  }
0x6c: {  	_ =	shalt  }
0x6d: {  	_ =	shalt  }
0x6e: {  	_ =	shalt  }
0x6f: {  	_ =	shalt  }
0x70: {  	_ =	shalt  }
0x71: {  	_ =	shalt  }
0x72: {  	_ =	shalt  }
0x73: {  	_ =	shalt  }
0x74: {  	_ =	shalt  }
0x75: {  	_ =	shalt  }
0x76: {  	_ =	shalt  }
0x77: {  	_ =	shalt  }
0x78: {  	_ =	shalt  }
0x79: {  	_ =	shalt  }
0x7a: {  	_ =	shalt  }
0x7b: {  	_ =	shalt  }
0x7c: {  	_ =	shalt  }
0x7d: {  	_ =	shalt  }
0x7e: {  	_ =	shalt  }
0x7f: {  	_ =	shalt  }
0x80: {  	_ =	shalt  }
0x81: {  	_ =	shalt  }
0x82: {  	_ =	shalt  }
0x83: {  	_ =	shalt  }
0x84: {  	_ =	shalt  }
0x85: {  	_ =	shalt  }
0x86: {  	_ =	shalt  }
0x87: {  	_ =	shalt  }
.Lfunc_end0:
.L_simem_size_0:
called_computation_lowered:
.L_overlay_start_0:
0x88: {  	s2 =	sld [smem:$0x3FD9]  }
0x89: {  	s3 =	sld [smem:$0x3FFE];
	_ =	sdelay $0x1  }
0x8a: {  	s1 =	srdreg.scid  }
0x8b: {  	s0 =	sand.u32 $0x1, s1  }
0x8c: {  	s14 =	sshll.u32 s0, $0xA;
	s2 =	sadd.s32 s3, s2  }
0x8d: {  	s2 =	sadd.s32 s2, s14  }
0x8e: {  	[smem:$0x3FC4] =	sst s2  }
0x8f: {  	_ = 	snop  }
0x90: {  	s2 =	sld [smem:$0x3FD0];
	_ =	sdelay $0x1  }
0x91: {  	s15 =	sld [smem:$0x3FC9]  }
0x92: {  	s5 =	simm.s32 $0xA;
	s6 =	simm.s32 $0x10;
	s4 =	sld [smem:$0x3FC8]  }
0x93: {  	[smem:s6], [sflag:s5] =	dma.local [hbm:s2], $0x1  }
0x94: {  	_ =	swait.eq [sflag:s5], $0x1  }
0x95: {  	[sflag:s5] =	ssyncset.done $0x0  }
0x96: {  	[sflag:s5] =	ssyncadd.s32 $0xFFFFFFFF  }
0x97: {  	s16 =	sld [smem:$0x12];
	(tm) =	ssettm $0x1  }
0x98: {  	s17 =	sld [smem:$0x3FFB];
	_ =	sdelay $0x3  }
0x99: {  	_ =	strace s17  }
0x9a: {  	s5 =	sld [smem:$0x3FFC];
	_ =	sdelay $0x3  }
0x9b: {  	_ =	strace s5  }
0x9c: {  	s5 =	sld [smem:$0x3FFD];
	_ =	sdelay $0x3  }
0x9d: {  	_ =	strace s5  }
0x9e: {  	_ =	strace $0x8FFFFFFF  }
0x9f: {  	s18 =	sld [smem:$0x3FDB];
	_ =	sdelay $0x1  }
0xa0: {  	s19 =	simm.s32 $_scs_section_size  }
0xa1: {  	s7 =	simm.s32 $_size__tile_overlayer_lowered;
	s8 =	simm.s32 $_tile_overlayer_lowered  }
0xa2: {  	s22 =	simm.s32 $0x1BFF;
	s21 =	sshll.u32 s8, $0x1;
	s5 =	sadd.s32 s19, s18  }
0xa3: {  	s9 =	simm.s32 $0x0;
	s20 =	sshll.u32 s7, $0x1;
	s7 =	sadd.s32 s21, s5  }
0xa4: {  	[timem:s9], [sflag:s22] =	dma.local [hbm:s7], s20  }
0xa5: {  	_ =	swait.ge [sflag:s22], s20  }
0xa6: {  	s6 =	ssub.s32 $0x0, s20;
	[sflag:s22] =	ssyncset.done $0x0  }
0xa7: {  	[sflag:s22] =	ssyncadd.s32 s6;
	_ =	sdelay $0x1  }
0xa8: {  	s23 =	simm.s32 $0x1B8B  }
0xa9: {  	_ =	swait.ge [sflag:s23], $0x1  }
0xaa: {  	[sflag:s23] =	ssyncset.done $0x0  }
0xab: {  	s25 =	simm.s32 $0x1B8E;
	s24 =	sld [smem:$0x3FFE];
	[sflag:s23] =	ssyncadd.s32 $0xFFFFFFFF  }
0xac: {  	s26 =	simm.s32 $execute0_lowered;
	[smem:$0x3FD2] =	sst s25  }
0xad: {  	s7 =	sshll.u32 s26, $0x1;
	_ =	strace $0x80000046;
	[dreg:$0x1] =	wrdreg $0xFFFFFFFF  }
0xae: {  	s28 =	simm.s32 $_size_execute0_lowered;
	s5 =	sadd.s32 s5, s7;
	[dreg:$0x0] =	wrdreg $0x0  }
0xaf: {  	s7 =	sshll.u32 s28, $0x1;
	[dreg:$0x2] =	wrdreg s5  }
0xb0: {  	[dreg:$0x3] =	wrdreg s7  }
0xb1: {  	[dreg:$0x4] =	wrdreg $0xC0  }
0xb2: {  	_ =	task [dreg:s9], $0x5FFFF  }
0xb3: {  	[dreg:$0x1] =	wrdreg $0xFFFFFFFF  }
0xb4: {  	[dreg:$0x0] =	wrdreg $0x60  }
0xb5: {  	[dreg:$0x2] =	wrdreg s15  }
0xb6: {  	[dreg:$0x3] =	wrdreg s4  }
0xb7: {  	[dreg:$0x4] =	wrdreg s16  }
0xb8: {  	[dreg:$0x5] =	wrdreg s24  }
0xb9: {  	[dreg:$0x6] =	wrdreg $0x9  }
0xba: {  	_ =	task.clear_ibuf [dreg:s9], $0x7FFFF;
	_ =	strace $0x90000046  }
0xbb: {  	s29 =	simm.s32 $0x9;
	_ =	strace $0x80000048  }
0xbc: {  	_ =	swait.ge [sflag:s29], $0x1  }
0xbd: {  	[sflag:s29] =	ssyncadd.s32 $0xFFFFFFFF  }
0xbe: {  	_ =	strace $0x90000048  }
0xbf: {  	_ =	sfence  }
0xc0: {  	s30 =	sld [smem:$0x0];
	_ =	sdelay $0x2  }
0xc1: {  	s31 =	sshll.u32 s1, $0xD;
	s1 =	sshrl.u32 s1, $0x2  }
0xc2: {  	s3 =	sand.u32 $0x4000, s31;
	s1 =	sadd.s32 s1, s30  }
0xc3: {  	s0 =	sor.u32 s3, s0;
	s1 =	sshll.u32 s1, $0x11  }
0xc4: {  	s0 =	sor.u32 s1, s0  }
0xc5: {  	s0 =	sadd.s32 $0x8F2B, s0  }
0xc6: {  	[sflag:s0] =	ssyncadd.remote.s32 $0x1  }
0xc7: {  	_ =	sfence.sel $0xFFFF  }
0xc8: {  	[dreg:$0x0] =	wrdreg $0xFFFFFFFF;
	(pc) =	sbr.abs _section_cstart, $3  }
0xc9: {  	[dreg:$0x1] =	wrdreg $0xFFFFFFFF  }
0xca: {  	_ =	task.clear_ibuf [dreg:s9], $0x2FFFF;
	_ =	strace $0x9FFFFFFF  }
0xcb: {  	(tm) =	ssettm $0x7FFFFFFF  }
tec
execute0_lowered:
.L_overlay_start_1:
0x0: {  	(tag) =	ssettag $0x1  }
0x1: {  	s31 =	rddreg [dreg:$0x0]  }
0x2: {  	s0 =	srdreg.scid;
	s1 =	stileid.u32  }
0x3: {  	s6 =	rddreg [dreg:$0x1];
	s0 =	sand.u32 $0x1, s0;
	s1 =	sshll.u32 s1, $0x1  }
0x4: {  	s2 =	rddreg [dreg:$0x3];
	s7 =	simm.s32 $0x0;
	s1 =	sor.u32 s0, s1  }
0x5: {  	[smem:$0x7FF] =	sst s7;
	s4 =	sshll.u32 s0, $0xC;
	s3 =	smul.u32 $0x3000, s1  }
0x6: {  	s0 =	ssub.s32 $0x2, s0;
	s11 =	sshll.u32 s1, $0x4;
	s1 =	smul.u32 $0x6, s1  }
0x7: {  	_ =	strace $0x80000047;
	s5 =	sshrl.u32 s0, $0x1;
	s2 =	sadd.s32 s11, s2  }
0x8: {  	s0 =	ssub.s32 s0, s5;
	s3 =	sand.u32 $0x7E000, s3;
	s28 =	sor.u32 $0x1, s1  }
0x9: {  	s1 =	sadd.s32 $0x2, s1;
	s3 =	sor.u32 s4, s3;
	[dreg:$0x16] =	wrdreg s28  }
0xa: {  	s29 =	sadd.s32 $0x200, s2;
	[dreg:$0x17] =	wrdreg s1;
	s3 =	sadd.s32 $0xA0000, s3  }
0xb: {  	s0 =	smax.u32 s0, $0x1;
	[dreg:$0x18] =	wrdreg s29;
	s3 =	sshrl.u32 s3, $0x3  }
0xc: {  	[dreg:$0x19] =	wrdreg s0;
	s12 =	sadd.s32 s31, s3;
	s3 =	sadd.s32 s6, s3  }
0xd: {  	[dreg:$0x15] =	wrdreg s3  }
0xe: {  	s13 =	sadd.s32 $0x20000, s12;
	[dreg:$0x6] =	wrdreg s12  }
0xf: {  	s14 =	sadd.s32 $0x40000, s12;
	[dreg:$0x7] =	wrdreg s13  }
0x10: {  	s15 =	sadd.s32 $0x60000, s12;
	[dreg:$0x8] =	wrdreg s14  }
0x11: {  	s16 =	sadd.s32 $0x80000, s12;
	[dreg:$0x9] =	wrdreg s15  }
0x12: {  	s17 =	sadd.s32 $0xA0000, s12;
	[dreg:$0xa] =	wrdreg s16  }
0x13: {  	s18 =	sadd.s32 $0xC0000, s12;
	[dreg:$0xb] =	wrdreg s17  }
0x14: {  	s19 =	sadd.s32 $0xE0000, s12;
	[dreg:$0xc] =	wrdreg s18  }
0x15: {  	s20 =	sadd.s32 $0x100000, s12;
	[dreg:$0xd] =	wrdreg s19  }
0x16: {  	s21 =	sadd.s32 $0x120000, s12;
	[dreg:$0xe] =	wrdreg s20  }
0x17: {  	s22 =	sadd.s32 $0x140000, s12;
	[dreg:$0xf] =	wrdreg s21  }
0x18: {  	s23 =	sadd.s32 $0x160000, s12;
	[dreg:$0x10] =	wrdreg s22  }
0x19: {  	s24 =	sadd.s32 $0x180000, s12;
	[dreg:$0x11] =	wrdreg s23  }
0x1a: {  	s25 =	sadd.s32 $0x1A0000, s12;
	[dreg:$0x12] =	wrdreg s24  }
0x1b: {  	s26 =	sadd.s32 $0x1C0000, s12;
	[dreg:$0x13] =	wrdreg s25  }
0x1c: {  	s30 =	sadd.s32 $0x1E0000, s12;
	[dreg:$0x14] =	wrdreg s26  }
0x1d: {  	s2 =	simm.s32 $0x0;
	s1 =	simm.s32 $0x3;
	[dreg:$0x1a] =	wrdreg s30  }
.LBB2_1:
0x1e: {  	[dreg:$0x1b] =	wrdreg s2  }
0x1f: {  	s0 =	rddreg [dreg:$0x2]  }
0x20: {  	[tilespmem:s7], [sflag:$0x3] =	stream.linear.gather [hbm4b:s0+s7], $0x80, $0x38;
	[tilespmem:$0x11100] =	vst v63  }
0x21: {  	_ =	swait.ge [sflag:s1], $0x80  }
0x22: {  	[sflag:s1] =	ssyncset.done $0x0  }
0x23: {  	[sflag:s1] =	ssyncadd.s32 $0xFFFFFF80  }
0x24: {  	v0 =	vld [tilespmem:$0x0];
	_ =	sdelay $0x4  }
0x25: {  	(v2sf) =	vpush v0, $0x0  }
0x26: {  	(v2sf) =	vpush v0, $0x1;
	_ =	sdelay $0x1  }
0x27: {  	(v2sf) =	vpush v0, $0x2;
	_ =	sdelay $0x1  }
0x28: {  	(v2sf) =	vpush v0, $0x3;
	_ =	sdelay $0x1  }
0x29: {  	(v2sf) =	vpush v0, $0x4;
	_ =	sdelay $0x1  }
0x2a: {  	(v2sf) =	vpush v0, $0x5;
	_ =	sdelay $0x1  }
0x2b: {  	(v2sf) =	vpush v0, $0x6;
	_ =	sdelay $0x1  }
0x2c: {  	(v2sf) =	vpush v0, $0x7;
	_ =	sdelay $0x1  }
0x2d: {  	s21 =	spop (v2sf);
	(v2sf) =	vpush v0, $0x8  }
0x2e: {  	s22 =	spop (v2sf);
	s0 =	smul.f32 s21, s21  }
0x2f: {  	(v2sf) =	vpush v0, $0x9;
	s1 =	smul.f32 s22, s22  }
0x30: {  	s23 =	spop (v2sf)  }
0x31: {  	(v2sf) =	vpush v0, $0xA;
	s24 =	smul.f32 s23, s23;
	s0 =	sadd.f32 s1, s0  }
0x32: {  	s25 =	spop (v2sf)  }
0x33: {  	(v2sf) =	vpush v0, $0xB;
	s26 =	smul.f32 s25, s25;
	s0 =	sadd.f32 s0, s24  }
0x34: {  	s28 =	spop (v2sf)  }
0x35: {  	(v2sf) =	vpush v0, $0xC;
	s29 =	smul.f32 s28, s28;
	s0 =	sadd.f32 s0, s26  }
0x36: {  	s30 =	spop (v2sf)  }
0x37: {  	(v2sf) =	vpush v0, $0xD;
	s2 =	smul.f32 s30, s30;
	s0 =	sadd.f32 s0, s29  }
0x38: {  	s3 =	spop (v2sf)  }
0x39: {  	(v2sf) =	vpush v0, $0xE;
	s4 =	smul.f32 s3, s3;
	s0 =	sadd.f32 s0, s2  }
0x3a: {  	s5 =	spop (v2sf)  }
0x3b: {  	(v2sf) =	vpush v0, $0xF;
	s6 =	smul.f32 s5, s5;
	s0 =	sadd.f32 s0, s4  }
0x3c: {  	s8 =	spop (v2sf)  }
0x3d: {  	s0 =	sadd.f32 s0, s6;
	s9 =	smul.f32 s8, s8  }
0x3e: {  	s10 =	spop (v2sf)  }
0x3f: {  	s11 =	smul.f32 s10, s10;
	s0 =	sadd.f32 s0, s9  }
0x40: {  	s12 =	spop (v2sf)  }
0x41: {  	s13 =	smul.f32 s12, s12;
	s0 =	sadd.f32 s0, s11  }
0x42: {  	s14 =	spop (v2sf)  }
0x43: {  	s15 =	smul.f32 s14, s14;
	s0 =	sadd.f32 s0, s13  }
0x44: {  	s16 =	spop (v2sf)  }
0x45: {  	s17 =	smul.f32 s16, s16;
	s0 =	sadd.f32 s0, s15  }
0x46: {  	s18 =	spop (v2sf)  }
0x47: {  	s19 =	smul.f32 s18, s18;
	s0 =	sadd.f32 s0, s17  }
0x48: {  	s20 =	spop (v2sf)  }
0x49: {  	s21 =	smul.f32 s20, s20;
	s0 =	sadd.f32 s0, s19  }
0x4a: {  	s22 =	spop (v2sf)  }
0x4b: {  	s23 =	smul.f32 s22, s22;
	s0 =	sadd.f32 s0, s21  }
0x4c: {  	_ = 	snop  }
0x4d: {  	s0 =	sadd.f32 s0, s23;
	_ =	sdelay $0x1  }
0x4e: {  	v1 =	vmov s0  }
0x4f: {  	v2 =	vshra.s32 v1, $0x1;
	v1 =	vmul.f32 $5.000000000e-01, v1  }
0x50: {  	v2 =	vsub.s32 $0x5F3759DF, v2  }
0x51: {  	v3 =	vmul.f32 v2, v1;
	_ =	sdelay $0x1  }
0x52: {  	v3 =	vmul.f32 v2, v3;
	_ =	sdelay $0x1  }
0x53: {  	v3 =	vsub.f32 $1.500000000e+00, v3;
	_ =	sdelay $0x1  }
0x54: {  	v2 =	vmul.f32 v2, v3;
	_ =	sdelay $0x1  }
0x55: {  	v3 =	vmul.f32 v2, v1;
	_ =	sdelay $0x1  }
0x56: {  	v3 =	vmul.f32 v3, v2;
	_ =	sdelay $0x1  }
0x57: {  	v3 =	vsub.f32 $1.500000000e+00, v3;
	_ =	sdelay $0x1  }
0x58: {  	v2 =	vmul.f32 v3, v2;
	_ =	sdelay $0x1  }
0x59: {  	v1 =	vmul.f32 v2, v1;
	_ =	sdelay $0x1  }
0x5a: {  	v1 =	vmul.f32 v1, v2;
	_ =	sdelay $0x1  }
0x5b: {  	v1 =	vsub.f32 $1.500000000e+00, v1;
	_ =	sdelay $0x1  }
0x5c: {  	v1 =	vmul.f32 v1, v2;
	_ =	sdelay $0x1  }
0x5d: {  	v1 =	vmul.f32 s0, v1;
	_ =	sdelay $0x1  }
0x5e: {  	v1 =	vadd.f32 $9.999999930e-09, v1;
	_ =	sdelay $0x1  }
0x5f: {  	(erf) = vrcp.f32 v1;
	_ =	sdelay $0x8  }
0x60: {  	v1 =	vpop (erf)  }
0x61: {  	v0 =	vmul.f32 v1, v0;
	_ =	sdelay $0x1  }
0x62: {  	v48 =	vbroadcast v0, $0x0;
	v49 =	vbroadcast v0, $0x1  }
0x63: {  	v50 =	vbroadcast v0, $0x2;
	v51 =	vbroadcast v0, $0x3  }
0x64: {  	v58 =	vbroadcast v0, $0x4;
	v57 =	vbroadcast v0, $0x5  }
0x65: {  	v61 =	vbroadcast v0, $0x6;
	v60 =	vbroadcast v0, $0x7  }
0x66: {  	v52 =	vbroadcast v0, $0x8;
	v59 =	vbroadcast v0, $0x9  }
0x67: {  	s25 =	simm.s32 $0x80;
	s24 =	rddreg [dreg:$0x6];
	[tilespmem:$0x0] =	vst v0;
	v53 =	vbroadcast v0, $0xA;
	v1 =	vbroadcast v0, $0xE  }
0x68: {  	v62 =	vbroadcast v0, $0xB;
	v63 =	vbroadcast v0, $0xC;
	[tilespmem:s25], [sflag:$0x1] =	stream.linear.gather [hbm4b:s24+s7], $0x800, $0x38;
	[tilespmem:$0x11100] =	vst v63  }
0x69: {  	s28 =	simm.s32 $0x880;
	s26 =	rddreg [dreg:$0x7];
	v54 =	vbroadcast v0, $0xD;
	v0 =	vbroadcast v0, $0xF;
	[tilespmem:$0x1FF00] =	vst v1  }
0x6a: {  	[tilespmem:s28], [sflag:$0x1] =	stream.linear.gather [hbm4b:s26+s7], $0x800, $0x38;
	[tilespmem:$0x11100] =	vst v63  }
0x6b: {  	s30 =	simm.s32 $0x1080;
	s29 =	rddreg [dreg:$0x8];
	[tilespmem:$0x1FF10] =	vst v0  }
0x6c: {  	[tilespmem:s30], [sflag:$0x1] =	stream.linear.gather [hbm4b:s29+s7], $0x800, $0x38;
	[tilespmem:$0x11100] =	vst v63  }
0x6d: {  	s1 =	rddreg [dreg:$0x9];
	s2 =	simm.s32 $0x1880;
	[tilespmem:$0x1FF20] =	vst v61  }
0x6e: {  	[tilespmem:s2], [sflag:$0x1] =	stream.linear.gather [hbm4b:s1+s7], $0x800, $0x38;
	[tilespmem:$0x11100] =	vst v63  }
0x6f: {  	s3 =	rddreg [dreg:$0xa];
	s4 =	simm.s32 $0x2080;
	[tilespmem:$0x1FF30] =	vst v60  }
0x70: {  	[tilespmem:s4], [sflag:$0x1] =	stream.linear.gather [hbm4b:s3+s7], $0x800, $0x38;
	[tilespmem:$0x11100] =	vst v63  }
0x71: {  	s5 =	rddreg [dreg:$0xb];
	s6 =	simm.s32 $0x2880;
	[tilespmem:$0x1FF40] =	vst v59  }
0x72: {  	[tilespmem:s6], [sflag:$0x1] =	stream.linear.gather [hbm4b:s5+s7], $0x800, $0x38;
	[tilespmem:$0x11100] =	vst v63  }
0x73: {  	s8 =	rddreg [dreg:$0xc];
	s9 =	simm.s32 $0x3080;
	[tilespmem:$0x1FF50] =	vst v62  }
0x74: {  	[tilespmem:s9], [sflag:$0x1] =	stream.linear.gather [hbm4b:s8+s7], $0x800, $0x38;
	[tilespmem:$0x11100] =	vst v63  }
0x75: {  	s10 =	rddreg [dreg:$0xd];
	s11 =	simm.s32 $0x3880;
	[tilespmem:$0x1FF60] =	vst v63  }
0x76: {  	[tilespmem:s11], [sflag:$0x1] =	stream.linear.gather [hbm4b:s10+s7], $0x800, $0x38;
	[tilespmem:$0x11100] =	vst v63  }
0x77: {  	s12 =	rddreg [dreg:$0xe];
	s13 =	simm.s32 $0x4080;
	[tilespmem:$0x1FF70] =	vst v49  }
0x78: {  	[tilespmem:s13], [sflag:$0x1] =	stream.linear.gather [hbm4b:s12+s7], $0x800, $0x38;
	[tilespmem:$0x11100] =	vst v63  }
0x79: {  	s14 =	rddreg [dreg:$0xf];
	s15 =	simm.s32 $0x4880;
	[tilespmem:$0x1FF80] =	vst v48  }
0x7a: {  	[tilespmem:s15], [sflag:$0x1] =	stream.linear.gather [hbm4b:s14+s7], $0x800, $0x38;
	[tilespmem:$0x11100] =	vst v63  }
0x7b: {  	s16 =	rddreg [dreg:$0x10];
	s17 =	simm.s32 $0x5080;
	[tilespmem:$0x1FF90] =	vst v50  }
0x7c: {  	[tilespmem:s17], [sflag:$0x1] =	stream.linear.gather [hbm4b:s16+s7], $0x800, $0x38;
	[tilespmem:$0x11100] =	vst v63  }
0x7d: {  	s18 =	rddreg [dreg:$0x11];
	s19 =	simm.s32 $0x5880;
	[tilespmem:$0x1FFA0] =	vst v51  }
0x7e: {  	[tilespmem:s19], [sflag:$0x1] =	stream.linear.gather [hbm4b:s18+s7], $0x800, $0x38;
	[tilespmem:$0x11100] =	vst v63  }
0x7f: {  	s20 =	rddreg [dreg:$0x12];
	s21 =	simm.s32 $0x6080;
	[tilespmem:$0x1FFB0] =	vst v52  }
0x80: {  	[tilespmem:s21], [sflag:$0x1] =	stream.linear.gather [hbm4b:s20+s7], $0x800, $0x38;
	[tilespmem:$0x11100] =	vst v63  }
0x81: {  	s22 =	rddreg [dreg:$0x13];
	s23 =	simm.s32 $0x6880;
	[tilespmem:$0x1FFC0] =	vst v53  }
0x82: {  	[tilespmem:s23], [sflag:$0x1] =	stream.linear.gather [hbm4b:s22+s7], $0x800, $0x38;
	[tilespmem:$0x11100] =	vst v63  }
0x83: {  	s24 =	rddreg [dreg:$0x14];
	s25 =	simm.s32 $0x7080;
	[tilespmem:$0x1FFD0] =	vst v54  }
0x84: {  	[tilespmem:s25], [sflag:$0x1] =	stream.linear.gather [hbm4b:s24+s7], $0x800, $0x38;
	[tilespmem:$0x11100] =	vst v63  }
0x85: {  	[tilespmem:$0x1FFE0] =	vst v57;
	s26 =	rddreg [dreg:$0x1a];
	s28 =	simm.s32 $0x7880  }
0x86: {  	[tilespmem:s28], [sflag:$0x1] =	stream.linear.gather [hbm4b:s26+s7], $0x800, $0x38;
	[tilespmem:$0x11100] =	vst v63  }
0x87: {  	s0 =	simm.s32 $0x0;
	[tilespmem:$0x1FFF0] =	vst v58;
	s29 =	rddreg [dreg:$0x15];
	s30 =	simm.s32 $0x10080  }
0x88: {  	v0 =	vimm.f32 $0.0e+00;
	[tilespmem:s30], [sflag:$0x1] =	stream.linear.gather [hbm4b:s29+s7], $0x800, $0x38;
	[tilespmem:$0x11100] =	vst v63  }
.LBB2_2:
0x89: {  	s1 =	sshll.u32 s0, $0x1;
	s10 =	rddreg [dreg:$0x16]  }
0x8a: {  	[dreg:$0x1c] =	wrdreg s0;
	s0 =	sadd.s32 s1, s10  }
0x8b: {  	s0 =	sshll.u32 s0, $0xB  }
0x8c: {  	s0 =	sadd.s32 $0xA0000, s0  }
0x8d: {  	[dreg:$0x1d] =	wrdreg s1;
	s1 =	sshrl.u32 s0, $0x3  }
0x8e: {  	s3 =	simm.s32 $0x8080;
	s0 =	simm.s32 $0x0;
	s2 =	sadd.s32 s31, s1  }
0x8f: {  	[tilespmem:s3], [sflag:$0x2] =	stream.linear.gather [hbm4b:s2+s0], $0x800, $0x38;
	[tilespmem:$0x11100] =	vst v63  }
0x90: {  	s4 =	simm.s32 $0x8880;
	s11 =	sadd.s32 $0x20000, s2  }
0x91: {  	[tilespmem:s4], [sflag:$0x2] =	stream.linear.gather [hbm4b:s11+s0], $0x800, $0x38;
	[tilespmem:$0x11100] =	vst v63  }
0x92: {  	s13 =	simm.s32 $0x9080;
	s12 =	sadd.s32 $0x40000, s2  }
0x93: {  	[tilespmem:s13], [sflag:$0x2] =	stream.linear.gather [hbm4b:s12+s0], $0x800, $0x38;
	[tilespmem:$0x11100] =	vst v63  }
0x94: {  	s15 =	simm.s32 $0x9880;
	s14 =	sadd.s32 $0x60000, s2  }
0x95: {  	[tilespmem:s15], [sflag:$0x2] =	stream.linear.gather [hbm4b:s14+s0], $0x800, $0x38;
	[tilespmem:$0x11100] =	vst v63  }
0x96: {  	s17 =	simm.s32 $0xA080;
	s16 =	sadd.s32 $0x80000, s2  }
0x97: {  	[tilespmem:s17], [sflag:$0x2] =	stream.linear.gather [hbm4b:s16+s0], $0x800, $0x38;
	[tilespmem:$0x11100] =	vst v63  }
0x98: {  	s19 =	simm.s32 $0xA880;
	s18 =	sadd.s32 $0xA0000, s2  }
0x99: {  	[tilespmem:s19], [sflag:$0x2] =	stream.linear.gather [hbm4b:s18+s0], $0x800, $0x38;
	[tilespmem:$0x11100] =	vst v63  }
0x9a: {  	s21 =	simm.s32 $0xB080;
	s20 =	sadd.s32 $0xC0000, s2  }
0x9b: {  	[tilespmem:s21], [sflag:$0x2] =	stream.linear.gather [hbm4b:s20+s0], $0x800, $0x38;
	[tilespmem:$0x11100] =	vst v63  }
0x9c: {  	s23 =	simm.s32 $0xB880;
	s22 =	sadd.s32 $0xE0000, s2  }
0x9d: {  	[tilespmem:s23], [sflag:$0x2] =	stream.linear.gather [hbm4b:s22+s0], $0x800, $0x38;
	[tilespmem:$0x11100] =	vst v63  }
0x9e: {  	s25 =	simm.s32 $0xC080;
	s24 =	sadd.s32 $0x100000, s2  }
0x9f: {  	[tilespmem:s25], [sflag:$0x2] =	stream.linear.gather [hbm4b:s24+s0], $0x800, $0x38;
	[tilespmem:$0x11100] =	vst v63  }
0xa0: {  	s28 =	simm.s32 $0xC880;
	s26 =	sadd.s32 $0x120000, s2  }
0xa1: {  	[tilespmem:s28], [sflag:$0x2] =	stream.linear.gather [hbm4b:s26+s0], $0x800, $0x38;
	[tilespmem:$0x11100] =	vst v63  }
0xa2: {  	s31 =	simm.s32 $0xD080;
	s30 =	sadd.s32 $0x140000, s2  }
0xa3: {  	[tilespmem:s31], [sflag:$0x2] =	stream.linear.gather [hbm4b:s30+s0], $0x800, $0x38;
	[tilespmem:$0x11100] =	vst v63  }
0xa4: {  	s6 =	simm.s32 $0xD880;
	s5 =	sadd.s32 $0x160000, s2  }
0xa5: {  	[tilespmem:s6], [sflag:$0x2] =	stream.linear.gather [hbm4b:s5+s0], $0x800, $0x38;
	[tilespmem:$0x11100] =	vst v63  }
0xa6: {  	s8 =	simm.s32 $0xE080;
	s7 =	sadd.s32 $0x180000, s2  }
0xa7: {  	[tilespmem:s8], [sflag:$0x2] =	stream.linear.gather [hbm4b:s7+s0], $0x800, $0x38;
	[tilespmem:$0x11100] =	vst v63  }
0xa8: {  	s10 =	simm.s32 $0xE880;
	s9 =	sadd.s32 $0x1A0000, s2  }
0xa9: {  	[tilespmem:s10], [sflag:$0x2] =	stream.linear.gather [hbm4b:s9+s0], $0x800, $0x38;
	[tilespmem:$0x11100] =	vst v63  }
0xaa: {  	s11 =	sadd.s32 $0x1C0000, s2;
	s12 =	simm.s32 $0xF080  }
0xab: {  	[tilespmem:s12], [sflag:$0x2] =	stream.linear.gather [hbm4b:s11+s0], $0x800, $0x38;
	[tilespmem:$0x11100] =	vst v63  }
0xac: {  	s2 =	sadd.s32 $0x1E0000, s2;
	s13 =	simm.s32 $0xF880;
	s14 =	rddreg [dreg:$0x1]  }
0xad: {  	[tilespmem:s13], [sflag:$0x2] =	stream.linear.gather [hbm4b:s2+s0], $0x800, $0x38;
	[tilespmem:$0x11100] =	vst v63  }
0xae: {  	[tilespmem:$0x1FE80] =	vst v0;
	s15 =	simm.s32 $0x10880;
	s1 =	sadd.s32 s14, s1;
	s16 =	simm.s32 $0x1  }
0xaf: {  	[tilespmem:s15], [sflag:$0x2] =	stream.linear.gather [hbm4b:s1+s0], $0x800, $0x38;
	[tilespmem:$0x11100] =	vst v63  }
0xb0: {  	_ =	swait.ge [sflag:s16], $0x800  }
0xb1: {  	[sflag:s16] =	ssyncset.done $0x0  }
0xb2: {  	[sflag:s16] =	ssyncadd.s32 $0xFFFFF800  }
0xb3: {  	_ =	swait.ge [sflag:s16], $0x800  }
0xb4: {  	[sflag:s16] =	ssyncset.done $0x0  }
0xb5: {  	[sflag:s16] =	ssyncadd.s32 $0xFFFFF800  }
0xb6: {  	_ =	swait.ge [sflag:s16], $0x800  }
0xb7: {  	[sflag:s16] =	ssyncset.done $0x0  }
0xb8: {  	[sflag:s16] =	ssyncadd.s32 $0xFFFFF800  }
0xb9: {  	_ =	swait.ge [sflag:s16], $0x800  }
0xba: {  	[sflag:s16] =	ssyncset.done $0x0  }
0xbb: {  	[sflag:s16] =	ssyncadd.s32 $0xFFFFF800  }
0xbc: {  	_ =	swait.ge [sflag:s16], $0x800  }
0xbd: {  	[sflag:s16] =	ssyncset.done $0x0  }
0xbe: {  	[sflag:s16] =	ssyncadd.s32 $0xFFFFF800  }
0xbf: {  	_ =	swait.ge [sflag:s16], $0x800  }
0xc0: {  	[sflag:s16] =	ssyncset.done $0x0  }
0xc1: {  	[sflag:s16] =	ssyncadd.s32 $0xFFFFF800  }
0xc2: {  	_ =	swait.ge [sflag:s16], $0x800  }
0xc3: {  	[sflag:s16] =	ssyncset.done $0x0  }
0xc4: {  	[sflag:s16] =	ssyncadd.s32 $0xFFFFF800  }
0xc5: {  	_ =	swait.ge [sflag:s16], $0x800  }
0xc6: {  	[sflag:s16] =	ssyncset.done $0x0  }
0xc7: {  	[sflag:s16] =	ssyncadd.s32 $0xFFFFF800  }
0xc8: {  	_ =	swait.ge [sflag:s16], $0x800  }
0xc9: {  	[sflag:s16] =	ssyncset.done $0x0  }
0xca: {  	[sflag:s16] =	ssyncadd.s32 $0xFFFFF800  }
0xcb: {  	_ =	swait.ge [sflag:s16], $0x800  }
0xcc: {  	[sflag:s16] =	ssyncset.done $0x0  }
0xcd: {  	[sflag:s16] =	ssyncadd.s32 $0xFFFFF800  }
0xce: {  	_ =	swait.ge [sflag:s16], $0x800  }
0xcf: {  	[sflag:s16] =	ssyncset.done $0x0  }
0xd0: {  	[sflag:s16] =	ssyncadd.s32 $0xFFFFF800  }
0xd1: {  	_ =	swait.ge [sflag:s16], $0x800  }
0xd2: {  	[sflag:s16] =	ssyncset.done $0x0  }
0xd3: {  	[sflag:s16] =	ssyncadd.s32 $0xFFFFF800  }
0xd4: {  	_ =	swait.ge [sflag:s16], $0x800  }
0xd5: {  	[sflag:s16] =	ssyncset.done $0x0  }
0xd6: {  	[sflag:s16] =	ssyncadd.s32 $0xFFFFF800  }
0xd7: {  	_ =	swait.ge [sflag:s16], $0x800  }
0xd8: {  	[sflag:s16] =	ssyncset.done $0x0  }
0xd9: {  	[sflag:s16] =	ssyncadd.s32 $0xFFFFF800  }
0xda: {  	_ =	swait.ge [sflag:s16], $0x800  }
0xdb: {  	[sflag:s16] =	ssyncset.done $0x0  }
0xdc: {  	[sflag:s16] =	ssyncadd.s32 $0xFFFFF800  }
0xdd: {  	_ =	swait.ge [sflag:s16], $0x800  }
0xde: {  	[sflag:s16] =	ssyncset.done $0x0  }
0xdf: {  	[sflag:s16] =	ssyncadd.s32 $0xFFFFF800  }
0xe0: {  	s17 =	sand.u32 $0x400, s0;
	s18 =	sand.u32 $0x380, s0;
	_ =	swait.ge [sflag:s16], $0x800  }
0xe1: {  	s3 =	sand.u32 $0x60, s0;
	s5 =	sor.u32 s18, s17;
	[sflag:s16] =	ssyncset.done $0x0  }
0xe2: {  	s25 =	sor.u32 s3, s5;
	s19 =	sadd.s32 $0x2080, s5;
	[sflag:s16] =	ssyncadd.s32 $0xFFFFF800  }
0xe3: {  	s4 =	sor.u32 $0x10, s3;
	s20 =	sor.u32 s3, s19;
	v0 =	vld [tilespmem:s25+$0x80]  }
0xe4: {  	s26 =	sor.u32 s4, s5;
	s2 =	sadd.s32 $0x1080, s5;
	v1 =	vld [tilespmem:s20+$0x0]  }
0xe5: {  	s21 =	sadd.s32 $0x1880, s5;
	s6 =	sor.u32 s3, s2;
	v20 =	vld [tilespmem:s26+$0x80]  }
0xe6: {  	s7 =	sor.u32 s3, s21;
	s8 =	sadd.s32 $0x3080, s5;
	v18 =	vld [tilespmem:s6+$0x0]  }
0xe7: {  	s22 =	sor.u32 s3, s8;
	v21 =	vld [tilespmem:s7+$0x0]  }
0xe8: {  	s2 =	sor.u32 s4, s2;
	v23 =	vld [tilespmem:s22+$0x0]  }
0xe9: {  	s23 =	sadd.s32 $0x880, s5;
	s1 =	sor.u32 s4, s21;
	v17 =	vld [tilespmem:s2+$0x0]  }
0xea: {  	s24 =	sor.u32 s4, s23;
	v25 =	vld [tilespmem:s1+$0x0]  }
0xeb: {  	s0 =	sor.u32 s4, s19;
	v26 =	vld [tilespmem:s24+$0x0]  }
0xec: {  	s28 =	sadd.s32 $0x3880, s5;
	s30 =	sor.u32 s3, s23;
	v19 =	vld [tilespmem:s0+$0x0];
	v28 =	vmul.f32 v0, v48  }
0xed: {  	s31 =	sadd.s32 $0x4080, s5;
	s10 =	sor.u32 s3, s28;
	v27 =	vld [tilespmem:s30+$0x0];
	v0 =	vmul.f32 v0, v0;
	v29 =	vmul.f32 v1, v58  }
0xee: {  	s11 =	sor.u32 s3, s31;
	v31 =	vld [tilespmem:s10+$0x0];
	v30 =	vmul.f32 v18, v50;
	v32 =	vmul.f32 v18, v18  }
0xef: {  	s12 =	sadd.s32 $0x4880, s5;
	s13 =	sor.u32 s4, s8;
	v33 =	vld [tilespmem:s11+$0x0];
	v1 =	vmul.f32 v1, v1;
	v18 =	vmul.f32 v17, v17  }
0xf0: {  	s14 =	sor.u32 s3, s12;
	s15 =	sadd.s32 $0x5080, s5;
	v22 =	vld [tilespmem:s13+$0x0];
	v34 =	vmul.f32 v20, v20;
	v35 =	vmul.f32 v25, v25  }
0xf1: {  	s17 =	sadd.s32 $0x2880, s5;
	s16 =	sor.u32 s3, s15;
	v37 =	vld [tilespmem:s14+$0x0];
	v36 =	vmul.f32 v21, v21;
	v38 =	vmul.f32 v23, v23  }
0xf2: {  	s18 =	sor.u32 s4, s17;
	v40 =	vld [tilespmem:s16+$0x0];
	v39 =	vmul.f32 v23, v61;
	v41 =	vmul.f32 v26, v26  }
0xf3: {  	v44 =	vld [tilespmem:s18+$0x0];
	v43 =	vmul.f32 v27, v49;
	v27 =	vmul.f32 v27, v27  }
0xf4: {  	s1 =	sor.u32 s4, s28;
	v23 =	vmul.f32 v19, v19;
	v42 =	vmul.f32 v31, v31;
	v34 =	vadd.f32 v41, v34  }
0xf5: {  	v6 =	vmovc v49;
	v24 =	vld [tilespmem:s1+$0x0];
	s1 =	sor.u32 s3, s17;
	v45 =	vmul.f32 v33, v33;
	v21 =	vmul.f32 v21, v51;
	v0 =	vadd.f32 v27, v0  }
0xf6: {  	v7 =	vmovc v48;
	v46 =	vmul.f32 v37, v37;
	v47 =	vmul.f32 v22, v22;
	v41 =	vld [tilespmem:s1+$0x0];
	v34 =	vadd.f32 v18, v34  }
0xf7: {  	v9 =	vmovc v51;
	s19 =	sadd.s32 $0x6880, s5;
	s6 =	sor.u32 s4, s12;
	v51 =	vmul.f32 v40, v40;
	v2 =	vmul.f32 v33, v52;
	v0 =	vadd.f32 v32, v0  }
0xf8: {  	v8 =	vmovc v50;
	s21 =	sor.u32 s4, s19;
	s20 =	sadd.s32 $0x5880, s5;
	v49 =	vld [tilespmem:s6+$0x0];
	v4 =	vmul.f32 v44, v44;
	v20 =	vmul.f32 v20, v7;
	v34 =	vadd.f32 v35, v34  }
0xf9: {  	v14 =	vld [tilespmem:s21+$0x0];
	s9 =	sor.u32 s3, s20;
	v17 =	vmul.f32 v17, v8;
	v19 =	vmul.f32 v19, v58;
	v0 =	vadd.f32 v36, v0  }
0xfa: {  	s0 =	sor.u32 s4, s31;
	v33 =	vld [tilespmem:s9+$0x0];
	v50 =	vmul.f32 v24, v24;
	[tilespmem:$0x1FEC0] =	vst v2;
	v2 =	vmul.f32 v40, v53;
	v23 =	vadd.f32 v23, v34  }
0xfb: {  	s2 =	sor.u32 s3, s19;
	v24 =	vmul.f32 v24, v60;
	v40 =	vld [tilespmem:s0+$0x0];
	v5 =	vmul.f32 v41, v41;
	v0 =	vadd.f32 v1, v0  }
0xfc: {  	s24 =	sor.u32 s4, s15;
	v32 =	vmul.f32 v26, v6;
	[tilespmem:$0x1FEE0] =	vst v2;
	v2 =	vmul.f32 v31, v60;
	v31 =	vld [tilespmem:s2+$0x0];
	v34 =	vadd.f32 v4, v23  }
0xfd: {  	v12 =	vmovc v54;
	s22 =	sadd.s32 $0x6080, s5;
	v54 =	vld [tilespmem:s24+$0x0];
	s1 =	sor.u32 s4, s20;
	v36 =	vmul.f32 v49, v49;
	v1 =	vadd.f32 v43, v28;
	v0 =	vadd.f32 v5, v0  }
0xfe: {  	v11 =	vmovc v53;
	s28 =	sadd.s32 $0x7080, s5;
	s23 =	sor.u32 s4, s22;
	v53 =	vld [tilespmem:s1+$0x0];
	v48 =	vadd.f32 v32, v20;
	v32 =	vmul.f32 v37, v59;
	v34 =	vadd.f32 v47, v34  }
0xff: {  	s1 =	sor.u32 s3, s28;
	v18 =	vld [tilespmem:s23+$0x0];
	v28 =	vmul.f32 v14, v14;
	v1 =	vadd.f32 v30, v1;
	v0 =	vadd.f32 v38, v0  }
0x100: {  	s30 =	sor.u32 s4, s28;
	v56 =	vld [tilespmem:s1+$0x0];
	v43 =	vmul.f32 v33, v33;
	v47 =	vmul.f32 v40, v40;
	v34 =	vadd.f32 v50, v34  }
0x101: {  	v10 =	vmovc v52;
	s6 =	sor.u32 s3, s22;
	v52 =	vld [tilespmem:s30+$0x0];
	v15 =	vmul.f32 v31, v12;
	v1 =	vadd.f32 v21, v1;
	v0 =	vadd.f32 v42, v0  }
0x102: {  	s31 =	sadd.s32 $0x7880, s5;
	s7 =	simm.s32 $0x10;
	v35 =	vld [tilespmem:s6+$0x0];
	s6 =	simm.s32 $0x100;
	v4 =	vmul.f32 v41, v57;
	v21 =	vmul.f32 v25, v9;
	v25 =	vadd.f32 v47, v34  }
0x103: {  	s5 =	sor.u32 s3, s31;
	s0 =	sand.u32 $0x400, s6;
	s6 =	simm.s32 $0x20;
	v1 =	vadd.f32 v29, v1;
	v29 =	vmul.f32 v54, v54;
	v0 =	vadd.f32 v45, v0  }
0x104: {  	s1 =	sand.u32 $0x380, s7;
	v41 =	vld [tilespmem:s5+$0x0];
	s5 =	sand.u32 $0x60, s6;
	v42 =	vmul.f32 v31, v31;
	v31 =	vadd.f32 v17, v48;
	v36 =	vadd.f32 v36, v25  }
0x105: {  	s2 =	sor.u32 s4, s31;
	s29 =	sor.u32 s1, s0;
	v26 =	vmul.f32 v56, v56;
	v30 =	vmul.f32 v18, v18;
	s4 =	sor.u32 $0x10, s5;
	v0 =	vadd.f32 v46, v0  }
0x106: {  	[tilespmem:$0x1FEA0] =	vst v2;
	v2 =	vld [tilespmem:s2+$0x0];
	s14 =	sadd.s32 $0x3080, s29;
	v5 =	vmul.f32 v53, v53;
	s19 =	sor.u32 s4, s29;
	v31 =	vadd.f32 v21, v31;
	v29 =	vadd.f32 v29, v36  }
0x107: {  	v13 =	vmovc v57;
	v57 =	vmul.f32 v52, v52;
	v55 =	vmul.f32 v35, v35;
	s15 =	sor.u32 s5, s14;
	v38 =	vld [tilespmem:s19+$0x80];
	v0 =	vadd.f32 v51, v0  }
0x108: {  	s11 =	sor.u32 s5, s29;
	v50 =	vmul.f32 v44, v13;
	v44 =	vld [tilespmem:s15+$0x0];
	v31 =	vadd.f32 v19, v31;
	v29 =	vadd.f32 v5, v29  }
0x109: {  	s10 =	sadd.s32 $0x1880, s29;
	v16 =	vmul.f32 v35, v63;
	v1 =	vadd.f32 v4, v1;
	v51 =	vld [tilespmem:s11+$0x80];
	v0 =	vadd.f32 v43, v0  }
0x10a: {  	s9 =	sadd.s32 $0x1080, s29;
	s13 =	sor.u32 s5, s10;
	v4 =	vmul.f32 v22, v61;
	v31 =	vadd.f32 v50, v31;
	v5 =	vld [tilespmem:$0x1FF10];
	v29 =	vadd.f32 v30, v29  }
0x10b: {  	s12 =	sor.u32 s5, s9;
	v54 =	vmul.f32 v54, v11;
	v25 =	vadd.f32 v39, v1;
	v43 =	vld [tilespmem:s13+$0x0];
	v0 =	vadd.f32 v55, v0  }
0x10c: {  	v34 =	vmul.f32 v41, v41;
	v31 =	vadd.f32 v4, v31;
	v28 =	vadd.f32 v28, v29;
	v29 =	vld [tilespmem:s12+$0x0]  }
0x10d: {  	s0 =	sadd.s32 $0x2080, s29;
	v1 =	vmul.f32 v33, v62;
	v48 =	vmul.f32 v44, v61;
	v23 =	vadd.f32 v42, v0;
	v0 =	vld [tilespmem:$0x1FF00]  }
0x10e: {  	s16 =	sadd.s32 $0x880, s29;
	s8 =	sor.u32 s5, s0;
	v55 =	vmul.f32 v2, v2;
	v24 =	vadd.f32 v24, v31;
	v31 =	vmul.f32 v38, v38  }
0x10f: {  	s18 =	sor.u32 s5, s16;
	v30 =	vld [tilespmem:s8+$0x0];
	v45 =	vmul.f32 v51, v7;
	v37 =	vmul.f32 v51, v51  }
0x110: {  	s17 =	sor.u32 s4, s16;
	v33 =	vld [tilespmem:s18+$0x0];
	v42 =	vmul.f32 v53, v62;
	v47 =	vmul.f32 v41, v5  }
0x111: {  	s21 =	sadd.s32 $0x2880, s29;
	s2 =	sor.u32 s4, s9;
	v51 =	vld [tilespmem:s17+$0x0];
	v41 =	vmul.f32 v49, v59;
	v28 =	vadd.f32 v57, v28;
	v57 =	vmul.f32 v43, v43  }
0x112: {  	s24 =	sor.u32 s4, s21;
	v35 =	vld [tilespmem:s2+$0x0];
	v17 =	vmul.f32 v52, v0;
	v46 =	vmul.f32 v29, v8  }
0x113: {  	s30 =	sadd.s32 $0x4880, s29;
	s1 =	sor.u32 s4, s10;
	v19 =	vld [tilespmem:s24+$0x0];
	v39 =	vadd.f32 v55, v28;
	v52 =	vmul.f32 v29, v29;
	v29 =	vmul.f32 v40, v10  }
0x114: {  	s23 =	sadd.s32 $0x4080, s29;
	s31 =	sor.u32 s5, s30;
	v36 =	vld [tilespmem:s1+$0x0];
	v43 =	vmul.f32 v43, v9;
	v50 =	vmul.f32 v30, v58  }
0x115: {  	s28 =	sor.u32 s5, s23;
	v4 =	vmovc v63;
	v63 =	vld [tilespmem:s31+$0x0];
	v55 =	vmul.f32 v30, v30;
	v30 =	vshra.s32 v39, $0x1;
	v24 =	vadd.f32 v29, v24  }
0x116: {  	v3 =	vmovc v59;
	s0 =	sor.u32 s4, s0;
	s10 =	sadd.s32 $0x5080, s29;
	v59 =	vld [tilespmem:s28+$0x0];
	v58 =	vsub.s32 $0x5F3759DF, v30;
	v29 =	vmul.f32 v51, v51;
	v30 =	vmul.f32 v33, v6  }
0x117: {  	s20 =	sadd.s32 $0x3880, s29;
	[tilespmem:$0x1FEF0] =	vst v1;
	s12 =	sor.u32 s5, s10;
	v28 =	vld [tilespmem:s0+$0x0];
	v1 =	vmul.f32 v56, v0;
	v49 =	vmul.f32 $5.000000000e-01, v39;
	v24 =	vadd.f32 v41, v24  }
0x118: {  	s22 =	sor.u32 s5, s20;
	v53 =	vld [tilespmem:s12+$0x0];
	v40 =	vmul.f32 v35, v35;
	v62 =	vadd.f32 v29, v31;
	v30 =	vadd.f32 v30, v45  }
0x119: {  	v56 =	vld [tilespmem:s22+$0x0];
	v33 =	vmul.f32 v33, v33;
	v41 =	vmul.f32 v58, v49;
	v24 =	vadd.f32 v54, v24  }
0x11a: {  	s9 =	sor.u32 s4, s14;
	v39 =	vmul.f32 v36, v36;
	[tilespmem:$0x1FE90] =	vst v1;
	v1 =	vld [tilespmem:$0x1FEA0];
	v40 =	vadd.f32 v40, v62;
	v30 =	vadd.f32 v46, v30  }
0x11b: {  	s1 =	sor.u32 s4, s20;
	v29 =	vld [tilespmem:s9+$0x0];
	v46 =	vmul.f32 v58, v41;
	v41 =	vadd.f32 v42, v24;
	v24 =	vadd.f32 v33, v37  }
0x11c: {  	v21 =	vmovc v2;
	s13 =	sor.u32 s5, s21;
	v26 =	vadd.f32 v26, v23;
	v0 =	vmul.f32 v28, v28;
	v31 =	vld [tilespmem:s1+$0x0];
	v39 =	vadd.f32 v39, v40  }
0x11d: {  	s14 =	sor.u32 s4, s30;
	s16 =	sadd.s32 $0x5880, s29;
	v2 =	vmovc v60;
	v60 =	vmul.f32 v44, v44;
	v45 =	vld [tilespmem:s13+$0x0];
	v30 =	vadd.f32 v43, v30;
	v23 =	vadd.f32 v52, v24  }
0x11e: {  	s18 =	sor.u32 s5, s16;
	v38 =	vmul.f32 v38, v7;
	v61 =	vmul.f32 v53, v53;
	v37 =	vld [tilespmem:s14+$0x0];
	v0 =	vadd.f32 v0, v39  }
0x11f: {  	s15 =	sadd.s32 $0x6880, s29;
	s0 =	sor.u32 s4, s23;
	v42 =	vld [tilespmem:s18+$0x0];
	v24 =	vmul.f32 v19, v19;
	v27 =	vadd.f32 v50, v30;
	v23 =	vadd.f32 v57, v23  }
0x120: {  	s17 =	sor.u32 s4, s15;
	v30 =	vld [tilespmem:s0+$0x0];
	v57 =	vmul.f32 v51, v6;
	v6 =	vadd.f32 v1, v25;
	v1 =	vmul.f32 v59, v10  }
0x121: {  	s20 =	sadd.s32 $0x6080, s29;
	v26 =	vadd.f32 v34, v26;
	v2 =	vmul.f32 v56, v2;
	v54 =	vmul.f32 v56, v56;
	v39 =	vld [tilespmem:s17+$0x0]  }
0x122: {  	s21 =	sor.u32 s4, s20;
	v62 =	vmul.f32 v59, v59;
	v40 =	vmul.f32 v29, v29;
	v0 =	vadd.f32 v24, v0;
	[tilespmem:$0x1FEB0] =	vst v1;
	v1 =	vld [tilespmem:$0x1FEC0]  }
0x123: {  	s3 =	sor.u32 s4, s10;
	v20 =	vld [tilespmem:s21+$0x0];
	v33 =	vmul.f32 v63, v63;
	v46 =	vsub.f32 $1.500000000e+00, v46;
	v43 =	vmul.f32 v31, v31  }
0x124: {  	s0 =	sor.u32 s4, s16;
	v24 =	vmul.f32 v45, v45;
	v7 =	vadd.f32 v55, v23;
	v0 =	vadd.f32 v40, v0;
	v55 =	vld [tilespmem:s3+$0x0]  }
0x125: {  	v52 =	vmul.f32 v42, v42;
	v23 =	vmul.f32 v53, v11;
	v44 =	vadd.f32 v57, v38;
	v40 =	vld [tilespmem:s0+$0x0]  }
0x126: {  	[tilespmem:$0x1FED0] =	vst v2;
	v2 =	vld [tilespmem:$0x1FEE0];
	v59 =	vmul.f32 v30, v30;
	v57 =	vadd.f32 v24, v7;
	v0 =	vadd.f32 v43, v0  }
0x127: {  	s22 =	sor.u32 s5, s20;
	v38 =	vmul.f32 v37, v37;
	v50 =	vmul.f32 v39, v39;
	v51 =	vadd.f32 v1, v6  }
0x128: {  	s28 =	sadd.s32 $0x7880, s29;
	s1 =	sor.u32 s5, s15;
	v7 =	vadd.f32 v60, v57;
	v0 =	vadd.f32 v59, v0;
	v6 =	vmul.f32 v45, v13;
	v45 =	vld [tilespmem:s22+$0x0]  }
0x129: {  	s30 =	sor.u32 s5, s28;
	v43 =	vmul.f32 v58, v46;
	v1 =	vld [tilespmem:s1+$0x0];
	v10 =	vmul.f32 v55, v55;
	v51 =	vadd.f32 v32, v51  }
0x12a: {  	s23 =	sadd.s32 $0x7080, s29;
	v59 =	vld [tilespmem:s30+$0x0];
	v0 =	vadd.f32 v38, v0;
	v60 =	vadd.f32 v54, v7;
	v7 =	vmul.f32 v40, v40  }
0x12b: {  	s24 =	sor.u32 s4, s23;
	v32 =	vadd.f32 v6, v27;
	v6 =	vmul.f32 v20, v20;
	v51 =	vadd.f32 v2, v51;
	v2 =	vld [tilespmem:$0x1FEF0]  }
0x12c: {  	v34 =	vld [tilespmem:s24+$0x0];
	s0 =	sor.u32 s5, s23;
	v0 =	vadd.f32 v10, v0;
	v38 =	vadd.f32 v62, v60;
	v60 =	vmul.f32 v36, v9  }
0x12d: {  	v46 =	vld [tilespmem:s0+$0x0];
	v36 =	vadd.f32 v48, v32;
	v32 =	vmul.f32 v63, v3;
	v53 =	vmul.f32 v45, v45  }
0x12e: {  	v54 =	vmul.f32 v1, v1;
	v10 =	vadd.f32 v33, v38;
	v38 =	vmul.f32 v55, v11  }
0x12f: {  	v33 =	vmul.f32 v59, v59;
	v48 =	vmul.f32 v1, v12  }
0x130: {  	v62 =	vadd.f32 v2, v51;
	v2 =	vadd.f32 v7, v0;
	v0 =	vmul.f32 v35, v8  }
0x131: {  	v1 =	vmul.f32 v18, v4;
	v51 =	vmul.f32 v34, v34  }
0x132: {  	v35 =	vmul.f32 v46, v46;
	v58 =	vadd.f32 v0, v44;
	v44 =	vmul.f32 $5.000000000e-01, v26  }
0x133: {  	v0 =	vshra.s32 v26, $0x1;
	v26 =	vmul.f32 v43, v49;
	v49 =	vmul.f32 v21, v5  }
0x134: {  	s31 =	sor.u32 s4, s28;
	v55 =	vsub.s32 $0x5F3759DF, v0;
	v0 =	vadd.f32 v61, v10;
	v61 =	vmul.f32 v19, v13  }
0x135: {  	s29 =	simm.s32 $0x20;
	s4 =	simm.s32 $0x200;
	s5 =	simm.s32 $0x2;
	v57 =	vadd.f32 v6, v2;
	v63 =	vmul.f32 v55, v44;
	v56 =	vmul.f32 v26, v43;
	v26 =	vld [tilespmem:s31+$0x0]  }
.LBB2_3:
0x136: {  	[tilespmem:$0x1FE40] =	vst v20;
	v20 =	vld [tilespmem:$0x1FF10]  }
0x137: {  	v24 =	vld [tilespmem:$0x1FFD0]  }
0x138: {  	v19 =	vld [tilespmem:$0x1FF60]  }
0x139: {  	v11 =	vld [tilespmem:$0x1FFF0]  }
0x13a: {  	v18 =	vld [tilespmem:$0x1FF40]  }
0x13b: {  	v21 =	vld [tilespmem:$0x1FF80]  }
0x13c: {  	s0 =	sand.u32 $0x400, s4;
	s1 =	sand.u32 $0x380, s29;
	v3 =	vmov v39;
	v22 =	vld [tilespmem:$0x1FF90]  }
0x13d: {  	s6 =	sadd.s32 $0x20, s6;
	[tilespmem:$0x1FE60] =	vst v3;
	s3 =	sor.u32 s1, s0;
	v3 =	vld [tilespmem:$0x1FF50]  }
0x13e: {  	s30 =	sand.u32 $0x60, s6;
	v60 =	vadd.f32 v60, v58;
	v58 =	vld [tilespmem:$0x1FF00];
	s10 =	sadd.s32 $0x1080, s3  }
0x13f: {  	v27 =	vmov v23;
	v23 =	vld [tilespmem:$0x1FFA0];
	s13 =	sor.u32 s30, s10  }
0x140: {  	v56 =	vsub.f32 $1.500000000e+00, v56;
	v0 =	vadd.f32 v52, v0;
	v9 =	vmul.f32 v55, v63;
	v63 =	vld [tilespmem:s13+$0x0]  }
0x141: {  	v1 =	vadd.f32 v1, v41;
	s31 =	sor.u32 s30, s3;
	v10 =	vadd.f32 v16, v62;
	v16 =	vld [tilespmem:$0x1FE80];
	v8 =	vmul.f32 v45, v19  }
0x142: {  	v0 =	vadd.f32 v53, v0;
	v45 =	vld [tilespmem:s31+$0x80];
	v41 =	vmul.f32 v37, v18;
	v5 =	vmul.f32 v42, v3  }
0x143: {  	v37 =	vld [tilespmem:s25+$0x10080];
	v39 =	vmul.f32 v40, v3;
	v3 =	vmul.f32 v34, v58  }
0x144: {  	[dreg:$0x5] =	wrdreg s6;
	s6 =	smov.u32 s11;
	s11 =	sor.u32 $0x10, s30;
	v42 =	vadd.f32 v50, v57;
	v57 =	vmul.f32 v56, v43;
	v43 =	vadd.f32 v54, v0;
	v54 =	vld [tilespmem:s26+$0x10080]  }
0x145: {  	s8 =	sor.u32 s11, s3;
	[tilespmem:$0x1FE70] =	vst v3;
	v3 =	vld [tilespmem:$0x1FE90]  }
0x146: {  	s10 =	sor.u32 s11, s10;
	v2 =	vmul.f32 v14, v24;
	v0 =	vmul.f32 v46, v58;
	v46 =	vld [tilespmem:s8+$0x80]  }
0x147: {  	s2 =	sadd.s32 $0x2080, s3;
	v52 =	vsub.f32 $1.500000000e+00, v9;
	v59 =	vmul.f32 v59, v20;
	v28 =	vmul.f32 v28, v11;
	v56 =	vld [tilespmem:s10+$0x0]  }
0x148: {  	s24 =	sor.u32 s30, s2;
	v50 =	vmul.f32 v26, v26;
	v53 =	vadd.f32 v15, v10;
	v10 =	vld [tilespmem:$0x1FF20];
	v1 =	vadd.f32 v2, v1  }
0x149: {  	v34 =	vmul.f32 v55, v52;
	v2 =	vld [tilespmem:s24+$0x0];
	v28 =	vadd.f32 v28, v60;
	v42 =	vadd.f32 v51, v42  }
0x14a: {  	v1 =	vadd.f32 v17, v1;
	v17 =	vld [tilespmem:$0x1FF30];
	v52 =	vmul.f32 v63, v22;
	v9 =	vadd.f32 v3, v53  }
0x14b: {  	s15 =	sadd.s32 $0x3880, s3;
	v15 =	vld [tilespmem:$0x1FF70];
	v35 =	vadd.f32 v35, v43;
	v55 =	vmul.f32 v63, v63;
	v60 =	vmul.f32 v45, v21  }
0x14c: {  	s12 =	sadd.s32 $0x1880, s3;
	s25 =	sor.u32 s30, s15;
	v25 =	vmovc v59;
	v40 =	vmul.f32 v45, v45;
	v42 =	vadd.f32 v50, v42;
	v50 =	vadd.f32 v47, v9;
	v47 =	vld [tilespmem:$0x1FFB0]  }
0x14d: {  	s22 =	sadd.s32 $0x3080, s3;
	s14 =	sor.u32 s30, s12;
	v59 =	vld [tilespmem:s25+$0x0];
	v3 =	vmovc v0;
	v0 =	vadd.f32 v61, v28;
	v28 =	vmul.f32 v29, v10;
	v29 =	vmul.f32 v34, v44  }
0x14e: {  	s28 =	sor.u32 s30, s22;
	v45 =	vld [tilespmem:s14+$0x0];
	v1 =	vadd.f32 v49, v1;
	v43 =	vmul.f32 v46, v21;
	v51 =	vmul.f32 v2, v11  }
0x14f: {  	s16 =	sadd.s32 $0x880, s3;
	v49 =	vld [tilespmem:s28+$0x0];
	v31 =	vmul.f32 v31, v17;
	v0 =	vadd.f32 v28, v0;
	v29 =	vmul.f32 v29, v34  }
0x150: {  	v6 =	vmov v48;
	s21 =	sor.u32 s11, s16;
	v21 =	vld [tilespmem:$0x1FED0];
	v2 =	vmul.f32 v2, v2;
	v48 =	vmul.f32 $5.000000000e-01, v42  }
0x151: {  	s7 =	sadd.s32 $0x2880, s3;
	s12 =	sor.u32 s11, s12;
	v53 =	vld [tilespmem:s21+$0x0];
	v0 =	vadd.f32 v31, v0;
	v29 =	vsub.f32 $1.500000000e+00, v29;
	v30 =	vmul.f32 v30, v47  }
0x152: {  	s1 =	sadd.s32 $0x4080, s3;
	v4 =	vmovc v8;
	s28 =	sor.u32 s11, s7;
	v11 =	vshra.s32 v42, $0x1;
	v42 =	vmul.f32 v46, v46;
	v7 =	vmul.f32 v59, v59;
	v44 =	vld [tilespmem:s12+$0x0]  }
0x153: {  	s26 =	sor.u32 s30, s1;
	[tilespmem:$0x1FE30] =	vst v4;
	v1 =	vmul.f32 v57, v1;
	v57 =	vld [tilespmem:s28+$0x0];
	v0 =	vadd.f32 v30, v0;
	v30 =	vmul.f32 v29, v34  }
0x154: {  	s17 =	sor.u32 s30, s7;
	v61 =	vmul.f32 v56, v56;
	v4 =	vsub.s32 $0x5F3759DF, v11;
	[tilespmem:$0x1FE90] =	vst v3;
	v3 =	vld [tilespmem:s26+$0x0];
	v63 =	vmul.f32 v45, v45  }
0x155: {  	s10 =	sor.u32 s11, s2;
	v11 =	vld [tilespmem:s17+$0x0];
	v1 =	vsub.f32 v1, v54;
	v45 =	vmul.f32 v45, v23;
	v30 =	vmul.f32 v30, v50  }
0x156: {  	s18 =	sor.u32 s30, s16;
	s16 =	sadd.s32 $0x4880, s3;
	v28 =	vld [tilespmem:s10+$0x0];
	v58 =	vmul.f32 v49, v10;
	v36 =	vadd.f32 v21, v36;
	v10 =	vmul.f32 v53, v53  }
0x157: {  	s23 =	sor.u32 s30, s16;
	[tilespmem:$0x1FE20] =	vst v5;
	v54 =	vld [tilespmem:s18+$0x0];
	v5 =	vmul.f32 v49, v49;
	v0 =	vadd.f32 v41, v0;
	v30 =	vsub.f32 v30, v37  }
0x158: {  	s15 =	sor.u32 s11, s15;
	v49 =	vld [tilespmem:s23+$0x0];
	v62 =	vmul.f32 v44, v44;
	v10 =	vadd.f32 v10, v42;
	v41 =	vmul.f32 v4, v48  }
0x159: {  	v31 =	vld [tilespmem:s15+$0x0];
	v9 =	vmul.f32 v3, v3;
	v0 =	vadd.f32 v38, v0;
	v42 =	vmul.f32 v30, v30  }
0x15a: {  	s20 =	sor.u32 s11, s22;
	s13 =	smov.u32 s19;
	s19 =	sadd.s32 $0x5080, s3;
	v3 =	vmul.f32 v3, v47;
	v47 =	vld [tilespmem:$0x1FFC0];
	v10 =	vadd.f32 v61, v10;
	v8 =	vmul.f32 v4, v41  }
0x15b: {  	s24 =	sor.u32 s30, s19;
	v29 =	vld [tilespmem:s20+$0x0];
	v41 =	vadd.f32 v39, v0;
	v0 =	vmul.f32 v1, v1;
	v16 =	vadd.f32 v42, v16  }
0x15c: {  	[tilespmem:$0x1FE50] =	vst v6;
	s22 =	sor.u32 s11, s16;
	s16 =	sadd.s32 $0x6080, s3;
	v53 =	vmul.f32 v53, v15;
	v6 =	vmul.f32 v28, v28;
	v50 =	vld [tilespmem:s24+$0x0];
	v10 =	vadd.f32 v62, v10  }
0x15d: {  	s9 =	sadd.s32 $0x6880, s3;
	s21 =	sor.u32 s30, s16;
	s16 =	sor.u32 s11, s16;
	v38 =	vmul.f32 v54, v15;
	v37 =	vld [tilespmem:s22+$0x0];
	v54 =	vmul.f32 v54, v54;
	v0 =	vadd.f32 v0, v16  }
0x15e: {  	s10 =	sor.u32 s30, s9;
	s9 =	sor.u32 s11, s9;
	v15 =	vld [tilespmem:s16+$0x0];
	v6 =	vadd.f32 v6, v10;
	v10 =	vmul.f32 v59, v17;
	v59 =	vmul.f32 v57, v57  }
0x15f: {  	s1 =	sor.u32 s11, s1;
	v13 =	vmul.f32 v31, v31;
	v38 =	vadd.f32 v38, v60;
	v39 =	vld [tilespmem:s9+$0x0];
	[tilespmem:$0x1FE80] =	vst v0;
	v0 =	vadd.f32 v54, v40  }
0x160: {  	s0 =	sadd.s32 $0x7080, s3;
	v12 =	vmul.f32 v29, v29;
	v1 =	vmul.f32 v49, v49;
	v30 =	vld [tilespmem:s1+$0x0];
	v6 =	vadd.f32 v59, v6  }
0x161: {  	s7 =	sor.u32 s30, s0;
	v60 =	vmul.f32 v44, v23;
	v59 =	vld [tilespmem:$0x1FEB0];
	v38 =	vadd.f32 v52, v38;
	v0 =	vadd.f32 v55, v0  }
0x162: {  	v46 =	vld [tilespmem:s7+$0x0];
	s18 =	sor.u32 s11, s0;
	v21 =	vmovc v10;
	v8 =	vsub.f32 $1.500000000e+00, v8;
	v14 =	vmul.f32 v50, v50;
	v61 =	vmul.f32 v50, v47  }
0x163: {  	s14 =	sadd.s32 $0x5880, s3;
	v34 =	vld [tilespmem:s18+$0x0];
	[tilespmem:$0x1FED0] =	vst v21;
	v62 =	vmul.f32 v37, v37;
	v38 =	vadd.f32 v45, v38;
	v0 =	vadd.f32 v63, v0  }
0x164: {  	s2 =	sor.u32 s30, s14;
	v21 =	vld [tilespmem:$0x1FFE0];
	v17 =	vmul.f32 v15, v15;
	v16 =	vadd.f32 v53, v43;
	v43 =	vmovc v3;
	v3 =	vadd.f32 v12, v6  }
0x165: {  	v42 =	vld [tilespmem:s2+$0x0];
	v50 =	vmul.f32 v39, v39;
	v54 =	vmul.f32 v11, v11;
	v0 =	vadd.f32 v2, v0  }
0x166: {  	v10 =	vadd.f32 v59, v36;
	v44 =	vmul.f32 v30, v30;
	v38 =	vadd.f32 v51, v38  }
0x167: {  	s3 =	sadd.s32 $0x7880, s3;
	s12 =	sor.u32 s11, s19;
	v45 =	vld [tilespmem:s21+$0x0];
	[tilespmem:$0x1FEB0] =	vst v43;
	v43 =	vmul.f32 v4, v8;
	v3 =	vadd.f32 v13, v3;
	v0 =	vadd.f32 v54, v0  }
0x168: {  	s0 =	sor.u32 s30, s3;
	v13 =	vadd.f32 v33, v35;
	v51 =	vmul.f32 v34, v34;
	v35 =	vmul.f32 v46, v46;
	v55 =	vld [tilespmem:s12+$0x0]  }
0x169: {  	s14 =	sor.u32 s11, s14;
	v23 =	vmovc v61;
	v59 =	vld [tilespmem:s0+$0x0];
	v61 =	vmul.f32 v57, v21;
	v3 =	vadd.f32 v44, v3;
	v0 =	vadd.f32 v5, v0  }
0x16a: {  	v40 =	vld [tilespmem:s14+$0x0];
	v52 =	vmul.f32 v42, v42;
	v10 =	vadd.f32 v32, v10;
	v36 =	vmul.f32 v43, v48  }
0x16b: {  	v32 =	vmul.f32 v49, v18;
	v3 =	vadd.f32 v62, v3;
	v62 =	vld [tilespmem:$0x1FE20];
	v0 =	vadd.f32 v7, v0  }
0x16c: {  	v49 =	vmul.f32 v26, v20;
	v6 =	vshra.s32 v13, $0x1;
	v44 =	vmul.f32 $5.000000000e-01, v13  }
0x16d: {  	v53 =	vmul.f32 v45, v45;
	v12 =	vmul.f32 v55, v55;
	v0 =	vadd.f32 v9, v0  }
0x16e: {  	s5 =	sadd.s32 $0x2, s5;
	v10 =	vadd.f32 v27, v10;
	v63 =	vld [tilespmem:s10+$0x0];
	v33 =	vmul.f32 v59, v59;
	v2 =	vmul.f32 v11, v21  }
0x16f: {  	p0 =	slt.u32 s5, $0x7E;
	s28 =	sor.u32 s11, s3;
	v11 =	vmul.f32 v40, v40;
	v3 =	vadd.f32 v12, v3;
	v0 =	vadd.f32 v1, v0;
	v1 =	vld [tilespmem:$0x1FE40]  }
.Ltmp0:
0x170: {  	v26 =	vld [tilespmem:s28+$0x0];
	v2 =	vadd.f32 v2, v38;
	v62 =	vadd.f32 v62, v10;
	v10 =	vmul.f32 v56, v22;
	(pc) =	sbr.rel @p0 .LBB2_3-.Ltmp0, $4  }
0x171: {  	v20 =	vmovc v15;
	v15 =	vld [tilespmem:$0x1FE50];
	v38 =	vmul.f32 v55, v47;
	v55 =	vsub.s32 $0x5F3759DF, v6;
	v3 =	vadd.f32 v11, v3  }
0x172: {  	s4 =	sadd.s32 $0x100, s4;
	v56 =	vmul.f32 v36, v43;
	v36 =	vadd.f32 v58, v2;
	v58 =	vadd.f32 v10, v16;
	v16 =	vld [tilespmem:$0x1FE30]  }
0x173: {  	s29 =	sadd.s32 $0x10, s29;
	s25 =	smov.u32 s6;
	s6 =	rddreg [dreg:$0x5];
	v54 =	vmul.f32 v63, v63;
	v48 =	vmul.f32 v63, v24;
	v57 =	vadd.f32 v17, v3;
	v17 =	vld [tilespmem:$0x1FE70]  }
0x174: {  	s19 =	smov.u32 s8;
	s26 =	smov.u32 s13;
	s11 =	smov.u32 s31;
	v47 =	vmovc v25;
	v63 =	vmul.f32 v55, v44;
	v0 =	vadd.f32 v14, v0;
	v14 =	vld [tilespmem:$0x1FE60];
	v1 =	vmul.f32 v1, v19  }
0x175: {  	s0 =	rddreg [dreg:$0x1c]  }
0x176: {  	s1 =	rddreg [dreg:$0x1d]  }
0x177: {  	p0 =	seq.s32 s0, $0x2;
	s0 =	rddreg [dreg:$0x17]  }
0x178: {  	s0 =	sadd.s32 @!p0 s1, s0  }
0x179: {  	s0 =	sshll.u32 @!p0 s0, $0xB  }
0x17a: {  	s0 =	sand.u32 @!p0 $0x7FFFF000, s0  }
0x17b: {  	v19 =	vld [tilespmem:s25+$0x10080];
	s0 =	sadd.s32 @!p0 $0xA0000, s0  }
0x17c: {  	v24 =	vld [tilespmem:s26+$0x10080];
	s31 =	rddreg [dreg:$0x0];
	s0 =	sshrl.u32 @!p0 s0, $0x3  }
0x17d: {  	v22 =	vld [tilespmem:s11+$0x10080];
	s2 =	simm.s32 @!p0 $0x0;
	s3 =	simm.s32 @!p0 $0x80;
	s1 =	sadd.s32 @!p0 s31, s0  }
0x17e: {  	v25 =	vld [tilespmem:s19+$0x10080];
	[tilespmem:s3], [sflag:$0x1] =	stream.linear.gather @!p0 [hbm4b:s1+s2], $0x800, $0x38  }
0x17f: {  	s4 =	simm.s32 @!p0 $0x880;
	s3 =	sadd.s32 @!p0 $0x20000, s1  }
0x180: {  	[tilespmem:s4], [sflag:$0x1] =	stream.linear.gather @!p0 [hbm4b:s3+s2], $0x800, $0x38;
	[tilespmem:$0x11100] =	vst v63  }
0x181: {  	s3 =	sadd.s32 @!p0 $0x40000, s1;
	s4 =	simm.s32 @!p0 $0x1080  }
0x182: {  	[tilespmem:s4], [sflag:$0x1] =	stream.linear.gather @!p0 [hbm4b:s3+s2], $0x800, $0x38;
	[tilespmem:$0x11100] =	vst v63  }
0x183: {  	s3 =	sadd.s32 @!p0 $0x60000, s1;
	s4 =	simm.s32 @!p0 $0x1880  }
0x184: {  	[tilespmem:s4], [sflag:$0x1] =	stream.linear.gather @!p0 [hbm4b:s3+s2], $0x800, $0x38;
	[tilespmem:$0x11100] =	vst v63  }
0x185: {  	s3 =	sadd.s32 @!p0 $0x80000, s1;
	s4 =	simm.s32 @!p0 $0x2080  }
0x186: {  	[tilespmem:s4], [sflag:$0x1] =	stream.linear.gather @!p0 [hbm4b:s3+s2], $0x800, $0x38;
	[tilespmem:$0x11100] =	vst v63  }
0x187: {  	s3 =	sadd.s32 @!p0 $0xA0000, s1;
	s4 =	simm.s32 @!p0 $0x2880  }
0x188: {  	[tilespmem:s4], [sflag:$0x1] =	stream.linear.gather @!p0 [hbm4b:s3+s2], $0x800, $0x38;
	[tilespmem:$0x11100] =	vst v63  }
0x189: {  	s3 =	sadd.s32 @!p0 $0xC0000, s1;
	s4 =	simm.s32 @!p0 $0x3080  }
0x18a: {  	[tilespmem:s4], [sflag:$0x1] =	stream.linear.gather @!p0 [hbm4b:s3+s2], $0x800, $0x38;
	[tilespmem:$0x11100] =	vst v63  }
0x18b: {  	s3 =	sadd.s32 @!p0 $0xE0000, s1;
	s4 =	simm.s32 @!p0 $0x3880  }
0x18c: {  	[tilespmem:s4], [sflag:$0x1] =	stream.linear.gather @!p0 [hbm4b:s3+s2], $0x800, $0x38;
	[tilespmem:$0x11100] =	vst v63  }
0x18d: {  	s3 =	sadd.s32 @!p0 $0x100000, s1;
	s4 =	simm.s32 @!p0 $0x4080  }
0x18e: {  	[tilespmem:s4], [sflag:$0x1] =	stream.linear.gather @!p0 [hbm4b:s3+s2], $0x800, $0x38;
	[tilespmem:$0x11100] =	vst v63  }
0x18f: {  	s3 =	sadd.s32 @!p0 $0x120000, s1;
	s4 =	simm.s32 @!p0 $0x4880  }
0x190: {  	[tilespmem:s4], [sflag:$0x1] =	stream.linear.gather @!p0 [hbm4b:s3+s2], $0x800, $0x38;
	[tilespmem:$0x11100] =	vst v63  }
0x191: {  	s3 =	sadd.s32 @!p0 $0x140000, s1;
	s4 =	simm.s32 @!p0 $0x5080  }
0x192: {  	[tilespmem:s4], [sflag:$0x1] =	stream.linear.gather @!p0 [hbm4b:s3+s2], $0x800, $0x38;
	[tilespmem:$0x11100] =	vst v63  }
0x193: {  	s3 =	sadd.s32 @!p0 $0x160000, s1;
	s4 =	simm.s32 @!p0 $0x5880  }
0x194: {  	[tilespmem:s4], [sflag:$0x1] =	stream.linear.gather @!p0 [hbm4b:s3+s2], $0x800, $0x38;
	[tilespmem:$0x11100] =	vst v63  }
0x195: {  	s3 =	sadd.s32 @!p0 $0x180000, s1;
	s4 =	simm.s32 @!p0 $0x6080  }
0x196: {  	[tilespmem:s4], [sflag:$0x1] =	stream.linear.gather @!p0 [hbm4b:s3+s2], $0x800, $0x38;
	[tilespmem:$0x11100] =	vst v63  }
0x197: {  	s3 =	sadd.s32 @!p0 $0x1A0000, s1;
	s4 =	simm.s32 @!p0 $0x6880  }
0x198: {  	[tilespmem:s4], [sflag:$0x1] =	stream.linear.gather @!p0 [hbm4b:s3+s2], $0x800, $0x38;
	[tilespmem:$0x11100] =	vst v63  }
0x199: {  	s3 =	sadd.s32 @!p0 $0x1C0000, s1;
	s4 =	simm.s32 @!p0 $0x7080  }
0x19a: {  	[tilespmem:s4], [sflag:$0x1] =	stream.linear.gather @!p0 [hbm4b:s3+s2], $0x800, $0x38;
	[tilespmem:$0x11100] =	vst v63  }
0x19b: {  	s1 =	sadd.s32 @!p0 $0x1E0000, s1;
	s3 =	simm.s32 @!p0 $0x7880  }
0x19c: {  	[tilespmem:s3], [sflag:$0x1] =	stream.linear.gather @!p0 [hbm4b:s1+s2], $0x800, $0x38;
	[tilespmem:$0x11100] =	vst v63  }
0x19d: {  	s1 =	rddreg [dreg:$0x1]  }
0x19e: {  	s17 =	simm.s32 $0x2;
	s0 =	sadd.s32 @!p0 s1, s0;
	s1 =	simm.s32 @!p0 $0x10080  }
0x19f: {  	[tilespmem:s1], [sflag:$0x1] =	stream.linear.gather @!p0 [hbm4b:s0+s2], $0x800, $0x38;
	[tilespmem:$0x11100] =	vst v63  }
0x1a0: {  	_ =	swait.ge [sflag:s17], $0x800  }
0x1a1: {  	[sflag:s17] =	ssyncset.done $0x0  }
0x1a2: {  	[sflag:s17] =	ssyncadd.s32 $0xFFFFF800  }
0x1a3: {  	_ =	swait.ge [sflag:s17], $0x800  }
0x1a4: {  	[sflag:s17] =	ssyncset.done $0x0  }
0x1a5: {  	[sflag:s17] =	ssyncadd.s32 $0xFFFFF800  }
0x1a6: {  	_ =	swait.ge [sflag:s17], $0x800  }
0x1a7: {  	[sflag:s17] =	ssyncset.done $0x0  }
0x1a8: {  	[sflag:s17] =	ssyncadd.s32 $0xFFFFF800  }
0x1a9: {  	_ =	swait.ge [sflag:s17], $0x800  }
0x1aa: {  	[sflag:s17] =	ssyncset.done $0x0  }
0x1ab: {  	[sflag:s17] =	ssyncadd.s32 $0xFFFFF800  }
0x1ac: {  	_ =	swait.ge [sflag:s17], $0x800  }
0x1ad: {  	[sflag:s17] =	ssyncset.done $0x0  }
0x1ae: {  	[sflag:s17] =	ssyncadd.s32 $0xFFFFF800  }
0x1af: {  	_ =	swait.ge [sflag:s17], $0x800  }
0x1b0: {  	[sflag:s17] =	ssyncset.done $0x0  }
0x1b1: {  	[sflag:s17] =	ssyncadd.s32 $0xFFFFF800  }
0x1b2: {  	_ =	swait.ge [sflag:s17], $0x800  }
0x1b3: {  	[sflag:s17] =	ssyncset.done $0x0  }
0x1b4: {  	[sflag:s17] =	ssyncadd.s32 $0xFFFFF800  }
0x1b5: {  	_ =	swait.ge [sflag:s17], $0x800  }
0x1b6: {  	v2 =	vadd.f32 v60, v58;
	v58 =	vld [tilespmem:$0x1FFF0]  }
0x1b7: {  	[sflag:s17] =	ssyncset.done $0x0  }
0x1b8: {  	[sflag:s17] =	ssyncadd.s32 $0xFFFFF800  }
0x1b9: {  	_ =	swait.ge [sflag:s17], $0x800  }
0x1ba: {  	[sflag:s17] =	ssyncset.done $0x0  }
0x1bb: {  	[sflag:s17] =	ssyncadd.s32 $0xFFFFF800;
	v3 =	vmul.f32 v28, v58  }
0x1bc: {  	v21 =	vld [tilespmem:$0x1FFD0];
	_ =	swait.ge [sflag:s17], $0x800  }
0x1bd: {  	[sflag:s17] =	ssyncset.done $0x0;
	v2 =	vadd.f32 v3, v2  }
0x1be: {  	[sflag:s17] =	ssyncadd.s32 $0xFFFFF800  }
0x1bf: {  	v2 =	vadd.f32 v61, v2;
	v61 =	vld [tilespmem:$0x1FF20];
	_ =	swait.ge [sflag:s17], $0x800  }
0x1c0: {  	[sflag:s17] =	ssyncset.done $0x0  }
0x1c1: {  	[sflag:s17] =	ssyncadd.s32 $0xFFFFF800  }
0x1c2: {  	v1 =	vadd.f32 v1, v41;
	v3 =	vmul.f32 v14, v21;
	v60 =	vld [tilespmem:$0x1FF30];
	_ =	swait.ge [sflag:s17], $0x800  }
0x1c3: {  	v4 =	vadd.f32 v50, v57;
	v0 =	vadd.f32 v52, v0;
	v50 =	vld [tilespmem:$0x1FF10]  }
0x1c4: {  	v1 =	vadd.f32 v3, v1;
	v3 =	vmul.f32 v29, v61  }
0x1c5: {  	v6 =	vmul.f32 v55, v63;
	v5 =	vadd.f32 v16, v62;
	v0 =	vadd.f32 v53, v0;
	v62 =	vld [tilespmem:$0x1FF50]  }
0x1c6: {  	v4 =	vadd.f32 v51, v4;
	[sflag:s17] =	ssyncset.done $0x0;
	v63 =	vld [tilespmem:$0x1FF60];
	v2 =	vadd.f32 v3, v2;
	v3 =	vmul.f32 v26, v26  }
0x1c7: {  	v0 =	vadd.f32 v54, v0;
	v41 =	vld [tilespmem:$0x1FF00];
	[sflag:s17] =	ssyncadd.s32 $0xFFFFF800  }
0x1c8: {  	v6 =	vsub.f32 $1.500000000e+00, v6;
	v3 =	vadd.f32 v3, v4;
	v4 =	vmul.f32 v59, v50;
	v59 =	vld [tilespmem:$0x1FF40];
	_ =	swait.ge [sflag:s17], $0x800  }
0x1c9: {  	v0 =	vadd.f32 v35, v0;
	[sflag:s17] =	ssyncset.done $0x0  }
0x1ca: {  	v8 =	vsub.f32 $1.500000000e+00, v56;
	v6 =	vmul.f32 v55, v6;
	v52 =	vld [tilespmem:$0x1FFB0];
	[sflag:s17] =	ssyncadd.s32 $0xFFFFF800  }
0x1cb: {  	v0 =	vadd.f32 v33, v0;
	v35 =	vld [tilespmem:$0x1FED0];
	_ =	swait.ge [sflag:s17], $0x800  }
0x1cc: {  	v8 =	vmul.f32 v8, v43;
	v5 =	vadd.f32 v15, v5;
	v18 =	vmul.f32 v6, v44;
	[sflag:s17] =	ssyncset.done $0x0  }
0x1cd: {  	v15 =	vshra.s32 v0, $0x1;
	v0 =	vmul.f32 $5.000000000e-01, v0;
	v1 =	vadd.f32 v17, v1;
	v17 =	vld [tilespmem:$0x1FEB0];
	[sflag:s17] =	ssyncadd.s32 $0xFFFFF800  }
0x1ce: {  	v7 =	vmul.f32 v31, v60;
	v16 =	vmul.f32 v40, v62;
	v40 =	vld [tilespmem:$0x1FE90];
	_ =	swait.ge [sflag:s17], $0x800  }
0x1cf: {  	v51 =	vmul.f32 v39, v21;
	v12 =	vshra.s32 v3, $0x1;
	v3 =	vmul.f32 $5.000000000e-01, v3;
	[sflag:s17] =	ssyncset.done $0x0  }
0x1d0: {  	v1 =	vadd.f32 v49, v1;
	v2 =	vadd.f32 v7, v2;
	v12 =	vsub.s32 $0x5F3759DF, v12;
	[sflag:s17] =	ssyncadd.s32 $0xFFFFF800  }
0x1d1: {  	v13 =	vmul.f32 v30, v52;
	v14 =	vadd.f32 v35, v36;
	v36 =	vmul.f32 v12, v3;
	_ =	swait.ge [sflag:s17], $0x800  }
0x1d2: {  	s18 =	simm.s32 $0x0;
	v15 =	vsub.s32 $0x5F3759DF, v15;
	v1 =	vmul.f32 v8, v1;
	v7 =	vmul.f32 v42, v62;
	[sflag:s17] =	ssyncset.done $0x0  }
0x1d3: {  	s19 =	sand.u32 $0x400, s18;
	s20 =	sand.u32 $0x380, s18;
	v10 =	vmul.f32 v37, v59;
	v2 =	vadd.f32 v13, v2;
	v37 =	vmul.f32 v12, v36;
	[sflag:s17] =	ssyncadd.s32 $0xFFFFF800  }
0x1d4: {  	s25 =	sor.u32 s20, s19;
	v9 =	vmul.f32 v45, v63;
	v14 =	vadd.f32 v17, v14;
	v17 =	vmul.f32 v15, v0;
	_ =	swait.ge [sflag:s17], $0x800  }
0x1d5: {  	s20 =	sand.u32 $0x60, s18;
	s21 =	sadd.s32 $0xA080, s25;
	v11 =	vmul.f32 v46, v41;
	v2 =	vadd.f32 v10, v2;
	v10 =	vsub.f32 $1.500000000e+00, v37;
	[sflag:s17] =	ssyncset.done $0x0  }
0x1d6: {  	s22 =	sor.u32 s20, s21;
	s2 =	sadd.s32 $0x8880, s25;
	v46 =	vmul.f32 v20, v63;
	v45 =	vmul.f32 v15, v17;
	v39 =	vld [tilespmem:$0x1FE80];
	[sflag:s17] =	ssyncadd.s32 $0xFFFFF800  }
0x1d7: {  	s23 =	sadd.s32 $0x8080, s25;
	s24 =	sor.u32 s20, s2;
	v1 =	vsub.f32 v1, v24;
	v2 =	vadd.f32 v38, v2;
	v10 =	vmul.f32 v12, v10;
	v57 =	vld [tilespmem:s22+$0x0]  }
0x1d8: {  	s30 =	sadd.s32 $0x9880, s25;
	s28 =	sor.u32 s20, s23;
	v56 =	vmul.f32 v26, v50;
	v42 =	vadd.f32 v32, v14;
	v14 =	vsub.f32 $1.500000000e+00, v45;
	v32 =	vld [tilespmem:s24+$0x0]  }
0x1d9: {  	s5 =	sadd.s32 $0x9080, s25;
	s6 =	sor.u32 $0x10, s20;
	s9 =	sor.u32 s20, s30;
	v2 =	vadd.f32 v16, v2;
	v16 =	vmul.f32 v18, v6;
	v3 =	vmul.f32 v10, v3;
	v33 =	vld [tilespmem:s28+$0x0]  }
0x1da: {  	s29 =	sor.u32 s20, s5;
	s5 =	sor.u32 s6, s5;
	v5 =	vadd.f32 v40, v5;
	v13 =	vadd.f32 v23, v42;
	v49 =	vmul.f32 v15, v14;
	v35 =	vld [tilespmem:s9+$0x0]  }
0x1db: {  	s13 =	sor.u32 s6, s23;
	v1 =	vmul.f32 v1, v1;
	s17 =	sadd.s32 $0xC880, s25;
	v40 =	vld [tilespmem:s5+$0x0];
	v55 =	vsub.f32 $1.500000000e+00, v16;
	v3 =	vmul.f32 v3, v10  }
0x1dc: {  	s19 =	sadd.s32 $0xD080, s25;
	v54 =	vmovc v21;
	v5 =	vadd.f32 v47, v5;
	v7 =	vadd.f32 v7, v13;
	v21 =	vld [tilespmem:s13+$0x0];
	s3 =	sor.u32 s6, s17;
	v0 =	vmul.f32 v49, v0  }
0x1dd: {  	s8 =	sadd.s32 $0xB080, s25;
	s13 =	sor.u32 s6, s19;
	v2 =	vadd.f32 v46, v2;
	v27 =	vld [tilespmem:s3+$0x0];
	v6 =	vmul.f32 v55, v6;
	v3 =	vsub.f32 $1.500000000e+00, v3  }
0x1de: {  	s10 =	sor.u32 s20, s8;
	v17 =	vmul.f32 v34, v41;
	v29 =	vld [tilespmem:s13+$0x0];
	v7 =	vadd.f32 v9, v7;
	v0 =	vmul.f32 v0, v49  }
0x1df: {  	s14 =	sadd.s32 $0xB880, s25;
	s0 =	sor.u32 s6, s21;
	v37 =	vld [tilespmem:s10+$0x0];
	v2 =	vadd.f32 v51, v2;
	v5 =	vmul.f32 v6, v5;
	v3 =	vmul.f32 v3, v10  }
0x1e0: {  	s15 =	sor.u32 s20, s14;
	v24 =	vld [tilespmem:s0+$0x0];
	v7 =	vadd.f32 v48, v7;
	v36 =	vmul.f32 v32, v32;
	v38 =	vmul.f32 v33, v33  }
0x1e1: {  	v55 =	vld [tilespmem:s15+$0x0];
	v2 =	vadd.f32 v17, v2;
	v16 =	vmul.f32 v35, v35;
	v12 =	vmul.f32 v57, v57  }
0x1e2: {  	s11 =	sadd.s32 $0xA880, s25;
	v51 =	vld [tilespmem:$0x1FFA0];
	v23 =	vmul.f32 v40, v40;
	v7 =	vadd.f32 v11, v7;
	v0 =	vsub.f32 $1.500000000e+00, v0  }
0x1e3: {  	s26 =	sadd.s32 $0xC080, s25;
	s12 =	sor.u32 s20, s11;
	v48 =	vld [tilespmem:$0x1FF80];
	v45 =	vmul.f32 v27, v27;
	v31 =	vmul.f32 v29, v29;
	v5 =	vsub.f32 v5, v19  }
0x1e4: {  	s1 =	sor.u32 s6, s26;
	v15 =	vld [tilespmem:s12+$0x0];
	v8 =	vadd.f32 v36, v38;
	v19 =	vmul.f32 v21, v21;
	v36 =	vmul.f32 v37, v61  }
0x1e5: {  	v17 =	vld [tilespmem:s1+$0x0];
	v2 =	vadd.f32 v56, v2;
	v38 =	vmul.f32 v24, v24;
	v24 =	vmul.f32 v24, v58  }
0x1e6: {  	v0 =	vmul.f32 v0, v49;
	v49 =	vld [tilespmem:$0x1FF70];
	v14 =	vmul.f32 v55, v60  }
0x1e7: {  	v4 =	vadd.f32 v4, v7;
	v2 =	vmul.f32 v3, v2;
	v3 =	vld [tilespmem:s29+$0x0];
	v34 =	vmul.f32 v5, v5  }
0x1e8: {  	v6 =	vmul.f32 v33, v48;
	v5 =	vmul.f32 v35, v51  }
0x1e9: {  	s2 =	sor.u32 s6, s2;
	v47 =	vld [tilespmem:$0x1FF90];
	v33 =	vmul.f32 v15, v15;
	v0 =	vmul.f32 v0, v4  }
0x1ea: {  	s7 =	sor.u32 s20, s26;
	v20 =	vld [tilespmem:s2+$0x0];
	s28 =	sadd.s32 $0xD880, s25;
	v35 =	vmul.f32 v55, v55;
	v21 =	vmul.f32 v21, v48  }
0x1eb: {  	s9 =	sor.u32 s20, s28;
	v7 =	vld [tilespmem:s7+$0x0];
	v11 =	vmul.f32 v17, v17;
	v4 =	vadd.f32 v34, v39;
	v0 =	vsub.f32 v0, v22  }
0x1ec: {  	s16 =	sor.u32 s6, s30;
	v26 =	vld [tilespmem:s9+$0x0];
	v2 =	vsub.f32 v2, v25;
	v43 =	vmul.f32 v32, v49;
	v42 =	vmul.f32 v3, v3  }
0x1ed: {  	s23 =	sor.u32 s6, s11;
	v22 =	vld [tilespmem:s16+$0x0];
	v1 =	vadd.f32 v1, v4;
	v32 =	vmul.f32 v37, v37;
	v0 =	vmul.f32 v0, v0  }
0x1ee: {  	v37 =	vld [tilespmem:s23+$0x0];
	v3 =	vmul.f32 v3, v47;
	v4 =	vadd.f32 v43, v6;
	v8 =	vadd.f32 v42, v8  }
0x1ef: {  	s16 =	sor.u32 s6, s28;
	v2 =	vmul.f32 v2, v2;
	v0 =	vadd.f32 v0, v1;
	v1 =	vmul.f32 v57, v58;
	v57 =	vld [tilespmem:$0x1FFE0]  }
0x1f0: {  	s18 =	sor.u32 s20, s17;
	s24 =	sor.u32 s6, s14;
	s14 =	sadd.s32 $0xF080, s25;
	v10 =	vmul.f32 v7, v52;
	v46 =	vld [tilespmem:s16+$0x0];
	v3 =	vadd.f32 v3, v4;
	v8 =	vadd.f32 v16, v8  }
0x1f1: {  	s15 =	sor.u32 s20, s14;
	v7 =	vmul.f32 v7, v7;
	v16 =	vadd.f32 v2, v0;
	v0 =	vld [tilespmem:s18+$0x0];
	v2 =	vmul.f32 v20, v20  }
0x1f2: {  	s30 =	sadd.s32 $0xE880, s25;
	s22 =	sor.u32 s6, s8;
	v30 =	vld [tilespmem:s15+$0x0];
	v43 =	vmul.f32 v26, v26;
	v3 =	vadd.f32 v5, v3;
	v8 =	vadd.f32 v12, v8  }
0x1f3: {  	s10 =	sor.u32 s20, s30;
	v18 =	vld [tilespmem:s22+$0x0];
	v25 =	vmul.f32 v22, v22;
	v2 =	vadd.f32 v2, v19;
	v12 =	vmul.f32 v40, v47  }
0x1f4: {  	v40 =	vld [tilespmem:s10+$0x0];
	v34 =	vmul.f32 v15, v57;
	v1 =	vadd.f32 v1, v3;
	v8 =	vadd.f32 v33, v8  }
0x1f5: {  	s21 =	sor.u32 s20, s19;
	s26 =	sadd.s32 $0xE080, s25;
	v42 =	vmul.f32 v37, v37;
	v9 =	vmul.f32 v46, v62;
	v2 =	vadd.f32 v23, v2  }
0x1f6: {  	s29 =	sor.u32 s20, s26;
	v15 =	vld [tilespmem:s21+$0x0];
	v23 =	vmul.f32 v0, v0;
	v1 =	vadd.f32 v34, v1;
	v6 =	vadd.f32 v32, v8  }
0x1f7: {  	v3 =	vld [tilespmem:s29+$0x0];
	v0 =	vmul.f32 v0, v59;
	v34 =	vmul.f32 v30, v30;
	v2 =	vadd.f32 v25, v2  }
0x1f8: {  	s11 =	sadd.s32 $0xF880, s25;
	v19 =	vld [tilespmem:s24+$0x0];
	v25 =	vmul.f32 v18, v18;
	v8 =	vmul.f32 v22, v51;
	v6 =	vadd.f32 v35, v6  }
0x1f9: {  	s12 =	sor.u32 s20, s11;
	v18 =	vmul.f32 v18, v61;
	v44 =	vmul.f32 v40, v40;
	v2 =	vadd.f32 v38, v2  }
0x1fa: {  	v22 =	vld [tilespmem:s12+$0x0];
	v1 =	vadd.f32 v36, v1;
	v4 =	vmul.f32 v40, v54;
	v6 =	vadd.f32 v7, v6  }
0x1fb: {  	v36 =	vmul.f32 v46, v46;
	v39 =	vmul.f32 v15, v15;
	v2 =	vadd.f32 v42, v2  }
0x1fc: {  	v53 =	vld [tilespmem:$0x1FFC0];
	s1 =	sor.u32 s6, s30;
	v28 =	vmul.f32 v3, v3;
	v3 =	vmul.f32 v3, v63;
	v6 =	vadd.f32 v23, v6  }
0x1fd: {  	s17 =	sor.u32 s6, s14;
	v56 =	vld [tilespmem:s1+$0x0];
	v1 =	vadd.f32 v14, v1;
	v23 =	vmul.f32 v19, v19;
	v2 =	vadd.f32 v25, v2  }
0x1fe: {  	v38 =	vld [tilespmem:s17+$0x0];
	v14 =	vmul.f32 v30, v41;
	v7 =	vmul.f32 v37, v57;
	v6 =	vadd.f32 v39, v6  }
0x1ff: {  	v35 =	vmul.f32 v22, v22;
	v1 =	vadd.f32 v10, v1;
	v2 =	vadd.f32 v23, v2  }
0x200: {  	v19 =	vmul.f32 v19, v60;
	v39 =	vmul.f32 v20, v49;
	v6 =	vadd.f32 v43, v6  }
0x201: {  	s0 =	sor.u32 s6, s11;
	s19 =	simm.s32 $0x10;
	s18 =	simm.s32 $0x100;
	v0 =	vadd.f32 v0, v1;
	v1 =	vmul.f32 v15, v53;
	v2 =	vadd.f32 v11, v2  }
0x202: {  	s2 =	sor.u32 s6, s26;
	s1 =	sand.u32 $0x380, s19;
	v15 =	vmul.f32 v56, v56;
	v13 =	vadd.f32 v39, v21;
	v6 =	vadd.f32 v28, v6;
	v28 =	vld [tilespmem:s0+$0x0];
	s0 =	sand.u32 $0x400, s18  }
0x203: {  	s24 =	simm.s32 $0x20;
	v25 =	vld [tilespmem:s2+$0x0];
	v42 =	vmul.f32 v38, v38;
	v0 =	vadd.f32 v1, v0;
	v1 =	vmul.f32 v26, v62;
	s5 =	sor.u32 s1, s0  }
0x204: {  	s4 =	sand.u32 $0x60, s24;
	v23 =	vmul.f32 v22, v50;
	v2 =	vadd.f32 v45, v2;
	v12 =	vadd.f32 v12, v13;
	s1 =	sadd.s32 $0x8880, s5  }
0x205: {  	s26 =	sor.u32 $0x10, s4;
	v22 =	vmul.f32 v29, v53;
	v0 =	vadd.f32 v1, v0;
	v6 =	vadd.f32 v44, v6;
	s21 =	sadd.s32 $0xC080, s5;
	s22 =	sor.u32 s4, s1  }
0x206: {  	v21 =	vmul.f32 v56, v54;
	v2 =	vadd.f32 v31, v2;
	v8 =	vadd.f32 v8, v12;
	s30 =	sadd.s32 $0xA080, s5;
	s2 =	sor.u32 s26, s21;
	v44 =	vld [tilespmem:s22+$0x0]  }
0x207: {  	v43 =	vmul.f32 v17, v52;
	v0 =	vadd.f32 v3, v0;
	s11 =	sadd.s32 $0x8080, s5;
	s10 =	sor.u32 s4, s30;
	v6 =	vadd.f32 v34, v6;
	v34 =	vld [tilespmem:s2+$0x0]  }
0x208: {  	v37 =	vmul.f32 v25, v25;
	s12 =	sadd.s32 $0x9880, s5;
	s13 =	sor.u32 s4, s11;
	v2 =	vadd.f32 v36, v2;
	v8 =	vadd.f32 v24, v8;
	v24 =	vld [tilespmem:s10+$0x0]  }
0x209: {  	v11 =	vmul.f32 v38, v41;
	v45 =	vmul.f32 v27, v59;
	s9 =	sor.u32 s4, s12;
	v55 =	vld [tilespmem:s13+$0x0];
	v6 =	vadd.f32 v35, v6  }
0x20a: {  	v12 =	vmul.f32 v25, v63;
	s14 =	sadd.s32 $0xB080, s5;
	v0 =	vadd.f32 v4, v0;
	s1 =	sor.u32 s26, s1;
	v26 =	vld [tilespmem:s9+$0x0];
	v2 =	vadd.f32 v37, v2  }
0x20b: {  	s15 =	sor.u32 s4, s14;
	v36 =	vld [tilespmem:s1+$0x0];
	v3 =	vmul.f32 v28, v28;
	v40 =	vshra.s32 v6, $0x1;
	v6 =	vmul.f32 $5.000000000e-01, v6  }
0x20c: {  	s23 =	sadd.s32 $0x9080, s5;
	s28 =	sor.u32 s4, s21;
	s21 =	sor.u32 s26, s11;
	v56 =	vld [tilespmem:s15+$0x0];
	v2 =	vadd.f32 v15, v2;
	v5 =	vsub.s32 $0x5F3759DF, v40;
	v46 =	vmul.f32 v44, v44  }
0x20d: {  	s29 =	sor.u32 s4, s23;
	s3 =	sor.u32 s26, s23;
	s23 =	sadd.s32 $0xC880, s5;
	v31 =	vld [tilespmem:s21+$0x0];
	v0 =	vadd.f32 v14, v0;
	v10 =	vmul.f32 v44, v49;
	v1 =	vmul.f32 v5, v6  }
0x20e: {  	v15 =	vld [tilespmem:s28+$0x0];
	s28 =	sor.u32 s4, s23;
	v25 =	vmul.f32 v34, v34;
	v14 =	vmul.f32 v24, v24;
	v2 =	vadd.f32 v42, v2  }
0x20f: {  	v0 =	vadd.f32 v23, v0;
	v23 =	vmul.f32 v26, v51;
	v40 =	vld [tilespmem:s28+$0x0];
	v1 =	vmul.f32 v5, v1  }
0x210: {  	v44 =	vmul.f32 v26, v26;
	v26 =	vmul.f32 v36, v36;
	v2 =	vadd.f32 v3, v2  }
0x211: {  	v4 =	vmul.f32 v56, v61;
	v42 =	vmul.f32 v55, v55;
	v1 =	vsub.f32 $1.500000000e+00, v1  }
0x212: {  	v17 =	vshra.s32 v2, $0x1;
	v20 =	vmul.f32 $5.000000000e-01, v2;
	v2 =	vadd.f32 v7, v8  }
0x213: {  	v3 =	vld [tilespmem:s29+$0x0];
	v8 =	vmul.f32 v55, v48;
	v1 =	vmul.f32 v5, v1  }
0x214: {  	v55 =	vmul.f32 v31, v31;
	v38 =	vmul.f32 v40, v40;
	v2 =	vadd.f32 v18, v2  }
0x215: {  	s16 =	sadd.s32 $0xA880, s5;
	v39 =	vmul.f32 v40, v59;
	v6 =	vmul.f32 v1, v6  }
0x216: {  	s18 =	sor.u32 s4, s16;
	v29 =	vld [tilespmem:s3+$0x0];
	v27 =	vsub.s32 $0x5F3759DF, v17;
	v17 =	vmul.f32 v15, v52;
	v2 =	vadd.f32 v19, v2  }
0x217: {  	s22 =	sor.u32 s26, s12;
	v19 =	vmul.f32 v24, v58;
	v24 =	vld [tilespmem:s18+$0x0];
	v6 =	vmul.f32 v6, v1  }
0x218: {  	v13 =	vld [tilespmem:s22+$0x0];
	v18 =	vmul.f32 v3, v3;
	v2 =	vadd.f32 v43, v2;
	v43 =	vadd.f32 v46, v42  }
0x219: {  	s0 =	sor.u32 s26, s30;
	s30 =	sadd.s32 $0xD080, s5;
	v30 =	vmul.f32 v27, v20;
	v3 =	vmul.f32 v3, v47;
	v6 =	vsub.f32 $1.500000000e+00, v6  }
0x21a: {  	s8 =	sor.u32 s4, s30;
	v46 =	vmul.f32 v15, v15;
	v2 =	vadd.f32 v45, v2;
	v5 =	vadd.f32 v18, v43  }
0x21b: {  	s17 =	sadd.s32 $0xB880, s5;
	s29 =	sor.u32 s26, s14;
	v15 =	vld [tilespmem:s8+$0x0];
	v45 =	vmul.f32 v29, v29;
	v1 =	vmul.f32 v6, v1  }
0x21c: {  	s19 =	sor.u32 s4, s17;
	v18 =	vld [tilespmem:s29+$0x0];
	v43 =	vmul.f32 v24, v24;
	v2 =	vadd.f32 v22, v2;
	v5 =	vadd.f32 v44, v5  }
0x21d: {  	v6 =	vld [tilespmem:s19+$0x0];
	v44 =	vmul.f32 v13, v13;
	v0 =	vmul.f32 v1, v0;
	v1 =	vadd.f32 v10, v8  }
0x21e: {  	s10 =	sor.u32 s26, s16;
	s15 =	sadd.s32 $0xE880, s5;
	v8 =	vmul.f32 v56, v56;
	v10 =	vld [tilespmem:s0+$0x0];
	v2 =	vadd.f32 v9, v2;
	v5 =	vadd.f32 v14, v5  }
0x21f: {  	s3 =	sor.u32 s26, s17;
	s17 =	sor.u32 s4, s15;
	v56 =	vld [tilespmem:s10+$0x0];
	v9 =	vadd.f32 v26, v55;
	v26 =	vmul.f32 v29, v47;
	v29 =	vmul.f32 v13, v51  }
0x220: {  	s14 =	sadd.s32 $0xD880, s5;
	v14 =	vld [tilespmem:s17+$0x0];
	v1 =	vadd.f32 v3, v1;
	v3 =	vmul.f32 v24, v57;
	v5 =	vadd.f32 v43, v5  }
0x221: {  	s22 =	sor.u32 s26, s14;
	s18 =	sadd.s32 $0xF880, s5;
	v2 =	vadd.f32 v12, v2;
	v9 =	vadd.f32 v45, v9;
	v12 =	vmul.f32 v15, v15  }
0x222: {  	v32 =	vld [tilespmem:s22+$0x0];
	s19 =	sor.u32 s4, s18;
	s0 =	sadd.s32 $0x10880, s25;
	v43 =	vmul.f32 v36, v49;
	v42 =	vmul.f32 v6, v6;
	v1 =	vadd.f32 v23, v1  }
0x223: {  	v40 =	vld [tilespmem:s19+$0x0];
	s11 =	sor.u32 s20, s0;
	v2 =	vadd.f32 v21, v2;
	v5 =	vadd.f32 v8, v5;
	v21 =	vmul.f32 v18, v18  }
0x224: {  	s16 =	sor.u32 s4, s14;
	v23 =	vld [tilespmem:s11+$0x0];
	v9 =	vadd.f32 v44, v9;
	v24 =	vmul.f32 v10, v10;
	v22 =	vmul.f32 v10, v58  }
0x225: {  	s12 =	sadd.s32 $0xE080, s5;
	v8 =	vld [tilespmem:s16+$0x0];
	v45 =	vmul.f32 v56, v56;
	v37 =	vmul.f32 v14, v14;
	v1 =	vadd.f32 v19, v1  }
0x226: {  	s2 =	sor.u32 s26, s23;
	s23 =	sor.u32 s26, s12;
	v19 =	vld [tilespmem:s3+$0x0];
	v5 =	vadd.f32 v42, v5;
	v2 =	vadd.f32 v11, v2;
	v42 =	vmul.f32 v31, v48  }
0x227: {  	v31 =	vld [tilespmem:s23+$0x0];
	v9 =	vadd.f32 v24, v9;
	v24 =	vmul.f32 v56, v57;
	v1 =	vadd.f32 v3, v1  }
0x228: {  	s13 =	sor.u32 s4, s12;
	v5 =	vadd.f32 v46, v5;
	v46 =	vmul.f32 v27, v30;
	v30 =	vmul.f32 v14, v54  }
0x229: {  	v3 =	vld [tilespmem:s13+$0x0];
	v14 =	vmul.f32 v32, v32;
	v0 =	vsub.f32 v0, v23;
	v55 =	vadd.f32 v45, v9  }
0x22a: {  	s20 =	sadd.s32 $0xF080, s5;
	v56 =	vmul.f32 v8, v8;
	v1 =	vadd.f32 v4, v1;
	v5 =	vadd.f32 v38, v5  }
0x22b: {  	s21 =	sor.u32 s4, s20;
	v23 =	vld [tilespmem:s2+$0x0];
	v7 =	vsub.f32 $1.500000000e+00, v46;
	v38 =	vmul.f32 v34, v52;
	v11 =	vmul.f32 v19, v19  }
0x22c: {  	v45 =	vld [tilespmem:s21+$0x0];
	v4 =	vadd.f32 v21, v55;
	v21 =	vmul.f32 v40, v50;
	v44 =	vmul.f32 v31, v31  }
0x22d: {  	s1 =	sor.u32 s26, s30;
	v5 =	vadd.f32 v12, v5;
	v7 =	vmul.f32 v27, v7;
	v12 =	vmul.f32 v40, v40  }
0x22e: {  	s25 =	sor.u32 s26, s15;
	v9 =	vld [tilespmem:s1+$0x0];
	v40 =	vmul.f32 v8, v62;
	v13 =	vmul.f32 v3, v3  }
0x22f: {  	v10 =	vld [tilespmem:s25+$0x0];
	v35 =	vmul.f32 v3, v63;
	v3 =	vmul.f32 v6, v60;
	v4 =	vadd.f32 v11, v4  }
0x230: {  	v46 =	vmul.f32 v23, v23;
	v5 =	vadd.f32 v56, v5;
	v55 =	vmul.f32 v7, v20  }
0x231: {  	v56 =	vmul.f32 v45, v45;
	v27 =	vmul.f32 v45, v41;
	v4 =	vadd.f32 v25, v4  }
0x232: {  	s28 =	sor.u32 s26, s20;
	v41 =	vmul.f32 v0, v0;
	v1 =	vadd.f32 v3, v1;
	v5 =	vadd.f32 v13, v5  }
0x233: {  	s29 =	sor.u32 s26, s18;
	v33 =	vld [tilespmem:s28+$0x0];
	v3 =	vmul.f32 v9, v9;
	v6 =	vmul.f32 v55, v7;
	v4 =	vadd.f32 v46, v4  }
0x234: {  	v20 =	vmul.f32 v10, v54;
	v1 =	vadd.f32 v17, v1;
	v17 =	vld [tilespmem:s29+$0x0];
	v5 =	vadd.f32 v37, v5  }
0x235: {  	v25 =	vmul.f32 v9, v53;
	v0 =	vsub.f32 $1.500000000e+00, v6;
	v3 =	vadd.f32 v3, v4  }
0x236: {  	v1 =	vadd.f32 v39, v1;
	v55 =	vadd.f32 v56, v5;
	v56 =	vmul.f32 v28, v50  }
0x237: {  	s30 =	sadd.s32 $0x10880, s5;
	v39 =	vmul.f32 v10, v10;
	v45 =	vadd.f32 v14, v3;
	v3 =	vmul.f32 v15, v53  }
0x238: {  	s0 =	sor.u32 s6, s0;
	s5 =	simm.s32 $0x2;
	s6 =	sor.u32 s26, s30;
	v37 =	vmul.f32 v0, v7;
	v0 =	vmul.f32 v33, v33;
	v28 =	vadd.f32 v56, v2  }
0x239: {  	s20 =	sor.u32 s4, s30;
	s4 =	simm.s32 $0x200;
	s25 =	simm.s32 $0x20;
	v50 =	vmovc v47;
	v46 =	vadd.f32 v12, v55;
	v34 =	vmov v17;
	v36 =	vadd.f32 v3, v1;
	v1 =	vld [tilespmem:s0+$0x0]  }
.LBB2_5:
0x23a: {  	s0 =	sand.u32 $0x400, s4;
	s1 =	sand.u32 $0x380, s25  }
0x23b: {  	s24 =	sadd.s32 $0x20, s24;
	s28 =	sor.u32 s1, s0  }
0x23c: {  	v9 =	vmul.f32 v34, v17;
	v11 =	vmul.f32 v32, v62;
	s26 =	sand.u32 $0x60, s24;
	s1 =	sadd.s32 $0xA080, s28  }
0x23d: {  	v55 =	vmul.f32 v18, v61;
	v34 =	vmul.f32 v23, v59;
	v7 =	vadd.f32 v44, v45;
	v44 =	vld [tilespmem:$0x1FF00];
	s2 =	sadd.s32 $0x9080, s28;
	s8 =	sor.u32 s26, s1  }
0x23e: {  	v2 =	vadd.f32 v43, v42;
	v5 =	vshra.s32 v46, $0x1;
	v6 =	vmul.f32 $5.000000000e-01, v46;
	s15 =	sadd.s32 $0x9880, s28;
	s12 =	sor.u32 s26, s2;
	v10 =	vld [tilespmem:s8+$0x0]  }
0x23f: {  	v8 =	vadd.f32 v40, v36;
	v5 =	vsub.s32 $0x5F3759DF, v5;
	s7 =	sadd.s32 $0x8080, s28;
	v7 =	vadd.f32 v39, v7;
	s17 =	sor.u32 s26, s15;
	v56 =	vld [tilespmem:s12+$0x0]  }
0x240: {  	v4 =	vmul.f32 v37, v28;
	s30 =	sadd.s32 $0xB080, s28;
	v47 =	vmul.f32 v5, v6;
	v2 =	vadd.f32 v26, v2;
	s29 =	sor.u32 s26, s7;
	v14 =	vld [tilespmem:s17+$0x0]  }
0x241: {  	v13 =	vmul.f32 v19, v60;
	s0 =	sadd.s32 $0xA880, s28;
	v8 =	vadd.f32 v35, v8;
	s19 =	sor.u32 s26, s30;
	v35 =	vld [tilespmem:s29+$0x0];
	v0 =	vadd.f32 v0, v7  }
0x242: {  	s10 =	sadd.s32 $0x8880, s28;
	s18 =	sor.u32 s26, s0;
	v1 =	vsub.f32 v4, v1;
	v45 =	vld [tilespmem:s19+$0x0];
	v4 =	vmul.f32 v5, v47;
	v2 =	vadd.f32 v29, v2  }
0x243: {  	s9 =	sor.u32 s26, s10;
	v19 =	vld [tilespmem:s18+$0x0];
	v29 =	vmul.f32 v31, v63;
	v8 =	vadd.f32 v30, v8;
	v0 =	vadd.f32 v9, v0  }
0x244: {  	v3 =	vadd.f32 v41, v16;
	s11 =	sadd.s32 $0xC080, s28;
	v7 =	vld [tilespmem:s9+$0x0];
	s9 =	sor.u32 $0x10, s26;
	v1 =	vmul.f32 v1, v1;
	v31 =	vmul.f32 v33, v44  }
0x245: {  	s23 =	sor.u32 s9, s11;
	v2 =	vadd.f32 v22, v2;
	v8 =	vadd.f32 v27, v8;
	v36 =	vmul.f32 $5.000000000e-01, v0  }
0x246: {  	s8 =	sor.u32 s9, s2;
	v28 =	vld [tilespmem:s23+$0x0];
	v16 =	vadd.f32 v1, v3;
	v15 =	vmul.f32 v56, v56;
	v46 =	vmul.f32 v10, v58  }
0x247: {  	s21 =	sor.u32 s9, s10;
	v22 =	vld [tilespmem:s8+$0x0];
	v3 =	vsub.f32 $1.500000000e+00, v4;
	v9 =	vmul.f32 v56, v50;
	v10 =	vmul.f32 v10, v10  }
0x248: {  	s14 =	sor.u32 s9, s1;
	v43 =	vld [tilespmem:s21+$0x0];
	v12 =	vshra.s32 v0, $0x1;
	v18 =	vmul.f32 v35, v35;
	v56 =	vmul.f32 v14, v51  }
0x249: {  	s3 =	sadd.s32 $0xB880, s28;
	s22 =	sor.u32 s26, s11;
	v41 =	vld [tilespmem:s14+$0x0];
	v2 =	vadd.f32 v24, v2;
	v42 =	vmul.f32 v19, v57;
	v4 =	vmul.f32 v45, v61  }
0x24a: {  	s13 =	sor.u32 s26, s3;
	v1 =	vld [tilespmem:s22+$0x0];
	v3 =	vmul.f32 v5, v3;
	v0 =	vmul.f32 v7, v7;
	v39 =	vsub.s32 $0x5F3759DF, v12  }
0x24b: {  	s10 =	sor.u32 s9, s3;
	s3 =	sadd.s32 $0xD080, s28;
	s22 =	sor.u32 s9, s7;
	v8 =	vadd.f32 v21, v8;
	v7 =	vmul.f32 v7, v49;
	v27 =	vmul.f32 v39, v36  }
0x24c: {  	s17 =	sor.u32 s26, s3;
	v21 =	vld [tilespmem:s22+$0x0];
	v2 =	vadd.f32 v55, v2;
	v55 =	vmul.f32 v35, v48;
	v6 =	vmul.f32 v3, v6  }
0x24d: {  	s12 =	sor.u32 s9, s0;
	v5 =	vld [tilespmem:s17+$0x0];
	v40 =	vmul.f32 v28, v28;
	v24 =	vmul.f32 v43, v43  }
0x24e: {  	v12 =	vld [tilespmem:s12+$0x0];
	v0 =	vadd.f32 v0, v18;
	v32 =	vmul.f32 v41, v41;
	v26 =	vmul.f32 v22, v50  }
0x24f: {  	s16 =	sadd.s32 $0xC880, s28;
	v43 =	vmul.f32 v43, v49;
	v37 =	vmul.f32 v1, v52;
	v2 =	vadd.f32 v13, v2  }
0x250: {  	v30 =	vld [tilespmem:s13+$0x0];
	s1 =	sor.u32 s26, s16;
	v1 =	vmul.f32 v1, v1;
	v6 =	vmul.f32 v6, v3  }
0x251: {  	v0 =	vadd.f32 v15, v0;
	v15 =	vld [tilespmem:s1+$0x0];
	v47 =	vmul.f32 v21, v21;
	v2 =	vadd.f32 v38, v2  }
0x252: {  	v38 =	vmul.f32 v14, v14;
	v13 =	vmul.f32 v5, v5;
	v6 =	vsub.f32 $1.500000000e+00, v6  }
0x253: {  	s13 =	sor.u32 s9, s30;
	v14 =	vmul.f32 v12, v12;
	v5 =	vmul.f32 v5, v53  }
0x254: {  	v18 =	vld [tilespmem:s13+$0x0];
	v2 =	vadd.f32 v34, v2;
	v0 =	vadd.f32 v38, v0;
	v3 =	vmul.f32 v6, v3  }
0x255: {  	v33 =	vld [tilespmem:s20+$0x0];
	s23 =	sor.u32 s9, s15;
	v6 =	vadd.f32 v7, v55;
	v7 =	vmul.f32 v45, v45;
	v55 =	vmul.f32 v19, v19  }
0x256: {  	v23 =	vld [tilespmem:s23+$0x0];
	v2 =	vadd.f32 v25, v2;
	v25 =	vmul.f32 v30, v30;
	v38 =	vmul.f32 v15, v15  }
0x257: {  	s29 =	sadd.s32 $0xE880, s28;
	v0 =	vadd.f32 v10, v0;
	v15 =	vmul.f32 v15, v59;
	v3 =	vmul.f32 v3, v8  }
0x258: {  	s11 =	sadd.s32 $0xE080, s28;
	s15 =	sor.u32 s26, s29;
	v19 =	vld [tilespmem:s10+$0x0];
	v8 =	vmul.f32 v22, v22;
	v6 =	vadd.f32 v9, v6;
	v22 =	vmul.f32 v41, v58  }
0x259: {  	s2 =	sor.u32 s26, s11;
	v9 =	vld [tilespmem:s15+$0x0];
	v41 =	vmul.f32 v18, v18;
	v2 =	vadd.f32 v11, v2;
	v11 =	vadd.f32 v24, v47  }
0x25a: {  	s18 =	sadd.s32 $0xF080, s28;
	s30 =	sor.u32 s9, s3;
	v0 =	vadd.f32 v55, v0;
	v55 =	vld [tilespmem:s2+$0x0];
	v24 =	vmul.f32 v12, v57;
	v6 =	vadd.f32 v56, v6  }
0x25b: {  	s8 =	sor.u32 s9, s11;
	s11 =	sor.u32 s26, s18;
	v12 =	vld [tilespmem:s30+$0x0];
	v56 =	vmul.f32 v23, v23;
	v3 =	vsub.f32 v3, v33;
	v2 =	vadd.f32 v29, v2  }
0x25c: {  	s19 =	sadd.s32 $0xD880, s28;
	s7 =	sor.u32 s9, s16;
	v33 =	vld [tilespmem:s11+$0x0];
	v29 =	vmul.f32 v23, v51;
	v8 =	vadd.f32 v8, v11;
	v0 =	vadd.f32 v7, v0  }
0x25d: {  	s3 =	sor.u32 s9, s19;
	s16 =	sor.u32 s26, s19;
	s19 =	sadd.s32 $0xF880, s28;
	v23 =	vld [tilespmem:s7+$0x0];
	v11 =	vmul.f32 v19, v19;
	v6 =	vadd.f32 v46, v6;
	v2 =	vadd.f32 v20, v2  }
0x25e: {  	s22 =	sor.u32 s26, s19;
	v46 =	vld [tilespmem:s16+$0x0];
	v8 =	vadd.f32 v56, v8;
	v47 =	vmul.f32 v9, v9;
	v56 =	vmul.f32 v39, v27  }
0x25f: {  	s29 =	sor.u32 s9, s29;
	v20 =	vld [tilespmem:s22+$0x0];
	v0 =	vadd.f32 v25, v0;
	v25 =	vmul.f32 v30, v60;
	v30 =	vmul.f32 v9, v54  }
0x260: {  	v9 =	vld [tilespmem:s29+$0x0];
	v6 =	vadd.f32 v42, v6;
	v45 =	vmul.f32 v55, v55;
	v42 =	vmul.f32 v21, v48  }
0x261: {  	v35 =	vmul.f32 v55, v63;
	v55 =	vld [tilespmem:$0x1FF10];
	v8 =	vadd.f32 v32, v8;
	v0 =	vadd.f32 v1, v0  }
0x262: {  	v1 =	vmul.f32 v12, v12;
	v10 =	vsub.f32 $1.500000000e+00, v56;
	v27 =	vmul.f32 v33, v44  }
0x263: {  	v4 =	vadd.f32 v4, v6;
	v6 =	vmul.f32 v23, v23;
	v7 =	vmul.f32 v46, v46  }
0x264: {  	v8 =	vadd.f32 v14, v8;
	v0 =	vadd.f32 v38, v0;
	v14 =	vmul.f32 v33, v33  }
0x265: {  	v2 =	vadd.f32 v31, v2;
	v31 =	vld [tilespmem:s8+$0x0];
	v10 =	vmul.f32 v39, v10;
	v39 =	vmul.f32 v9, v9  }
0x266: {  	s0 =	sor.u32 s9, s18;
	v32 =	vld [tilespmem:s3+$0x0];
	v21 =	vmul.f32 v20, v55;
	v8 =	vadd.f32 v41, v8;
	v0 =	vadd.f32 v13, v0  }
0x267: {  	v33 =	vld [tilespmem:s0+$0x0];
	v41 =	vmul.f32 v3, v3;
	v3 =	vadd.f32 v25, v4;
	v4 =	vmul.f32 v20, v20  }
0x268: {  	v25 =	vmul.f32 v12, v53;
	v8 =	vadd.f32 v11, v8;
	v0 =	vadd.f32 v7, v0  }
0x269: {  	v36 =	vmul.f32 v10, v36;
	v20 =	vmul.f32 v9, v54  }
0x26a: {  	s5 =	sadd.s32 $0x2, s5;
	s18 =	sor.u32 s9, s19;
	v44 =	vmul.f32 v31, v31;
	v56 =	vadd.f32 v40, v8;
	v38 =	vadd.f32 v45, v0  }
0x26b: {  	p0 =	slt.u32 s5, $0x7E;
	v34 =	vld [tilespmem:s18+$0x0];
	v11 =	vmul.f32 v32, v32;
	v3 =	vadd.f32 v37, v3;
	v45 =	vmul.f32 v36, v10  }
.Ltmp1:
0x26c: {  	v0 =	vmul.f32 v33, v33;
	v6 =	vadd.f32 v6, v56;
	v47 =	vadd.f32 v47, v38;
	(pc) =	sbr.rel @p0 .LBB2_5-.Ltmp1, $4  }
0x26d: {  	v3 =	vadd.f32 v15, v3;
	v56 =	vmul.f32 v17, v55;
	v7 =	vsub.f32 $1.500000000e+00, v45  }
0x26e: {  	s21 =	sadd.s32 $0x10880, s28;
	v40 =	vmul.f32 v46, v62;
	v6 =	vadd.f32 v1, v6;
	v8 =	vadd.f32 v14, v47  }
0x26f: {  	s4 =	sadd.s32 $0x100, s4;
	s28 =	sor.u32 s9, s21;
	s26 =	sor.u32 s26, s21;
	v38 =	vmul.f32 v28, v52;
	v36 =	vadd.f32 v5, v3;
	v28 =	vadd.f32 v56, v2  }
0x270: {  	s25 =	sadd.s32 $0x10, s25;
	s20 =	smov.u32 s26;
	v17 =	vmovc v34;
	v1 =	vld [tilespmem:s6+$0x0];
	s6 =	smov.u32 s28;
	v37 =	vmul.f32 v7, v10;
	v45 =	vadd.f32 v11, v6;
	v46 =	vadd.f32 v4, v8  }
0x271: {  	v2 =	vadd.f32 v43, v42;
	_ =	sdelay $0x1  }
0x272: {  	v2 =	vadd.f32 v26, v2;
	_ =	sdelay $0x1  }
0x273: {  	v3 =	vadd.f32 v44, v45;
	v2 =	vadd.f32 v29, v2;
	_ =	sdelay $0x1  }
0x274: {  	v3 =	vadd.f32 v39, v3;
	v2 =	vadd.f32 v22, v2  }
0x275: {  	v5 =	vmul.f32 v34, v17;
	v4 =	vshra.s32 v46, $0x1  }
0x276: {  	v0 =	vadd.f32 v0, v3;
	v3 =	vmul.f32 v18, v61;
	v2 =	vadd.f32 v24, v2  }
0x277: {  	v6 =	vmul.f32 $5.000000000e-01, v46;
	v4 =	vsub.s32 $0x5F3759DF, v4  }
0x278: {  	v26 =	vmul.f32 v19, v60;
	v0 =	vadd.f32 v5, v0;
	v2 =	vadd.f32 v3, v2  }
0x279: {  	v3 =	vmul.f32 v4, v6  }
0x27a: {  	v7 =	vshra.s32 v0, $0x1;
	v0 =	vmul.f32 $5.000000000e-01, v0;
	v2 =	vadd.f32 v26, v2  }
0x27b: {  	v29 =	vsub.s32 $0x5F3759DF, v7;
	v3 =	vmul.f32 v4, v3  }
0x27c: {  	v34 =	vmul.f32 v23, v59;
	v8 =	vmul.f32 v29, v0;
	v2 =	vadd.f32 v38, v2  }
0x27d: {  	v3 =	vsub.f32 $1.500000000e+00, v3  }
0x27e: {  	v38 =	vmul.f32 v29, v8;
	v2 =	vadd.f32 v34, v2  }
0x27f: {  	v39 =	vadd.f32 v40, v36;
	v3 =	vmul.f32 v4, v3  }
0x280: {  	v40 =	vmul.f32 v32, v62;
	v7 =	vsub.f32 $1.500000000e+00, v38;
	v2 =	vadd.f32 v25, v2  }
0x281: {  	v44 =	vld [tilespmem:$0x1FF00];
	v8 =	vadd.f32 v35, v39;
	v6 =	vmul.f32 v3, v6  }
0x282: {  	v9 =	vmul.f32 v31, v63;
	v42 =	vmul.f32 v29, v7;
	v2 =	vadd.f32 v40, v2  }
0x283: {  	v47 =	vld [tilespmem:$0x1FF10];
	v43 =	vadd.f32 v30, v8;
	v6 =	vmul.f32 v6, v3  }
0x284: {  	v0 =	vmul.f32 v42, v0;
	v2 =	vadd.f32 v9, v2  }
0x285: {  	v5 =	vadd.f32 v27, v43;
	v6 =	vsub.f32 $1.500000000e+00, v6  }
0x286: {  	v7 =	vmul.f32 v33, v44;
	v0 =	vmul.f32 v0, v42;
	v2 =	vadd.f32 v20, v2  }
0x287: {  	v45 =	vmul.f32 v37, v28;
	v46 =	vld [tilespmem:s20+$0x0];
	v5 =	vadd.f32 v21, v5;
	v3 =	vmul.f32 v6, v3  }
0x288: {  	v0 =	vsub.f32 $1.500000000e+00, v0;
	v2 =	vadd.f32 v7, v2;
	v7 =	vmul.f32 v17, v47  }
0x289: {  	v55 =	vld [tilespmem:s6+$0x0];
	v1 =	vsub.f32 v45, v1  }
0x28a: {  	v3 =	vmul.f32 v3, v5;
	v0 =	vmul.f32 v0, v42;
	v2 =	vadd.f32 v7, v2  }
0x28b: {  	v56 =	vadd.f32 v41, v16;
	s0 =	rddreg [dreg:$0x1c]  }
0x28c: {  	s0 =	sadd.s32 $0x1, s0;
	v1 =	vmul.f32 v1, v1;
	v3 =	vsub.f32 v3, v46;
	v0 =	vmul.f32 v0, v2  }
0x28d: {  	p0 =	sne.s32 s0, $0x3  }
.Ltmp2:
0x28e: {  	v1 =	vadd.f32 v1, v56;
	v2 =	vmul.f32 v3, v3;
	v0 =	vsub.f32 v0, v55;
	(pc) =	sbr.rel @p0 .LBB2_2-.Ltmp2, $3  }
0x28f: {  	_ = 	snop  }
0x290: {  	v1 =	vadd.f32 v2, v1;
	v0 =	vmul.f32 v0, v0;
	_ =	sdelay $0x1  }
0x291: {  	v0 =	vadd.f32 v0, v1  }
0x292: {  	_ = 	snop  }
0x293: {  	s7 =	simm.s32 $0x0;
	s0 =	rddreg [dreg:$0x18];
	s1 =	simm.s32 $0x11080;
	[tilespmem:$0x11080] =	vst v0  }
0x294: {  	[hbm4b:s0+s7] =	stream.linear.scatter [tilespmem:s1], [sflag:$0x3], $0x80, $0x38;
	[tilespmem:$0x11100] =	vst v63  }
0x295: {  	s1 =	simm.s32 $0x3  }
0x296: {  	_ =	swait.ge [sflag:s1], $0x80  }
0x297: {  	s2 =	rddreg [dreg:$0x1b]  }
0x298: {  	s30 =	rddreg [dreg:$0x19];
	s2 =	sadd.s32 $0x1, s2  }
0x299: {  	p0 =	sne.s32 s2, s30  }
.Ltmp3:
0x29a: {  	_ = 	snop;
	(pc) =	sbr.rel @p0 .LBB2_1-.Ltmp3, $3  }
0x29b: {  	_ =	sdelay $0x1  }
0x29c: {  	[sflag:s1] =	ssyncset.done $0x0  }
0x29d: {  	[sflag:s1] =	ssyncadd.s32 $0xFFFFFF80  }
0x29e: {  	_ =	sfence.sel $0x180000  }
0x29f: {  	[bflag:$0x0] =	sbarrier.arrive $0xFFFF  }
0x2a0: {  	_ =	strace $0x90000047  }
0x2a1: {  	s0 =	stileid.u32;
	[bflag:$0x2] =	sbarrier.arrive $0xFFFF  }
0x2a2: {  	p0 =	sne.s32 s0, $0x0;
	s0 =	rddreg [dreg:$0x4]  }
0x2a3: {  	s0 =	sadd.s32 @!p0 $0x100000, s0  }
0x2a4: {  	[sflag:s0] =	ssyncadd.tile.s32 @!p0 $0x1;
	_ =	shalt  }
.Lfunc_end2:
_tile_overlayer_lowered:
.L_overlay_start_2:
0x2a5: {  	(tag) =	ssettag $0x2  }
0x2a6: {  	s0 =	rddreg [dreg:$0x0];
	s2 =	stileid.u32  }
0x2a7: {  	s1 =	rddreg [dreg:$0x1];
	p0 =	sne.s32 s2, $0x0  }
0x2a8: {  	s3 =	rddreg [dreg:$0x2];
	[bflag:$0x3] =	sbarrier.arrive $0xFFFF;
	s2 =	simm.s32 @!p0 $0x1C03  }
0x2a9: {  	[timem:s3], [sflag:s2] =	dma.local @!p0 [hbm:s0], s1  }
0x2aa: {  	s0 =	simm.s32 @!p0 $0x3  }
0x2ab: {  	_ =	swait.ge @!p0 [sflag:s0], s1  }
0x2ac: {  	s1 =	ssub.s32 @!p0 $0x0, s1;
	[sflag:s0] =	ssyncset.done @!p0 $0x0  }
0x2ad: {  	[sflag:s0] =	ssyncadd.s32 @!p0 s1  }
0x2ae: {  	[bflag:$0x3] =	sbarrier.arrive $0xFFFF  }
0x2af: {  	_ =	shalt  }

</sc_bundles>
